<compile_context>
chip_gen: v7x
topology: tpu7x:2x2x1
jax: 0.10.2.dev20260603
libtpu: 0.0.44.dev20260713+nightly
codegen_flags: <defaults>
</compile_context>

<pallas_src>
import functools

import jax
import jax.numpy as jnp
from jax import lax
from jax.experimental import pallas as pl
from jax.experimental.pallas import tpu as pltpu
from jax.experimental.pallas import tpu_sc as plsc

N_NODES = 10000
N_EDGES = 320000
D_FEAT = 128

_NC = 2
_NS = 16
_NW = _NC * _NS

_E_HALF = N_EDGES // 2
_E_PER_W = N_EDGES // _NW
_CHUNK = 80
_K_CH = _E_PER_W // _CHUNK

_G_ROWS = N_EDGES // 4
_NBUF = 16

_GH = _E_HALF // 4

_NODE_BLK = 1000
_EDGE_BLK = 5000


def _node_body(x_ref, w1_ref, b1_ref, w2_ref, b2_ref, wba_ref, wbb_ref,
               val_ref, pv_ref, xa_ref, xb_ref):
    x = x_ref[...]
    h = jnp.maximum(jnp.dot(x, w1_ref[...],
                            preferred_element_type=jnp.float32) + b1_ref[...],
                    0.0)
    logits = jnp.dot(h, w2_ref[...],
                     preferred_element_type=jnp.float32) + b2_ref[...]
    m = jnp.max(logits, axis=-1, keepdims=True)
    e = jnp.exp(logits - m)
    val_ref[...] = e / jnp.sum(e, axis=-1, keepdims=True)
    idx8 = lax.broadcasted_iota(jnp.int32, logits.shape, 1)
    big = jnp.where(logits == m, idx8, logits.shape[-1])
    am = jnp.min(big, axis=-1, keepdims=True)
    pv_ref[...] = am.astype(jnp.float32) + 1.0
    xa_ref[...] = jnp.dot(x, wba_ref[...], preferred_element_type=jnp.float32)
    xb_ref[...] = jnp.dot(x, wbb_ref[...], preferred_element_type=jnp.float32)


def _node_stage(x, W1, b1, W2, b2, Wba, Wbb):
    nblk = N_NODES // _NODE_BLK
    full = lambda i: (0, 0)
    return pl.pallas_call(
        _node_body,
        grid=(nblk,),
        in_specs=[
            pl.BlockSpec((_NODE_BLK, D_FEAT), lambda i: (i, 0)),
            pl.BlockSpec((D_FEAT, 32), full),
            pl.BlockSpec((1, 32), full),
            pl.BlockSpec((32, 8), full),
            pl.BlockSpec((1, 8), full),
            pl.BlockSpec((D_FEAT, 32), full),
            pl.BlockSpec((D_FEAT, 32), full),
        ],
        out_specs=[
            pl.BlockSpec((_NODE_BLK, 8), lambda i: (i, 0)),
            pl.BlockSpec((_NODE_BLK, 1), lambda i: (i, 0)),
            pl.BlockSpec((_NODE_BLK, 32), lambda i: (i, 0)),
            pl.BlockSpec((_NODE_BLK, 32), lambda i: (i, 0)),
        ],
        out_shape=[
            jax.ShapeDtypeStruct((N_NODES, 8), jnp.float32),
            jax.ShapeDtypeStruct((N_NODES, 1), jnp.float32),
            jax.ShapeDtypeStruct((N_NODES, 32), jnp.float32),
            jax.ShapeDtypeStruct((N_NODES, 32), jnp.float32),
        ],
    )(x, W1, b1, W2, b2, Wba, Wbb)


@functools.lru_cache(maxsize=None)
def _sc_mesh():
    return plsc.VectorSubcoreMesh(core_axis_name="c", subcore_axis_name="s")


@functools.lru_cache(maxsize=None)
def _build_sc_gather():
    return pl.kernel(
        _sc_gather_body,
        out_type=jax.ShapeDtypeStruct((2 * _E_HALF, 32), jnp.float32),
        mesh=_sc_mesh(),
        scratch_types=[
            pltpu.VMEM((_E_PER_W,), jnp.int32),
            pltpu.VMEM((_NBUF, _CHUNK, 32), jnp.float32),
            pltpu.SemaphoreType.DMA,
            pltpu.SemaphoreType.DMA,
        ],
        compiler_params=pltpu.CompilerParams(use_tc_tiling_on_sc=False),
    )


def _sc_gather_body(xa_hbm, xb_hbm, ei_hbm, out_hbm, idx_v, rows_v, gsem,
                    ssem):
    wid = lax.axis_index("s") * _NC + lax.axis_index("c")
    base = lax.rem(wid, 16) * _E_PER_W

    def run_side(side, table, out_base):
        pltpu.sync_copy(ei_hbm.at[side, pl.ds(base, _E_PER_W)], idx_v)

        def idx_at(j):
            return idx_v.at[pl.ds(pl.multiple_of(j * _CHUNK, 8), _CHUNK)]

        def out_at(j):
            return out_hbm.at[
                pl.ds(pl.multiple_of(out_base + j * _CHUNK, 8), _CHUNK)]

        ahead = _NBUF - 1
        for j0 in range(ahead):
            pltpu.async_copy(table.at[idx_at(j0)], rows_v.at[j0], gsem)

        def body(j, _):
            slot = lax.rem(j, _NBUF)
            pltpu.make_async_copy(table.at[idx_at(j)], rows_v.at[slot],
                                  gsem).wait()
            pltpu.async_copy(rows_v.at[slot], out_at(j), ssem)

            @pl.when(j + ahead < _K_CH)
            def _():
                @pl.when(j >= 1)
                def _():
                    pltpu.make_async_copy(rows_v.at[0], out_at(j), ssem).wait()

                pltpu.async_copy(table.at[idx_at(j + ahead)],
                                 rows_v.at[lax.rem(j + ahead, _NBUF)], gsem)

            return 0

        lax.fori_loop(0, _K_CH, body, 0)
        for _ in range(ahead + 1):
            pltpu.make_async_copy(rows_v.at[0], out_at(_K_CH - 1),
                                  ssem).wait()

    @pl.when(wid < 16)
    def _():
        run_side(0, xa_hbm, base)

    @pl.when(wid >= 16)
    def _():
        run_side(1, xb_hbm, _E_HALF + base)


def _edge_body(ga_ref, gb_ref, bb1_ref, wb2_ref, bb2_ref, gsum_ref, bt_ref):
    hb = jnp.maximum(ga_ref[...] + gb_ref[...] + bb1_ref[...], 0.0)
    logits = jnp.dot(hb, wb2_ref[...],
                     preferred_element_type=jnp.float32) + bb2_ref[...]
    m = jnp.max(logits, axis=-1, keepdims=True)
    e = jnp.exp(logits - m)
    s = jnp.dot(e, gsum_ref[...], preferred_element_type=jnp.float32)
    bt = e / s
    bt_ref[...] = jnp.pad(bt, ((0, 0), (0, 112)))


def _edge_stage(gout, bb1_t4, Wb2bd, bb2_t4, gsum):
    nblk = _GH // _EDGE_BLK
    full = lambda i: (0, 0)
    return pl.pallas_call(
        _edge_body,
        grid=(nblk,),
        in_specs=[
            pl.BlockSpec((_EDGE_BLK, 128), lambda i: (i, 0)),
            pl.BlockSpec((_EDGE_BLK, 128), lambda i: (i + nblk, 0)),
            pl.BlockSpec((1, 128), full),
            pl.BlockSpec((128, 16), full),
            pl.BlockSpec((1, 16), full),
            pl.BlockSpec((16, 16), full),
        ],
        out_specs=[
            pl.BlockSpec((_EDGE_BLK, 128), lambda i: (i, 0)),
        ],
        out_shape=[
            jax.ShapeDtypeStruct((_GH, 128), jnp.float32),
        ],
    )(gout, gout, bb1_t4, Wb2bd, bb2_t4, gsum)


_R_PER_W = _G_ROWS // _NW


@functools.lru_cache(maxsize=None)
def _build_sc_scatter():
    return pl.kernel(
        _sc_scatter_body,
        out_type=[
            jax.ShapeDtypeStruct((4, N_EDGES), jnp.float32),
            jax.ShapeDtypeStruct((_NW * N_NODES,), jnp.float32),
        ],
        mesh=_sc_mesh(),
        scratch_types=[
            pltpu.VMEM((_E_PER_W,), jnp.int32),
            pltpu.VMEM((_R_PER_W, 16), jnp.float32),
            pltpu.VMEM((4, _E_PER_W), jnp.float32),
            pltpu.VMEM((N_NODES,), jnp.float32),
        ],
        compiler_params=pltpu.CompilerParams(use_tc_tiling_on_sc=False,
                                             needs_layout_passes=False),
    )


def _sc_scatter_body(ei_hbm, btp0_hbm, btp1_hbm, btt_hbm, deg_hbm, idx_v,
                     bt_v, tb_v, acc_v):
    wid = lax.axis_index("s") * _NC + lax.axis_index("c")
    w16 = lax.rem(wid, 16)
    rbase = w16 * _R_PER_W
    ebase = jnp.where(wid < 16, 0, _E_HALF) + w16 * _E_PER_W

    @pl.when(wid < 16)
    def _():
        pltpu.sync_copy(btp0_hbm.at[pl.ds(rbase, _R_PER_W), pl.ds(0, 16)],
                        bt_v)

    @pl.when(wid >= 16)
    def _():
        pltpu.sync_copy(btp1_hbm.at[pl.ds(rbase, _R_PER_W), pl.ds(0, 16)],
                        bt_v)

    pltpu.sync_copy(ei_hbm.at[0, pl.ds(ebase, _E_PER_W)], idx_v)

    zero = jnp.zeros((16,), jnp.float32)

    def zbody(i, _):
        acc_v[pl.ds(pl.multiple_of(i * 16, 16), 16)] = zero
        return 0

    lax.fori_loop(0, N_NODES // 16, zbody, 0)

    lane = lax.iota(jnp.int32, 16)
    q4 = lane // 4
    r4 = lane % 4
    wts = (1.0, 2.0, 3.0, 1.5)

    def body(m, _):
        off = pl.ds(pl.multiple_of(m * 16, 16), 16)
        ridx = m * 4 + q4
        order = jnp.zeros((16,), jnp.float32)
        for t in range(4):
            tv = plsc.load_gather(bt_v, [ridx, r4 * 4 + t])
            tb_v[t, off] = tv
            order = order + wts[t] * tv
        plsc.addupdate_scatter(acc_v, [idx_v[off]], order)
        return 0

    lax.fori_loop(0, _E_PER_W // 16, body, 0)
    for t in range(4):
        pltpu.sync_copy(tb_v.at[t],
                        btt_hbm.at[t, pl.ds(pl.multiple_of(ebase, 16),
                                            _E_PER_W)])
    pltpu.sync_copy(
        acc_v,
        deg_hbm.at[pl.ds(pl.multiple_of(wid * N_NODES, 16), N_NODES)])


def _final_body(part_ref, pv_ref, out_ref):
    deg = jnp.sum(part_ref[...], axis=0, keepdims=True)
    d = deg - pv_ref[...]
    out_ref[...] = jnp.sum(d * d, axis=-1, keepdims=True) / N_NODES


def _final_stage(partials, pv_row):
    return pl.pallas_call(
        _final_body,
        out_shape=jax.ShapeDtypeStruct((1, 1), jnp.float32),
    )(partials, pv_row)


def kernel(x, edge_index, W1, b1, W2, b2, Wb1, bb1, Wb2, bb2):
    ei = edge_index.astype(jnp.int32)

    valences, pv, xa, xb = _node_stage(
        x, W1, b1.reshape(1, 32), W2, b2.reshape(1, 8),
        Wb1[:D_FEAT], Wb1[D_FEAT:])

    eye4 = jnp.eye(4, dtype=jnp.float32)
    edge_consts = (
        jnp.tile(bb1.reshape(1, 32), (1, 4)),
        jnp.kron(eye4, Wb2),
        jnp.tile(bb2.reshape(1, 4), (1, 4)),
        jnp.kron(eye4, jnp.ones((4, 4), jnp.float32)),
    )
    gather = _build_sc_gather()
    g0 = gather(xa, xb, ei[:, :_E_HALF])
    g1 = gather(xa, xb, ei[:, _E_HALF:])
    (btp0,) = _edge_stage(g0.reshape(2 * _GH, 128), *edge_consts)
    (btp1,) = _edge_stage(g1.reshape(2 * _GH, 128), *edge_consts)

    btt, partials = _build_sc_scatter()(ei, btp0, btp1)
    partials = partials.reshape(_NW, N_NODES)

    vv = _final_stage(partials, pv.reshape(1, N_NODES))
    return (vv.reshape(()), valences, btt.T)

# --- scband reference (transcript-rebuilt; emitter-appended) ---
"""Pipeline reference for scband-rebuilt-graph-vae-9509057593396 (READ-ONLY COPY).

The authoritative reference and input builder live on the scoring server;
editing this copy changes nothing except your own understanding.
"""

import jax, jax.numpy as jnp
import numpy as np

N_NODES = 10000
N_EDGES = 320000
D_FEAT = 128


def setup_inputs(seed: int = 0) -> dict:
    key = jax.random.key(seed)
    ks = jax.random.split(key, 12)
    x = jax.random.normal(ks[0], (N_NODES, D_FEAT), dtype=jnp.float32)
    edge_index = jax.random.randint(ks[1], (2, N_EDGES), 0, N_NODES, dtype=jnp.int64)
    # valence_predictor: Linear(node_features, 32) -> ReLU -> Linear(32, 8) -> Softmax
    W1 = jax.random.normal(ks[2], (D_FEAT, 32), dtype=jnp.float32) * (1.0 / np.sqrt(D_FEAT))
    b1 = jnp.zeros((32,), dtype=jnp.float32)
    W2 = jax.random.normal(ks[3], (32, 8), dtype=jnp.float32) * (1.0 / np.sqrt(32))
    b2 = jnp.zeros((8,), dtype=jnp.float32)
    # bond_predictor: Linear(2*node_features, 32) -> ReLU -> Linear(32, 4) -> Softmax
    Wb1 = jax.random.normal(ks[4], (2 * D_FEAT, 32), dtype=jnp.float32) * (1.0 / np.sqrt(2 * D_FEAT))
    bb1 = jnp.zeros((32,), dtype=jnp.float32)
    Wb2 = jax.random.normal(ks[5], (32, 4), dtype=jnp.float32) * (1.0 / np.sqrt(32))
    bb2 = jnp.zeros((4,), dtype=jnp.float32)
    return {"x": x, "edge_index": edge_index, "W1": W1, "b1": b1, "W2": W2, "b2": b2,
            "Wb1": Wb1, "bb1": bb1, "Wb2": Wb2, "bb2": bb2}


def reference(x, edge_index, W1, b1, W2, b2, Wb1, bb1, Wb2, bb2):
    # valence prediction per node
    h = jax.nn.relu(x @ W1 + b1)
    valences = jax.nn.softmax(h @ W2 + b2, axis=-1)
    # gather endpoint features per edge (message passing gather)
    row = edge_index[0]
    col = edge_index[1]
    edge_features = jnp.concatenate([x[row], x[col]], axis=-1)
    hb = jax.nn.relu(edge_features @ Wb1 + bb1)
    bond_types = jax.nn.softmax(hb @ Wb2 + bb2, axis=-1)
    # scatter-add weighted bond orders to source nodes
    bond_order = bond_types[:, 0] + 2.0 * bond_types[:, 1] + 3.0 * bond_types[:, 2] + 1.5 * bond_types[:, 3]
    node_degrees = jnp.zeros((x.shape[0],), dtype=jnp.float32).at[row].add(bond_order)
    predicted_valence = jnp.argmax(valences, axis=-1) + 1
    valence_violation = jnp.mean((node_degrees - predicted_valence.astype(jnp.float32)) ** 2)
    return (valence_violation, valences, bond_types)

if __name__ == "__main__":
    import jax
    _d = setup_inputs()
    print(jax.jit(kernel)(*tuple(_d.values())))

</pallas_src>

<mosaic_0001>
#map = affine_map<(d0, d1) -> (0, 0)>
module attributes {stable_mosaic.version = 14 : i64} {
  func.func @_sc_gather_body(%arg0: i32, %arg1: i32, %arg2: memref<10000x32xf32, #tpu.memory_space<hbm>>, %arg3: memref<10000x32xf32, #tpu.memory_space<hbm>>, %arg4: memref<2x160000xi32, #tpu.memory_space<hbm>>, %arg5: memref<320000x32xf32, #tpu.memory_space<hbm>>, %arg6: memref<10000xi32, #tpu.memory_space<vmem>>, %arg7: memref<16x80x32xf32, #tpu.memory_space<vmem>>, %arg8: memref<!tpu.dma_semaphore, #tpu.memory_space<semaphore_mem>>, %arg9: memref<!tpu.dma_semaphore, #tpu.memory_space<semaphore_mem>>) attributes {dimension_semantics = [#tpu.dimension_semantics<core_parallel>, #tpu.dimension_semantics<subcore_parallel>], iteration_bounds = array<i64: 2, 16>, scalar_prefetch = 0 : i64, scratch_operands = 4 : i64, tpu.core_type = #tpu.core_type<sc_vector_subcore>, window_params = [{transform_indices = #map}, {transform_indices = #map}, {transform_indices = #map}, {transform_indices = #map}]} {
    %mul3A = arith.constant 2 : i32
    %mul3A_0 = arith.muli %arg1, %mul3A : i32
    %add3A = arith.addi %mul3A_0, %arg0 : i32
    %rem3A = arith.constant 16 : i32
    %rem3A_1 = arith.remsi %add3A, %rem3A : i32
    %mul3A_2 = arith.constant 10000 : i32
    %mul3A_3 = arith.muli %rem3A_1, %mul3A_2 : i32
    %lt3A = arith.constant 16 : i32
    %lt3A_4 = arith.cmpi slt, %add3A, %lt3A : i32
    %convert_element_type3A = arith.extui %lt3A_4 : i1 to i32
    %cond3A = arith.constant 0 : i32
    %cond3A_5 = arith.cmpi ne, %convert_element_type3A, %cond3A : i32
    scf.if %cond3A_5 {
      %run_scoped3A = arith.constant 0 : i32
      "tpu.region"() ({
        %run_scoped3A_434 = tpu.sem_alloc : memref<!tpu.dma_semaphore, #tpu.memory_space<semaphore_mem>>
        %dma_start3A_435 = tpu.memref_slice %arg4[%run_scoped3A, %mul3A_3] : memref<2x160000xi32, #tpu.memory_space<hbm>> -> memref<1x10000xi32, #tpu.memory_space<hbm>>
        %dma_start3A_436 = tpu.memref_squeeze %dma_start3A_435 : memref<1x10000xi32, #tpu.memory_space<hbm>> -> memref<10000xi32, #tpu.memory_space<hbm>>
        %dma_start3A_437 = tpu.memref_slice %arg4[%run_scoped3A, %mul3A_3] : memref<2x160000xi32, #tpu.memory_space<hbm>> -> memref<1x10000xi32, #tpu.memory_space<hbm>>
        %dma_start3A_438 = tpu.memref_squeeze %dma_start3A_437 : memref<1x10000xi32, #tpu.memory_space<hbm>> -> memref<10000xi32, #tpu.memory_space<hbm>>
        tpu.enqueue_dma source(%dma_start3A_438 : memref<10000xi32, #tpu.memory_space<hbm>>) target(%arg6 : memref<10000xi32, #tpu.memory_space<vmem>>) target_semaphore(%run_scoped3A_434 : memref<!tpu.dma_semaphore, #tpu.memory_space<semaphore_mem>>)
        %dma_wait3A_439 = tpu.memref_slice %arg4[%run_scoped3A, %mul3A_3] : memref<2x160000xi32, #tpu.memory_space<hbm>> -> memref<1x10000xi32, #tpu.memory_space<hbm>>
        %dma_wait3A_440 = tpu.memref_squeeze %dma_wait3A_439 : memref<1x10000xi32, #tpu.memory_space<hbm>> -> memref<10000xi32, #tpu.memory_space<hbm>>
        %dma_wait3A_441 = tpu.memref_slice %arg4[%run_scoped3A, %mul3A_3] : memref<2x160000xi32, #tpu.memory_space<hbm>> -> memref<1x10000xi32, #tpu.memory_space<hbm>>
        %dma_wait3A_442 = tpu.memref_squeeze %dma_wait3A_441 : memref<1x10000xi32, #tpu.memory_space<hbm>> -> memref<10000xi32, #tpu.memory_space<hbm>>
        tpu.wait_dma2 semaphore(%run_scoped3A_434 : memref<!tpu.dma_semaphore, #tpu.memory_space<semaphore_mem>>) src(%dma_wait3A_442 : memref<10000xi32, #tpu.memory_space<hbm>>) dst(%arg6 : memref<10000xi32, #tpu.memory_space<vmem>>)
        tpu.yield
      }) : () -> ()
      %multiple_of3A = arith.constant 0 : i32
      %multiple_of3A_10 = tpu.assume_multiple %multiple_of3A, 8 : i32
      %dma_start3A = arith.constant 0 : i32
      %dma_start3A_11 = arith.constant 0 : i32
      %dma_start3A_12 = arith.constant 0 : i32
      %dma_start3A_13 = tpu.memref_slice %arg7[%dma_start3A, %dma_start3A_11, %dma_start3A_12] : memref<16x80x32xf32, #tpu.memory_space<vmem>> -> memref<1x80x32xf32, #tpu.memory_space<vmem>>
      %dma_start3A_14 = tpu.memref_squeeze %dma_start3A_13 : memref<1x80x32xf32, #tpu.memory_space<vmem>> -> memref<80x32xf32, #tpu.memory_space<vmem>>
      %dma_start3A_15 = tpu.memref_slice %arg6[%multiple_of3A_10] : memref<10000xi32, #tpu.memory_space<vmem>> -> memref<80xi32, #tpu.memory_space<vmem>>
      %dma_start3A_16 = arith.constant 0 : i32
      %dma_start3A_17 = arith.constant 0 : i32
      %dma_start3A_18 = tpu.memref_slice %arg2[%dma_start3A_16, %dma_start3A_17] : memref<10000x32xf32, #tpu.memory_space<hbm>> -> memref<10000x32xf32, #tpu.memory_space<hbm>>
      tpu.enqueue_indirect_dma source(%dma_start3A_18 : memref<10000x32xf32, #tpu.memory_space<hbm>>) target(%dma_start3A_14 : memref<80x32xf32, #tpu.memory_space<vmem>>) offsets(%dma_start3A_15 : memref<80xi32, #tpu.memory_space<vmem>>) semaphore(%arg8 : memref<!tpu.dma_semaphore, #tpu.memory_space<semaphore_mem>>)
      %multiple_of3A_19 = arith.constant 80 : i32
      %multiple_of3A_20 = tpu.assume_multiple %multiple_of3A_19, 8 : i32
      %dma_start3A_21 = arith.constant 1 : i32
      %dma_start3A_22 = arith.constant 0 : i32
      %dma_start3A_23 = arith.constant 0 : i32
      %dma_start3A_24 = tpu.memref_slice %arg7[%dma_start3A_21, %dma_start3A_22, %dma_start3A_23] : memref<16x80x32xf32, #tpu.memory_space<vmem>> -> memref<1x80x32xf32, #tpu.memory_space<vmem>>
      %dma_start3A_25 = tpu.memref_squeeze %dma_start3A_24 : memref<1x80x32xf32, #tpu.memory_space<vmem>> -> memref<80x32xf32, #tpu.memory_space<vmem>>
      %dma_start3A_26 = tpu.memref_slice %arg6[%multiple_of3A_20] : memref<10000xi32, #tpu.memory_space<vmem>> -> memref<80xi32, #tpu.memory_space<vmem>>
      %dma_start3A_27 = arith.constant 0 : i32
      %dma_start3A_28 = arith.constant 0 : i32
      %dma_start3A_29 = tpu.memref_slice %arg2[%dma_start3A_27, %dma_start3A_28] : memref<10000x32xf32, #tpu.memory_space<hbm>> -> memref<10000x32xf32, #tpu.memory_space<hbm>>
      tpu.enqueue_indirect_dma source(%dma_start3A_29 : memref<10000x32xf32, #tpu.memory_space<hbm>>) target(%dma_start3A_25 : memref<80x32xf32, #tpu.memory_space<vmem>>) offsets(%dma_start3A_26 : memref<80xi32, #tpu.memory_space<vmem>>) semaphore(%arg8 : memref<!tpu.dma_semaphore, #tpu.memory_space<semaphore_mem>>)
      %multiple_of3A_30 = arith.constant 160 : i32
      %multiple_of3A_31 = tpu.assume_multiple %multiple_of3A_30, 8 : i32
      %dma_start3A_32 = arith.constant 2 : i32
      %dma_start3A_33 = arith.constant 0 : i32
      %dma_start3A_34 = arith.constant 0 : i32
      %dma_start3A_35 = tpu.memref_slice %arg7[%dma_start3A_32, %dma_start3A_33, %dma_start3A_34] : memref<16x80x32xf32, #tpu.memory_space<vmem>> -> memref<1x80x32xf32, #tpu.memory_space<vmem>>
      %dma_start3A_36 = tpu.memref_squeeze %dma_start3A_35 : memref<1x80x32xf32, #tpu.memory_space<vmem>> -> memref<80x32xf32, #tpu.memory_space<vmem>>
      %dma_start3A_37 = tpu.memref_slice %arg6[%multiple_of3A_31] : memref<10000xi32, #tpu.memory_space<vmem>> -> memref<80xi32, #tpu.memory_space<vmem>>
      %dma_start3A_38 = arith.constant 0 : i32
      %dma_start3A_39 = arith.constant 0 : i32
      %dma_start3A_40 = tpu.memref_slice %arg2[%dma_start3A_38, %dma_start3A_39] : memref<10000x32xf32, #tpu.memory_space<hbm>> -> memref<10000x32xf32, #tpu.memory_space<hbm>>
      tpu.enqueue_indirect_dma source(%dma_start3A_40 : memref<10000x32xf32, #tpu.memory_space<hbm>>) target(%dma_start3A_36 : memref<80x32xf32, #tpu.memory_space<vmem>>) offsets(%dma_start3A_37 : memref<80xi32, #tpu.memory_space<vmem>>) semaphore(%arg8 : memref<!tpu.dma_semaphore, #tpu.memory_space<semaphore_mem>>)
      %multiple_of3A_41 = arith.constant 240 : i32
      %multiple_of3A_42 = tpu.assume_multiple %multiple_of3A_41, 8 : i32
      %dma_start3A_43 = arith.constant 3 : i32
      %dma_start3A_44 = arith.constant 0 : i32
      %dma_start3A_45 = arith.constant 0 : i32
      %dma_start3A_46 = tpu.memref_slice %arg7[%dma_start3A_43, %dma_start3A_44, %dma_start3A_45] : memref<16x80x32xf32, #tpu.memory_space<vmem>> -> memref<1x80x32xf32, #tpu.memory_space<vmem>>
      %dma_start3A_47 = tpu.memref_squeeze %dma_start3A_46 : memref<1x80x32xf32, #tpu.memory_space<vmem>> -> memref<80x32xf32, #tpu.memory_space<vmem>>
      %dma_start3A_48 = tpu.memref_slice %arg6[%multiple_of3A_42] : memref<10000xi32, #tpu.memory_space<vmem>> -> memref<80xi32, #tpu.memory_space<vmem>>
      %dma_start3A_49 = arith.constant 0 : i32
      %dma_start3A_50 = arith.constant 0 : i32
      %dma_start3A_51 = tpu.memref_slice %arg2[%dma_start3A_49, %dma_start3A_50] : memref<10000x32xf32, #tpu.memory_space<hbm>> -> memref<10000x32xf32, #tpu.memory_space<hbm>>
      tpu.enqueue_indirect_dma source(%dma_start3A_51 : memref<10000x32xf32, #tpu.memory_space<hbm>>) target(%dma_start3A_47 : memref<80x32xf32, #tpu.memory_space<vmem>>) offsets(%dma_start3A_48 : memref<80xi32, #tpu.memory_space<vmem>>) semaphore(%arg8 : memref<!tpu.dma_semaphore, #tpu.memory_space<semaphore_mem>>)
      %multiple_of3A_52 = arith.constant 320 : i32
      %multiple_of3A_53 = tpu.assume_multiple %multiple_of3A_52, 8 : i32
      %dma_start3A_54 = arith.constant 4 : i32
      %dma_start3A_55 = arith.constant 0 : i32
      %dma_start3A_56 = arith.constant 0 : i32
      %dma_start3A_57 = tpu.memref_slice %arg7[%dma_start3A_54, %dma_start3A_55, %dma_start3A_56] : memref<16x80x32xf32, #tpu.memory_space<vmem>> -> memref<1x80x32xf32, #tpu.memory_space<vmem>>
      %dma_start3A_58 = tpu.memref_squeeze %dma_start3A_57 : memref<1x80x32xf32, #tpu.memory_space<vmem>> -> memref<80x32xf32, #tpu.memory_space<vmem>>
      %dma_start3A_59 = tpu.memref_slice %arg6[%multiple_of3A_53] : memref<10000xi32, #tpu.memory_space<vmem>> -> memref<80xi32, #tpu.memory_space<vmem>>
      %dma_start3A_60 = arith.constant 0 : i32
      %dma_start3A_61 = arith.constant 0 : i32
      %dma_start3A_62 = tpu.memref_slice %arg2[%dma_start3A_60, %dma_start3A_61] : memref<10000x32xf32, #tpu.memory_space<hbm>> -> memref<10000x32xf32, #tpu.memory_space<hbm>>
      tpu.enqueue_indirect_dma source(%dma_start3A_62 : memref<10000x32xf32, #tpu.memory_space<hbm>>) target(%dma_start3A_58 : memref<80x32xf32, #tpu.memory_space<vmem>>) offsets(%dma_start3A_59 : memref<80xi32, #tpu.memory_space<vmem>>) semaphore(%arg8 : memref<!tpu.dma_semaphore, #tpu.memory_space<semaphore_mem>>)
      %multiple_of3A_63 = arith.constant 400 : i32
      %multiple_of3A_64 = tpu.assume_multiple %multiple_of3A_63, 8 : i32
      %dma_start3A_65 = arith.constant 5 : i32
      %dma_start3A_66 = arith.constant 0 : i32
      %dma_start3A_67 = arith.constant 0 : i32
      %dma_start3A_68 = tpu.memref_slice %arg7[%dma_start3A_65, %dma_start3A_66, %dma_start3A_67] : memref<16x80x32xf32, #tpu.memory_space<vmem>> -> memref<1x80x32xf32, #tpu.memory_space<vmem>>
      %dma_start3A_69 = tpu.memref_squeeze %dma_start3A_68 : memref<1x80x32xf32, #tpu.memory_space<vmem>> -> memref<80x32xf32, #tpu.memory_space<vmem>>
      %dma_start3A_70 = tpu.memref_slice %arg6[%multiple_of3A_64] : memref<10000xi32, #tpu.memory_space<vmem>> -> memref<80xi32, #tpu.memory_space<vmem>>
      %dma_start3A_71 = arith.constant 0 : i32
      %dma_start3A_72 = arith.constant 0 : i32
      %dma_start3A_73 = tpu.memref_slice %arg2[%dma_start3A_71, %dma_start3A_72] : memref<10000x32xf32, #tpu.memory_space<hbm>> -> memref<10000x32xf32, #tpu.memory_space<hbm>>
      tpu.enqueue_indirect_dma source(%dma_start3A_73 : memref<10000x32xf32, #tpu.memory_space<hbm>>) target(%dma_start3A_69 : memref<80x32xf32, #tpu.memory_space<vmem>>) offsets(%dma_start3A_70 : memref<80xi32, #tpu.memory_space<vmem>>) semaphore(%arg8 : memref<!tpu.dma_semaphore, #tpu.memory_space<semaphore_mem>>)
      %multiple_of3A_74 = arith.constant 480 : i32
      %multiple_of3A_75 = tpu.assume_multiple %multiple_of3A_74, 8 : i32
      %dma_start3A_76 = arith.constant 6 : i32
      %dma_start3A_77 = arith.constant 0 : i32
      %dma_start3A_78 = arith.constant 0 : i32
      %dma_start3A_79 = tpu.memref_slice %arg7[%dma_start3A_76, %dma_start3A_77, %dma_start3A_78] : memref<16x80x32xf32, #tpu.memory_space<vmem>> -> memref<1x80x32xf32, #tpu.memory_space<vmem>>
      %dma_start3A_80 = tpu.memref_squeeze %dma_start3A_79 : memref<1x80x32xf32, #tpu.memory_space<vmem>> -> memref<80x32xf32, #tpu.memory_space<vmem>>
      %dma_start3A_81 = tpu.memref_slice %arg6[%multiple_of3A_75] : memref<10000xi32, #tpu.memory_space<vmem>> -> memref<80xi32, #tpu.memory_space<vmem>>
      %dma_start3A_82 = arith.constant 0 : i32
      %dma_start3A_83 = arith.constant 0 : i32
      %dma_start3A_84 = tpu.memref_slice %arg2[%dma_start3A_82, %dma_start3A_83] : memref<10000x32xf32, #tpu.memory_space<hbm>> -> memref<10000x32xf32, #tpu.memory_space<hbm>>
      tpu.enqueue_indirect_dma source(%dma_start3A_84 : memref<10000x32xf32, #tpu.memory_space<hbm>>) target(%dma_start3A_80 : memref<80x32xf32, #tpu.memory_space<vmem>>) offsets(%dma_start3A_81 : memref<80xi32, #tpu.memory_space<vmem>>) semaphore(%arg8 : memref<!tpu.dma_semaphore, #tpu.memory_space<semaphore_mem>>)
      %multiple_of3A_85 = arith.constant 560 : i32
      %multiple_of3A_86 = tpu.assume_multiple %multiple_of3A_85, 8 : i32
      %dma_start3A_87 = arith.constant 7 : i32
      %dma_start3A_88 = arith.constant 0 : i32
      %dma_start3A_89 = arith.constant 0 : i32
      %dma_start3A_90 = tpu.memref_slice %arg7[%dma_start3A_87, %dma_start3A_88, %dma_start3A_89] : memref<16x80x32xf32, #tpu.memory_space<vmem>> -> memref<1x80x32xf32, #tpu.memory_space<vmem>>
      %dma_start3A_91 = tpu.memref_squeeze %dma_start3A_90 : memref<1x80x32xf32, #tpu.memory_space<vmem>> -> memref<80x32xf32, #tpu.memory_space<vmem>>
      %dma_start3A_92 = tpu.memref_slice %arg6[%multiple_of3A_86] : memref<10000xi32, #tpu.memory_space<vmem>> -> memref<80xi32, #tpu.memory_space<vmem>>
      %dma_start3A_93 = arith.constant 0 : i32
      %dma_start3A_94 = arith.constant 0 : i32
      %dma_start3A_95 = tpu.memref_slice %arg2[%dma_start3A_93, %dma_start3A_94] : memref<10000x32xf32, #tpu.memory_space<hbm>> -> memref<10000x32xf32, #tpu.memory_space<hbm>>
      tpu.enqueue_indirect_dma source(%dma_start3A_95 : memref<10000x32xf32, #tpu.memory_space<hbm>>) target(%dma_start3A_91 : memref<80x32xf32, #tpu.memory_space<vmem>>) offsets(%dma_start3A_92 : memref<80xi32, #tpu.memory_space<vmem>>) semaphore(%arg8 : memref<!tpu.dma_semaphore, #tpu.memory_space<semaphore_mem>>)
      %multiple_of3A_96 = arith.constant 640 : i32
      %multiple_of3A_97 = tpu.assume_multiple %multiple_of3A_96, 8 : i32
      %dma_start3A_98 = arith.constant 8 : i32
      %dma_start3A_99 = arith.constant 0 : i32
      %dma_start3A_100 = arith.constant 0 : i32
      %dma_start3A_101 = tpu.memref_slice %arg7[%dma_start3A_98, %dma_start3A_99, %dma_start3A_100] : memref<16x80x32xf32, #tpu.memory_space<vmem>> -> memref<1x80x32xf32, #tpu.memory_space<vmem>>
      %dma_start3A_102 = tpu.memref_squeeze %dma_start3A_101 : memref<1x80x32xf32, #tpu.memory_space<vmem>> -> memref<80x32xf32, #tpu.memory_space<vmem>>
      %dma_start3A_103 = tpu.memref_slice %arg6[%multiple_of3A_97] : memref<10000xi32, #tpu.memory_space<vmem>> -> memref<80xi32, #tpu.memory_space<vmem>>
      %dma_start3A_104 = arith.constant 0 : i32
      %dma_start3A_105 = arith.constant 0 : i32
      %dma_start3A_106 = tpu.memref_slice %arg2[%dma_start3A_104, %dma_start3A_105] : memref<10000x32xf32, #tpu.memory_space<hbm>> -> memref<10000x32xf32, #tpu.memory_space<hbm>>
      tpu.enqueue_indirect_dma source(%dma_start3A_106 : memref<10000x32xf32, #tpu.memory_space<hbm>>) target(%dma_start3A_102 : memref<80x32xf32, #tpu.memory_space<vmem>>) offsets(%dma_start3A_103 : memref<80xi32, #tpu.memory_space<vmem>>) semaphore(%arg8 : memref<!tpu.dma_semaphore, #tpu.memory_space<semaphore_mem>>)
      %multiple_of3A_107 = arith.constant 720 : i32
      %multiple_of3A_108 = tpu.assume_multiple %multiple_of3A_107, 8 : i32
      %dma_start3A_109 = arith.constant 9 : i32
      %dma_start3A_110 = arith.constant 0 : i32
      %dma_start3A_111 = arith.constant 0 : i32
      %dma_start3A_112 = tpu.memref_slice %arg7[%dma_start3A_109, %dma_start3A_110, %dma_start3A_111] : memref<16x80x32xf32, #tpu.memory_space<vmem>> -> memref<1x80x32xf32, #tpu.memory_space<vmem>>
      %dma_start3A_113 = tpu.memref_squeeze %dma_start3A_112 : memref<1x80x32xf32, #tpu.memory_space<vmem>> -> memref<80x32xf32, #tpu.memory_space<vmem>>
      %dma_start3A_114 = tpu.memref_slice %arg6[%multiple_of3A_108] : memref<10000xi32, #tpu.memory_space<vmem>> -> memref<80xi32, #tpu.memory_space<vmem>>
      %dma_start3A_115 = arith.constant 0 : i32
      %dma_start3A_116 = arith.constant 0 : i32
      %dma_start3A_117 = tpu.memref_slice %arg2[%dma_start3A_115, %dma_start3A_116] : memref<10000x32xf32, #tpu.memory_space<hbm>> -> memref<10000x32xf32, #tpu.memory_space<hbm>>
      tpu.enqueue_indirect_dma source(%dma_start3A_117 : memref<10000x32xf32, #tpu.memory_space<hbm>>) target(%dma_start3A_113 : memref<80x32xf32, #tpu.memory_space<vmem>>) offsets(%dma_start3A_114 : memref<80xi32, #tpu.memory_space<vmem>>) semaphore(%arg8 : memref<!tpu.dma_semaphore, #tpu.memory_space<semaphore_mem>>)
      %multiple_of3A_118 = arith.constant 800 : i32
      %multiple_of3A_119 = tpu.assume_multiple %multiple_of3A_118, 8 : i32
      %dma_start3A_120 = arith.constant 10 : i32
      %dma_start3A_121 = arith.constant 0 : i32
      %dma_start3A_122 = arith.constant 0 : i32
      %dma_start3A_123 = tpu.memref_slice %arg7[%dma_start3A_120, %dma_start3A_121, %dma_start3A_122] : memref<16x80x32xf32, #tpu.memory_space<vmem>> -> memref<1x80x32xf32, #tpu.memory_space<vmem>>
      %dma_start3A_124 = tpu.memref_squeeze %dma_start3A_123 : memref<1x80x32xf32, #tpu.memory_space<vmem>> -> memref<80x32xf32, #tpu.memory_space<vmem>>
      %dma_start3A_125 = tpu.memref_slice %arg6[%multiple_of3A_119] : memref<10000xi32, #tpu.memory_space<vmem>> -> memref<80xi32, #tpu.memory_space<vmem>>
      %dma_start3A_126 = arith.constant 0 : i32
      %dma_start3A_127 = arith.constant 0 : i32
      %dma_start3A_128 = tpu.memref_slice %arg2[%dma_start3A_126, %dma_start3A_127] : memref<10000x32xf32, #tpu.memory_space<hbm>> -> memref<10000x32xf32, #tpu.memory_space<hbm>>
      tpu.enqueue_indirect_dma source(%dma_start3A_128 : memref<10000x32xf32, #tpu.memory_space<hbm>>) target(%dma_start3A_124 : memref<80x32xf32, #tpu.memory_space<vmem>>) offsets(%dma_start3A_125 : memref<80xi32, #tpu.memory_space<vmem>>) semaphore(%arg8 : memref<!tpu.dma_semaphore, #tpu.memory_space<semaphore_mem>>)
      %multiple_of3A_129 = arith.constant 880 : i32
      %multiple_of3A_130 = tpu.assume_multiple %multiple_of3A_129, 8 : i32
      %dma_start3A_131 = arith.constant 11 : i32
      %dma_start3A_132 = arith.constant 0 : i32
      %dma_start3A_133 = arith.constant 0 : i32
      %dma_start3A_134 = tpu.memref_slice %arg7[%dma_start3A_131, %dma_start3A_132, %dma_start3A_133] : memref<16x80x32xf32, #tpu.memory_space<vmem>> -> memref<1x80x32xf32, #tpu.memory_space<vmem>>
      %dma_start3A_135 = tpu.memref_squeeze %dma_start3A_134 : memref<1x80x32xf32, #tpu.memory_space<vmem>> -> memref<80x32xf32, #tpu.memory_space<vmem>>
      %dma_start3A_136 = tpu.memref_slice %arg6[%multiple_of3A_130] : memref<10000xi32, #tpu.memory_space<vmem>> -> memref<80xi32, #tpu.memory_space<vmem>>
      %dma_start3A_137 = arith.constant 0 : i32
      %dma_start3A_138 = arith.constant 0 : i32
      %dma_start3A_139 = tpu.memref_slice %arg2[%dma_start3A_137, %dma_start3A_138] : memref<10000x32xf32, #tpu.memory_space<hbm>> -> memref<10000x32xf32, #tpu.memory_space<hbm>>
      tpu.enqueue_indirect_dma source(%dma_start3A_139 : memref<10000x32xf32, #tpu.memory_space<hbm>>) target(%dma_start3A_135 : memref<80x32xf32, #tpu.memory_space<vmem>>) offsets(%dma_start3A_136 : memref<80xi32, #tpu.memory_space<vmem>>) semaphore(%arg8 : memref<!tpu.dma_semaphore, #tpu.memory_space<semaphore_mem>>)
      %multiple_of3A_140 = arith.constant 960 : i32
      %multiple_of3A_141 = tpu.assume_multiple %multiple_of3A_140, 8 : i32
      %dma_start3A_142 = arith.constant 12 : i32
      %dma_start3A_143 = arith.constant 0 : i32
      %dma_start3A_144 = arith.constant 0 : i32
      %dma_start3A_145 = tpu.memref_slice %arg7[%dma_start3A_142, %dma_start3A_143, %dma_start3A_144] : memref<16x80x32xf32, #tpu.memory_space<vmem>> -> memref<1x80x32xf32, #tpu.memory_space<vmem>>
      %dma_start3A_146 = tpu.memref_squeeze %dma_start3A_145 : memref<1x80x32xf32, #tpu.memory_space<vmem>> -> memref<80x32xf32, #tpu.memory_space<vmem>>
      %dma_start3A_147 = tpu.memref_slice %arg6[%multiple_of3A_141] : memref<10000xi32, #tpu.memory_space<vmem>> -> memref<80xi32, #tpu.memory_space<vmem>>
      %dma_start3A_148 = arith.constant 0 : i32
      %dma_start3A_149 = arith.constant 0 : i32
      %dma_start3A_150 = tpu.memref_slice %arg2[%dma_start3A_148, %dma_start3A_149] : memref<10000x32xf32, #tpu.memory_space<hbm>> -> memref<10000x32xf32, #tpu.memory_space<hbm>>
      tpu.enqueue_indirect_dma source(%dma_start3A_150 : memref<10000x32xf32, #tpu.memory_space<hbm>>) target(%dma_start3A_146 : memref<80x32xf32, #tpu.memory_space<vmem>>) offsets(%dma_start3A_147 : memref<80xi32, #tpu.memory_space<vmem>>) semaphore(%arg8 : memref<!tpu.dma_semaphore, #tpu.memory_space<semaphore_mem>>)
      %multiple_of3A_151 = arith.constant 1040 : i32
      %multiple_of3A_152 = tpu.assume_multiple %multiple_of3A_151, 8 : i32
      %dma_start3A_153 = arith.constant 13 : i32
      %dma_start3A_154 = arith.constant 0 : i32
      %dma_start3A_155 = arith.constant 0 : i32
      %dma_start3A_156 = tpu.memref_slice %arg7[%dma_start3A_153, %dma_start3A_154, %dma_start3A_155] : memref<16x80x32xf32, #tpu.memory_space<vmem>> -> memref<1x80x32xf32, #tpu.memory_space<vmem>>
      %dma_start3A_157 = tpu.memref_squeeze %dma_start3A_156 : memref<1x80x32xf32, #tpu.memory_space<vmem>> -> memref<80x32xf32, #tpu.memory_space<vmem>>
      %dma_start3A_158 = tpu.memref_slice %arg6[%multiple_of3A_152] : memref<10000xi32, #tpu.memory_space<vmem>> -> memref<80xi32, #tpu.memory_space<vmem>>
      %dma_start3A_159 = arith.constant 0 : i32
      %dma_start3A_160 = arith.constant 0 : i32
      %dma_start3A_161 = tpu.memref_slice %arg2[%dma_start3A_159, %dma_start3A_160] : memref<10000x32xf32, #tpu.memory_space<hbm>> -> memref<10000x32xf32, #tpu.memory_space<hbm>>
      tpu.enqueue_indirect_dma source(%dma_start3A_161 : memref<10000x32xf32, #tpu.memory_space<hbm>>) target(%dma_start3A_157 : memref<80x32xf32, #tpu.memory_space<vmem>>) offsets(%dma_start3A_158 : memref<80xi32, #tpu.memory_space<vmem>>) semaphore(%arg8 : memref<!tpu.dma_semaphore, #tpu.memory_space<semaphore_mem>>)
      %multiple_of3A_162 = arith.constant 1120 : i32
      %multiple_of3A_163 = tpu.assume_multiple %multiple_of3A_162, 8 : i32
      %dma_start3A_164 = arith.constant 14 : i32
      %dma_start3A_165 = arith.constant 0 : i32
      %dma_start3A_166 = arith.constant 0 : i32
      %dma_start3A_167 = tpu.memref_slice %arg7[%dma_start3A_164, %dma_start3A_165, %dma_start3A_166] : memref<16x80x32xf32, #tpu.memory_space<vmem>> -> memref<1x80x32xf32, #tpu.memory_space<vmem>>
      %dma_start3A_168 = tpu.memref_squeeze %dma_start3A_167 : memref<1x80x32xf32, #tpu.memory_space<vmem>> -> memref<80x32xf32, #tpu.memory_space<vmem>>
      %dma_start3A_169 = tpu.memref_slice %arg6[%multiple_of3A_163] : memref<10000xi32, #tpu.memory_space<vmem>> -> memref<80xi32, #tpu.memory_space<vmem>>
      %dma_start3A_170 = arith.constant 0 : i32
      %dma_start3A_171 = arith.constant 0 : i32
      %dma_start3A_172 = tpu.memref_slice %arg2[%dma_start3A_170, %dma_start3A_171] : memref<10000x32xf32, #tpu.memory_space<hbm>> -> memref<10000x32xf32, #tpu.memory_space<hbm>>
      tpu.enqueue_indirect_dma source(%dma_start3A_172 : memref<10000x32xf32, #tpu.memory_space<hbm>>) target(%dma_start3A_168 : memref<80x32xf32, #tpu.memory_space<vmem>>) offsets(%dma_start3A_169 : memref<80xi32, #tpu.memory_space<vmem>>) semaphore(%arg8 : memref<!tpu.dma_semaphore, #tpu.memory_space<semaphore_mem>>)
      %scan3A = arith.constant 0 : i32
      %scan3A_173 = arith.constant 0 : i32
      %scan3A_174 = arith.constant 125 : i32
      %scan3A_175 = arith.addi %scan3A_173, %scan3A_174 : i32
      %scan3A_176 = arith.constant 1 : i32
      %scan3A_177 = scf.for %scan3A_434 = %scan3A_173 to %scan3A_175 step %scan3A_176 iter_args(%scan3A_435 = %scan3A) -> (i32)  : i32 {
        %rem3A_436 = arith.constant 16 : i32
        %rem3A_437 = arith.remsi %scan3A_434, %rem3A_436 : i32
        %mul3A_438 = arith.constant 80 : i32
        %mul3A_439 = arith.muli %scan3A_434, %mul3A_438 : i32
        %multiple_of3A_440 = tpu.assume_multiple %mul3A_439, 8 : i32
        %dma_wait3A_441 = arith.constant 0 : i32
        %dma_wait3A_442 = arith.constant 0 : i32
        %dma_wait3A_443 = tpu.memref_slice %arg7[%rem3A_437, %dma_wait3A_441, %dma_wait3A_442] : memref<16x80x32xf32, #tpu.memory_space<vmem>> -> memref<1x80x32xf32, #tpu.memory_space<vmem>>
        %dma_wait3A_444 = tpu.memref_squeeze %dma_wait3A_443 : memref<1x80x32xf32, #tpu.memory_space<vmem>> -> memref<80x32xf32, #tpu.memory_space<vmem>>
        %dma_wait3A_445 = tpu.memref_slice %arg6[%multiple_of3A_440] : memref<10000xi32, #tpu.memory_space<vmem>> -> memref<80xi32, #tpu.memory_space<vmem>>
        %dma_wait3A_446 = arith.constant 0 : i32
        %dma_wait3A_447 = arith.constant 0 : i32
        %dma_wait3A_448 = tpu.memref_slice %arg2[%dma_wait3A_446, %dma_wait3A_447] : memref<10000x32xf32, #tpu.memory_space<hbm>> -> memref<10000x32xf32, #tpu.memory_space<hbm>>
        tpu.wait_indirect_dma semaphore(%arg8 : memref<!tpu.dma_semaphore, #tpu.memory_space<semaphore_mem>>) src(%dma_wait3A_448 : memref<10000x32xf32, #tpu.memory_space<hbm>>) dst(%dma_wait3A_444 : memref<80x32xf32, #tpu.memory_space<vmem>>)
        %mul3A_449 = arith.constant 80 : i32
        %mul3A_450 = arith.muli %scan3A_434, %mul3A_449 : i32
        %add3A_451 = arith.addi %mul3A_3, %mul3A_450 : i32
        %multiple_of3A_452 = tpu.assume_multiple %add3A_451, 8 : i32
        %dma_start3A_453 = arith.constant 0 : i32
        %dma_start3A_454 = arith.constant 0 : i32
        %dma_start3A_455 = tpu.memref_slice %arg7[%rem3A_437, %dma_start3A_453, %dma_start3A_454] : memref<16x80x32xf32, #tpu.memory_space<vmem>> -> memref<1x80x32xf32, #tpu.memory_space<vmem>>
        %dma_start3A_456 = tpu.memref_squeeze %dma_start3A_455 : memref<1x80x32xf32, #tpu.memory_space<vmem>> -> memref<80x32xf32, #tpu.memory_space<vmem>>
        %dma_start3A_457 = arith.constant 0 : i32
        %dma_start3A_458 = tpu.memref_slice %arg5[%multiple_of3A_452, %dma_start3A_457] : memref<320000x32xf32, #tpu.memory_space<hbm>> -> memref<80x32xf32, #tpu.memory_space<hbm>>
        %dma_start3A_459 = arith.constant 0 : i32
        %dma_start3A_460 = tpu.memref_slice %arg5[%multiple_of3A_452, %dma_start3A_459] : memref<320000x32xf32, #tpu.memory_space<hbm>> -> memref<80x32xf32, #tpu.memory_space<hbm>>
        %dma_start3A_461 = arith.constant 0 : i32
        %dma_start3A_462 = arith.constant 0 : i32
        %dma_start3A_463 = tpu.memref_slice %arg7[%rem3A_437, %dma_start3A_461, %dma_start3A_462] : memref<16x80x32xf32, #tpu.memory_space<vmem>> -> memref<1x80x32xf32, #tpu.memory_space<vmem>>
        %dma_start3A_464 = tpu.memref_squeeze %dma_start3A_463 : memref<1x80x32xf32, #tpu.memory_space<vmem>> -> memref<80x32xf32, #tpu.memory_space<vmem>>
        tpu.enqueue_dma source(%dma_start3A_464 : memref<80x32xf32, #tpu.memory_space<vmem>>) target(%dma_start3A_460 : memref<80x32xf32, #tpu.memory_space<hbm>>) target_semaphore(%arg9 : memref<!tpu.dma_semaphore, #tpu.memory_space<semaphore_mem>>)
        %add3A_465 = arith.constant 15 : i32
        %add3A_466 = arith.addi %scan3A_434, %add3A_465 : i32
        %lt3A_467 = arith.constant 125 : i32
        %lt3A_468 = arith.cmpi slt, %add3A_466, %lt3A_467 : i32
        %convert_element_type3A_469 = arith.extui %lt3A_468 : i1 to i32
        %cond3A_470 = arith.constant 0 : i32
        %cond3A_471 = arith.cmpi ne, %convert_element_type3A_469, %cond3A_470 : i32
        scf.if %cond3A_471 {
          %ge3A_473 = arith.constant 1 : i32
          %ge3A_474 = arith.cmpi sge, %scan3A_434, %ge3A_473 : i32
          %convert_element_type3A_475 = arith.extui %ge3A_474 : i1 to i32
          %cond3A_476 = arith.constant 0 : i32
          %cond3A_477 = arith.cmpi ne, %convert_element_type3A_475, %cond3A_476 : i32
          scf.if %cond3A_477 {
            %mul3A_495 = arith.constant 80 : i32
            %mul3A_496 = arith.muli %scan3A_434, %mul3A_495 : i32
            %add3A_497 = arith.addi %mul3A_3, %mul3A_496 : i32
            %multiple_of3A_498 = tpu.assume_multiple %add3A_497, 8 : i32
            %dma_wait3A_499 = arith.constant 0 : i32
            %dma_wait3A_500 = arith.constant 0 : i32
            %dma_wait3A_501 = arith.constant 0 : i32
            %dma_wait3A_502 = tpu.memref_slice %arg7[%dma_wait3A_499, %dma_wait3A_500, %dma_wait3A_501] : memref<16x80x32xf32, #tpu.memory_space<vmem>> -> memref<1x80x32xf32, #tpu.memory_space<vmem>>
            %dma_wait3A_503 = tpu.memref_squeeze %dma_wait3A_502 : memref<1x80x32xf32, #tpu.memory_space<vmem>> -> memref<80x32xf32, #tpu.memory_space<vmem>>
            %dma_wait3A_504 = arith.constant 0 : i32
            %dma_wait3A_505 = tpu.memref_slice %arg5[%multiple_of3A_498, %dma_wait3A_504] : memref<320000x32xf32, #tpu.memory_space<hbm>> -> memref<80x32xf32, #tpu.memory_space<hbm>>
            %dma_wait3A_506 = arith.constant 0 : i32
            %dma_wait3A_507 = tpu.memref_slice %arg5[%multiple_of3A_498, %dma_wait3A_506] : memref<320000x32xf32, #tpu.memory_space<hbm>> -> memref<80x32xf32, #tpu.memory_space<hbm>>
            %dma_wait3A_508 = arith.constant 0 : i32
            %dma_wait3A_509 = arith.constant 0 : i32
            %dma_wait3A_510 = tpu.memref_slice %arg7[%dma_wait3A_499, %dma_wait3A_508, %dma_wait3A_509] : memref<16x80x32xf32, #tpu.memory_space<vmem>> -> memref<1x80x32xf32, #tpu.memory_space<vmem>>
            %dma_wait3A_511 = tpu.memref_squeeze %dma_wait3A_510 : memref<1x80x32xf32, #tpu.memory_space<vmem>> -> memref<80x32xf32, #tpu.memory_space<vmem>>
            tpu.wait_dma2 semaphore(%arg9 : memref<!tpu.dma_semaphore, #tpu.memory_space<semaphore_mem>>) src(%dma_wait3A_511 : memref<80x32xf32, #tpu.memory_space<vmem>>) dst(%dma_wait3A_507 : memref<80x32xf32, #tpu.memory_space<hbm>>)
          } else {
          }
          %add3A_478 = arith.constant 15 : i32
          %add3A_479 = arith.addi %scan3A_434, %add3A_478 : i32
          %mul3A_480 = arith.constant 80 : i32
          %mul3A_481 = arith.muli %add3A_479, %mul3A_480 : i32
          %multiple_of3A_482 = tpu.assume_multiple %mul3A_481, 8 : i32
          %add3A_483 = arith.constant 15 : i32
          %add3A_484 = arith.addi %scan3A_434, %add3A_483 : i32
          %rem3A_485 = arith.constant 16 : i32
          %rem3A_486 = arith.remsi %add3A_484, %rem3A_485 : i32
          %dma_start3A_487 = arith.constant 0 : i32
          %dma_start3A_488 = arith.constant 0 : i32
          %dma_start3A_489 = tpu.memref_slice %arg7[%rem3A_486, %dma_start3A_487, %dma_start3A_488] : memref<16x80x32xf32, #tpu.memory_space<vmem>> -> memref<1x80x32xf32, #tpu.memory_space<vmem>>
          %dma_start3A_490 = tpu.memref_squeeze %dma_start3A_489 : memref<1x80x32xf32, #tpu.memory_space<vmem>> -> memref<80x32xf32, #tpu.memory_space<vmem>>
          %dma_start3A_491 = tpu.memref_slice %arg6[%multiple_of3A_482] : memref<10000xi32, #tpu.memory_space<vmem>> -> memref<80xi32, #tpu.memory_space<vmem>>
          %dma_start3A_492 = arith.constant 0 : i32
          %dma_start3A_493 = arith.constant 0 : i32
          %dma_start3A_494 = tpu.memref_slice %arg2[%dma_start3A_492, %dma_start3A_493] : memref<10000x32xf32, #tpu.memory_space<hbm>> -> memref<10000x32xf32, #tpu.memory_space<hbm>>
          tpu.enqueue_indirect_dma source(%dma_start3A_494 : memref<10000x32xf32, #tpu.memory_space<hbm>>) target(%dma_start3A_490 : memref<80x32xf32, #tpu.memory_space<vmem>>) offsets(%dma_start3A_491 : memref<80xi32, #tpu.memory_space<vmem>>) semaphore(%arg8 : memref<!tpu.dma_semaphore, #tpu.memory_space<semaphore_mem>>)
        } else {
        }
        %scan3A_472 = arith.constant 0 : i32
        scf.yield %scan3A_472 : i32
      }
      %scan3A_178 = arith.constant 125 : i32
      %add3A_179 = arith.constant 9920 : i32
      %add3A_180 = arith.addi %mul3A_3, %add3A_179 : i32
      %multiple_of3A_181 = tpu.assume_multiple %add3A_180, 8 : i32
      %dma_wait3A = arith.constant 0 : i32
      %dma_wait3A_182 = arith.constant 0 : i32
      %dma_wait3A_183 = arith.constant 0 : i32
      %dma_wait3A_184 = tpu.memref_slice %arg7[%dma_wait3A, %dma_wait3A_182, %dma_wait3A_183] : memref<16x80x32xf32, #tpu.memory_space<vmem>> -> memref<1x80x32xf32, #tpu.memory_space<vmem>>
      %dma_wait3A_185 = tpu.memref_squeeze %dma_wait3A_184 : memref<1x80x32xf32, #tpu.memory_space<vmem>> -> memref<80x32xf32, #tpu.memory_space<vmem>>
      %dma_wait3A_186 = arith.constant 0 : i32
      %dma_wait3A_187 = tpu.memref_slice %arg5[%multiple_of3A_181, %dma_wait3A_186] : memref<320000x32xf32, #tpu.memory_space<hbm>> -> memref<80x32xf32, #tpu.memory_space<hbm>>
      %dma_wait3A_188 = arith.constant 0 : i32
      %dma_wait3A_189 = tpu.memref_slice %arg5[%multiple_of3A_181, %dma_wait3A_188] : memref<320000x32xf32, #tpu.memory_space<hbm>> -> memref<80x32xf32, #tpu.memory_space<hbm>>
      %dma_wait3A_190 = arith.constant 0 : i32
      %dma_wait3A_191 = arith.constant 0 : i32
      %dma_wait3A_192 = tpu.memref_slice %arg7[%dma_wait3A, %dma_wait3A_190, %dma_wait3A_191] : memref<16x80x32xf32, #tpu.memory_space<vmem>> -> memref<1x80x32xf32, #tpu.memory_space<vmem>>
      %dma_wait3A_193 = tpu.memref_squeeze %dma_wait3A_192 : memref<1x80x32xf32, #tpu.memory_space<vmem>> -> memref<80x32xf32, #tpu.memory_space<vmem>>
      tpu.wait_dma2 semaphore(%arg9 : memref<!tpu.dma_semaphore, #tpu.memory_space<semaphore_mem>>) src(%dma_wait3A_193 : memref<80x32xf32, #tpu.memory_space<vmem>>) dst(%dma_wait3A_189 : memref<80x32xf32, #tpu.memory_space<hbm>>)
      %add3A_194 = arith.constant 9920 : i32
      %add3A_195 = arith.addi %mul3A_3, %add3A_194 : i32
      %multiple_of3A_196 = tpu.assume_multiple %add3A_195, 8 : i32
      %dma_wait3A_197 = arith.constant 0 : i32
      %dma_wait3A_198 = arith.constant 0 : i32
      %dma_wait3A_199 = arith.constant 0 : i32
      %dma_wait3A_200 = tpu.memref_slice %arg7[%dma_wait3A_197, %dma_wait3A_198, %dma_wait3A_199] : memref<16x80x32xf32, #tpu.memory_space<vmem>> -> memref<1x80x32xf32, #tpu.memory_space<vmem>>
      %dma_wait3A_201 = tpu.memref_squeeze %dma_wait3A_200 : memref<1x80x32xf32, #tpu.memory_space<vmem>> -> memref<80x32xf32, #tpu.memory_space<vmem>>
      %dma_wait3A_202 = arith.constant 0 : i32
      %dma_wait3A_203 = tpu.memref_slice %arg5[%multiple_of3A_196, %dma_wait3A_202] : memref<320000x32xf32, #tpu.memory_space<hbm>> -> memref<80x32xf32, #tpu.memory_space<hbm>>
      %dma_wait3A_204 = arith.constant 0 : i32
      %dma_wait3A_205 = tpu.memref_slice %arg5[%multiple_of3A_196, %dma_wait3A_204] : memref<320000x32xf32, #tpu.memory_space<hbm>> -> memref<80x32xf32, #tpu.memory_space<hbm>>
      %dma_wait3A_206 = arith.constant 0 : i32
      %dma_wait3A_207 = arith.constant 0 : i32
      %dma_wait3A_208 = tpu.memref_slice %arg7[%dma_wait3A_197, %dma_wait3A_206, %dma_wait3A_207] : memref<16x80x32xf32, #tpu.memory_space<vmem>> -> memref<1x80x32xf32, #tpu.memory_space<vmem>>
      %dma_wait3A_209 = tpu.memref_squeeze %dma_wait3A_208 : memref<1x80x32xf32, #tpu.memory_space<vmem>> -> memref<80x32xf32, #tpu.memory_space<vmem>>
      tpu.wait_dma2 semaphore(%arg9 : memref<!tpu.dma_semaphore, #tpu.memory_space<semaphore_mem>>) src(%dma_wait3A_209 : memref<80x32xf32, #tpu.memory_space<vmem>>) dst(%dma_wait3A_205 : memref<80x32xf32, #tpu.memory_space<hbm>>)
      %add3A_210 = arith.constant 9920 : i32
      %add3A_211 = arith.addi %mul3A_3, %add3A_210 : i32
      %multiple_of3A_212 = tpu.assume_multiple %add3A_211, 8 : i32
      %dma_wait3A_213 = arith.constant 0 : i32
      %dma_wait3A_214 = arith.constant 0 : i32
      %dma_wait3A_215 = arith.constant 0 : i32
      %dma_wait3A_216 = tpu.memref_slice %arg7[%dma_wait3A_213, %dma_wait3A_214, %dma_wait3A_215] : memref<16x80x32xf32, #tpu.memory_space<vmem>> -> memref<1x80x32xf32, #tpu.memory_space<vmem>>
      %dma_wait3A_217 = tpu.memref_squeeze %dma_wait3A_216 : memref<1x80x32xf32, #tpu.memory_space<vmem>> -> memref<80x32xf32, #tpu.memory_space<vmem>>
      %dma_wait3A_218 = arith.constant 0 : i32
      %dma_wait3A_219 = tpu.memref_slice %arg5[%multiple_of3A_212, %dma_wait3A_218] : memref<320000x32xf32, #tpu.memory_space<hbm>> -> memref<80x32xf32, #tpu.memory_space<hbm>>
      %dma_wait3A_220 = arith.constant 0 : i32
      %dma_wait3A_221 = tpu.memref_slice %arg5[%multiple_of3A_212, %dma_wait3A_220] : memref<320000x32xf32, #tpu.memory_space<hbm>> -> memref<80x32xf32, #tpu.memory_space<hbm>>
      %dma_wait3A_222 = arith.constant 0 : i32
      %dma_wait3A_223 = arith.constant 0 : i32
      %dma_wait3A_224 = tpu.memref_slice %arg7[%dma_wait3A_213, %dma_wait3A_222, %dma_wait3A_223] : memref<16x80x32xf32, #tpu.memory_space<vmem>> -> memref<1x80x32xf32, #tpu.memory_space<vmem>>
      %dma_wait3A_225 = tpu.memref_squeeze %dma_wait3A_224 : memref<1x80x32xf32, #tpu.memory_space<vmem>> -> memref<80x32xf32, #tpu.memory_space<vmem>>
      tpu.wait_dma2 semaphore(%arg9 : memref<!tpu.dma_semaphore, #tpu.memory_space<semaphore_mem>>) src(%dma_wait3A_225 : memref<80x32xf32, #tpu.memory_space<vmem>>) dst(%dma_wait3A_221 : memref<80x32xf32, #tpu.memory_space<hbm>>)
      %add3A_226 = arith.constant 9920 : i32
      %add3A_227 = arith.addi %mul3A_3, %add3A_226 : i32
      %multiple_of3A_228 = tpu.assume_multiple %add3A_227, 8 : i32
      %dma_wait3A_229 = arith.constant 0 : i32
      %dma_wait3A_230 = arith.constant 0 : i32
      %dma_wait3A_231 = arith.constant 0 : i32
      %dma_wait3A_232 = tpu.memref_slice %arg7[%dma_wait3A_229, %dma_wait3A_230, %dma_wait3A_231] : memref<16x80x32xf32, #tpu.memory_space<vmem>> -> memref<1x80x32xf32, #tpu.memory_space<vmem>>
      %dma_wait3A_233 = tpu.memref_squeeze %dma_wait3A_232 : memref<1x80x32xf32, #tpu.memory_space<vmem>> -> memref<80x32xf32, #tpu.memory_space<vmem>>
      %dma_wait3A_234 = arith.constant 0 : i32
      %dma_wait3A_235 = tpu.memref_slice %arg5[%multiple_of3A_228, %dma_wait3A_234] : memref<320000x32xf32, #tpu.memory_space<hbm>> -> memref<80x32xf32, #tpu.memory_space<hbm>>
      %dma_wait3A_236 = arith.constant 0 : i32
      %dma_wait3A_237 = tpu.memref_slice %arg5[%multiple_of3A_228, %dma_wait3A_236] : memref<320000x32xf32, #tpu.memory_space<hbm>> -> memref<80x32xf32, #tpu.memory_space<hbm>>
      %dma_wait3A_238 = arith.constant 0 : i32
      %dma_wait3A_239 = arith.constant 0 : i32
      %dma_wait3A_240 = tpu.memref_slice %arg7[%dma_wait3A_229, %dma_wait3A_238, %dma_wait3A_239] : memref<16x80x32xf32, #tpu.memory_space<vmem>> -> memref<1x80x32xf32, #tpu.memory_space<vmem>>
      %dma_wait3A_241 = tpu.memref_squeeze %dma_wait3A_240 : memref<1x80x32xf32, #tpu.memory_space<vmem>> -> memref<80x32xf32, #tpu.memory_space<vmem>>
      tpu.wait_dma2 semaphore(%arg9 : memref<!tpu.dma_semaphore, #tpu.memory_space<semaphore_mem>>) src(%dma_wait3A_241 : memref<80x32xf32, #tpu.memory_space<vmem>>) dst(%dma_wait3A_237 : memref<80x32xf32, #tpu.memory_space<hbm>>)
      %add3A_242 = arith.constant 9920 : i32
      %add3A_243 = arith.addi %mul3A_3, %add3A_242 : i32
      %multiple_of3A_244 = tpu.assume_multiple %add3A_243, 8 : i32
      %dma_wait3A_245 = arith.constant 0 : i32
      %dma_wait3A_246 = arith.constant 0 : i32
      %dma_wait3A_247 = arith.constant 0 : i32
      %dma_wait3A_248 = tpu.memref_slice %arg7[%dma_wait3A_245, %dma_wait3A_246, %dma_wait3A_247] : memref<16x80x32xf32, #tpu.memory_space<vmem>> -> memref<1x80x32xf32, #tpu.memory_space<vmem>>
      %dma_wait3A_249 = tpu.memref_squeeze %dma_wait3A_248 : memref<1x80x32xf32, #tpu.memory_space<vmem>> -> memref<80x32xf32, #tpu.memory_space<vmem>>
      %dma_wait3A_250 = arith.constant 0 : i32
      %dma_wait3A_251 = tpu.memref_slice %arg5[%multiple_of3A_244, %dma_wait3A_250] : memref<320000x32xf32, #tpu.memory_space<hbm>> -> memref<80x32xf32, #tpu.memory_space<hbm>>
      %dma_wait3A_252 = arith.constant 0 : i32
      %dma_wait3A_253 = tpu.memref_slice %arg5[%multiple_of3A_244, %dma_wait3A_252] : memref<320000x32xf32, #tpu.memory_space<hbm>> -> memref<80x32xf32, #tpu.memory_space<hbm>>
      %dma_wait3A_254 = arith.constant 0 : i32
      %dma_wait3A_255 = arith.constant 0 : i32
      %dma_wait3A_256 = tpu.memref_slice %arg7[%dma_wait3A_245, %dma_wait3A_254, %dma_wait3A_255] : memref<16x80x32xf32, #tpu.memory_space<vmem>> -> memref<1x80x32xf32, #tpu.memory_space<vmem>>
      %dma_wait3A_257 = tpu.memref_squeeze %dma_wait3A_256 : memref<1x80x32xf32, #tpu.memory_space<vmem>> -> memref<80x32xf32, #tpu.memory_space<vmem>>
      tpu.wait_dma2 semaphore(%arg9 : memref<!tpu.dma_semaphore, #tpu.memory_space<semaphore_mem>>) src(%dma_wait3A_257 : memref<80x32xf32, #tpu.memory_space<vmem>>) dst(%dma_wait3A_253 : memref<80x32xf32, #tpu.memory_space<hbm>>)
      %add3A_258 = arith.constant 9920 : i32
      %add3A_259 = arith.addi %mul3A_3, %add3A_258 : i32
      %multiple_of3A_260 = tpu.assume_multiple %add3A_259, 8 : i32
      %dma_wait3A_261 = arith.constant 0 : i32
      %dma_wait3A_262 = arith.constant 0 : i32
      %dma_wait3A_263 = arith.constant 0 : i32
      %dma_wait3A_264 = tpu.memref_slice %arg7[%dma_wait3A_261, %dma_wait3A_262, %dma_wait3A_263] : memref<16x80x32xf32, #tpu.memory_space<vmem>> -> memref<1x80x32xf32, #tpu.memory_space<vmem>>
      %dma_wait3A_265 = tpu.memref_squeeze %dma_wait3A_264 : memref<1x80x32xf32, #tpu.memory_space<vmem>> -> memref<80x32xf32, #tpu.memory_space<vmem>>
      %dma_wait3A_266 = arith.constant 0 : i32
      %dma_wait3A_267 = tpu.memref_slice %arg5[%multiple_of3A_260, %dma_wait3A_266] : memref<320000x32xf32, #tpu.memory_space<hbm>> -> memref<80x32xf32, #tpu.memory_space<hbm>>
      %dma_wait3A_268 = arith.constant 0 : i32
      %dma_wait3A_269 = tpu.memref_slice %arg5[%multiple_of3A_260, %dma_wait3A_268] : memref<320000x32xf32, #tpu.memory_space<hbm>> -> memref<80x32xf32, #tpu.memory_space<hbm>>
      %dma_wait3A_270 = arith.constant 0 : i32
      %dma_wait3A_271 = arith.constant 0 : i32
      %dma_wait3A_272 = tpu.memref_slice %arg7[%dma_wait3A_261, %dma_wait3A_270, %dma_wait3A_271] : memref<16x80x32xf32, #tpu.memory_space<vmem>> -> memref<1x80x32xf32, #tpu.memory_space<vmem>>
      %dma_wait3A_273 = tpu.memref_squeeze %dma_wait3A_272 : memref<1x80x32xf32, #tpu.memory_space<vmem>> -> memref<80x32xf32, #tpu.memory_space<vmem>>
      tpu.wait_dma2 semaphore(%arg9 : memref<!tpu.dma_semaphore, #tpu.memory_space<semaphore_mem>>) src(%dma_wait3A_273 : memref<80x32xf32, #tpu.memory_space<vmem>>) dst(%dma_wait3A_269 : memref<80x32xf32, #tpu.memory_space<hbm>>)
      %add3A_274 = arith.constant 9920 : i32
      %add3A_275 = arith.addi %mul3A_3, %add3A_274 : i32
      %multiple_of3A_276 = tpu.assume_multiple %add3A_275, 8 : i32
      %dma_wait3A_277 = arith.constant 0 : i32
      %dma_wait3A_278 = arith.constant 0 : i32
      %dma_wait3A_279 = arith.constant 0 : i32
      %dma_wait3A_280 = tpu.memref_slice %arg7[%dma_wait3A_277, %dma_wait3A_278, %dma_wait3A_279] : memref<16x80x32xf32, #tpu.memory_space<vmem>> -> memref<1x80x32xf32, #tpu.memory_space<vmem>>
      %dma_wait3A_281 = tpu.memref_squeeze %dma_wait3A_280 : memref<1x80x32xf32, #tpu.memory_space<vmem>> -> memref<80x32xf32, #tpu.memory_space<vmem>>
      %dma_wait3A_282 = arith.constant 0 : i32
      %dma_wait3A_283 = tpu.memref_slice %arg5[%multiple_of3A_276, %dma_wait3A_282] : memref<320000x32xf32, #tpu.memory_space<hbm>> -> memref<80x32xf32, #tpu.memory_space<hbm>>
      %dma_wait3A_284 = arith.constant 0 : i32
      %dma_wait3A_285 = tpu.memref_slice %arg5[%multiple_of3A_276, %dma_wait3A_284] : memref<320000x32xf32, #tpu.memory_space<hbm>> -> memref<80x32xf32, #tpu.memory_space<hbm>>
      %dma_wait3A_286 = arith.constant 0 : i32
      %dma_wait3A_287 = arith.constant 0 : i32
      %dma_wait3A_288 = tpu.memref_slice %arg7[%dma_wait3A_277, %dma_wait3A_286, %dma_wait3A_287] : memref<16x80x32xf32, #tpu.memory_space<vmem>> -> memref<1x80x32xf32, #tpu.memory_space<vmem>>
      %dma_wait3A_289 = tpu.memref_squeeze %dma_wait3A_288 : memref<1x80x32xf32, #tpu.memory_space<vmem>> -> memref<80x32xf32, #tpu.memory_space<vmem>>
      tpu.wait_dma2 semaphore(%arg9 : memref<!tpu.dma_semaphore, #tpu.memory_space<semaphore_mem>>) src(%dma_wait3A_289 : memref<80x32xf32, #tpu.memory_space<vmem>>) dst(%dma_wait3A_285 : memref<80x32xf32, #tpu.memory_space<hbm>>)
      %add3A_290 = arith.constant 9920 : i32
      %add3A_291 = arith.addi %mul3A_3, %add3A_290 : i32
      %multiple_of3A_292 = tpu.assume_multiple %add3A_291, 8 : i32
      %dma_wait3A_293 = arith.constant 0 : i32
      %dma_wait3A_294 = arith.constant 0 : i32
      %dma_wait3A_295 = arith.constant 0 : i32
      %dma_wait3A_296 = tpu.memref_slice %arg7[%dma_wait3A_293, %dma_wait3A_294, %dma_wait3A_295] : memref<16x80x32xf32, #tpu.memory_space<vmem>> -> memref<1x80x32xf32, #tpu.memory_space<vmem>>
      %dma_wait3A_297 = tpu.memref_squeeze %dma_wait3A_296 : memref<1x80x32xf32, #tpu.memory_space<vmem>> -> memref<80x32xf32, #tpu.memory_space<vmem>>
      %dma_wait3A_298 = arith.constant 0 : i32
      %dma_wait3A_299 = tpu.memref_slice %arg5[%multiple_of3A_292, %dma_wait3A_298] : memref<320000x32xf32, #tpu.memory_space<hbm>> -> memref<80x32xf32, #tpu.memory_space<hbm>>
      %dma_wait3A_300 = arith.constant 0 : i32
      %dma_wait3A_301 = tpu.memref_slice %arg5[%multiple_of3A_292, %dma_wait3A_300] : memref<320000x32xf32, #tpu.memory_space<hbm>> -> memref<80x32xf32, #tpu.memory_space<hbm>>
      %dma_wait3A_302 = arith.constant 0 : i32
      %dma_wait3A_303 = arith.constant 0 : i32
      %dma_wait3A_304 = tpu.memref_slice %arg7[%dma_wait3A_293, %dma_wait3A_302, %dma_wait3A_303] : memref<16x80x32xf32, #tpu.memory_space<vmem>> -> memref<1x80x32xf32, #tpu.memory_space<vmem>>
      %dma_wait3A_305 = tpu.memref_squeeze %dma_wait3A_304 : memref<1x80x32xf32, #tpu.memory_space<vmem>> -> memref<80x32xf32, #tpu.memory_space<vmem>>
      tpu.wait_dma2 semaphore(%arg9 : memref<!tpu.dma_semaphore, #tpu.memory_space<semaphore_mem>>) src(%dma_wait3A_305 : memref<80x32xf32, #tpu.memory_space<vmem>>) dst(%dma_wait3A_301 : memref<80x32xf32, #tpu.memory_space<hbm>>)
      %add3A_306 = arith.constant 9920 : i32
      %add3A_307 = arith.addi %mul3A_3, %add3A_306 : i32
      %multiple_of3A_308 = tpu.assume_multiple %add3A_307, 8 : i32
      %dma_wait3A_309 = arith.constant 0 : i32
      %dma_wait3A_310 = arith.constant 0 : i32
      %dma_wait3A_311 = arith.constant 0 : i32
      %dma_wait3A_312 = tpu.memref_slice %arg7[%dma_wait3A_309, %dma_wait3A_310, %dma_wait3A_311] : memref<16x80x32xf32, #tpu.memory_space<vmem>> -> memref<1x80x32xf32, #tpu.memory_space<vmem>>
      %dma_wait3A_313 = tpu.memref_squeeze %dma_wait3A_312 : memref<1x80x32xf32, #tpu.memory_space<vmem>> -> memref<80x32xf32, #tpu.memory_space<vmem>>
      %dma_wait3A_314 = arith.constant 0 : i32
      %dma_wait3A_315 = tpu.memref_slice %arg5[%multiple_of3A_308, %dma_wait3A_314] : memref<320000x32xf32, #tpu.memory_space<hbm>> -> memref<80x32xf32, #tpu.memory_space<hbm>>
      %dma_wait3A_316 = arith.constant 0 : i32
      %dma_wait3A_317 = tpu.memref_slice %arg5[%multiple_of3A_308, %dma_wait3A_316] : memref<320000x32xf32, #tpu.memory_space<hbm>> -> memref<80x32xf32, #tpu.memory_space<hbm>>
      %dma_wait3A_318 = arith.constant 0 : i32
      %dma_wait3A_319 = arith.constant 0 : i32
      %dma_wait3A_320 = tpu.memref_slice %arg7[%dma_wait3A_309, %dma_wait3A_318, %dma_wait3A_319] : memref<16x80x32xf32, #tpu.memory_space<vmem>> -> memref<1x80x32xf32, #tpu.memory_space<vmem>>
      %dma_wait3A_321 = tpu.memref_squeeze %dma_wait3A_320 : memref<1x80x32xf32, #tpu.memory_space<vmem>> -> memref<80x32xf32, #tpu.memory_space<vmem>>
      tpu.wait_dma2 semaphore(%arg9 : memref<!tpu.dma_semaphore, #tpu.memory_space<semaphore_mem>>) src(%dma_wait3A_321 : memref<80x32xf32, #tpu.memory_space<vmem>>) dst(%dma_wait3A_317 : memref<80x32xf32, #tpu.memory_space<hbm>>)
      %add3A_322 = arith.constant 9920 : i32
      %add3A_323 = arith.addi %mul3A_3, %add3A_322 : i32
      %multiple_of3A_324 = tpu.assume_multiple %add3A_323, 8 : i32
      %dma_wait3A_325 = arith.constant 0 : i32
      %dma_wait3A_326 = arith.constant 0 : i32
      %dma_wait3A_327 = arith.constant 0 : i32
      %dma_wait3A_328 = tpu.memref_slice %arg7[%dma_wait3A_325, %dma_wait3A_326, %dma_wait3A_327] : memref<16x80x32xf32, #tpu.memory_space<vmem>> -> memref<1x80x32xf32, #tpu.memory_space<vmem>>
      %dma_wait3A_329 = tpu.memref_squeeze %dma_wait3A_328 : memref<1x80x32xf32, #tpu.memory_space<vmem>> -> memref<80x32xf32, #tpu.memory_space<vmem>>
      %dma_wait3A_330 = arith.constant 0 : i32
      %dma_wait3A_331 = tpu.memref_slice %arg5[%multiple_of3A_324, %dma_wait3A_330] : memref<320000x32xf32, #tpu.memory_space<hbm>> -> memref<80x32xf32, #tpu.memory_space<hbm>>
      %dma_wait3A_332 = arith.constant 0 : i32
      %dma_wait3A_333 = tpu.memref_slice %arg5[%multiple_of3A_324, %dma_wait3A_332] : memref<320000x32xf32, #tpu.memory_space<hbm>> -> memref<80x32xf32, #tpu.memory_space<hbm>>
      %dma_wait3A_334 = arith.constant 0 : i32
      %dma_wait3A_335 = arith.constant 0 : i32
      %dma_wait3A_336 = tpu.memref_slice %arg7[%dma_wait3A_325, %dma_wait3A_334, %dma_wait3A_335] : memref<16x80x32xf32, #tpu.memory_space<vmem>> -> memref<1x80x32xf32, #tpu.memory_space<vmem>>
      %dma_wait3A_337 = tpu.memref_squeeze %dma_wait3A_336 : memref<1x80x32xf32, #tpu.memory_space<vmem>> -> memref<80x32xf32, #tpu.memory_space<vmem>>
      tpu.wait_dma2 semaphore(%arg9 : memref<!tpu.dma_semaphore, #tpu.memory_space<semaphore_mem>>) src(%dma_wait3A_337 : memref<80x32xf32, #tpu.memory_space<vmem>>) dst(%dma_wait3A_333 : memref<80x32xf32, #tpu.memory_space<hbm>>)
      %add3A_338 = arith.constant 9920 : i32
      %add3A_339 = arith.addi %mul3A_3, %add3A_338 : i32
      %multiple_of3A_340 = tpu.assume_multiple %add3A_339, 8 : i32
      %dma_wait3A_341 = arith.constant 0 : i32
      %dma_wait3A_342 = arith.constant 0 : i32
      %dma_wait3A_343 = arith.constant 0 : i32
      %dma_wait3A_344 = tpu.memref_slice %arg7[%dma_wait3A_341, %dma_wait3A_342, %dma_wait3A_343] : memref<16x80x32xf32, #tpu.memory_space<vmem>> -> memref<1x80x32xf32, #tpu.memory_space<vmem>>
      %dma_wait3A_345 = tpu.memref_squeeze %dma_wait3A_344 : memref<1x80x32xf32, #tpu.memory_space<vmem>> -> memref<80x32xf32, #tpu.memory_space<vmem>>
      %dma_wait3A_346 = arith.constant 0 : i32
      %dma_wait3A_347 = tpu.memref_slice %arg5[%multiple_of3A_340, %dma_wait3A_346] : memref<320000x32xf32, #tpu.memory_space<hbm>> -> memref<80x32xf32, #tpu.memory_space<hbm>>
      %dma_wait3A_348 = arith.constant 0 : i32
      %dma_wait3A_349 = tpu.memref_slice %arg5[%multiple_of3A_340, %dma_wait3A_348] : memref<320000x32xf32, #tpu.memory_space<hbm>> -> memref<80x32xf32, #tpu.memory_space<hbm>>
      %dma_wait3A_350 = arith.constant 0 : i32
      %dma_wait3A_351 = arith.constant 0 : i32
      %dma_wait3A_352 = tpu.memref_slice %arg7[%dma_wait3A_341, %dma_wait3A_350, %dma_wait3A_351] : memref<16x80x32xf32, #tpu.memory_space<vmem>> -> memref<1x80x32xf32, #tpu.memory_space<vmem>>
      %dma_wait3A_353 = tpu.memref_squeeze %dma_wait3A_352 : memref<1x80x32xf32, #tpu.memory_space<vmem>> -> memref<80x32xf32, #tpu.memory_space<vmem>>
      tpu.wait_dma2 semaphore(%arg9 : memref<!tpu.dma_semaphore, #tpu.memory_space<semaphore_mem>>) src(%dma_wait3A_353 : memref<80x32xf32, #tpu.memory_space<vmem>>) dst(%dma_wait3A_349 : memref<80x32xf32, #tpu.memory_space<hbm>>)
      %add3A_354 = arith.constant 9920 : i32
      %add3A_355 = arith.addi %mul3A_3, %add3A_354 : i32
      %multiple_of3A_356 = tpu.assume_multiple %add3A_355, 8 : i32
      %dma_wait3A_357 = arith.constant 0 : i32
      %dma_wait3A_358 = arith.constant 0 : i32
      %dma_wait3A_359 = arith.constant 0 : i32
      %dma_wait3A_360 = tpu.memref_slice %arg7[%dma_wait3A_357, %dma_wait3A_358, %dma_wait3A_359] : memref<16x80x32xf32, #tpu.memory_space<vmem>> -> memref<1x80x32xf32, #tpu.memory_space<vmem>>
      %dma_wait3A_361 = tpu.memref_squeeze %dma_wait3A_360 : memref<1x80x32xf32, #tpu.memory_space<vmem>> -> memref<80x32xf32, #tpu.memory_space<vmem>>
      %dma_wait3A_362 = arith.constant 0 : i32
      %dma_wait3A_363 = tpu.memref_slice %arg5[%multiple_of3A_356, %dma_wait3A_362] : memref<320000x32xf32, #tpu.memory_space<hbm>> -> memref<80x32xf32, #tpu.memory_space<hbm>>
      %dma_wait3A_364 = arith.constant 0 : i32
      %dma_wait3A_365 = tpu.memref_slice %arg5[%multiple_of3A_356, %dma_wait3A_364] : memref<320000x32xf32, #tpu.memory_space<hbm>> -> memref<80x32xf32, #tpu.memory_space<hbm>>
      %dma_wait3A_366 = arith.constant 0 : i32
      %dma_wait3A_367 = arith.constant 0 : i32
      %dma_wait3A_368 = tpu.memref_slice %arg7[%dma_wait3A_357, %dma_wait3A_366, %dma_wait3A_367] : memref<16x80x32xf32, #tpu.memory_space<vmem>> -> memref<1x80x32xf32, #tpu.memory_space<vmem>>
      %dma_wait3A_369 = tpu.memref_squeeze %dma_wait3A_368 : memref<1x80x32xf32, #tpu.memory_space<vmem>> -> memref<80x32xf32, #tpu.memory_space<vmem>>
      tpu.wait_dma2 semaphore(%arg9 : memref<!tpu.dma_semaphore, #tpu.memory_space<semaphore_mem>>) src(%dma_wait3A_369 : memref<80x32xf32, #tpu.memory_space<vmem>>) dst(%dma_wait3A_365 : memref<80x32xf32, #tpu.memory_space<hbm>>)
      %add3A_370 = arith.constant 9920 : i32
      %add3A_371 = arith.addi %mul3A_3, %add3A_370 : i32
      %multiple_of3A_372 = tpu.assume_multiple %add3A_371, 8 : i32
      %dma_wait3A_373 = arith.constant 0 : i32
      %dma_wait3A_374 = arith.constant 0 : i32
      %dma_wait3A_375 = arith.constant 0 : i32
      %dma_wait3A_376 = tpu.memref_slice %arg7[%dma_wait3A_373, %dma_wait3A_374, %dma_wait3A_375] : memref<16x80x32xf32, #tpu.memory_space<vmem>> -> memref<1x80x32xf32, #tpu.memory_space<vmem>>
      %dma_wait3A_377 = tpu.memref_squeeze %dma_wait3A_376 : memref<1x80x32xf32, #tpu.memory_space<vmem>> -> memref<80x32xf32, #tpu.memory_space<vmem>>
      %dma_wait3A_378 = arith.constant 0 : i32
      %dma_wait3A_379 = tpu.memref_slice %arg5[%multiple_of3A_372, %dma_wait3A_378] : memref<320000x32xf32, #tpu.memory_space<hbm>> -> memref<80x32xf32, #tpu.memory_space<hbm>>
      %dma_wait3A_380 = arith.constant 0 : i32
      %dma_wait3A_381 = tpu.memref_slice %arg5[%multiple_of3A_372, %dma_wait3A_380] : memref<320000x32xf32, #tpu.memory_space<hbm>> -> memref<80x32xf32, #tpu.memory_space<hbm>>
      %dma_wait3A_382 = arith.constant 0 : i32
      %dma_wait3A_383 = arith.constant 0 : i32
      %dma_wait3A_384 = tpu.memref_slice %arg7[%dma_wait3A_373, %dma_wait3A_382, %dma_wait3A_383] : memref<16x80x32xf32, #tpu.memory_space<vmem>> -> memref<1x80x32xf32, #tpu.memory_space<vmem>>
      %dma_wait3A_385 = tpu.memref_squeeze %dma_wait3A_384 : memref<1x80x32xf32, #tpu.memory_space<vmem>> -> memref<80x32xf32, #tpu.memory_space<vmem>>
      tpu.wait_dma2 semaphore(%arg9 : memref<!tpu.dma_semaphore, #tpu.memory_space<semaphore_mem>>) src(%dma_wait3A_385 : memref<80x32xf32, #tpu.memory_space<vmem>>) dst(%dma_wait3A_381 : memref<80x32xf32, #tpu.memory_space<hbm>>)
      %add3A_386 = arith.constant 9920 : i32
      %add3A_387 = arith.addi %mul3A_3, %add3A_386 : i32
      %multiple_of3A_388 = tpu.assume_multiple %add3A_387, 8 : i32
      %dma_wait3A_389 = arith.constant 0 : i32
      %dma_wait3A_390 = arith.constant 0 : i32
      %dma_wait3A_391 = arith.constant 0 : i32
      %dma_wait3A_392 = tpu.memref_slice %arg7[%dma_wait3A_389, %dma_wait3A_390, %dma_wait3A_391] : memref<16x80x32xf32, #tpu.memory_space<vmem>> -> memref<1x80x32xf32, #tpu.memory_space<vmem>>
      %dma_wait3A_393 = tpu.memref_squeeze %dma_wait3A_392 : memref<1x80x32xf32, #tpu.memory_space<vmem>> -> memref<80x32xf32, #tpu.memory_space<vmem>>
      %dma_wait3A_394 = arith.constant 0 : i32
      %dma_wait3A_395 = tpu.memref_slice %arg5[%multiple_of3A_388, %dma_wait3A_394] : memref<320000x32xf32, #tpu.memory_space<hbm>> -> memref<80x32xf32, #tpu.memory_space<hbm>>
      %dma_wait3A_396 = arith.constant 0 : i32
      %dma_wait3A_397 = tpu.memref_slice %arg5[%multiple_of3A_388, %dma_wait3A_396] : memref<320000x32xf32, #tpu.memory_space<hbm>> -> memref<80x32xf32, #tpu.memory_space<hbm>>
      %dma_wait3A_398 = arith.constant 0 : i32
      %dma_wait3A_399 = arith.constant 0 : i32
      %dma_wait3A_400 = tpu.memref_slice %arg7[%dma_wait3A_389, %dma_wait3A_398, %dma_wait3A_399] : memref<16x80x32xf32, #tpu.memory_space<vmem>> -> memref<1x80x32xf32, #tpu.memory_space<vmem>>
      %dma_wait3A_401 = tpu.memref_squeeze %dma_wait3A_400 : memref<1x80x32xf32, #tpu.memory_space<vmem>> -> memref<80x32xf32, #tpu.memory_space<vmem>>
      tpu.wait_dma2 semaphore(%arg9 : memref<!tpu.dma_semaphore, #tpu.memory_space<semaphore_mem>>) src(%dma_wait3A_401 : memref<80x32xf32, #tpu.memory_space<vmem>>) dst(%dma_wait3A_397 : memref<80x32xf32, #tpu.memory_space<hbm>>)
      %add3A_402 = arith.constant 9920 : i32
      %add3A_403 = arith.addi %mul3A_3, %add3A_402 : i32
      %multiple_of3A_404 = tpu.assume_multiple %add3A_403, 8 : i32
      %dma_wait3A_405 = arith.constant 0 : i32
      %dma_wait3A_406 = arith.constant 0 : i32
      %dma_wait3A_407 = arith.constant 0 : i32
      %dma_wait3A_408 = tpu.memref_slice %arg7[%dma_wait3A_405, %dma_wait3A_406, %dma_wait3A_407] : memref<16x80x32xf32, #tpu.memory_space<vmem>> -> memref<1x80x32xf32, #tpu.memory_space<vmem>>
      %dma_wait3A_409 = tpu.memref_squeeze %dma_wait3A_408 : memref<1x80x32xf32, #tpu.memory_space<vmem>> -> memref<80x32xf32, #tpu.memory_space<vmem>>
      %dma_wait3A_410 = arith.constant 0 : i32
      %dma_wait3A_411 = tpu.memref_slice %arg5[%multiple_of3A_404, %dma_wait3A_410] : memref<320000x32xf32, #tpu.memory_space<hbm>> -> memref<80x32xf32, #tpu.memory_space<hbm>>
      %dma_wait3A_412 = arith.constant 0 : i32
      %dma_wait3A_413 = tpu.memref_slice %arg5[%multiple_of3A_404, %dma_wait3A_412] : memref<320000x32xf32, #tpu.memory_space<hbm>> -> memref<80x32xf32, #tpu.memory_space<hbm>>
      %dma_wait3A_414 = arith.constant 0 : i32
      %dma_wait3A_415 = arith.constant 0 : i32
      %dma_wait3A_416 = tpu.memref_slice %arg7[%dma_wait3A_405, %dma_wait3A_414, %dma_wait3A_415] : memref<16x80x32xf32, #tpu.memory_space<vmem>> -> memref<1x80x32xf32, #tpu.memory_space<vmem>>
      %dma_wait3A_417 = tpu.memref_squeeze %dma_wait3A_416 : memref<1x80x32xf32, #tpu.memory_space<vmem>> -> memref<80x32xf32, #tpu.memory_space<vmem>>
      tpu.wait_dma2 semaphore(%arg9 : memref<!tpu.dma_semaphore, #tpu.memory_space<semaphore_mem>>) src(%dma_wait3A_417 : memref<80x32xf32, #tpu.memory_space<vmem>>) dst(%dma_wait3A_413 : memref<80x32xf32, #tpu.memory_space<hbm>>)
      %add3A_418 = arith.constant 9920 : i32
      %add3A_419 = arith.addi %mul3A_3, %add3A_418 : i32
      %multiple_of3A_420 = tpu.assume_multiple %add3A_419, 8 : i32
      %dma_wait3A_421 = arith.constant 0 : i32
      %dma_wait3A_422 = arith.constant 0 : i32
      %dma_wait3A_423 = arith.constant 0 : i32
      %dma_wait3A_424 = tpu.memref_slice %arg7[%dma_wait3A_421, %dma_wait3A_422, %dma_wait3A_423] : memref<16x80x32xf32, #tpu.memory_space<vmem>> -> memref<1x80x32xf32, #tpu.memory_space<vmem>>
      %dma_wait3A_425 = tpu.memref_squeeze %dma_wait3A_424 : memref<1x80x32xf32, #tpu.memory_space<vmem>> -> memref<80x32xf32, #tpu.memory_space<vmem>>
      %dma_wait3A_426 = arith.constant 0 : i32
      %dma_wait3A_427 = tpu.memref_slice %arg5[%multiple_of3A_420, %dma_wait3A_426] : memref<320000x32xf32, #tpu.memory_space<hbm>> -> memref<80x32xf32, #tpu.memory_space<hbm>>
      %dma_wait3A_428 = arith.constant 0 : i32
      %dma_wait3A_429 = tpu.memref_slice %arg5[%multiple_of3A_420, %dma_wait3A_428] : memref<320000x32xf32, #tpu.memory_space<hbm>> -> memref<80x32xf32, #tpu.memory_space<hbm>>
      %dma_wait3A_430 = arith.constant 0 : i32
      %dma_wait3A_431 = arith.constant 0 : i32
      %dma_wait3A_432 = tpu.memref_slice %arg7[%dma_wait3A_421, %dma_wait3A_430, %dma_wait3A_431] : memref<16x80x32xf32, #tpu.memory_space<vmem>> -> memref<1x80x32xf32, #tpu.memory_space<vmem>>
      %dma_wait3A_433 = tpu.memref_squeeze %dma_wait3A_432 : memref<1x80x32xf32, #tpu.memory_space<vmem>> -> memref<80x32xf32, #tpu.memory_space<vmem>>
      tpu.wait_dma2 semaphore(%arg9 : memref<!tpu.dma_semaphore, #tpu.memory_space<semaphore_mem>>) src(%dma_wait3A_433 : memref<80x32xf32, #tpu.memory_space<vmem>>) dst(%dma_wait3A_429 : memref<80x32xf32, #tpu.memory_space<hbm>>)
    } else {
    }
    %ge3A = arith.constant 16 : i32
    %ge3A_6 = arith.cmpi sge, %add3A, %ge3A : i32
    %convert_element_type3A_7 = arith.extui %ge3A_6 : i1 to i32
    %cond3A_8 = arith.constant 0 : i32
    %cond3A_9 = arith.cmpi ne, %convert_element_type3A_7, %cond3A_8 : i32
    scf.if %cond3A_9 {
      %add3A_10 = arith.constant 160000 : i32
      %add3A_11 = arith.addi %add3A_10, %mul3A_3 : i32
      %run_scoped3A = arith.constant 1 : i32
      "tpu.region"() ({
        %run_scoped3A_436 = tpu.sem_alloc : memref<!tpu.dma_semaphore, #tpu.memory_space<semaphore_mem>>
        %dma_start3A_437 = tpu.memref_slice %arg4[%run_scoped3A, %mul3A_3] : memref<2x160000xi32, #tpu.memory_space<hbm>> -> memref<1x10000xi32, #tpu.memory_space<hbm>>
        %dma_start3A_438 = tpu.memref_squeeze %dma_start3A_437 : memref<1x10000xi32, #tpu.memory_space<hbm>> -> memref<10000xi32, #tpu.memory_space<hbm>>
        %dma_start3A_439 = tpu.memref_slice %arg4[%run_scoped3A, %mul3A_3] : memref<2x160000xi32, #tpu.memory_space<hbm>> -> memref<1x10000xi32, #tpu.memory_space<hbm>>
        %dma_start3A_440 = tpu.memref_squeeze %dma_start3A_439 : memref<1x10000xi32, #tpu.memory_space<hbm>> -> memref<10000xi32, #tpu.memory_space<hbm>>
        tpu.enqueue_dma source(%dma_start3A_440 : memref<10000xi32, #tpu.memory_space<hbm>>) target(%arg6 : memref<10000xi32, #tpu.memory_space<vmem>>) target_semaphore(%run_scoped3A_436 : memref<!tpu.dma_semaphore, #tpu.memory_space<semaphore_mem>>)
        %dma_wait3A_441 = tpu.memref_slice %arg4[%run_scoped3A, %mul3A_3] : memref<2x160000xi32, #tpu.memory_space<hbm>> -> memref<1x10000xi32, #tpu.memory_space<hbm>>
        %dma_wait3A_442 = tpu.memref_squeeze %dma_wait3A_441 : memref<1x10000xi32, #tpu.memory_space<hbm>> -> memref<10000xi32, #tpu.memory_space<hbm>>
        %dma_wait3A_443 = tpu.memref_slice %arg4[%run_scoped3A, %mul3A_3] : memref<2x160000xi32, #tpu.memory_space<hbm>> -> memref<1x10000xi32, #tpu.memory_space<hbm>>
        %dma_wait3A_444 = tpu.memref_squeeze %dma_wait3A_443 : memref<1x10000xi32, #tpu.memory_space<hbm>> -> memref<10000xi32, #tpu.memory_space<hbm>>
        tpu.wait_dma2 semaphore(%run_scoped3A_436 : memref<!tpu.dma_semaphore, #tpu.memory_space<semaphore_mem>>) src(%dma_wait3A_444 : memref<10000xi32, #tpu.memory_space<hbm>>) dst(%arg6 : memref<10000xi32, #tpu.memory_space<vmem>>)
        tpu.yield
      }) : () -> ()
      %multiple_of3A = arith.constant 0 : i32
      %multiple_of3A_12 = tpu.assume_multiple %multiple_of3A, 8 : i32
      %dma_start3A = arith.constant 0 : i32
      %dma_start3A_13 = arith.constant 0 : i32
      %dma_start3A_14 = arith.constant 0 : i32
      %dma_start3A_15 = tpu.memref_slice %arg7[%dma_start3A, %dma_start3A_13, %dma_start3A_14] : memref<16x80x32xf32, #tpu.memory_space<vmem>> -> memref<1x80x32xf32, #tpu.memory_space<vmem>>
      %dma_start3A_16 = tpu.memref_squeeze %dma_start3A_15 : memref<1x80x32xf32, #tpu.memory_space<vmem>> -> memref<80x32xf32, #tpu.memory_space<vmem>>
      %dma_start3A_17 = tpu.memref_slice %arg6[%multiple_of3A_12] : memref<10000xi32, #tpu.memory_space<vmem>> -> memref<80xi32, #tpu.memory_space<vmem>>
      %dma_start3A_18 = arith.constant 0 : i32
      %dma_start3A_19 = arith.constant 0 : i32
      %dma_start3A_20 = tpu.memref_slice %arg3[%dma_start3A_18, %dma_start3A_19] : memref<10000x32xf32, #tpu.memory_space<hbm>> -> memref<10000x32xf32, #tpu.memory_space<hbm>>
      tpu.enqueue_indirect_dma source(%dma_start3A_20 : memref<10000x32xf32, #tpu.memory_space<hbm>>) target(%dma_start3A_16 : memref<80x32xf32, #tpu.memory_space<vmem>>) offsets(%dma_start3A_17 : memref<80xi32, #tpu.memory_space<vmem>>) semaphore(%arg8 : memref<!tpu.dma_semaphore, #tpu.memory_space<semaphore_mem>>)
      %multiple_of3A_21 = arith.constant 80 : i32
      %multiple_of3A_22 = tpu.assume_multiple %multiple_of3A_21, 8 : i32
      %dma_start3A_23 = arith.constant 1 : i32
      %dma_start3A_24 = arith.constant 0 : i32
      %dma_start3A_25 = arith.constant 0 : i32
      %dma_start3A_26 = tpu.memref_slice %arg7[%dma_start3A_23, %dma_start3A_24, %dma_start3A_25] : memref<16x80x32xf32, #tpu.memory_space<vmem>> -> memref<1x80x32xf32, #tpu.memory_space<vmem>>
      %dma_start3A_27 = tpu.memref_squeeze %dma_start3A_26 : memref<1x80x32xf32, #tpu.memory_space<vmem>> -> memref<80x32xf32, #tpu.memory_space<vmem>>
      %dma_start3A_28 = tpu.memref_slice %arg6[%multiple_of3A_22] : memref<10000xi32, #tpu.memory_space<vmem>> -> memref<80xi32, #tpu.memory_space<vmem>>
      %dma_start3A_29 = arith.constant 0 : i32
      %dma_start3A_30 = arith.constant 0 : i32
      %dma_start3A_31 = tpu.memref_slice %arg3[%dma_start3A_29, %dma_start3A_30] : memref<10000x32xf32, #tpu.memory_space<hbm>> -> memref<10000x32xf32, #tpu.memory_space<hbm>>
      tpu.enqueue_indirect_dma source(%dma_start3A_31 : memref<10000x32xf32, #tpu.memory_space<hbm>>) target(%dma_start3A_27 : memref<80x32xf32, #tpu.memory_space<vmem>>) offsets(%dma_start3A_28 : memref<80xi32, #tpu.memory_space<vmem>>) semaphore(%arg8 : memref<!tpu.dma_semaphore, #tpu.memory_space<semaphore_mem>>)
      %multiple_of3A_32 = arith.constant 160 : i32
      %multiple_of3A_33 = tpu.assume_multiple %multiple_of3A_32, 8 : i32
      %dma_start3A_34 = arith.constant 2 : i32
      %dma_start3A_35 = arith.constant 0 : i32
      %dma_start3A_36 = arith.constant 0 : i32
      %dma_start3A_37 = tpu.memref_slice %arg7[%dma_start3A_34, %dma_start3A_35, %dma_start3A_36] : memref<16x80x32xf32, #tpu.memory_space<vmem>> -> memref<1x80x32xf32, #tpu.memory_space<vmem>>
      %dma_start3A_38 = tpu.memref_squeeze %dma_start3A_37 : memref<1x80x32xf32, #tpu.memory_space<vmem>> -> memref<80x32xf32, #tpu.memory_space<vmem>>
      %dma_start3A_39 = tpu.memref_slice %arg6[%multiple_of3A_33] : memref<10000xi32, #tpu.memory_space<vmem>> -> memref<80xi32, #tpu.memory_space<vmem>>
      %dma_start3A_40 = arith.constant 0 : i32
      %dma_start3A_41 = arith.constant 0 : i32
      %dma_start3A_42 = tpu.memref_slice %arg3[%dma_start3A_40, %dma_start3A_41] : memref<10000x32xf32, #tpu.memory_space<hbm>> -> memref<10000x32xf32, #tpu.memory_space<hbm>>
      tpu.enqueue_indirect_dma source(%dma_start3A_42 : memref<10000x32xf32, #tpu.memory_space<hbm>>) target(%dma_start3A_38 : memref<80x32xf32, #tpu.memory_space<vmem>>) offsets(%dma_start3A_39 : memref<80xi32, #tpu.memory_space<vmem>>) semaphore(%arg8 : memref<!tpu.dma_semaphore, #tpu.memory_space<semaphore_mem>>)
      %multiple_of3A_43 = arith.constant 240 : i32
      %multiple_of3A_44 = tpu.assume_multiple %multiple_of3A_43, 8 : i32
      %dma_start3A_45 = arith.constant 3 : i32
      %dma_start3A_46 = arith.constant 0 : i32
      %dma_start3A_47 = arith.constant 0 : i32
      %dma_start3A_48 = tpu.memref_slice %arg7[%dma_start3A_45, %dma_start3A_46, %dma_start3A_47] : memref<16x80x32xf32, #tpu.memory_space<vmem>> -> memref<1x80x32xf32, #tpu.memory_space<vmem>>
      %dma_start3A_49 = tpu.memref_squeeze %dma_start3A_48 : memref<1x80x32xf32, #tpu.memory_space<vmem>> -> memref<80x32xf32, #tpu.memory_space<vmem>>
      %dma_start3A_50 = tpu.memref_slice %arg6[%multiple_of3A_44] : memref<10000xi32, #tpu.memory_space<vmem>> -> memref<80xi32, #tpu.memory_space<vmem>>
      %dma_start3A_51 = arith.constant 0 : i32
      %dma_start3A_52 = arith.constant 0 : i32
      %dma_start3A_53 = tpu.memref_slice %arg3[%dma_start3A_51, %dma_start3A_52] : memref<10000x32xf32, #tpu.memory_space<hbm>> -> memref<10000x32xf32, #tpu.memory_space<hbm>>
      tpu.enqueue_indirect_dma source(%dma_start3A_53 : memref<10000x32xf32, #tpu.memory_space<hbm>>) target(%dma_start3A_49 : memref<80x32xf32, #tpu.memory_space<vmem>>) offsets(%dma_start3A_50 : memref<80xi32, #tpu.memory_space<vmem>>) semaphore(%arg8 : memref<!tpu.dma_semaphore, #tpu.memory_space<semaphore_mem>>)
      %multiple_of3A_54 = arith.constant 320 : i32
      %multiple_of3A_55 = tpu.assume_multiple %multiple_of3A_54, 8 : i32
      %dma_start3A_56 = arith.constant 4 : i32
      %dma_start3A_57 = arith.constant 0 : i32
      %dma_start3A_58 = arith.constant 0 : i32
      %dma_start3A_59 = tpu.memref_slice %arg7[%dma_start3A_56, %dma_start3A_57, %dma_start3A_58] : memref<16x80x32xf32, #tpu.memory_space<vmem>> -> memref<1x80x32xf32, #tpu.memory_space<vmem>>
      %dma_start3A_60 = tpu.memref_squeeze %dma_start3A_59 : memref<1x80x32xf32, #tpu.memory_space<vmem>> -> memref<80x32xf32, #tpu.memory_space<vmem>>
      %dma_start3A_61 = tpu.memref_slice %arg6[%multiple_of3A_55] : memref<10000xi32, #tpu.memory_space<vmem>> -> memref<80xi32, #tpu.memory_space<vmem>>
      %dma_start3A_62 = arith.constant 0 : i32
      %dma_start3A_63 = arith.constant 0 : i32
      %dma_start3A_64 = tpu.memref_slice %arg3[%dma_start3A_62, %dma_start3A_63] : memref<10000x32xf32, #tpu.memory_space<hbm>> -> memref<10000x32xf32, #tpu.memory_space<hbm>>
      tpu.enqueue_indirect_dma source(%dma_start3A_64 : memref<10000x32xf32, #tpu.memory_space<hbm>>) target(%dma_start3A_60 : memref<80x32xf32, #tpu.memory_space<vmem>>) offsets(%dma_start3A_61 : memref<80xi32, #tpu.memory_space<vmem>>) semaphore(%arg8 : memref<!tpu.dma_semaphore, #tpu.memory_space<semaphore_mem>>)
      %multiple_of3A_65 = arith.constant 400 : i32
      %multiple_of3A_66 = tpu.assume_multiple %multiple_of3A_65, 8 : i32
      %dma_start3A_67 = arith.constant 5 : i32
      %dma_start3A_68 = arith.constant 0 : i32
      %dma_start3A_69 = arith.constant 0 : i32
      %dma_start3A_70 = tpu.memref_slice %arg7[%dma_start3A_67, %dma_start3A_68, %dma_start3A_69] : memref<16x80x32xf32, #tpu.memory_space<vmem>> -> memref<1x80x32xf32, #tpu.memory_space<vmem>>
      %dma_start3A_71 = tpu.memref_squeeze %dma_start3A_70 : memref<1x80x32xf32, #tpu.memory_space<vmem>> -> memref<80x32xf32, #tpu.memory_space<vmem>>
      %dma_start3A_72 = tpu.memref_slice %arg6[%multiple_of3A_66] : memref<10000xi32, #tpu.memory_space<vmem>> -> memref<80xi32, #tpu.memory_space<vmem>>
      %dma_start3A_73 = arith.constant 0 : i32
      %dma_start3A_74 = arith.constant 0 : i32
      %dma_start3A_75 = tpu.memref_slice %arg3[%dma_start3A_73, %dma_start3A_74] : memref<10000x32xf32, #tpu.memory_space<hbm>> -> memref<10000x32xf32, #tpu.memory_space<hbm>>
      tpu.enqueue_indirect_dma source(%dma_start3A_75 : memref<10000x32xf32, #tpu.memory_space<hbm>>) target(%dma_start3A_71 : memref<80x32xf32, #tpu.memory_space<vmem>>) offsets(%dma_start3A_72 : memref<80xi32, #tpu.memory_space<vmem>>) semaphore(%arg8 : memref<!tpu.dma_semaphore, #tpu.memory_space<semaphore_mem>>)
      %multiple_of3A_76 = arith.constant 480 : i32
      %multiple_of3A_77 = tpu.assume_multiple %multiple_of3A_76, 8 : i32
      %dma_start3A_78 = arith.constant 6 : i32
      %dma_start3A_79 = arith.constant 0 : i32
      %dma_start3A_80 = arith.constant 0 : i32
      %dma_start3A_81 = tpu.memref_slice %arg7[%dma_start3A_78, %dma_start3A_79, %dma_start3A_80] : memref<16x80x32xf32, #tpu.memory_space<vmem>> -> memref<1x80x32xf32, #tpu.memory_space<vmem>>
      %dma_start3A_82 = tpu.memref_squeeze %dma_start3A_81 : memref<1x80x32xf32, #tpu.memory_space<vmem>> -> memref<80x32xf32, #tpu.memory_space<vmem>>
      %dma_start3A_83 = tpu.memref_slice %arg6[%multiple_of3A_77] : memref<10000xi32, #tpu.memory_space<vmem>> -> memref<80xi32, #tpu.memory_space<vmem>>
      %dma_start3A_84 = arith.constant 0 : i32
      %dma_start3A_85 = arith.constant 0 : i32
      %dma_start3A_86 = tpu.memref_slice %arg3[%dma_start3A_84, %dma_start3A_85] : memref<10000x32xf32, #tpu.memory_space<hbm>> -> memref<10000x32xf32, #tpu.memory_space<hbm>>
      tpu.enqueue_indirect_dma source(%dma_start3A_86 : memref<10000x32xf32, #tpu.memory_space<hbm>>) target(%dma_start3A_82 : memref<80x32xf32, #tpu.memory_space<vmem>>) offsets(%dma_start3A_83 : memref<80xi32, #tpu.memory_space<vmem>>) semaphore(%arg8 : memref<!tpu.dma_semaphore, #tpu.memory_space<semaphore_mem>>)
      %multiple_of3A_87 = arith.constant 560 : i32
      %multiple_of3A_88 = tpu.assume_multiple %multiple_of3A_87, 8 : i32
      %dma_start3A_89 = arith.constant 7 : i32
      %dma_start3A_90 = arith.constant 0 : i32
      %dma_start3A_91 = arith.constant 0 : i32
      %dma_start3A_92 = tpu.memref_slice %arg7[%dma_start3A_89, %dma_start3A_90, %dma_start3A_91] : memref<16x80x32xf32, #tpu.memory_space<vmem>> -> memref<1x80x32xf32, #tpu.memory_space<vmem>>
      %dma_start3A_93 = tpu.memref_squeeze %dma_start3A_92 : memref<1x80x32xf32, #tpu.memory_space<vmem>> -> memref<80x32xf32, #tpu.memory_space<vmem>>
      %dma_start3A_94 = tpu.memref_slice %arg6[%multiple_of3A_88] : memref<10000xi32, #tpu.memory_space<vmem>> -> memref<80xi32, #tpu.memory_space<vmem>>
      %dma_start3A_95 = arith.constant 0 : i32
      %dma_start3A_96 = arith.constant 0 : i32
      %dma_start3A_97 = tpu.memref_slice %arg3[%dma_start3A_95, %dma_start3A_96] : memref<10000x32xf32, #tpu.memory_space<hbm>> -> memref<10000x32xf32, #tpu.memory_space<hbm>>
      tpu.enqueue_indirect_dma source(%dma_start3A_97 : memref<10000x32xf32, #tpu.memory_space<hbm>>) target(%dma_start3A_93 : memref<80x32xf32, #tpu.memory_space<vmem>>) offsets(%dma_start3A_94 : memref<80xi32, #tpu.memory_space<vmem>>) semaphore(%arg8 : memref<!tpu.dma_semaphore, #tpu.memory_space<semaphore_mem>>)
      %multiple_of3A_98 = arith.constant 640 : i32
      %multiple_of3A_99 = tpu.assume_multiple %multiple_of3A_98, 8 : i32
      %dma_start3A_100 = arith.constant 8 : i32
      %dma_start3A_101 = arith.constant 0 : i32
      %dma_start3A_102 = arith.constant 0 : i32
      %dma_start3A_103 = tpu.memref_slice %arg7[%dma_start3A_100, %dma_start3A_101, %dma_start3A_102] : memref<16x80x32xf32, #tpu.memory_space<vmem>> -> memref<1x80x32xf32, #tpu.memory_space<vmem>>
      %dma_start3A_104 = tpu.memref_squeeze %dma_start3A_103 : memref<1x80x32xf32, #tpu.memory_space<vmem>> -> memref<80x32xf32, #tpu.memory_space<vmem>>
      %dma_start3A_105 = tpu.memref_slice %arg6[%multiple_of3A_99] : memref<10000xi32, #tpu.memory_space<vmem>> -> memref<80xi32, #tpu.memory_space<vmem>>
      %dma_start3A_106 = arith.constant 0 : i32
      %dma_start3A_107 = arith.constant 0 : i32
      %dma_start3A_108 = tpu.memref_slice %arg3[%dma_start3A_106, %dma_start3A_107] : memref<10000x32xf32, #tpu.memory_space<hbm>> -> memref<10000x32xf32, #tpu.memory_space<hbm>>
      tpu.enqueue_indirect_dma source(%dma_start3A_108 : memref<10000x32xf32, #tpu.memory_space<hbm>>) target(%dma_start3A_104 : memref<80x32xf32, #tpu.memory_space<vmem>>) offsets(%dma_start3A_105 : memref<80xi32, #tpu.memory_space<vmem>>) semaphore(%arg8 : memref<!tpu.dma_semaphore, #tpu.memory_space<semaphore_mem>>)
      %multiple_of3A_109 = arith.constant 720 : i32
      %multiple_of3A_110 = tpu.assume_multiple %multiple_of3A_109, 8 : i32
      %dma_start3A_111 = arith.constant 9 : i32
      %dma_start3A_112 = arith.constant 0 : i32
      %dma_start3A_113 = arith.constant 0 : i32
      %dma_start3A_114 = tpu.memref_slice %arg7[%dma_start3A_111, %dma_start3A_112, %dma_start3A_113] : memref<16x80x32xf32, #tpu.memory_space<vmem>> -> memref<1x80x32xf32, #tpu.memory_space<vmem>>
      %dma_start3A_115 = tpu.memref_squeeze %dma_start3A_114 : memref<1x80x32xf32, #tpu.memory_space<vmem>> -> memref<80x32xf32, #tpu.memory_space<vmem>>
      %dma_start3A_116 = tpu.memref_slice %arg6[%multiple_of3A_110] : memref<10000xi32, #tpu.memory_space<vmem>> -> memref<80xi32, #tpu.memory_space<vmem>>
      %dma_start3A_117 = arith.constant 0 : i32
      %dma_start3A_118 = arith.constant 0 : i32
      %dma_start3A_119 = tpu.memref_slice %arg3[%dma_start3A_117, %dma_start3A_118] : memref<10000x32xf32, #tpu.memory_space<hbm>> -> memref<10000x32xf32, #tpu.memory_space<hbm>>
      tpu.enqueue_indirect_dma source(%dma_start3A_119 : memref<10000x32xf32, #tpu.memory_space<hbm>>) target(%dma_start3A_115 : memref<80x32xf32, #tpu.memory_space<vmem>>) offsets(%dma_start3A_116 : memref<80xi32, #tpu.memory_space<vmem>>) semaphore(%arg8 : memref<!tpu.dma_semaphore, #tpu.memory_space<semaphore_mem>>)
      %multiple_of3A_120 = arith.constant 800 : i32
      %multiple_of3A_121 = tpu.assume_multiple %multiple_of3A_120, 8 : i32
      %dma_start3A_122 = arith.constant 10 : i32
      %dma_start3A_123 = arith.constant 0 : i32
      %dma_start3A_124 = arith.constant 0 : i32
      %dma_start3A_125 = tpu.memref_slice %arg7[%dma_start3A_122, %dma_start3A_123, %dma_start3A_124] : memref<16x80x32xf32, #tpu.memory_space<vmem>> -> memref<1x80x32xf32, #tpu.memory_space<vmem>>
      %dma_start3A_126 = tpu.memref_squeeze %dma_start3A_125 : memref<1x80x32xf32, #tpu.memory_space<vmem>> -> memref<80x32xf32, #tpu.memory_space<vmem>>
      %dma_start3A_127 = tpu.memref_slice %arg6[%multiple_of3A_121] : memref<10000xi32, #tpu.memory_space<vmem>> -> memref<80xi32, #tpu.memory_space<vmem>>
      %dma_start3A_128 = arith.constant 0 : i32
      %dma_start3A_129 = arith.constant 0 : i32
      %dma_start3A_130 = tpu.memref_slice %arg3[%dma_start3A_128, %dma_start3A_129] : memref<10000x32xf32, #tpu.memory_space<hbm>> -> memref<10000x32xf32, #tpu.memory_space<hbm>>
      tpu.enqueue_indirect_dma source(%dma_start3A_130 : memref<10000x32xf32, #tpu.memory_space<hbm>>) target(%dma_start3A_126 : memref<80x32xf32, #tpu.memory_space<vmem>>) offsets(%dma_start3A_127 : memref<80xi32, #tpu.memory_space<vmem>>) semaphore(%arg8 : memref<!tpu.dma_semaphore, #tpu.memory_space<semaphore_mem>>)
      %multiple_of3A_131 = arith.constant 880 : i32
      %multiple_of3A_132 = tpu.assume_multiple %multiple_of3A_131, 8 : i32
      %dma_start3A_133 = arith.constant 11 : i32
      %dma_start3A_134 = arith.constant 0 : i32
      %dma_start3A_135 = arith.constant 0 : i32
      %dma_start3A_136 = tpu.memref_slice %arg7[%dma_start3A_133, %dma_start3A_134, %dma_start3A_135] : memref<16x80x32xf32, #tpu.memory_space<vmem>> -> memref<1x80x32xf32, #tpu.memory_space<vmem>>
      %dma_start3A_137 = tpu.memref_squeeze %dma_start3A_136 : memref<1x80x32xf32, #tpu.memory_space<vmem>> -> memref<80x32xf32, #tpu.memory_space<vmem>>
      %dma_start3A_138 = tpu.memref_slice %arg6[%multiple_of3A_132] : memref<10000xi32, #tpu.memory_space<vmem>> -> memref<80xi32, #tpu.memory_space<vmem>>
      %dma_start3A_139 = arith.constant 0 : i32
      %dma_start3A_140 = arith.constant 0 : i32
      %dma_start3A_141 = tpu.memref_slice %arg3[%dma_start3A_139, %dma_start3A_140] : memref<10000x32xf32, #tpu.memory_space<hbm>> -> memref<10000x32xf32, #tpu.memory_space<hbm>>
      tpu.enqueue_indirect_dma source(%dma_start3A_141 : memref<10000x32xf32, #tpu.memory_space<hbm>>) target(%dma_start3A_137 : memref<80x32xf32, #tpu.memory_space<vmem>>) offsets(%dma_start3A_138 : memref<80xi32, #tpu.memory_space<vmem>>) semaphore(%arg8 : memref<!tpu.dma_semaphore, #tpu.memory_space<semaphore_mem>>)
      %multiple_of3A_142 = arith.constant 960 : i32
      %multiple_of3A_143 = tpu.assume_multiple %multiple_of3A_142, 8 : i32
      %dma_start3A_144 = arith.constant 12 : i32
      %dma_start3A_145 = arith.constant 0 : i32
      %dma_start3A_146 = arith.constant 0 : i32
      %dma_start3A_147 = tpu.memref_slice %arg7[%dma_start3A_144, %dma_start3A_145, %dma_start3A_146] : memref<16x80x32xf32, #tpu.memory_space<vmem>> -> memref<1x80x32xf32, #tpu.memory_space<vmem>>
      %dma_start3A_148 = tpu.memref_squeeze %dma_start3A_147 : memref<1x80x32xf32, #tpu.memory_space<vmem>> -> memref<80x32xf32, #tpu.memory_space<vmem>>
      %dma_start3A_149 = tpu.memref_slice %arg6[%multiple_of3A_143] : memref<10000xi32, #tpu.memory_space<vmem>> -> memref<80xi32, #tpu.memory_space<vmem>>
      %dma_start3A_150 = arith.constant 0 : i32
      %dma_start3A_151 = arith.constant 0 : i32
      %dma_start3A_152 = tpu.memref_slice %arg3[%dma_start3A_150, %dma_start3A_151] : memref<10000x32xf32, #tpu.memory_space<hbm>> -> memref<10000x32xf32, #tpu.memory_space<hbm>>
      tpu.enqueue_indirect_dma source(%dma_start3A_152 : memref<10000x32xf32, #tpu.memory_space<hbm>>) target(%dma_start3A_148 : memref<80x32xf32, #tpu.memory_space<vmem>>) offsets(%dma_start3A_149 : memref<80xi32, #tpu.memory_space<vmem>>) semaphore(%arg8 : memref<!tpu.dma_semaphore, #tpu.memory_space<semaphore_mem>>)
      %multiple_of3A_153 = arith.constant 1040 : i32
      %multiple_of3A_154 = tpu.assume_multiple %multiple_of3A_153, 8 : i32
      %dma_start3A_155 = arith.constant 13 : i32
      %dma_start3A_156 = arith.constant 0 : i32
      %dma_start3A_157 = arith.constant 0 : i32
      %dma_start3A_158 = tpu.memref_slice %arg7[%dma_start3A_155, %dma_start3A_156, %dma_start3A_157] : memref<16x80x32xf32, #tpu.memory_space<vmem>> -> memref<1x80x32xf32, #tpu.memory_space<vmem>>
      %dma_start3A_159 = tpu.memref_squeeze %dma_start3A_158 : memref<1x80x32xf32, #tpu.memory_space<vmem>> -> memref<80x32xf32, #tpu.memory_space<vmem>>
      %dma_start3A_160 = tpu.memref_slice %arg6[%multiple_of3A_154] : memref<10000xi32, #tpu.memory_space<vmem>> -> memref<80xi32, #tpu.memory_space<vmem>>
      %dma_start3A_161 = arith.constant 0 : i32
      %dma_start3A_162 = arith.constant 0 : i32
      %dma_start3A_163 = tpu.memref_slice %arg3[%dma_start3A_161, %dma_start3A_162] : memref<10000x32xf32, #tpu.memory_space<hbm>> -> memref<10000x32xf32, #tpu.memory_space<hbm>>
      tpu.enqueue_indirect_dma source(%dma_start3A_163 : memref<10000x32xf32, #tpu.memory_space<hbm>>) target(%dma_start3A_159 : memref<80x32xf32, #tpu.memory_space<vmem>>) offsets(%dma_start3A_160 : memref<80xi32, #tpu.memory_space<vmem>>) semaphore(%arg8 : memref<!tpu.dma_semaphore, #tpu.memory_space<semaphore_mem>>)
      %multiple_of3A_164 = arith.constant 1120 : i32
      %multiple_of3A_165 = tpu.assume_multiple %multiple_of3A_164, 8 : i32
      %dma_start3A_166 = arith.constant 14 : i32
      %dma_start3A_167 = arith.constant 0 : i32
      %dma_start3A_168 = arith.constant 0 : i32
      %dma_start3A_169 = tpu.memref_slice %arg7[%dma_start3A_166, %dma_start3A_167, %dma_start3A_168] : memref<16x80x32xf32, #tpu.memory_space<vmem>> -> memref<1x80x32xf32, #tpu.memory_space<vmem>>
      %dma_start3A_170 = tpu.memref_squeeze %dma_start3A_169 : memref<1x80x32xf32, #tpu.memory_space<vmem>> -> memref<80x32xf32, #tpu.memory_space<vmem>>
      %dma_start3A_171 = tpu.memref_slice %arg6[%multiple_of3A_165] : memref<10000xi32, #tpu.memory_space<vmem>> -> memref<80xi32, #tpu.memory_space<vmem>>
      %dma_start3A_172 = arith.constant 0 : i32
      %dma_start3A_173 = arith.constant 0 : i32
      %dma_start3A_174 = tpu.memref_slice %arg3[%dma_start3A_172, %dma_start3A_173] : memref<10000x32xf32, #tpu.memory_space<hbm>> -> memref<10000x32xf32, #tpu.memory_space<hbm>>
      tpu.enqueue_indirect_dma source(%dma_start3A_174 : memref<10000x32xf32, #tpu.memory_space<hbm>>) target(%dma_start3A_170 : memref<80x32xf32, #tpu.memory_space<vmem>>) offsets(%dma_start3A_171 : memref<80xi32, #tpu.memory_space<vmem>>) semaphore(%arg8 : memref<!tpu.dma_semaphore, #tpu.memory_space<semaphore_mem>>)
      %scan3A = arith.constant 0 : i32
      %scan3A_175 = arith.constant 0 : i32
      %scan3A_176 = arith.constant 125 : i32
      %scan3A_177 = arith.addi %scan3A_175, %scan3A_176 : i32
      %scan3A_178 = arith.constant 1 : i32
      %scan3A_179 = scf.for %scan3A_436 = %scan3A_175 to %scan3A_177 step %scan3A_178 iter_args(%scan3A_437 = %scan3A) -> (i32)  : i32 {
        %rem3A_438 = arith.constant 16 : i32
        %rem3A_439 = arith.remsi %scan3A_436, %rem3A_438 : i32
        %mul3A_440 = arith.constant 80 : i32
        %mul3A_441 = arith.muli %scan3A_436, %mul3A_440 : i32
        %multiple_of3A_442 = tpu.assume_multiple %mul3A_441, 8 : i32
        %dma_wait3A_443 = arith.constant 0 : i32
        %dma_wait3A_444 = arith.constant 0 : i32
        %dma_wait3A_445 = tpu.memref_slice %arg7[%rem3A_439, %dma_wait3A_443, %dma_wait3A_444] : memref<16x80x32xf32, #tpu.memory_space<vmem>> -> memref<1x80x32xf32, #tpu.memory_space<vmem>>
        %dma_wait3A_446 = tpu.memref_squeeze %dma_wait3A_445 : memref<1x80x32xf32, #tpu.memory_space<vmem>> -> memref<80x32xf32, #tpu.memory_space<vmem>>
        %dma_wait3A_447 = tpu.memref_slice %arg6[%multiple_of3A_442] : memref<10000xi32, #tpu.memory_space<vmem>> -> memref<80xi32, #tpu.memory_space<vmem>>
        %dma_wait3A_448 = arith.constant 0 : i32
        %dma_wait3A_449 = arith.constant 0 : i32
        %dma_wait3A_450 = tpu.memref_slice %arg3[%dma_wait3A_448, %dma_wait3A_449] : memref<10000x32xf32, #tpu.memory_space<hbm>> -> memref<10000x32xf32, #tpu.memory_space<hbm>>
        tpu.wait_indirect_dma semaphore(%arg8 : memref<!tpu.dma_semaphore, #tpu.memory_space<semaphore_mem>>) src(%dma_wait3A_450 : memref<10000x32xf32, #tpu.memory_space<hbm>>) dst(%dma_wait3A_446 : memref<80x32xf32, #tpu.memory_space<vmem>>)
        %mul3A_451 = arith.constant 80 : i32
        %mul3A_452 = arith.muli %scan3A_436, %mul3A_451 : i32
        %add3A_453 = arith.addi %add3A_11, %mul3A_452 : i32
        %multiple_of3A_454 = tpu.assume_multiple %add3A_453, 8 : i32
        %dma_start3A_455 = arith.constant 0 : i32
        %dma_start3A_456 = arith.constant 0 : i32
        %dma_start3A_457 = tpu.memref_slice %arg7[%rem3A_439, %dma_start3A_455, %dma_start3A_456] : memref<16x80x32xf32, #tpu.memory_space<vmem>> -> memref<1x80x32xf32, #tpu.memory_space<vmem>>
        %dma_start3A_458 = tpu.memref_squeeze %dma_start3A_457 : memref<1x80x32xf32, #tpu.memory_space<vmem>> -> memref<80x32xf32, #tpu.memory_space<vmem>>
        %dma_start3A_459 = arith.constant 0 : i32
        %dma_start3A_460 = tpu.memref_slice %arg5[%multiple_of3A_454, %dma_start3A_459] : memref<320000x32xf32, #tpu.memory_space<hbm>> -> memref<80x32xf32, #tpu.memory_space<hbm>>
        %dma_start3A_461 = arith.constant 0 : i32
        %dma_start3A_462 = tpu.memref_slice %arg5[%multiple_of3A_454, %dma_start3A_461] : memref<320000x32xf32, #tpu.memory_space<hbm>> -> memref<80x32xf32, #tpu.memory_space<hbm>>
        %dma_start3A_463 = arith.constant 0 : i32
        %dma_start3A_464 = arith.constant 0 : i32
        %dma_start3A_465 = tpu.memref_slice %arg7[%rem3A_439, %dma_start3A_463, %dma_start3A_464] : memref<16x80x32xf32, #tpu.memory_space<vmem>> -> memref<1x80x32xf32, #tpu.memory_space<vmem>>
        %dma_start3A_466 = tpu.memref_squeeze %dma_start3A_465 : memref<1x80x32xf32, #tpu.memory_space<vmem>> -> memref<80x32xf32, #tpu.memory_space<vmem>>
        tpu.enqueue_dma source(%dma_start3A_466 : memref<80x32xf32, #tpu.memory_space<vmem>>) target(%dma_start3A_462 : memref<80x32xf32, #tpu.memory_space<hbm>>) target_semaphore(%arg9 : memref<!tpu.dma_semaphore, #tpu.memory_space<semaphore_mem>>)
        %add3A_467 = arith.constant 15 : i32
        %add3A_468 = arith.addi %scan3A_436, %add3A_467 : i32
        %lt3A_469 = arith.constant 125 : i32
        %lt3A_470 = arith.cmpi slt, %add3A_468, %lt3A_469 : i32
        %convert_element_type3A_471 = arith.extui %lt3A_470 : i1 to i32
        %cond3A_472 = arith.constant 0 : i32
        %cond3A_473 = arith.cmpi ne, %convert_element_type3A_471, %cond3A_472 : i32
        scf.if %cond3A_473 {
          %ge3A_475 = arith.constant 1 : i32
          %ge3A_476 = arith.cmpi sge, %scan3A_436, %ge3A_475 : i32
          %convert_element_type3A_477 = arith.extui %ge3A_476 : i1 to i32
          %cond3A_478 = arith.constant 0 : i32
          %cond3A_479 = arith.cmpi ne, %convert_element_type3A_477, %cond3A_478 : i32
          scf.if %cond3A_479 {
            %mul3A_497 = arith.constant 80 : i32
            %mul3A_498 = arith.muli %scan3A_436, %mul3A_497 : i32
            %add3A_499 = arith.addi %add3A_11, %mul3A_498 : i32
            %multiple_of3A_500 = tpu.assume_multiple %add3A_499, 8 : i32
            %dma_wait3A_501 = arith.constant 0 : i32
            %dma_wait3A_502 = arith.constant 0 : i32
            %dma_wait3A_503 = arith.constant 0 : i32
            %dma_wait3A_504 = tpu.memref_slice %arg7[%dma_wait3A_501, %dma_wait3A_502, %dma_wait3A_503] : memref<16x80x32xf32, #tpu.memory_space<vmem>> -> memref<1x80x32xf32, #tpu.memory_space<vmem>>
            %dma_wait3A_505 = tpu.memref_squeeze %dma_wait3A_504 : memref<1x80x32xf32, #tpu.memory_space<vmem>> -> memref<80x32xf32, #tpu.memory_space<vmem>>
            %dma_wait3A_506 = arith.constant 0 : i32
            %dma_wait3A_507 = tpu.memref_slice %arg5[%multiple_of3A_500, %dma_wait3A_506] : memref<320000x32xf32, #tpu.memory_space<hbm>> -> memref<80x32xf32, #tpu.memory_space<hbm>>
            %dma_wait3A_508 = arith.constant 0 : i32
            %dma_wait3A_509 = tpu.memref_slice %arg5[%multiple_of3A_500, %dma_wait3A_508] : memref<320000x32xf32, #tpu.memory_space<hbm>> -> memref<80x32xf32, #tpu.memory_space<hbm>>
            %dma_wait3A_510 = arith.constant 0 : i32
            %dma_wait3A_511 = arith.constant 0 : i32
            %dma_wait3A_512 = tpu.memref_slice %arg7[%dma_wait3A_501, %dma_wait3A_510, %dma_wait3A_511] : memref<16x80x32xf32, #tpu.memory_space<vmem>> -> memref<1x80x32xf32, #tpu.memory_space<vmem>>
            %dma_wait3A_513 = tpu.memref_squeeze %dma_wait3A_512 : memref<1x80x32xf32, #tpu.memory_space<vmem>> -> memref<80x32xf32, #tpu.memory_space<vmem>>
            tpu.wait_dma2 semaphore(%arg9 : memref<!tpu.dma_semaphore, #tpu.memory_space<semaphore_mem>>) src(%dma_wait3A_513 : memref<80x32xf32, #tpu.memory_space<vmem>>) dst(%dma_wait3A_509 : memref<80x32xf32, #tpu.memory_space<hbm>>)
          } else {
          }
          %add3A_480 = arith.constant 15 : i32
          %add3A_481 = arith.addi %scan3A_436, %add3A_480 : i32
          %mul3A_482 = arith.constant 80 : i32
          %mul3A_483 = arith.muli %add3A_481, %mul3A_482 : i32
          %multiple_of3A_484 = tpu.assume_multiple %mul3A_483, 8 : i32
          %add3A_485 = arith.constant 15 : i32
          %add3A_486 = arith.addi %scan3A_436, %add3A_485 : i32
          %rem3A_487 = arith.constant 16 : i32
          %rem3A_488 = arith.remsi %add3A_486, %rem3A_487 : i32
          %dma_start3A_489 = arith.constant 0 : i32
          %dma_start3A_490 = arith.constant 0 : i32
          %dma_start3A_491 = tpu.memref_slice %arg7[%rem3A_488, %dma_start3A_489, %dma_start3A_490] : memref<16x80x32xf32, #tpu.memory_space<vmem>> -> memref<1x80x32xf32, #tpu.memory_space<vmem>>
          %dma_start3A_492 = tpu.memref_squeeze %dma_start3A_491 : memref<1x80x32xf32, #tpu.memory_space<vmem>> -> memref<80x32xf32, #tpu.memory_space<vmem>>
          %dma_start3A_493 = tpu.memref_slice %arg6[%multiple_of3A_484] : memref<10000xi32, #tpu.memory_space<vmem>> -> memref<80xi32, #tpu.memory_space<vmem>>
          %dma_start3A_494 = arith.constant 0 : i32
          %dma_start3A_495 = arith.constant 0 : i32
          %dma_start3A_496 = tpu.memref_slice %arg3[%dma_start3A_494, %dma_start3A_495] : memref<10000x32xf32, #tpu.memory_space<hbm>> -> memref<10000x32xf32, #tpu.memory_space<hbm>>
          tpu.enqueue_indirect_dma source(%dma_start3A_496 : memref<10000x32xf32, #tpu.memory_space<hbm>>) target(%dma_start3A_492 : memref<80x32xf32, #tpu.memory_space<vmem>>) offsets(%dma_start3A_493 : memref<80xi32, #tpu.memory_space<vmem>>) semaphore(%arg8 : memref<!tpu.dma_semaphore, #tpu.memory_space<semaphore_mem>>)
        } else {
        }
        %scan3A_474 = arith.constant 0 : i32
        scf.yield %scan3A_474 : i32
      }
      %scan3A_180 = arith.constant 125 : i32
      %add3A_181 = arith.constant 9920 : i32
      %add3A_182 = arith.addi %add3A_11, %add3A_181 : i32
      %multiple_of3A_183 = tpu.assume_multiple %add3A_182, 8 : i32
      %dma_wait3A = arith.constant 0 : i32
      %dma_wait3A_184 = arith.constant 0 : i32
      %dma_wait3A_185 = arith.constant 0 : i32
      %dma_wait3A_186 = tpu.memref_slice %arg7[%dma_wait3A, %dma_wait3A_184, %dma_wait3A_185] : memref<16x80x32xf32, #tpu.memory_space<vmem>> -> memref<1x80x32xf32, #tpu.memory_space<vmem>>
      %dma_wait3A_187 = tpu.memref_squeeze %dma_wait3A_186 : memref<1x80x32xf32, #tpu.memory_space<vmem>> -> memref<80x32xf32, #tpu.memory_space<vmem>>
      %dma_wait3A_188 = arith.constant 0 : i32
      %dma_wait3A_189 = tpu.memref_slice %arg5[%multiple_of3A_183, %dma_wait3A_188] : memref<320000x32xf32, #tpu.memory_space<hbm>> -> memref<80x32xf32, #tpu.memory_space<hbm>>
      %dma_wait3A_190 = arith.constant 0 : i32
      %dma_wait3A_191 = tpu.memref_slice %arg5[%multiple_of3A_183, %dma_wait3A_190] : memref<320000x32xf32, #tpu.memory_space<hbm>> -> memref<80x32xf32, #tpu.memory_space<hbm>>
      %dma_wait3A_192 = arith.constant 0 : i32
      %dma_wait3A_193 = arith.constant 0 : i32
      %dma_wait3A_194 = tpu.memref_slice %arg7[%dma_wait3A, %dma_wait3A_192, %dma_wait3A_193] : memref<16x80x32xf32, #tpu.memory_space<vmem>> -> memref<1x80x32xf32, #tpu.memory_space<vmem>>
      %dma_wait3A_195 = tpu.memref_squeeze %dma_wait3A_194 : memref<1x80x32xf32, #tpu.memory_space<vmem>> -> memref<80x32xf32, #tpu.memory_space<vmem>>
      tpu.wait_dma2 semaphore(%arg9 : memref<!tpu.dma_semaphore, #tpu.memory_space<semaphore_mem>>) src(%dma_wait3A_195 : memref<80x32xf32, #tpu.memory_space<vmem>>) dst(%dma_wait3A_191 : memref<80x32xf32, #tpu.memory_space<hbm>>)
      %add3A_196 = arith.constant 9920 : i32
      %add3A_197 = arith.addi %add3A_11, %add3A_196 : i32
      %multiple_of3A_198 = tpu.assume_multiple %add3A_197, 8 : i32
      %dma_wait3A_199 = arith.constant 0 : i32
      %dma_wait3A_200 = arith.constant 0 : i32
      %dma_wait3A_201 = arith.constant 0 : i32
      %dma_wait3A_202 = tpu.memref_slice %arg7[%dma_wait3A_199, %dma_wait3A_200, %dma_wait3A_201] : memref<16x80x32xf32, #tpu.memory_space<vmem>> -> memref<1x80x32xf32, #tpu.memory_space<vmem>>
      %dma_wait3A_203 = tpu.memref_squeeze %dma_wait3A_202 : memref<1x80x32xf32, #tpu.memory_space<vmem>> -> memref<80x32xf32, #tpu.memory_space<vmem>>
      %dma_wait3A_204 = arith.constant 0 : i32
      %dma_wait3A_205 = tpu.memref_slice %arg5[%multiple_of3A_198, %dma_wait3A_204] : memref<320000x32xf32, #tpu.memory_space<hbm>> -> memref<80x32xf32, #tpu.memory_space<hbm>>
      %dma_wait3A_206 = arith.constant 0 : i32
      %dma_wait3A_207 = tpu.memref_slice %arg5[%multiple_of3A_198, %dma_wait3A_206] : memref<320000x32xf32, #tpu.memory_space<hbm>> -> memref<80x32xf32, #tpu.memory_space<hbm>>
      %dma_wait3A_208 = arith.constant 0 : i32
      %dma_wait3A_209 = arith.constant 0 : i32
      %dma_wait3A_210 = tpu.memref_slice %arg7[%dma_wait3A_199, %dma_wait3A_208, %dma_wait3A_209] : memref<16x80x32xf32, #tpu.memory_space<vmem>> -> memref<1x80x32xf32, #tpu.memory_space<vmem>>
      %dma_wait3A_211 = tpu.memref_squeeze %dma_wait3A_210 : memref<1x80x32xf32, #tpu.memory_space<vmem>> -> memref<80x32xf32, #tpu.memory_space<vmem>>
      tpu.wait_dma2 semaphore(%arg9 : memref<!tpu.dma_semaphore, #tpu.memory_space<semaphore_mem>>) src(%dma_wait3A_211 : memref<80x32xf32, #tpu.memory_space<vmem>>) dst(%dma_wait3A_207 : memref<80x32xf32, #tpu.memory_space<hbm>>)
      %add3A_212 = arith.constant 9920 : i32
      %add3A_213 = arith.addi %add3A_11, %add3A_212 : i32
      %multiple_of3A_214 = tpu.assume_multiple %add3A_213, 8 : i32
      %dma_wait3A_215 = arith.constant 0 : i32
      %dma_wait3A_216 = arith.constant 0 : i32
      %dma_wait3A_217 = arith.constant 0 : i32
      %dma_wait3A_218 = tpu.memref_slice %arg7[%dma_wait3A_215, %dma_wait3A_216, %dma_wait3A_217] : memref<16x80x32xf32, #tpu.memory_space<vmem>> -> memref<1x80x32xf32, #tpu.memory_space<vmem>>
      %dma_wait3A_219 = tpu.memref_squeeze %dma_wait3A_218 : memref<1x80x32xf32, #tpu.memory_space<vmem>> -> memref<80x32xf32, #tpu.memory_space<vmem>>
      %dma_wait3A_220 = arith.constant 0 : i32
      %dma_wait3A_221 = tpu.memref_slice %arg5[%multiple_of3A_214, %dma_wait3A_220] : memref<320000x32xf32, #tpu.memory_space<hbm>> -> memref<80x32xf32, #tpu.memory_space<hbm>>
      %dma_wait3A_222 = arith.constant 0 : i32
      %dma_wait3A_223 = tpu.memref_slice %arg5[%multiple_of3A_214, %dma_wait3A_222] : memref<320000x32xf32, #tpu.memory_space<hbm>> -> memref<80x32xf32, #tpu.memory_space<hbm>>
      %dma_wait3A_224 = arith.constant 0 : i32
      %dma_wait3A_225 = arith.constant 0 : i32
      %dma_wait3A_226 = tpu.memref_slice %arg7[%dma_wait3A_215, %dma_wait3A_224, %dma_wait3A_225] : memref<16x80x32xf32, #tpu.memory_space<vmem>> -> memref<1x80x32xf32, #tpu.memory_space<vmem>>
      %dma_wait3A_227 = tpu.memref_squeeze %dma_wait3A_226 : memref<1x80x32xf32, #tpu.memory_space<vmem>> -> memref<80x32xf32, #tpu.memory_space<vmem>>
      tpu.wait_dma2 semaphore(%arg9 : memref<!tpu.dma_semaphore, #tpu.memory_space<semaphore_mem>>) src(%dma_wait3A_227 : memref<80x32xf32, #tpu.memory_space<vmem>>) dst(%dma_wait3A_223 : memref<80x32xf32, #tpu.memory_space<hbm>>)
      %add3A_228 = arith.constant 9920 : i32
      %add3A_229 = arith.addi %add3A_11, %add3A_228 : i32
      %multiple_of3A_230 = tpu.assume_multiple %add3A_229, 8 : i32
      %dma_wait3A_231 = arith.constant 0 : i32
      %dma_wait3A_232 = arith.constant 0 : i32
      %dma_wait3A_233 = arith.constant 0 : i32
      %dma_wait3A_234 = tpu.memref_slice %arg7[%dma_wait3A_231, %dma_wait3A_232, %dma_wait3A_233] : memref<16x80x32xf32, #tpu.memory_space<vmem>> -> memref<1x80x32xf32, #tpu.memory_space<vmem>>
      %dma_wait3A_235 = tpu.memref_squeeze %dma_wait3A_234 : memref<1x80x32xf32, #tpu.memory_space<vmem>> -> memref<80x32xf32, #tpu.memory_space<vmem>>
      %dma_wait3A_236 = arith.constant 0 : i32
      %dma_wait3A_237 = tpu.memref_slice %arg5[%multiple_of3A_230, %dma_wait3A_236] : memref<320000x32xf32, #tpu.memory_space<hbm>> -> memref<80x32xf32, #tpu.memory_space<hbm>>
      %dma_wait3A_238 = arith.constant 0 : i32
      %dma_wait3A_239 = tpu.memref_slice %arg5[%multiple_of3A_230, %dma_wait3A_238] : memref<320000x32xf32, #tpu.memory_space<hbm>> -> memref<80x32xf32, #tpu.memory_space<hbm>>
      %dma_wait3A_240 = arith.constant 0 : i32
      %dma_wait3A_241 = arith.constant 0 : i32
      %dma_wait3A_242 = tpu.memref_slice %arg7[%dma_wait3A_231, %dma_wait3A_240, %dma_wait3A_241] : memref<16x80x32xf32, #tpu.memory_space<vmem>> -> memref<1x80x32xf32, #tpu.memory_space<vmem>>
      %dma_wait3A_243 = tpu.memref_squeeze %dma_wait3A_242 : memref<1x80x32xf32, #tpu.memory_space<vmem>> -> memref<80x32xf32, #tpu.memory_space<vmem>>
      tpu.wait_dma2 semaphore(%arg9 : memref<!tpu.dma_semaphore, #tpu.memory_space<semaphore_mem>>) src(%dma_wait3A_243 : memref<80x32xf32, #tpu.memory_space<vmem>>) dst(%dma_wait3A_239 : memref<80x32xf32, #tpu.memory_space<hbm>>)
      %add3A_244 = arith.constant 9920 : i32
      %add3A_245 = arith.addi %add3A_11, %add3A_244 : i32
      %multiple_of3A_246 = tpu.assume_multiple %add3A_245, 8 : i32
      %dma_wait3A_247 = arith.constant 0 : i32
      %dma_wait3A_248 = arith.constant 0 : i32
      %dma_wait3A_249 = arith.constant 0 : i32
      %dma_wait3A_250 = tpu.memref_slice %arg7[%dma_wait3A_247, %dma_wait3A_248, %dma_wait3A_249] : memref<16x80x32xf32, #tpu.memory_space<vmem>> -> memref<1x80x32xf32, #tpu.memory_space<vmem>>
      %dma_wait3A_251 = tpu.memref_squeeze %dma_wait3A_250 : memref<1x80x32xf32, #tpu.memory_space<vmem>> -> memref<80x32xf32, #tpu.memory_space<vmem>>
      %dma_wait3A_252 = arith.constant 0 : i32
      %dma_wait3A_253 = tpu.memref_slice %arg5[%multiple_of3A_246, %dma_wait3A_252] : memref<320000x32xf32, #tpu.memory_space<hbm>> -> memref<80x32xf32, #tpu.memory_space<hbm>>
      %dma_wait3A_254 = arith.constant 0 : i32
      %dma_wait3A_255 = tpu.memref_slice %arg5[%multiple_of3A_246, %dma_wait3A_254] : memref<320000x32xf32, #tpu.memory_space<hbm>> -> memref<80x32xf32, #tpu.memory_space<hbm>>
      %dma_wait3A_256 = arith.constant 0 : i32
      %dma_wait3A_257 = arith.constant 0 : i32
      %dma_wait3A_258 = tpu.memref_slice %arg7[%dma_wait3A_247, %dma_wait3A_256, %dma_wait3A_257] : memref<16x80x32xf32, #tpu.memory_space<vmem>> -> memref<1x80x32xf32, #tpu.memory_space<vmem>>
      %dma_wait3A_259 = tpu.memref_squeeze %dma_wait3A_258 : memref<1x80x32xf32, #tpu.memory_space<vmem>> -> memref<80x32xf32, #tpu.memory_space<vmem>>
      tpu.wait_dma2 semaphore(%arg9 : memref<!tpu.dma_semaphore, #tpu.memory_space<semaphore_mem>>) src(%dma_wait3A_259 : memref<80x32xf32, #tpu.memory_space<vmem>>) dst(%dma_wait3A_255 : memref<80x32xf32, #tpu.memory_space<hbm>>)
      %add3A_260 = arith.constant 9920 : i32
      %add3A_261 = arith.addi %add3A_11, %add3A_260 : i32
      %multiple_of3A_262 = tpu.assume_multiple %add3A_261, 8 : i32
      %dma_wait3A_263 = arith.constant 0 : i32
      %dma_wait3A_264 = arith.constant 0 : i32
      %dma_wait3A_265 = arith.constant 0 : i32
      %dma_wait3A_266 = tpu.memref_slice %arg7[%dma_wait3A_263, %dma_wait3A_264, %dma_wait3A_265] : memref<16x80x32xf32, #tpu.memory_space<vmem>> -> memref<1x80x32xf32, #tpu.memory_space<vmem>>
      %dma_wait3A_267 = tpu.memref_squeeze %dma_wait3A_266 : memref<1x80x32xf32, #tpu.memory_space<vmem>> -> memref<80x32xf32, #tpu.memory_space<vmem>>
      %dma_wait3A_268 = arith.constant 0 : i32
      %dma_wait3A_269 = tpu.memref_slice %arg5[%multiple_of3A_262, %dma_wait3A_268] : memref<320000x32xf32, #tpu.memory_space<hbm>> -> memref<80x32xf32, #tpu.memory_space<hbm>>
      %dma_wait3A_270 = arith.constant 0 : i32
      %dma_wait3A_271 = tpu.memref_slice %arg5[%multiple_of3A_262, %dma_wait3A_270] : memref<320000x32xf32, #tpu.memory_space<hbm>> -> memref<80x32xf32, #tpu.memory_space<hbm>>
      %dma_wait3A_272 = arith.constant 0 : i32
      %dma_wait3A_273 = arith.constant 0 : i32
      %dma_wait3A_274 = tpu.memref_slice %arg7[%dma_wait3A_263, %dma_wait3A_272, %dma_wait3A_273] : memref<16x80x32xf32, #tpu.memory_space<vmem>> -> memref<1x80x32xf32, #tpu.memory_space<vmem>>
      %dma_wait3A_275 = tpu.memref_squeeze %dma_wait3A_274 : memref<1x80x32xf32, #tpu.memory_space<vmem>> -> memref<80x32xf32, #tpu.memory_space<vmem>>
      tpu.wait_dma2 semaphore(%arg9 : memref<!tpu.dma_semaphore, #tpu.memory_space<semaphore_mem>>) src(%dma_wait3A_275 : memref<80x32xf32, #tpu.memory_space<vmem>>) dst(%dma_wait3A_271 : memref<80x32xf32, #tpu.memory_space<hbm>>)
      %add3A_276 = arith.constant 9920 : i32
      %add3A_277 = arith.addi %add3A_11, %add3A_276 : i32
      %multiple_of3A_278 = tpu.assume_multiple %add3A_277, 8 : i32
      %dma_wait3A_279 = arith.constant 0 : i32
      %dma_wait3A_280 = arith.constant 0 : i32
      %dma_wait3A_281 = arith.constant 0 : i32
      %dma_wait3A_282 = tpu.memref_slice %arg7[%dma_wait3A_279, %dma_wait3A_280, %dma_wait3A_281] : memref<16x80x32xf32, #tpu.memory_space<vmem>> -> memref<1x80x32xf32, #tpu.memory_space<vmem>>
      %dma_wait3A_283 = tpu.memref_squeeze %dma_wait3A_282 : memref<1x80x32xf32, #tpu.memory_space<vmem>> -> memref<80x32xf32, #tpu.memory_space<vmem>>
      %dma_wait3A_284 = arith.constant 0 : i32
      %dma_wait3A_285 = tpu.memref_slice %arg5[%multiple_of3A_278, %dma_wait3A_284] : memref<320000x32xf32, #tpu.memory_space<hbm>> -> memref<80x32xf32, #tpu.memory_space<hbm>>
      %dma_wait3A_286 = arith.constant 0 : i32
      %dma_wait3A_287 = tpu.memref_slice %arg5[%multiple_of3A_278, %dma_wait3A_286] : memref<320000x32xf32, #tpu.memory_space<hbm>> -> memref<80x32xf32, #tpu.memory_space<hbm>>
      %dma_wait3A_288 = arith.constant 0 : i32
      %dma_wait3A_289 = arith.constant 0 : i32
      %dma_wait3A_290 = tpu.memref_slice %arg7[%dma_wait3A_279, %dma_wait3A_288, %dma_wait3A_289] : memref<16x80x32xf32, #tpu.memory_space<vmem>> -> memref<1x80x32xf32, #tpu.memory_space<vmem>>
      %dma_wait3A_291 = tpu.memref_squeeze %dma_wait3A_290 : memref<1x80x32xf32, #tpu.memory_space<vmem>> -> memref<80x32xf32, #tpu.memory_space<vmem>>
      tpu.wait_dma2 semaphore(%arg9 : memref<!tpu.dma_semaphore, #tpu.memory_space<semaphore_mem>>) src(%dma_wait3A_291 : memref<80x32xf32, #tpu.memory_space<vmem>>) dst(%dma_wait3A_287 : memref<80x32xf32, #tpu.memory_space<hbm>>)
      %add3A_292 = arith.constant 9920 : i32
      %add3A_293 = arith.addi %add3A_11, %add3A_292 : i32
      %multiple_of3A_294 = tpu.assume_multiple %add3A_293, 8 : i32
      %dma_wait3A_295 = arith.constant 0 : i32
      %dma_wait3A_296 = arith.constant 0 : i32
      %dma_wait3A_297 = arith.constant 0 : i32
      %dma_wait3A_298 = tpu.memref_slice %arg7[%dma_wait3A_295, %dma_wait3A_296, %dma_wait3A_297] : memref<16x80x32xf32, #tpu.memory_space<vmem>> -> memref<1x80x32xf32, #tpu.memory_space<vmem>>
      %dma_wait3A_299 = tpu.memref_squeeze %dma_wait3A_298 : memref<1x80x32xf32, #tpu.memory_space<vmem>> -> memref<80x32xf32, #tpu.memory_space<vmem>>
      %dma_wait3A_300 = arith.constant 0 : i32
      %dma_wait3A_301 = tpu.memref_slice %arg5[%multiple_of3A_294, %dma_wait3A_300] : memref<320000x32xf32, #tpu.memory_space<hbm>> -> memref<80x32xf32, #tpu.memory_space<hbm>>
      %dma_wait3A_302 = arith.constant 0 : i32
      %dma_wait3A_303 = tpu.memref_slice %arg5[%multiple_of3A_294, %dma_wait3A_302] : memref<320000x32xf32, #tpu.memory_space<hbm>> -> memref<80x32xf32, #tpu.memory_space<hbm>>
      %dma_wait3A_304 = arith.constant 0 : i32
      %dma_wait3A_305 = arith.constant 0 : i32
      %dma_wait3A_306 = tpu.memref_slice %arg7[%dma_wait3A_295, %dma_wait3A_304, %dma_wait3A_305] : memref<16x80x32xf32, #tpu.memory_space<vmem>> -> memref<1x80x32xf32, #tpu.memory_space<vmem>>
      %dma_wait3A_307 = tpu.memref_squeeze %dma_wait3A_306 : memref<1x80x32xf32, #tpu.memory_space<vmem>> -> memref<80x32xf32, #tpu.memory_space<vmem>>
      tpu.wait_dma2 semaphore(%arg9 : memref<!tpu.dma_semaphore, #tpu.memory_space<semaphore_mem>>) src(%dma_wait3A_307 : memref<80x32xf32, #tpu.memory_space<vmem>>) dst(%dma_wait3A_303 : memref<80x32xf32, #tpu.memory_space<hbm>>)
      %add3A_308 = arith.constant 9920 : i32
      %add3A_309 = arith.addi %add3A_11, %add3A_308 : i32
      %multiple_of3A_310 = tpu.assume_multiple %add3A_309, 8 : i32
      %dma_wait3A_311 = arith.constant 0 : i32
      %dma_wait3A_312 = arith.constant 0 : i32
      %dma_wait3A_313 = arith.constant 0 : i32
      %dma_wait3A_314 = tpu.memref_slice %arg7[%dma_wait3A_311, %dma_wait3A_312, %dma_wait3A_313] : memref<16x80x32xf32, #tpu.memory_space<vmem>> -> memref<1x80x32xf32, #tpu.memory_space<vmem>>
      %dma_wait3A_315 = tpu.memref_squeeze %dma_wait3A_314 : memref<1x80x32xf32, #tpu.memory_space<vmem>> -> memref<80x32xf32, #tpu.memory_space<vmem>>
      %dma_wait3A_316 = arith.constant 0 : i32
      %dma_wait3A_317 = tpu.memref_slice %arg5[%multiple_of3A_310, %dma_wait3A_316] : memref<320000x32xf32, #tpu.memory_space<hbm>> -> memref<80x32xf32, #tpu.memory_space<hbm>>
      %dma_wait3A_318 = arith.constant 0 : i32
      %dma_wait3A_319 = tpu.memref_slice %arg5[%multiple_of3A_310, %dma_wait3A_318] : memref<320000x32xf32, #tpu.memory_space<hbm>> -> memref<80x32xf32, #tpu.memory_space<hbm>>
      %dma_wait3A_320 = arith.constant 0 : i32
      %dma_wait3A_321 = arith.constant 0 : i32
      %dma_wait3A_322 = tpu.memref_slice %arg7[%dma_wait3A_311, %dma_wait3A_320, %dma_wait3A_321] : memref<16x80x32xf32, #tpu.memory_space<vmem>> -> memref<1x80x32xf32, #tpu.memory_space<vmem>>
      %dma_wait3A_323 = tpu.memref_squeeze %dma_wait3A_322 : memref<1x80x32xf32, #tpu.memory_space<vmem>> -> memref<80x32xf32, #tpu.memory_space<vmem>>
      tpu.wait_dma2 semaphore(%arg9 : memref<!tpu.dma_semaphore, #tpu.memory_space<semaphore_mem>>) src(%dma_wait3A_323 : memref<80x32xf32, #tpu.memory_space<vmem>>) dst(%dma_wait3A_319 : memref<80x32xf32, #tpu.memory_space<hbm>>)
      %add3A_324 = arith.constant 9920 : i32
      %add3A_325 = arith.addi %add3A_11, %add3A_324 : i32
      %multiple_of3A_326 = tpu.assume_multiple %add3A_325, 8 : i32
      %dma_wait3A_327 = arith.constant 0 : i32
      %dma_wait3A_328 = arith.constant 0 : i32
      %dma_wait3A_329 = arith.constant 0 : i32
      %dma_wait3A_330 = tpu.memref_slice %arg7[%dma_wait3A_327, %dma_wait3A_328, %dma_wait3A_329] : memref<16x80x32xf32, #tpu.memory_space<vmem>> -> memref<1x80x32xf32, #tpu.memory_space<vmem>>
      %dma_wait3A_331 = tpu.memref_squeeze %dma_wait3A_330 : memref<1x80x32xf32, #tpu.memory_space<vmem>> -> memref<80x32xf32, #tpu.memory_space<vmem>>
      %dma_wait3A_332 = arith.constant 0 : i32
      %dma_wait3A_333 = tpu.memref_slice %arg5[%multiple_of3A_326, %dma_wait3A_332] : memref<320000x32xf32, #tpu.memory_space<hbm>> -> memref<80x32xf32, #tpu.memory_space<hbm>>
      %dma_wait3A_334 = arith.constant 0 : i32
      %dma_wait3A_335 = tpu.memref_slice %arg5[%multiple_of3A_326, %dma_wait3A_334] : memref<320000x32xf32, #tpu.memory_space<hbm>> -> memref<80x32xf32, #tpu.memory_space<hbm>>
      %dma_wait3A_336 = arith.constant 0 : i32
      %dma_wait3A_337 = arith.constant 0 : i32
      %dma_wait3A_338 = tpu.memref_slice %arg7[%dma_wait3A_327, %dma_wait3A_336, %dma_wait3A_337] : memref<16x80x32xf32, #tpu.memory_space<vmem>> -> memref<1x80x32xf32, #tpu.memory_space<vmem>>
      %dma_wait3A_339 = tpu.memref_squeeze %dma_wait3A_338 : memref<1x80x32xf32, #tpu.memory_space<vmem>> -> memref<80x32xf32, #tpu.memory_space<vmem>>
      tpu.wait_dma2 semaphore(%arg9 : memref<!tpu.dma_semaphore, #tpu.memory_space<semaphore_mem>>) src(%dma_wait3A_339 : memref<80x32xf32, #tpu.memory_space<vmem>>) dst(%dma_wait3A_335 : memref<80x32xf32, #tpu.memory_space<hbm>>)
      %add3A_340 = arith.constant 9920 : i32
      %add3A_341 = arith.addi %add3A_11, %add3A_340 : i32
      %multiple_of3A_342 = tpu.assume_multiple %add3A_341, 8 : i32
      %dma_wait3A_343 = arith.constant 0 : i32
      %dma_wait3A_344 = arith.constant 0 : i32
      %dma_wait3A_345 = arith.constant 0 : i32
      %dma_wait3A_346 = tpu.memref_slice %arg7[%dma_wait3A_343, %dma_wait3A_344, %dma_wait3A_345] : memref<16x80x32xf32, #tpu.memory_space<vmem>> -> memref<1x80x32xf32, #tpu.memory_space<vmem>>
      %dma_wait3A_347 = tpu.memref_squeeze %dma_wait3A_346 : memref<1x80x32xf32, #tpu.memory_space<vmem>> -> memref<80x32xf32, #tpu.memory_space<vmem>>
      %dma_wait3A_348 = arith.constant 0 : i32
      %dma_wait3A_349 = tpu.memref_slice %arg5[%multiple_of3A_342, %dma_wait3A_348] : memref<320000x32xf32, #tpu.memory_space<hbm>> -> memref<80x32xf32, #tpu.memory_space<hbm>>
      %dma_wait3A_350 = arith.constant 0 : i32
      %dma_wait3A_351 = tpu.memref_slice %arg5[%multiple_of3A_342, %dma_wait3A_350] : memref<320000x32xf32, #tpu.memory_space<hbm>> -> memref<80x32xf32, #tpu.memory_space<hbm>>
      %dma_wait3A_352 = arith.constant 0 : i32
      %dma_wait3A_353 = arith.constant 0 : i32
      %dma_wait3A_354 = tpu.memref_slice %arg7[%dma_wait3A_343, %dma_wait3A_352, %dma_wait3A_353] : memref<16x80x32xf32, #tpu.memory_space<vmem>> -> memref<1x80x32xf32, #tpu.memory_space<vmem>>
      %dma_wait3A_355 = tpu.memref_squeeze %dma_wait3A_354 : memref<1x80x32xf32, #tpu.memory_space<vmem>> -> memref<80x32xf32, #tpu.memory_space<vmem>>
      tpu.wait_dma2 semaphore(%arg9 : memref<!tpu.dma_semaphore, #tpu.memory_space<semaphore_mem>>) src(%dma_wait3A_355 : memref<80x32xf32, #tpu.memory_space<vmem>>) dst(%dma_wait3A_351 : memref<80x32xf32, #tpu.memory_space<hbm>>)
      %add3A_356 = arith.constant 9920 : i32
      %add3A_357 = arith.addi %add3A_11, %add3A_356 : i32
      %multiple_of3A_358 = tpu.assume_multiple %add3A_357, 8 : i32
      %dma_wait3A_359 = arith.constant 0 : i32
      %dma_wait3A_360 = arith.constant 0 : i32
      %dma_wait3A_361 = arith.constant 0 : i32
      %dma_wait3A_362 = tpu.memref_slice %arg7[%dma_wait3A_359, %dma_wait3A_360, %dma_wait3A_361] : memref<16x80x32xf32, #tpu.memory_space<vmem>> -> memref<1x80x32xf32, #tpu.memory_space<vmem>>
      %dma_wait3A_363 = tpu.memref_squeeze %dma_wait3A_362 : memref<1x80x32xf32, #tpu.memory_space<vmem>> -> memref<80x32xf32, #tpu.memory_space<vmem>>
      %dma_wait3A_364 = arith.constant 0 : i32
      %dma_wait3A_365 = tpu.memref_slice %arg5[%multiple_of3A_358, %dma_wait3A_364] : memref<320000x32xf32, #tpu.memory_space<hbm>> -> memref<80x32xf32, #tpu.memory_space<hbm>>
      %dma_wait3A_366 = arith.constant 0 : i32
      %dma_wait3A_367 = tpu.memref_slice %arg5[%multiple_of3A_358, %dma_wait3A_366] : memref<320000x32xf32, #tpu.memory_space<hbm>> -> memref<80x32xf32, #tpu.memory_space<hbm>>
      %dma_wait3A_368 = arith.constant 0 : i32
      %dma_wait3A_369 = arith.constant 0 : i32
      %dma_wait3A_370 = tpu.memref_slice %arg7[%dma_wait3A_359, %dma_wait3A_368, %dma_wait3A_369] : memref<16x80x32xf32, #tpu.memory_space<vmem>> -> memref<1x80x32xf32, #tpu.memory_space<vmem>>
      %dma_wait3A_371 = tpu.memref_squeeze %dma_wait3A_370 : memref<1x80x32xf32, #tpu.memory_space<vmem>> -> memref<80x32xf32, #tpu.memory_space<vmem>>
      tpu.wait_dma2 semaphore(%arg9 : memref<!tpu.dma_semaphore, #tpu.memory_space<semaphore_mem>>) src(%dma_wait3A_371 : memref<80x32xf32, #tpu.memory_space<vmem>>) dst(%dma_wait3A_367 : memref<80x32xf32, #tpu.memory_space<hbm>>)
      %add3A_372 = arith.constant 9920 : i32
      %add3A_373 = arith.addi %add3A_11, %add3A_372 : i32
      %multiple_of3A_374 = tpu.assume_multiple %add3A_373, 8 : i32
      %dma_wait3A_375 = arith.constant 0 : i32
      %dma_wait3A_376 = arith.constant 0 : i32
      %dma_wait3A_377 = arith.constant 0 : i32
      %dma_wait3A_378 = tpu.memref_slice %arg7[%dma_wait3A_375, %dma_wait3A_376, %dma_wait3A_377] : memref<16x80x32xf32, #tpu.memory_space<vmem>> -> memref<1x80x32xf32, #tpu.memory_space<vmem>>
      %dma_wait3A_379 = tpu.memref_squeeze %dma_wait3A_378 : memref<1x80x32xf32, #tpu.memory_space<vmem>> -> memref<80x32xf32, #tpu.memory_space<vmem>>
      %dma_wait3A_380 = arith.constant 0 : i32
      %dma_wait3A_381 = tpu.memref_slice %arg5[%multiple_of3A_374, %dma_wait3A_380] : memref<320000x32xf32, #tpu.memory_space<hbm>> -> memref<80x32xf32, #tpu.memory_space<hbm>>
      %dma_wait3A_382 = arith.constant 0 : i32
      %dma_wait3A_383 = tpu.memref_slice %arg5[%multiple_of3A_374, %dma_wait3A_382] : memref<320000x32xf32, #tpu.memory_space<hbm>> -> memref<80x32xf32, #tpu.memory_space<hbm>>
      %dma_wait3A_384 = arith.constant 0 : i32
      %dma_wait3A_385 = arith.constant 0 : i32
      %dma_wait3A_386 = tpu.memref_slice %arg7[%dma_wait3A_375, %dma_wait3A_384, %dma_wait3A_385] : memref<16x80x32xf32, #tpu.memory_space<vmem>> -> memref<1x80x32xf32, #tpu.memory_space<vmem>>
      %dma_wait3A_387 = tpu.memref_squeeze %dma_wait3A_386 : memref<1x80x32xf32, #tpu.memory_space<vmem>> -> memref<80x32xf32, #tpu.memory_space<vmem>>
      tpu.wait_dma2 semaphore(%arg9 : memref<!tpu.dma_semaphore, #tpu.memory_space<semaphore_mem>>) src(%dma_wait3A_387 : memref<80x32xf32, #tpu.memory_space<vmem>>) dst(%dma_wait3A_383 : memref<80x32xf32, #tpu.memory_space<hbm>>)
      %add3A_388 = arith.constant 9920 : i32
      %add3A_389 = arith.addi %add3A_11, %add3A_388 : i32
      %multiple_of3A_390 = tpu.assume_multiple %add3A_389, 8 : i32
      %dma_wait3A_391 = arith.constant 0 : i32
      %dma_wait3A_392 = arith.constant 0 : i32
      %dma_wait3A_393 = arith.constant 0 : i32
      %dma_wait3A_394 = tpu.memref_slice %arg7[%dma_wait3A_391, %dma_wait3A_392, %dma_wait3A_393] : memref<16x80x32xf32, #tpu.memory_space<vmem>> -> memref<1x80x32xf32, #tpu.memory_space<vmem>>
      %dma_wait3A_395 = tpu.memref_squeeze %dma_wait3A_394 : memref<1x80x32xf32, #tpu.memory_space<vmem>> -> memref<80x32xf32, #tpu.memory_space<vmem>>
      %dma_wait3A_396 = arith.constant 0 : i32
      %dma_wait3A_397 = tpu.memref_slice %arg5[%multiple_of3A_390, %dma_wait3A_396] : memref<320000x32xf32, #tpu.memory_space<hbm>> -> memref<80x32xf32, #tpu.memory_space<hbm>>
      %dma_wait3A_398 = arith.constant 0 : i32
      %dma_wait3A_399 = tpu.memref_slice %arg5[%multiple_of3A_390, %dma_wait3A_398] : memref<320000x32xf32, #tpu.memory_space<hbm>> -> memref<80x32xf32, #tpu.memory_space<hbm>>
      %dma_wait3A_400 = arith.constant 0 : i32
      %dma_wait3A_401 = arith.constant 0 : i32
      %dma_wait3A_402 = tpu.memref_slice %arg7[%dma_wait3A_391, %dma_wait3A_400, %dma_wait3A_401] : memref<16x80x32xf32, #tpu.memory_space<vmem>> -> memref<1x80x32xf32, #tpu.memory_space<vmem>>
      %dma_wait3A_403 = tpu.memref_squeeze %dma_wait3A_402 : memref<1x80x32xf32, #tpu.memory_space<vmem>> -> memref<80x32xf32, #tpu.memory_space<vmem>>
      tpu.wait_dma2 semaphore(%arg9 : memref<!tpu.dma_semaphore, #tpu.memory_space<semaphore_mem>>) src(%dma_wait3A_403 : memref<80x32xf32, #tpu.memory_space<vmem>>) dst(%dma_wait3A_399 : memref<80x32xf32, #tpu.memory_space<hbm>>)
      %add3A_404 = arith.constant 9920 : i32
      %add3A_405 = arith.addi %add3A_11, %add3A_404 : i32
      %multiple_of3A_406 = tpu.assume_multiple %add3A_405, 8 : i32
      %dma_wait3A_407 = arith.constant 0 : i32
      %dma_wait3A_408 = arith.constant 0 : i32
      %dma_wait3A_409 = arith.constant 0 : i32
      %dma_wait3A_410 = tpu.memref_slice %arg7[%dma_wait3A_407, %dma_wait3A_408, %dma_wait3A_409] : memref<16x80x32xf32, #tpu.memory_space<vmem>> -> memref<1x80x32xf32, #tpu.memory_space<vmem>>
      %dma_wait3A_411 = tpu.memref_squeeze %dma_wait3A_410 : memref<1x80x32xf32, #tpu.memory_space<vmem>> -> memref<80x32xf32, #tpu.memory_space<vmem>>
      %dma_wait3A_412 = arith.constant 0 : i32
      %dma_wait3A_413 = tpu.memref_slice %arg5[%multiple_of3A_406, %dma_wait3A_412] : memref<320000x32xf32, #tpu.memory_space<hbm>> -> memref<80x32xf32, #tpu.memory_space<hbm>>
      %dma_wait3A_414 = arith.constant 0 : i32
      %dma_wait3A_415 = tpu.memref_slice %arg5[%multiple_of3A_406, %dma_wait3A_414] : memref<320000x32xf32, #tpu.memory_space<hbm>> -> memref<80x32xf32, #tpu.memory_space<hbm>>
      %dma_wait3A_416 = arith.constant 0 : i32
      %dma_wait3A_417 = arith.constant 0 : i32
      %dma_wait3A_418 = tpu.memref_slice %arg7[%dma_wait3A_407, %dma_wait3A_416, %dma_wait3A_417] : memref<16x80x32xf32, #tpu.memory_space<vmem>> -> memref<1x80x32xf32, #tpu.memory_space<vmem>>
      %dma_wait3A_419 = tpu.memref_squeeze %dma_wait3A_418 : memref<1x80x32xf32, #tpu.memory_space<vmem>> -> memref<80x32xf32, #tpu.memory_space<vmem>>
      tpu.wait_dma2 semaphore(%arg9 : memref<!tpu.dma_semaphore, #tpu.memory_space<semaphore_mem>>) src(%dma_wait3A_419 : memref<80x32xf32, #tpu.memory_space<vmem>>) dst(%dma_wait3A_415 : memref<80x32xf32, #tpu.memory_space<hbm>>)
      %add3A_420 = arith.constant 9920 : i32
      %add3A_421 = arith.addi %add3A_11, %add3A_420 : i32
      %multiple_of3A_422 = tpu.assume_multiple %add3A_421, 8 : i32
      %dma_wait3A_423 = arith.constant 0 : i32
      %dma_wait3A_424 = arith.constant 0 : i32
      %dma_wait3A_425 = arith.constant 0 : i32
      %dma_wait3A_426 = tpu.memref_slice %arg7[%dma_wait3A_423, %dma_wait3A_424, %dma_wait3A_425] : memref<16x80x32xf32, #tpu.memory_space<vmem>> -> memref<1x80x32xf32, #tpu.memory_space<vmem>>
      %dma_wait3A_427 = tpu.memref_squeeze %dma_wait3A_426 : memref<1x80x32xf32, #tpu.memory_space<vmem>> -> memref<80x32xf32, #tpu.memory_space<vmem>>
      %dma_wait3A_428 = arith.constant 0 : i32
      %dma_wait3A_429 = tpu.memref_slice %arg5[%multiple_of3A_422, %dma_wait3A_428] : memref<320000x32xf32, #tpu.memory_space<hbm>> -> memref<80x32xf32, #tpu.memory_space<hbm>>
      %dma_wait3A_430 = arith.constant 0 : i32
      %dma_wait3A_431 = tpu.memref_slice %arg5[%multiple_of3A_422, %dma_wait3A_430] : memref<320000x32xf32, #tpu.memory_space<hbm>> -> memref<80x32xf32, #tpu.memory_space<hbm>>
      %dma_wait3A_432 = arith.constant 0 : i32
      %dma_wait3A_433 = arith.constant 0 : i32
      %dma_wait3A_434 = tpu.memref_slice %arg7[%dma_wait3A_423, %dma_wait3A_432, %dma_wait3A_433] : memref<16x80x32xf32, #tpu.memory_space<vmem>> -> memref<1x80x32xf32, #tpu.memory_space<vmem>>
      %dma_wait3A_435 = tpu.memref_squeeze %dma_wait3A_434 : memref<1x80x32xf32, #tpu.memory_space<vmem>> -> memref<80x32xf32, #tpu.memory_space<vmem>>
      tpu.wait_dma2 semaphore(%arg9 : memref<!tpu.dma_semaphore, #tpu.memory_space<semaphore_mem>>) src(%dma_wait3A_435 : memref<80x32xf32, #tpu.memory_space<vmem>>) dst(%dma_wait3A_431 : memref<80x32xf32, #tpu.memory_space<hbm>>)
    } else {
    }
    return
  }
}

#map = affine_map<(d0, d1) -> (0, 0)>
module attributes {stable_mosaic.version = 14 : i64} {
  func.func @_sc_gather_body(%arg0: i32, %arg1: i32, %arg2: memref<10000x32xf32, #tpu.memory_space<hbm>>, %arg3: memref<10000x32xf32, #tpu.memory_space<hbm>>, %arg4: memref<2x160000xi32, #tpu.memory_space<hbm>>, %arg5: memref<320000x32xf32, #tpu.memory_space<hbm>>, %arg6: memref<10000xi32, #tpu.memory_space<vmem>>, %arg7: memref<16x80x32xf32, #tpu.memory_space<vmem>>, %arg8: memref<!tpu.dma_semaphore, #tpu.memory_space<semaphore_mem>>, %arg9: memref<!tpu.dma_semaphore, #tpu.memory_space<semaphore_mem>>) attributes {dimension_semantics = [#tpu.dimension_semantics<core_parallel>, #tpu.dimension_semantics<subcore_parallel>], iteration_bounds = array<i64: 2, 16>, scalar_prefetch = 0 : i64, scratch_operands = 4 : i64, tpu.core_type = #tpu.core_type<sc_vector_subcore>, window_params = [{transform_indices = #map}, {transform_indices = #map}, {transform_indices = #map}, {transform_indices = #map}]} {
    %mul3A = arith.constant 2 : i32
    %mul3A_0 = arith.muli %arg1, %mul3A : i32
    %add3A = arith.addi %mul3A_0, %arg0 : i32
    %rem3A = arith.constant 16 : i32
    %rem3A_1 = arith.remsi %add3A, %rem3A : i32
    %mul3A_2 = arith.constant 10000 : i32
    %mul3A_3 = arith.muli %rem3A_1, %mul3A_2 : i32
    %lt3A = arith.constant 16 : i32
    %lt3A_4 = arith.cmpi slt, %add3A, %lt3A : i32
    %convert_element_type3A = arith.extui %lt3A_4 : i1 to i32
    %cond3A = arith.constant 0 : i32
    %cond3A_5 = arith.cmpi ne, %convert_element_type3A, %cond3A : i32
    scf.if %cond3A_5 {
      %run_scoped3A = arith.constant 0 : i32
      "tpu.region"() ({
        %run_scoped3A_434 = tpu.sem_alloc : memref<!tpu.dma_semaphore, #tpu.memory_space<semaphore_mem>>
        %dma_start3A_435 = tpu.memref_slice %arg4[%run_scoped3A, %mul3A_3] : memref<2x160000xi32, #tpu.memory_space<hbm>> -> memref<1x10000xi32, #tpu.memory_space<hbm>>
        %dma_start3A_436 = tpu.memref_squeeze %dma_start3A_435 : memref<1x10000xi32, #tpu.memory_space<hbm>> -> memref<10000xi32, #tpu.memory_space<hbm>>
        %dma_start3A_437 = tpu.memref_slice %arg4[%run_scoped3A, %mul3A_3] : memref<2x160000xi32, #tpu.memory_space<hbm>> -> memref<1x10000xi32, #tpu.memory_space<hbm>>
        %dma_start3A_438 = tpu.memref_squeeze %dma_start3A_437 : memref<1x10000xi32, #tpu.memory_space<hbm>> -> memref<10000xi32, #tpu.memory_space<hbm>>
        tpu.enqueue_dma source(%dma_start3A_438 : memref<10000xi32, #tpu.memory_space<hbm>>) target(%arg6 : memref<10000xi32, #tpu.memory_space<vmem>>) target_semaphore(%run_scoped3A_434 : memref<!tpu.dma_semaphore, #tpu.memory_space<semaphore_mem>>)
        %dma_wait3A_439 = tpu.memref_slice %arg4[%run_scoped3A, %mul3A_3] : memref<2x160000xi32, #tpu.memory_space<hbm>> -> memref<1x10000xi32, #tpu.memory_space<hbm>>
        %dma_wait3A_440 = tpu.memref_squeeze %dma_wait3A_439 : memref<1x10000xi32, #tpu.memory_space<hbm>> -> memref<10000xi32, #tpu.memory_space<hbm>>
        %dma_wait3A_441 = tpu.memref_slice %arg4[%run_scoped3A, %mul3A_3] : memref<2x160000xi32, #tpu.memory_space<hbm>> -> memref<1x10000xi32, #tpu.memory_space<hbm>>
        %dma_wait3A_442 = tpu.memref_squeeze %dma_wait3A_441 : memref<1x10000xi32, #tpu.memory_space<hbm>> -> memref<10000xi32, #tpu.memory_space<hbm>>
        tpu.wait_dma2 semaphore(%run_scoped3A_434 : memref<!tpu.dma_semaphore, #tpu.memory_space<semaphore_mem>>) src(%dma_wait3A_442 : memref<10000xi32, #tpu.memory_space<hbm>>) dst(%arg6 : memref<10000xi32, #tpu.memory_space<vmem>>)
        tpu.yield
      }) : () -> ()
      %multiple_of3A = arith.constant 0 : i32
      %multiple_of3A_10 = tpu.assume_multiple %multiple_of3A, 8 : i32
      %dma_start3A = arith.constant 0 : i32
      %dma_start3A_11 = arith.constant 0 : i32
      %dma_start3A_12 = arith.constant 0 : i32
      %dma_start3A_13 = tpu.memref_slice %arg7[%dma_start3A, %dma_start3A_11, %dma_start3A_12] : memref<16x80x32xf32, #tpu.memory_space<vmem>> -> memref<1x80x32xf32, #tpu.memory_space<vmem>>
      %dma_start3A_14 = tpu.memref_squeeze %dma_start3A_13 : memref<1x80x32xf32, #tpu.memory_space<vmem>> -> memref<80x32xf32, #tpu.memory_space<vmem>>
      %dma_start3A_15 = tpu.memref_slice %arg6[%multiple_of3A_10] : memref<10000xi32, #tpu.memory_space<vmem>> -> memref<80xi32, #tpu.memory_space<vmem>>
      %dma_start3A_16 = arith.constant 0 : i32
      %dma_start3A_17 = arith.constant 0 : i32
      %dma_start3A_18 = tpu.memref_slice %arg2[%dma_start3A_16, %dma_start3A_17] : memref<10000x32xf32, #tpu.memory_space<hbm>> -> memref<10000x32xf32, #tpu.memory_space<hbm>>
      tpu.enqueue_indirect_dma source(%dma_start3A_18 : memref<10000x32xf32, #tpu.memory_space<hbm>>) target(%dma_start3A_14 : memref<80x32xf32, #tpu.memory_space<vmem>>) offsets(%dma_start3A_15 : memref<80xi32, #tpu.memory_space<vmem>>) semaphore(%arg8 : memref<!tpu.dma_semaphore, #tpu.memory_space<semaphore_mem>>)
      %multiple_of3A_19 = arith.constant 80 : i32
      %multiple_of3A_20 = tpu.assume_multiple %multiple_of3A_19, 8 : i32
      %dma_start3A_21 = arith.constant 1 : i32
      %dma_start3A_22 = arith.constant 0 : i32
      %dma_start3A_23 = arith.constant 0 : i32
      %dma_start3A_24 = tpu.memref_slice %arg7[%dma_start3A_21, %dma_start3A_22, %dma_start3A_23] : memref<16x80x32xf32, #tpu.memory_space<vmem>> -> memref<1x80x32xf32, #tpu.memory_space<vmem>>
      %dma_start3A_25 = tpu.memref_squeeze %dma_start3A_24 : memref<1x80x32xf32, #tpu.memory_space<vmem>> -> memref<80x32xf32, #tpu.memory_space<vmem>>
      %dma_start3A_26 = tpu.memref_slice %arg6[%multiple_of3A_20] : memref<10000xi32, #tpu.memory_space<vmem>> -> memref<80xi32, #tpu.memory_space<vmem>>
      %dma_start3A_27 = arith.constant 0 : i32
      %dma_start3A_28 = arith.constant 0 : i32
      %dma_start3A_29 = tpu.memref_slice %arg2[%dma_start3A_27, %dma_start3A_28] : memref<10000x32xf32, #tpu.memory_space<hbm>> -> memref<10000x32xf32, #tpu.memory_space<hbm>>
      tpu.enqueue_indirect_dma source(%dma_start3A_29 : memref<10000x32xf32, #tpu.memory_space<hbm>>) target(%dma_start3A_25 : memref<80x32xf32, #tpu.memory_space<vmem>>) offsets(%dma_start3A_26 : memref<80xi32, #tpu.memory_space<vmem>>) semaphore(%arg8 : memref<!tpu.dma_semaphore, #tpu.memory_space<semaphore_mem>>)
      %multiple_of3A_30 = arith.constant 160 : i32
      %multiple_of3A_31 = tpu.assume_multiple %multiple_of3A_30, 8 : i32
      %dma_start3A_32 = arith.constant 2 : i32
      %dma_start3A_33 = arith.constant 0 : i32
      %dma_start3A_34 = arith.constant 0 : i32
      %dma_start3A_35 = tpu.memref_slice %arg7[%dma_start3A_32, %dma_start3A_33, %dma_start3A_34] : memref<16x80x32xf32, #tpu.memory_space<vmem>> -> memref<1x80x32xf32, #tpu.memory_space<vmem>>
      %dma_start3A_36 = tpu.memref_squeeze %dma_start3A_35 : memref<1x80x32xf32, #tpu.memory_space<vmem>> -> memref<80x32xf32, #tpu.memory_space<vmem>>
      %dma_start3A_37 = tpu.memref_slice %arg6[%multiple_of3A_31] : memref<10000xi32, #tpu.memory_space<vmem>> -> memref<80xi32, #tpu.memory_space<vmem>>
      %dma_start3A_38 = arith.constant 0 : i32
      %dma_start3A_39 = arith.constant 0 : i32
      %dma_start3A_40 = tpu.memref_slice %arg2[%dma_start3A_38, %dma_start3A_39] : memref<10000x32xf32, #tpu.memory_space<hbm>> -> memref<10000x32xf32, #tpu.memory_space<hbm>>
      tpu.enqueue_indirect_dma source(%dma_start3A_40 : memref<10000x32xf32, #tpu.memory_space<hbm>>) target(%dma_start3A_36 : memref<80x32xf32, #tpu.memory_space<vmem>>) offsets(%dma_start3A_37 : memref<80xi32, #tpu.memory_space<vmem>>) semaphore(%arg8 : memref<!tpu.dma_semaphore, #tpu.memory_space<semaphore_mem>>)
      %multiple_of3A_41 = arith.constant 240 : i32
      %multiple_of3A_42 = tpu.assume_multiple %multiple_of3A_41, 8 : i32
      %dma_start3A_43 = arith.constant 3 : i32
      %dma_start3A_44 = arith.constant 0 : i32
      %dma_start3A_45 = arith.constant 0 : i32
      %dma_start3A_46 = tpu.memref_slice %arg7[%dma_start3A_43, %dma_start3A_44, %dma_start3A_45] : memref<16x80x32xf32, #tpu.memory_space<vmem>> -> memref<1x80x32xf32, #tpu.memory_space<vmem>>
      %dma_start3A_47 = tpu.memref_squeeze %dma_start3A_46 : memref<1x80x32xf32, #tpu.memory_space<vmem>> -> memref<80x32xf32, #tpu.memory_space<vmem>>
      %dma_start3A_48 = tpu.memref_slice %arg6[%multiple_of3A_42] : memref<10000xi32, #tpu.memory_space<vmem>> -> memref<80xi32, #tpu.memory_space<vmem>>
      %dma_start3A_49 = arith.constant 0 : i32
      %dma_start3A_50 = arith.constant 0 : i32
      %dma_start3A_51 = tpu.memref_slice %arg2[%dma_start3A_49, %dma_start3A_50] : memref<10000x32xf32, #tpu.memory_space<hbm>> -> memref<10000x32xf32, #tpu.memory_space<hbm>>
      tpu.enqueue_indirect_dma source(%dma_start3A_51 : memref<10000x32xf32, #tpu.memory_space<hbm>>) target(%dma_start3A_47 : memref<80x32xf32, #tpu.memory_space<vmem>>) offsets(%dma_start3A_48 : memref<80xi32, #tpu.memory_space<vmem>>) semaphore(%arg8 : memref<!tpu.dma_semaphore, #tpu.memory_space<semaphore_mem>>)
      %multiple_of3A_52 = arith.constant 320 : i32
      %multiple_of3A_53 = tpu.assume_multiple %multiple_of3A_52, 8 : i32
      %dma_start3A_54 = arith.constant 4 : i32
      %dma_start3A_55 = arith.constant 0 : i32
      %dma_start3A_56 = arith.constant 0 : i32
      %dma_start3A_57 = tpu.memref_slice %arg7[%dma_start3A_54, %dma_start3A_55, %dma_start3A_56] : memref<16x80x32xf32, #tpu.memory_space<vmem>> -> memref<1x80x32xf32, #tpu.memory_space<vmem>>
      %dma_start3A_58 = tpu.memref_squeeze %dma_start3A_57 : memref<1x80x32xf32, #tpu.memory_space<vmem>> -> memref<80x32xf32, #tpu.memory_space<vmem>>
      %dma_start3A_59 = tpu.memref_slice %arg6[%multiple_of3A_53] : memref<10000xi32, #tpu.memory_space<vmem>> -> memref<80xi32, #tpu.memory_space<vmem>>
      %dma_start3A_60 = arith.constant 0 : i32
      %dma_start3A_61 = arith.constant 0 : i32
      %dma_start3A_62 = tpu.memref_slice %arg2[%dma_start3A_60, %dma_start3A_61] : memref<10000x32xf32, #tpu.memory_space<hbm>> -> memref<10000x32xf32, #tpu.memory_space<hbm>>
      tpu.enqueue_indirect_dma source(%dma_start3A_62 : memref<10000x32xf32, #tpu.memory_space<hbm>>) target(%dma_start3A_58 : memref<80x32xf32, #tpu.memory_space<vmem>>) offsets(%dma_start3A_59 : memref<80xi32, #tpu.memory_space<vmem>>) semaphore(%arg8 : memref<!tpu.dma_semaphore, #tpu.memory_space<semaphore_mem>>)
      %multiple_of3A_63 = arith.constant 400 : i32
      %multiple_of3A_64 = tpu.assume_multiple %multiple_of3A_63, 8 : i32
      %dma_start3A_65 = arith.constant 5 : i32
      %dma_start3A_66 = arith.constant 0 : i32
      %dma_start3A_67 = arith.constant 0 : i32
      %dma_start3A_68 = tpu.memref_slice %arg7[%dma_start3A_65, %dma_start3A_66, %dma_start3A_67] : memref<16x80x32xf32, #tpu.memory_space<vmem>> -> memref<1x80x32xf32, #tpu.memory_space<vmem>>
      %dma_start3A_69 = tpu.memref_squeeze %dma_start3A_68 : memref<1x80x32xf32, #tpu.memory_space<vmem>> -> memref<80x32xf32, #tpu.memory_space<vmem>>
      %dma_start3A_70 = tpu.memref_slice %arg6[%multiple_of3A_64] : memref<10000xi32, #tpu.memory_space<vmem>> -> memref<80xi32, #tpu.memory_space<vmem>>
      %dma_start3A_71 = arith.constant 0 : i32
      %dma_start3A_72 = arith.constant 0 : i32
      %dma_start3A_73 = tpu.memref_slice %arg2[%dma_start3A_71, %dma_start3A_72] : memref<10000x32xf32, #tpu.memory_space<hbm>> -> memref<10000x32xf32, #tpu.memory_space<hbm>>
      tpu.enqueue_indirect_dma source(%dma_start3A_73 : memref<10000x32xf32, #tpu.memory_space<hbm>>) target(%dma_start3A_69 : memref<80x32xf32, #tpu.memory_space<vmem>>) offsets(%dma_start3A_70 : memref<80xi32, #tpu.memory_space<vmem>>) semaphore(%arg8 : memref<!tpu.dma_semaphore, #tpu.memory_space<semaphore_mem>>)
      %multiple_of3A_74 = arith.constant 480 : i32
      %multiple_of3A_75 = tpu.assume_multiple %multiple_of3A_74, 8 : i32
      %dma_start3A_76 = arith.constant 6 : i32
      %dma_start3A_77 = arith.constant 0 : i32
      %dma_start3A_78 = arith.constant 0 : i32
      %dma_start3A_79 = tpu.memref_slice %arg7[%dma_start3A_76, %dma_start3A_77, %dma_start3A_78] : memref<16x80x32xf32, #tpu.memory_space<vmem>> -> memref<1x80x32xf32, #tpu.memory_space<vmem>>
      %dma_start3A_80 = tpu.memref_squeeze %dma_start3A_79 : memref<1x80x32xf32, #tpu.memory_space<vmem>> -> memref<80x32xf32, #tpu.memory_space<vmem>>
      %dma_start3A_81 = tpu.memref_slice %arg6[%multiple_of3A_75] : memref<10000xi32, #tpu.memory_space<vmem>> -> memref<80xi32, #tpu.memory_space<vmem>>
      %dma_start3A_82 = arith.constant 0 : i32
      %dma_start3A_83 = arith.constant 0 : i32
      %dma_start3A_84 = tpu.memref_slice %arg2[%dma_start3A_82, %dma_start3A_83] : memref<10000x32xf32, #tpu.memory_space<hbm>> -> memref<10000x32xf32, #tpu.memory_space<hbm>>
      tpu.enqueue_indirect_dma source(%dma_start3A_84 : memref<10000x32xf32, #tpu.memory_space<hbm>>) target(%dma_start3A_80 : memref<80x32xf32, #tpu.memory_space<vmem>>) offsets(%dma_start3A_81 : memref<80xi32, #tpu.memory_space<vmem>>) semaphore(%arg8 : memref<!tpu.dma_semaphore, #tpu.memory_space<semaphore_mem>>)
      %multiple_of3A_85 = arith.constant 560 : i32
      %multiple_of3A_86 = tpu.assume_multiple %multiple_of3A_85, 8 : i32
      %dma_start3A_87 = arith.constant 7 : i32
      %dma_start3A_88 = arith.constant 0 : i32
      %dma_start3A_89 = arith.constant 0 : i32
      %dma_start3A_90 = tpu.memref_slice %arg7[%dma_start3A_87, %dma_start3A_88, %dma_start3A_89] : memref<16x80x32xf32, #tpu.memory_space<vmem>> -> memref<1x80x32xf32, #tpu.memory_space<vmem>>
      %dma_start3A_91 = tpu.memref_squeeze %dma_start3A_90 : memref<1x80x32xf32, #tpu.memory_space<vmem>> -> memref<80x32xf32, #tpu.memory_space<vmem>>
      %dma_start3A_92 = tpu.memref_slice %arg6[%multiple_of3A_86] : memref<10000xi32, #tpu.memory_space<vmem>> -> memref<80xi32, #tpu.memory_space<vmem>>
      %dma_start3A_93 = arith.constant 0 : i32
      %dma_start3A_94 = arith.constant 0 : i32
      %dma_start3A_95 = tpu.memref_slice %arg2[%dma_start3A_93, %dma_start3A_94] : memref<10000x32xf32, #tpu.memory_space<hbm>> -> memref<10000x32xf32, #tpu.memory_space<hbm>>
      tpu.enqueue_indirect_dma source(%dma_start3A_95 : memref<10000x32xf32, #tpu.memory_space<hbm>>) target(%dma_start3A_91 : memref<80x32xf32, #tpu.memory_space<vmem>>) offsets(%dma_start3A_92 : memref<80xi32, #tpu.memory_space<vmem>>) semaphore(%arg8 : memref<!tpu.dma_semaphore, #tpu.memory_space<semaphore_mem>>)
      %multiple_of3A_96 = arith.constant 640 : i32
      %multiple_of3A_97 = tpu.assume_multiple %multiple_of3A_96, 8 : i32
      %dma_start3A_98 = arith.constant 8 : i32
      %dma_start3A_99 = arith.constant 0 : i32
      %dma_start3A_100 = arith.constant 0 : i32
      %dma_start3A_101 = tpu.memref_slice %arg7[%dma_start3A_98, %dma_start3A_99, %dma_start3A_100] : memref<16x80x32xf32, #tpu.memory_space<vmem>> -> memref<1x80x32xf32, #tpu.memory_space<vmem>>
      %dma_start3A_102 = tpu.memref_squeeze %dma_start3A_101 : memref<1x80x32xf32, #tpu.memory_space<vmem>> -> memref<80x32xf32, #tpu.memory_space<vmem>>
      %dma_start3A_103 = tpu.memref_slice %arg6[%multiple_of3A_97] : memref<10000xi32, #tpu.memory_space<vmem>> -> memref<80xi32, #tpu.memory_space<vmem>>
      %dma_start3A_104 = arith.constant 0 : i32
      %dma_start3A_105 = arith.constant 0 : i32
      %dma_start3A_106 = tpu.memref_slice %arg2[%dma_start3A_104, %dma_start3A_105] : memref<10000x32xf32, #tpu.memory_space<hbm>> -> memref<10000x32xf32, #tpu.memory_space<hbm>>
      tpu.enqueue_indirect_dma source(%dma_start3A_106 : memref<10000x32xf32, #tpu.memory_space<hbm>>) target(%dma_start3A_102 : memref<80x32xf32, #tpu.memory_space<vmem>>) offsets(%dma_start3A_103 : memref<80xi32, #tpu.memory_space<vmem>>) semaphore(%arg8 : memref<!tpu.dma_semaphore, #tpu.memory_space<semaphore_mem>>)
      %multiple_of3A_107 = arith.constant 720 : i32
      %multiple_of3A_108 = tpu.assume_multiple %multiple_of3A_107, 8 : i32
      %dma_start3A_109 = arith.constant 9 : i32
      %dma_start3A_110 = arith.constant 0 : i32
      %dma_start3A_111 = arith.constant 0 : i32
      %dma_start3A_112 = tpu.memref_slice %arg7[%dma_start3A_109, %dma_start3A_110, %dma_start3A_111] : memref<16x80x32xf32, #tpu.memory_space<vmem>> -> memref<1x80x32xf32, #tpu.memory_space<vmem>>
      %dma_start3A_113 = tpu.memref_squeeze %dma_start3A_112 : memref<1x80x32xf32, #tpu.memory_space<vmem>> -> memref<80x32xf32, #tpu.memory_space<vmem>>
      %dma_start3A_114 = tpu.memref_slice %arg6[%multiple_of3A_108] : memref<10000xi32, #tpu.memory_space<vmem>> -> memref<80xi32, #tpu.memory_space<vmem>>
      %dma_start3A_115 = arith.constant 0 : i32
      %dma_start3A_116 = arith.constant 0 : i32
      %dma_start3A_117 = tpu.memref_slice %arg2[%dma_start3A_115, %dma_start3A_116] : memref<10000x32xf32, #tpu.memory_space<hbm>> -> memref<10000x32xf32, #tpu.memory_space<hbm>>
      tpu.enqueue_indirect_dma source(%dma_start3A_117 : memref<10000x32xf32, #tpu.memory_space<hbm>>) target(%dma_start3A_113 : memref<80x32xf32, #tpu.memory_space<vmem>>) offsets(%dma_start3A_114 : memref<80xi32, #tpu.memory_space<vmem>>) semaphore(%arg8 : memref<!tpu.dma_semaphore, #tpu.memory_space<semaphore_mem>>)
      %multiple_of3A_118 = arith.constant 800 : i32
      %multiple_of3A_119 = tpu.assume_multiple %multiple_of3A_118, 8 : i32
      %dma_start3A_120 = arith.constant 10 : i32
      %dma_start3A_121 = arith.constant 0 : i32
      %dma_start3A_122 = arith.constant 0 : i32
      %dma_start3A_123 = tpu.memref_slice %arg7[%dma_start3A_120, %dma_start3A_121, %dma_start3A_122] : memref<16x80x32xf32, #tpu.memory_space<vmem>> -> memref<1x80x32xf32, #tpu.memory_space<vmem>>
      %dma_start3A_124 = tpu.memref_squeeze %dma_start3A_123 : memref<1x80x32xf32, #tpu.memory_space<vmem>> -> memref<80x32xf32, #tpu.memory_space<vmem>>
      %dma_start3A_125 = tpu.memref_slice %arg6[%multiple_of3A_119] : memref<10000xi32, #tpu.memory_space<vmem>> -> memref<80xi32, #tpu.memory_space<vmem>>
      %dma_start3A_126 = arith.constant 0 : i32
      %dma_start3A_127 = arith.constant 0 : i32
      %dma_start3A_128 = tpu.memref_slice %arg2[%dma_start3A_126, %dma_start3A_127] : memref<10000x32xf32, #tpu.memory_space<hbm>> -> memref<10000x32xf32, #tpu.memory_space<hbm>>
      tpu.enqueue_indirect_dma source(%dma_start3A_128 : memref<10000x32xf32, #tpu.memory_space<hbm>>) target(%dma_start3A_124 : memref<80x32xf32, #tpu.memory_space<vmem>>) offsets(%dma_start3A_125 : memref<80xi32, #tpu.memory_space<vmem>>) semaphore(%arg8 : memref<!tpu.dma_semaphore, #tpu.memory_space<semaphore_mem>>)
      %multiple_of3A_129 = arith.constant 880 : i32
      %multiple_of3A_130 = tpu.assume_multiple %multiple_of3A_129, 8 : i32
      %dma_start3A_131 = arith.constant 11 : i32
      %dma_start3A_132 = arith.constant 0 : i32
      %dma_start3A_133 = arith.constant 0 : i32
      %dma_start3A_134 = tpu.memref_slice %arg7[%dma_start3A_131, %dma_start3A_132, %dma_start3A_133] : memref<16x80x32xf32, #tpu.memory_space<vmem>> -> memref<1x80x32xf32, #tpu.memory_space<vmem>>
      %dma_start3A_135 = tpu.memref_squeeze %dma_start3A_134 : memref<1x80x32xf32, #tpu.memory_space<vmem>> -> memref<80x32xf32, #tpu.memory_space<vmem>>
      %dma_start3A_136 = tpu.memref_slice %arg6[%multiple_of3A_130] : memref<10000xi32, #tpu.memory_space<vmem>> -> memref<80xi32, #tpu.memory_space<vmem>>
      %dma_start3A_137 = arith.constant 0 : i32
      %dma_start3A_138 = arith.constant 0 : i32
      %dma_start3A_139 = tpu.memref_slice %arg2[%dma_start3A_137, %dma_start3A_138] : memref<10000x32xf32, #tpu.memory_space<hbm>> -> memref<10000x32xf32, #tpu.memory_space<hbm>>
      tpu.enqueue_indirect_dma source(%dma_start3A_139 : memref<10000x32xf32, #tpu.memory_space<hbm>>) target(%dma_start3A_135 : memref<80x32xf32, #tpu.memory_space<vmem>>) offsets(%dma_start3A_136 : memref<80xi32, #tpu.memory_space<vmem>>) semaphore(%arg8 : memref<!tpu.dma_semaphore, #tpu.memory_space<semaphore_mem>>)
      %multiple_of3A_140 = arith.constant 960 : i32
      %multiple_of3A_141 = tpu.assume_multiple %multiple_of3A_140, 8 : i32
      %dma_start3A_142 = arith.constant 12 : i32
      %dma_start3A_143 = arith.constant 0 : i32
      %dma_start3A_144 = arith.constant 0 : i32
      %dma_start3A_145 = tpu.memref_slice %arg7[%dma_start3A_142, %dma_start3A_143, %dma_start3A_144] : memref<16x80x32xf32, #tpu.memory_space<vmem>> -> memref<1x80x32xf32, #tpu.memory_space<vmem>>
      %dma_start3A_146 = tpu.memref_squeeze %dma_start3A_145 : memref<1x80x32xf32, #tpu.memory_space<vmem>> -> memref<80x32xf32, #tpu.memory_space<vmem>>
      %dma_start3A_147 = tpu.memref_slice %arg6[%multiple_of3A_141] : memref<10000xi32, #tpu.memory_space<vmem>> -> memref<80xi32, #tpu.memory_space<vmem>>
      %dma_start3A_148 = arith.constant 0 : i32
      %dma_start3A_149 = arith.constant 0 : i32
      %dma_start3A_150 = tpu.memref_slice %arg2[%dma_start3A_148, %dma_start3A_149] : memref<10000x32xf32, #tpu.memory_space<hbm>> -> memref<10000x32xf32, #tpu.memory_space<hbm>>
      tpu.enqueue_indirect_dma source(%dma_start3A_150 : memref<10000x32xf32, #tpu.memory_space<hbm>>) target(%dma_start3A_146 : memref<80x32xf32, #tpu.memory_space<vmem>>) offsets(%dma_start3A_147 : memref<80xi32, #tpu.memory_space<vmem>>) semaphore(%arg8 : memref<!tpu.dma_semaphore, #tpu.memory_space<semaphore_mem>>)
      %multiple_of3A_151 = arith.constant 1040 : i32
      %multiple_of3A_152 = tpu.assume_multiple %multiple_of3A_151, 8 : i32
      %dma_start3A_153 = arith.constant 13 : i32
      %dma_start3A_154 = arith.constant 0 : i32
      %dma_start3A_155 = arith.constant 0 : i32
      %dma_start3A_156 = tpu.memref_slice %arg7[%dma_start3A_153, %dma_start3A_154, %dma_start3A_155] : memref<16x80x32xf32, #tpu.memory_space<vmem>> -> memref<1x80x32xf32, #tpu.memory_space<vmem>>
      %dma_start3A_157 = tpu.memref_squeeze %dma_start3A_156 : memref<1x80x32xf32, #tpu.memory_space<vmem>> -> memref<80x32xf32, #tpu.memory_space<vmem>>
      %dma_start3A_158 = tpu.memref_slice %arg6[%multiple_of3A_152] : memref<10000xi32, #tpu.memory_space<vmem>> -> memref<80xi32, #tpu.memory_space<vmem>>
      %dma_start3A_159 = arith.constant 0 : i32
      %dma_start3A_160 = arith.constant 0 : i32
      %dma_start3A_161 = tpu.memref_slice %arg2[%dma_start3A_159, %dma_start3A_160] : memref<10000x32xf32, #tpu.memory_space<hbm>> -> memref<10000x32xf32, #tpu.memory_space<hbm>>
      tpu.enqueue_indirect_dma source(%dma_start3A_161 : memref<10000x32xf32, #tpu.memory_space<hbm>>) target(%dma_start3A_157 : memref<80x32xf32, #tpu.memory_space<vmem>>) offsets(%dma_start3A_158 : memref<80xi32, #tpu.memory_space<vmem>>) semaphore(%arg8 : memref<!tpu.dma_semaphore, #tpu.memory_space<semaphore_mem>>)
      %multiple_of3A_162 = arith.constant 1120 : i32
      %multiple_of3A_163 = tpu.assume_multiple %multiple_of3A_162, 8 : i32
      %dma_start3A_164 = arith.constant 14 : i32
      %dma_start3A_165 = arith.constant 0 : i32
      %dma_start3A_166 = arith.constant 0 : i32
      %dma_start3A_167 = tpu.memref_slice %arg7[%dma_start3A_164, %dma_start3A_165, %dma_start3A_166] : memref<16x80x32xf32, #tpu.memory_space<vmem>> -> memref<1x80x32xf32, #tpu.memory_space<vmem>>
      %dma_start3A_168 = tpu.memref_squeeze %dma_start3A_167 : memref<1x80x32xf32, #tpu.memory_space<vmem>> -> memref<80x32xf32, #tpu.memory_space<vmem>>
      %dma_start3A_169 = tpu.memref_slice %arg6[%multiple_of3A_163] : memref<10000xi32, #tpu.memory_space<vmem>> -> memref<80xi32, #tpu.memory_space<vmem>>
      %dma_start3A_170 = arith.constant 0 : i32
      %dma_start3A_171 = arith.constant 0 : i32
      %dma_start3A_172 = tpu.memref_slice %arg2[%dma_start3A_170, %dma_start3A_171] : memref<10000x32xf32, #tpu.memory_space<hbm>> -> memref<10000x32xf32, #tpu.memory_space<hbm>>
      tpu.enqueue_indirect_dma source(%dma_start3A_172 : memref<10000x32xf32, #tpu.memory_space<hbm>>) target(%dma_start3A_168 : memref<80x32xf32, #tpu.memory_space<vmem>>) offsets(%dma_start3A_169 : memref<80xi32, #tpu.memory_space<vmem>>) semaphore(%arg8 : memref<!tpu.dma_semaphore, #tpu.memory_space<semaphore_mem>>)
      %scan3A = arith.constant 0 : i32
      %scan3A_173 = arith.constant 0 : i32
      %scan3A_174 = arith.constant 125 : i32
      %scan3A_175 = arith.addi %scan3A_173, %scan3A_174 : i32
      %scan3A_176 = arith.constant 1 : i32
      %scan3A_177 = scf.for %scan3A_434 = %scan3A_173 to %scan3A_175 step %scan3A_176 iter_args(%scan3A_435 = %scan3A) -> (i32)  : i32 {
        %rem3A_436 = arith.constant 16 : i32
        %rem3A_437 = arith.remsi %scan3A_434, %rem3A_436 : i32
        %mul3A_438 = arith.constant 80 : i32
        %mul3A_439 = arith.muli %scan3A_434, %mul3A_438 : i32
        %multiple_of3A_440 = tpu.assume_multiple %mul3A_439, 8 : i32
        %dma_wait3A_441 = arith.constant 0 : i32
        %dma_wait3A_442 = arith.constant 0 : i32
        %dma_wait3A_443 = tpu.memref_slice %arg7[%rem3A_437, %dma_wait3A_441, %dma_wait3A_442] : memref<16x80x32xf32, #tpu.memory_space<vmem>> -> memref<1x80x32xf32, #tpu.memory_space<vmem>>
        %dma_wait3A_444 = tpu.memref_squeeze %dma_wait3A_443 : memref<1x80x32xf32, #tpu.memory_space<vmem>> -> memref<80x32xf32, #tpu.memory_space<vmem>>
        %dma_wait3A_445 = tpu.memref_slice %arg6[%multiple_of3A_440] : memref<10000xi32, #tpu.memory_space<vmem>> -> memref<80xi32, #tpu.memory_space<vmem>>
        %dma_wait3A_446 = arith.constant 0 : i32
        %dma_wait3A_447 = arith.constant 0 : i32
        %dma_wait3A_448 = tpu.memref_slice %arg2[%dma_wait3A_446, %dma_wait3A_447] : memref<10000x32xf32, #tpu.memory_space<hbm>> -> memref<10000x32xf32, #tpu.memory_space<hbm>>
        tpu.wait_indirect_dma semaphore(%arg8 : memref<!tpu.dma_semaphore, #tpu.memory_space<semaphore_mem>>) src(%dma_wait3A_448 : memref<10000x32xf32, #tpu.memory_space<hbm>>) dst(%dma_wait3A_444 : memref<80x32xf32, #tpu.memory_space<vmem>>)
        %mul3A_449 = arith.constant 80 : i32
        %mul3A_450 = arith.muli %scan3A_434, %mul3A_449 : i32
        %add3A_451 = arith.addi %mul3A_3, %mul3A_450 : i32
        %multiple_of3A_452 = tpu.assume_multiple %add3A_451, 8 : i32
        %dma_start3A_453 = arith.constant 0 : i32
        %dma_start3A_454 = arith.constant 0 : i32
        %dma_start3A_455 = tpu.memref_slice %arg7[%rem3A_437, %dma_start3A_453, %dma_start3A_454] : memref<16x80x32xf32, #tpu.memory_space<vmem>> -> memref<1x80x32xf32, #tpu.memory_space<vmem>>
        %dma_start3A_456 = tpu.memref_squeeze %dma_start3A_455 : memref<1x80x32xf32, #tpu.memory_space<vmem>> -> memref<80x32xf32, #tpu.memory_space<vmem>>
        %dma_start3A_457 = arith.constant 0 : i32
        %dma_start3A_458 = tpu.memref_slice %arg5[%multiple_of3A_452, %dma_start3A_457] : memref<320000x32xf32, #tpu.memory_space<hbm>> -> memref<80x32xf32, #tpu.memory_space<hbm>>
        %dma_start3A_459 = arith.constant 0 : i32
        %dma_start3A_460 = tpu.memref_slice %arg5[%multiple_of3A_452, %dma_start3A_459] : memref<320000x32xf32, #tpu.memory_space<hbm>> -> memref<80x32xf32, #tpu.memory_space<hbm>>
        %dma_start3A_461 = arith.constant 0 : i32
        %dma_start3A_462 = arith.constant 0 : i32
        %dma_start3A_463 = tpu.memref_slice %arg7[%rem3A_437, %dma_start3A_461, %dma_start3A_462] : memref<16x80x32xf32, #tpu.memory_space<vmem>> -> memref<1x80x32xf32, #tpu.memory_space<vmem>>
        %dma_start3A_464 = tpu.memref_squeeze %dma_start3A_463 : memref<1x80x32xf32, #tpu.memory_space<vmem>> -> memref<80x32xf32, #tpu.memory_space<vmem>>
        tpu.enqueue_dma source(%dma_start3A_464 : memref<80x32xf32, #tpu.memory_space<vmem>>) target(%dma_start3A_460 : memref<80x32xf32, #tpu.memory_space<hbm>>) target_semaphore(%arg9 : memref<!tpu.dma_semaphore, #tpu.memory_space<semaphore_mem>>)
        %add3A_465 = arith.constant 15 : i32
        %add3A_466 = arith.addi %scan3A_434, %add3A_465 : i32
        %lt3A_467 = arith.constant 125 : i32
        %lt3A_468 = arith.cmpi slt, %add3A_466, %lt3A_467 : i32
        %convert_element_type3A_469 = arith.extui %lt3A_468 : i1 to i32
        %cond3A_470 = arith.constant 0 : i32
        %cond3A_471 = arith.cmpi ne, %convert_element_type3A_469, %cond3A_470 : i32
        scf.if %cond3A_471 {
          %ge3A_473 = arith.constant 1 : i32
          %ge3A_474 = arith.cmpi sge, %scan3A_434, %ge3A_473 : i32
          %convert_element_type3A_475 = arith.extui %ge3A_474 : i1 to i32
          %cond3A_476 = arith.constant 0 : i32
          %cond3A_477 = arith.cmpi ne, %convert_element_type3A_475, %cond3A_476 : i32
          scf.if %cond3A_477 {
            %mul3A_495 = arith.constant 80 : i32
            %mul3A_496 = arith.muli %scan3A_434, %mul3A_495 : i32
            %add3A_497 = arith.addi %mul3A_3, %mul3A_496 : i32
            %multiple_of3A_498 = tpu.assume_multiple %add3A_497, 8 : i32
            %dma_wait3A_499 = arith.constant 0 : i32
            %dma_wait3A_500 = arith.constant 0 : i32
            %dma_wait3A_501 = arith.constant 0 : i32
            %dma_wait3A_502 = tpu.memref_slice %arg7[%dma_wait3A_499, %dma_wait3A_500, %dma_wait3A_501] : memref<16x80x32xf32, #tpu.memory_space<vmem>> -> memref<1x80x32xf32, #tpu.memory_space<vmem>>
            %dma_wait3A_503 = tpu.memref_squeeze %dma_wait3A_502 : memref<1x80x32xf32, #tpu.memory_space<vmem>> -> memref<80x32xf32, #tpu.memory_space<vmem>>
            %dma_wait3A_504 = arith.constant 0 : i32
            %dma_wait3A_505 = tpu.memref_slice %arg5[%multiple_of3A_498, %dma_wait3A_504] : memref<320000x32xf32, #tpu.memory_space<hbm>> -> memref<80x32xf32, #tpu.memory_space<hbm>>
            %dma_wait3A_506 = arith.constant 0 : i32
            %dma_wait3A_507 = tpu.memref_slice %arg5[%multiple_of3A_498, %dma_wait3A_506] : memref<320000x32xf32, #tpu.memory_space<hbm>> -> memref<80x32xf32, #tpu.memory_space<hbm>>
            %dma_wait3A_508 = arith.constant 0 : i32
            %dma_wait3A_509 = arith.constant 0 : i32
            %dma_wait3A_510 = tpu.memref_slice %arg7[%dma_wait3A_499, %dma_wait3A_508, %dma_wait3A_509] : memref<16x80x32xf32, #tpu.memory_space<vmem>> -> memref<1x80x32xf32, #tpu.memory_space<vmem>>
            %dma_wait3A_511 = tpu.memref_squeeze %dma_wait3A_510 : memref<1x80x32xf32, #tpu.memory_space<vmem>> -> memref<80x32xf32, #tpu.memory_space<vmem>>
            tpu.wait_dma2 semaphore(%arg9 : memref<!tpu.dma_semaphore, #tpu.memory_space<semaphore_mem>>) src(%dma_wait3A_511 : memref<80x32xf32, #tpu.memory_space<vmem>>) dst(%dma_wait3A_507 : memref<80x32xf32, #tpu.memory_space<hbm>>)
          } else {
          }
          %add3A_478 = arith.constant 15 : i32
          %add3A_479 = arith.addi %scan3A_434, %add3A_478 : i32
          %mul3A_480 = arith.constant 80 : i32
          %mul3A_481 = arith.muli %add3A_479, %mul3A_480 : i32
          %multiple_of3A_482 = tpu.assume_multiple %mul3A_481, 8 : i32
          %add3A_483 = arith.constant 15 : i32
          %add3A_484 = arith.addi %scan3A_434, %add3A_483 : i32
          %rem3A_485 = arith.constant 16 : i32
          %rem3A_486 = arith.remsi %add3A_484, %rem3A_485 : i32
          %dma_start3A_487 = arith.constant 0 : i32
          %dma_start3A_488 = arith.constant 0 : i32
          %dma_start3A_489 = tpu.memref_slice %arg7[%rem3A_486, %dma_start3A_487, %dma_start3A_488] : memref<16x80x32xf32, #tpu.memory_space<vmem>> -> memref<1x80x32xf32, #tpu.memory_space<vmem>>
          %dma_start3A_490 = tpu.memref_squeeze %dma_start3A_489 : memref<1x80x32xf32, #tpu.memory_space<vmem>> -> memref<80x32xf32, #tpu.memory_space<vmem>>
          %dma_start3A_491 = tpu.memref_slice %arg6[%multiple_of3A_482] : memref<10000xi32, #tpu.memory_space<vmem>> -> memref<80xi32, #tpu.memory_space<vmem>>
          %dma_start3A_492 = arith.constant 0 : i32
          %dma_start3A_493 = arith.constant 0 : i32
          %dma_start3A_494 = tpu.memref_slice %arg2[%dma_start3A_492, %dma_start3A_493] : memref<10000x32xf32, #tpu.memory_space<hbm>> -> memref<10000x32xf32, #tpu.memory_space<hbm>>
          tpu.enqueue_indirect_dma source(%dma_start3A_494 : memref<10000x32xf32, #tpu.memory_space<hbm>>) target(%dma_start3A_490 : memref<80x32xf32, #tpu.memory_space<vmem>>) offsets(%dma_start3A_491 : memref<80xi32, #tpu.memory_space<vmem>>) semaphore(%arg8 : memref<!tpu.dma_semaphore, #tpu.memory_space<semaphore_mem>>)
        } else {
        }
        %scan3A_472 = arith.constant 0 : i32
        scf.yield %scan3A_472 : i32
      }
      %scan3A_178 = arith.constant 125 : i32
      %add3A_179 = arith.constant 9920 : i32
      %add3A_180 = arith.addi %mul3A_3, %add3A_179 : i32
      %multiple_of3A_181 = tpu.assume_multiple %add3A_180, 8 : i32
      %dma_wait3A = arith.constant 0 : i32
      %dma_wait3A_182 = arith.constant 0 : i32
      %dma_wait3A_183 = arith.constant 0 : i32
      %dma_wait3A_184 = tpu.memref_slice %arg7[%dma_wait3A, %dma_wait3A_182, %dma_wait3A_183] : memref<16x80x32xf32, #tpu.memory_space<vmem>> -> memref<1x80x32xf32, #tpu.memory_space<vmem>>
      %dma_wait3A_185 = tpu.memref_squeeze %dma_wait3A_184 : memref<1x80x32xf32, #tpu.memory_space<vmem>> -> memref<80x32xf32, #tpu.memory_space<vmem>>
      %dma_wait3A_186 = arith.constant 0 : i32
      %dma_wait3A_187 = tpu.memref_slice %arg5[%multiple_of3A_181, %dma_wait3A_186] : memref<320000x32xf32, #tpu.memory_space<hbm>> -> memref<80x32xf32, #tpu.memory_space<hbm>>
      %dma_wait3A_188 = arith.constant 0 : i32
      %dma_wait3A_189 = tpu.memref_slice %arg5[%multiple_of3A_181, %dma_wait3A_188] : memref<320000x32xf32, #tpu.memory_space<hbm>> -> memref<80x32xf32, #tpu.memory_space<hbm>>
      %dma_wait3A_190 = arith.constant 0 : i32
      %dma_wait3A_191 = arith.constant 0 : i32
      %dma_wait3A_192 = tpu.memref_slice %arg7[%dma_wait3A, %dma_wait3A_190, %dma_wait3A_191] : memref<16x80x32xf32, #tpu.memory_space<vmem>> -> memref<1x80x32xf32, #tpu.memory_space<vmem>>
      %dma_wait3A_193 = tpu.memref_squeeze %dma_wait3A_192 : memref<1x80x32xf32, #tpu.memory_space<vmem>> -> memref<80x32xf32, #tpu.memory_space<vmem>>
      tpu.wait_dma2 semaphore(%arg9 : memref<!tpu.dma_semaphore, #tpu.memory_space<semaphore_mem>>) src(%dma_wait3A_193 : memref<80x32xf32, #tpu.memory_space<vmem>>) dst(%dma_wait3A_189 : memref<80x32xf32, #tpu.memory_space<hbm>>)
      %add3A_194 = arith.constant 9920 : i32
      %add3A_195 = arith.addi %mul3A_3, %add3A_194 : i32
      %multiple_of3A_196 = tpu.assume_multiple %add3A_195, 8 : i32
      %dma_wait3A_197 = arith.constant 0 : i32
      %dma_wait3A_198 = arith.constant 0 : i32
      %dma_wait3A_199 = arith.constant 0 : i32
      %dma_wait3A_200 = tpu.memref_slice %arg7[%dma_wait3A_197, %dma_wait3A_198, %dma_wait3A_199] : memref<16x80x32xf32, #tpu.memory_space<vmem>> -> memref<1x80x32xf32, #tpu.memory_space<vmem>>
      %dma_wait3A_201 = tpu.memref_squeeze %dma_wait3A_200 : memref<1x80x32xf32, #tpu.memory_space<vmem>> -> memref<80x32xf32, #tpu.memory_space<vmem>>
      %dma_wait3A_202 = arith.constant 0 : i32
      %dma_wait3A_203 = tpu.memref_slice %arg5[%multiple_of3A_196, %dma_wait3A_202] : memref<320000x32xf32, #tpu.memory_space<hbm>> -> memref<80x32xf32, #tpu.memory_space<hbm>>
      %dma_wait3A_204 = arith.constant 0 : i32
      %dma_wait3A_205 = tpu.memref_slice %arg5[%multiple_of3A_196, %dma_wait3A_204] : memref<320000x32xf32, #tpu.memory_space<hbm>> -> memref<80x32xf32, #tpu.memory_space<hbm>>
      %dma_wait3A_206 = arith.constant 0 : i32
      %dma_wait3A_207 = arith.constant 0 : i32
      %dma_wait3A_208 = tpu.memref_slice %arg7[%dma_wait3A_197, %dma_wait3A_206, %dma_wait3A_207] : memref<16x80x32xf32, #tpu.memory_space<vmem>> -> memref<1x80x32xf32, #tpu.memory_space<vmem>>
      %dma_wait3A_209 = tpu.memref_squeeze %dma_wait3A_208 : memref<1x80x32xf32, #tpu.memory_space<vmem>> -> memref<80x32xf32, #tpu.memory_space<vmem>>
      tpu.wait_dma2 semaphore(%arg9 : memref<!tpu.dma_semaphore, #tpu.memory_space<semaphore_mem>>) src(%dma_wait3A_209 : memref<80x32xf32, #tpu.memory_space<vmem>>) dst(%dma_wait3A_205 : memref<80x32xf32, #tpu.memory_space<hbm>>)
      %add3A_210 = arith.constant 9920 : i32
      %add3A_211 = arith.addi %mul3A_3, %add3A_210 : i32
      %multiple_of3A_212 = tpu.assume_multiple %add3A_211, 8 : i32
      %dma_wait3A_213 = arith.constant 0 : i32
      %dma_wait3A_214 = arith.constant 0 : i32
      %dma_wait3A_215 = arith.constant 0 : i32
      %dma_wait3A_216 = tpu.memref_slice %arg7[%dma_wait3A_213, %dma_wait3A_214, %dma_wait3A_215] : memref<16x80x32xf32, #tpu.memory_space<vmem>> -> memref<1x80x32xf32, #tpu.memory_space<vmem>>
      %dma_wait3A_217 = tpu.memref_squeeze %dma_wait3A_216 : memref<1x80x32xf32, #tpu.memory_space<vmem>> -> memref<80x32xf32, #tpu.memory_space<vmem>>
      %dma_wait3A_218 = arith.constant 0 : i32
      %dma_wait3A_219 = tpu.memref_slice %arg5[%multiple_of3A_212, %dma_wait3A_218] : memref<320000x32xf32, #tpu.memory_space<hbm>> -> memref<80x32xf32, #tpu.memory_space<hbm>>
      %dma_wait3A_220 = arith.constant 0 : i32
      %dma_wait3A_221 = tpu.memref_slice %arg5[%multiple_of3A_212, %dma_wait3A_220] : memref<320000x32xf32, #tpu.memory_space<hbm>> -> memref<80x32xf32, #tpu.memory_space<hbm>>
      %dma_wait3A_222 = arith.constant 0 : i32
      %dma_wait3A_223 = arith.constant 0 : i32
      %dma_wait3A_224 = tpu.memref_slice %arg7[%dma_wait3A_213, %dma_wait3A_222, %dma_wait3A_223] : memref<16x80x32xf32, #tpu.memory_space<vmem>> -> memref<1x80x32xf32, #tpu.memory_space<vmem>>
      %dma_wait3A_225 = tpu.memref_squeeze %dma_wait3A_224 : memref<1x80x32xf32, #tpu.memory_space<vmem>> -> memref<80x32xf32, #tpu.memory_space<vmem>>
      tpu.wait_dma2 semaphore(%arg9 : memref<!tpu.dma_semaphore, #tpu.memory_space<semaphore_mem>>) src(%dma_wait3A_225 : memref<80x32xf32, #tpu.memory_space<vmem>>) dst(%dma_wait3A_221 : memref<80x32xf32, #tpu.memory_space<hbm>>)
      %add3A_226 = arith.constant 9920 : i32
      %add3A_227 = arith.addi %mul3A_3, %add3A_226 : i32
      %multiple_of3A_228 = tpu.assume_multiple %add3A_227, 8 : i32
      %dma_wait3A_229 = arith.constant 0 : i32
      %dma_wait3A_230 = arith.constant 0 : i32
      %dma_wait3A_231 = arith.constant 0 : i32
      %dma_wait3A_232 = tpu.memref_slice %arg7[%dma_wait3A_229, %dma_wait3A_230, %dma_wait3A_231] : memref<16x80x32xf32, #tpu.memory_space<vmem>> -> memref<1x80x32xf32, #tpu.memory_space<vmem>>
      %dma_wait3A_233 = tpu.memref_squeeze %dma_wait3A_232 : memref<1x80x32xf32, #tpu.memory_space<vmem>> -> memref<80x32xf32, #tpu.memory_space<vmem>>
      %dma_wait3A_234 = arith.constant 0 : i32
      %dma_wait3A_235 = tpu.memref_slice %arg5[%multiple_of3A_228, %dma_wait3A_234] : memref<320000x32xf32, #tpu.memory_space<hbm>> -> memref<80x32xf32, #tpu.memory_space<hbm>>
      %dma_wait3A_236 = arith.constant 0 : i32
      %dma_wait3A_237 = tpu.memref_slice %arg5[%multiple_of3A_228, %dma_wait3A_236] : memref<320000x32xf32, #tpu.memory_space<hbm>> -> memref<80x32xf32, #tpu.memory_space<hbm>>
      %dma_wait3A_238 = arith.constant 0 : i32
      %dma_wait3A_239 = arith.constant 0 : i32
      %dma_wait3A_240 = tpu.memref_slice %arg7[%dma_wait3A_229, %dma_wait3A_238, %dma_wait3A_239] : memref<16x80x32xf32, #tpu.memory_space<vmem>> -> memref<1x80x32xf32, #tpu.memory_space<vmem>>
      %dma_wait3A_241 = tpu.memref_squeeze %dma_wait3A_240 : memref<1x80x32xf32, #tpu.memory_space<vmem>> -> memref<80x32xf32, #tpu.memory_space<vmem>>
      tpu.wait_dma2 semaphore(%arg9 : memref<!tpu.dma_semaphore, #tpu.memory_space<semaphore_mem>>) src(%dma_wait3A_241 : memref<80x32xf32, #tpu.memory_space<vmem>>) dst(%dma_wait3A_237 : memref<80x32xf32, #tpu.memory_space<hbm>>)
      %add3A_242 = arith.constant 9920 : i32
      %add3A_243 = arith.addi %mul3A_3, %add3A_242 : i32
      %multiple_of3A_244 = tpu.assume_multiple %add3A_243, 8 : i32
      %dma_wait3A_245 = arith.constant 0 : i32
      %dma_wait3A_246 = arith.constant 0 : i32
      %dma_wait3A_247 = arith.constant 0 : i32
      %dma_wait3A_248 = tpu.memref_slice %arg7[%dma_wait3A_245, %dma_wait3A_246, %dma_wait3A_247] : memref<16x80x32xf32, #tpu.memory_space<vmem>> -> memref<1x80x32xf32, #tpu.memory_space<vmem>>
      %dma_wait3A_249 = tpu.memref_squeeze %dma_wait3A_248 : memref<1x80x32xf32, #tpu.memory_space<vmem>> -> memref<80x32xf32, #tpu.memory_space<vmem>>
      %dma_wait3A_250 = arith.constant 0 : i32
      %dma_wait3A_251 = tpu.memref_slice %arg5[%multiple_of3A_244, %dma_wait3A_250] : memref<320000x32xf32, #tpu.memory_space<hbm>> -> memref<80x32xf32, #tpu.memory_space<hbm>>
      %dma_wait3A_252 = arith.constant 0 : i32
      %dma_wait3A_253 = tpu.memref_slice %arg5[%multiple_of3A_244, %dma_wait3A_252] : memref<320000x32xf32, #tpu.memory_space<hbm>> -> memref<80x32xf32, #tpu.memory_space<hbm>>
      %dma_wait3A_254 = arith.constant 0 : i32
      %dma_wait3A_255 = arith.constant 0 : i32
      %dma_wait3A_256 = tpu.memref_slice %arg7[%dma_wait3A_245, %dma_wait3A_254, %dma_wait3A_255] : memref<16x80x32xf32, #tpu.memory_space<vmem>> -> memref<1x80x32xf32, #tpu.memory_space<vmem>>
      %dma_wait3A_257 = tpu.memref_squeeze %dma_wait3A_256 : memref<1x80x32xf32, #tpu.memory_space<vmem>> -> memref<80x32xf32, #tpu.memory_space<vmem>>
      tpu.wait_dma2 semaphore(%arg9 : memref<!tpu.dma_semaphore, #tpu.memory_space<semaphore_mem>>) src(%dma_wait3A_257 : memref<80x32xf32, #tpu.memory_space<vmem>>) dst(%dma_wait3A_253 : memref<80x32xf32, #tpu.memory_space<hbm>>)
      %add3A_258 = arith.constant 9920 : i32
      %add3A_259 = arith.addi %mul3A_3, %add3A_258 : i32
      %multiple_of3A_260 = tpu.assume_multiple %add3A_259, 8 : i32
      %dma_wait3A_261 = arith.constant 0 : i32
      %dma_wait3A_262 = arith.constant 0 : i32
      %dma_wait3A_263 = arith.constant 0 : i32
      %dma_wait3A_264 = tpu.memref_slice %arg7[%dma_wait3A_261, %dma_wait3A_262, %dma_wait3A_263] : memref<16x80x32xf32, #tpu.memory_space<vmem>> -> memref<1x80x32xf32, #tpu.memory_space<vmem>>
      %dma_wait3A_265 = tpu.memref_squeeze %dma_wait3A_264 : memref<1x80x32xf32, #tpu.memory_space<vmem>> -> memref<80x32xf32, #tpu.memory_space<vmem>>
      %dma_wait3A_266 = arith.constant 0 : i32
      %dma_wait3A_267 = tpu.memref_slice %arg5[%multiple_of3A_260, %dma_wait3A_266] : memref<320000x32xf32, #tpu.memory_space<hbm>> -> memref<80x32xf32, #tpu.memory_space<hbm>>
      %dma_wait3A_268 = arith.constant 0 : i32
      %dma_wait3A_269 = tpu.memref_slice %arg5[%multiple_of3A_260, %dma_wait3A_268] : memref<320000x32xf32, #tpu.memory_space<hbm>> -> memref<80x32xf32, #tpu.memory_space<hbm>>
      %dma_wait3A_270 = arith.constant 0 : i32
      %dma_wait3A_271 = arith.constant 0 : i32
      %dma_wait3A_272 = tpu.memref_slice %arg7[%dma_wait3A_261, %dma_wait3A_270, %dma_wait3A_271] : memref<16x80x32xf32, #tpu.memory_space<vmem>> -> memref<1x80x32xf32, #tpu.memory_space<vmem>>
      %dma_wait3A_273 = tpu.memref_squeeze %dma_wait3A_272 : memref<1x80x32xf32, #tpu.memory_space<vmem>> -> memref<80x32xf32, #tpu.memory_space<vmem>>
      tpu.wait_dma2 semaphore(%arg9 : memref<!tpu.dma_semaphore, #tpu.memory_space<semaphore_mem>>) src(%dma_wait3A_273 : memref<80x32xf32, #tpu.memory_space<vmem>>) dst(%dma_wait3A_269 : memref<80x32xf32, #tpu.memory_space<hbm>>)
      %add3A_274 = arith.constant 9920 : i32
      %add3A_275 = arith.addi %mul3A_3, %add3A_274 : i32
      %multiple_of3A_276 = tpu.assume_multiple %add3A_275, 8 : i32
      %dma_wait3A_277 = arith.constant 0 : i32
      %dma_wait3A_278 = arith.constant 0 : i32
      %dma_wait3A_279 = arith.constant 0 : i32
      %dma_wait3A_280 = tpu.memref_slice %arg7[%dma_wait3A_277, %dma_wait3A_278, %dma_wait3A_279] : memref<16x80x32xf32, #tpu.memory_space<vmem>> -> memref<1x80x32xf32, #tpu.memory_space<vmem>>
      %dma_wait3A_281 = tpu.memref_squeeze %dma_wait3A_280 : memref<1x80x32xf32, #tpu.memory_space<vmem>> -> memref<80x32xf32, #tpu.memory_space<vmem>>
      %dma_wait3A_282 = arith.constant 0 : i32
      %dma_wait3A_283 = tpu.memref_slice %arg5[%multiple_of3A_276, %dma_wait3A_282] : memref<320000x32xf32, #tpu.memory_space<hbm>> -> memref<80x32xf32, #tpu.memory_space<hbm>>
      %dma_wait3A_284 = arith.constant 0 : i32
      %dma_wait3A_285 = tpu.memref_slice %arg5[%multiple_of3A_276, %dma_wait3A_284] : memref<320000x32xf32, #tpu.memory_space<hbm>> -> memref<80x32xf32, #tpu.memory_space<hbm>>
      %dma_wait3A_286 = arith.constant 0 : i32
      %dma_wait3A_287 = arith.constant 0 : i32
      %dma_wait3A_288 = tpu.memref_slice %arg7[%dma_wait3A_277, %dma_wait3A_286, %dma_wait3A_287] : memref<16x80x32xf32, #tpu.memory_space<vmem>> -> memref<1x80x32xf32, #tpu.memory_space<vmem>>
      %dma_wait3A_289 = tpu.memref_squeeze %dma_wait3A_288 : memref<1x80x32xf32, #tpu.memory_space<vmem>> -> memref<80x32xf32, #tpu.memory_space<vmem>>
      tpu.wait_dma2 semaphore(%arg9 : memref<!tpu.dma_semaphore, #tpu.memory_space<semaphore_mem>>) src(%dma_wait3A_289 : memref<80x32xf32, #tpu.memory_space<vmem>>) dst(%dma_wait3A_285 : memref<80x32xf32, #tpu.memory_space<hbm>>)
      %add3A_290 = arith.constant 9920 : i32
      %add3A_291 = arith.addi %mul3A_3, %add3A_290 : i32
      %multiple_of3A_292 = tpu.assume_multiple %add3A_291, 8 : i32
      %dma_wait3A_293 = arith.constant 0 : i32
      %dma_wait3A_294 = arith.constant 0 : i32
      %dma_wait3A_295 = arith.constant 0 : i32
      %dma_wait3A_296 = tpu.memref_slice %arg7[%dma_wait3A_293, %dma_wait3A_294, %dma_wait3A_295] : memref<16x80x32xf32, #tpu.memory_space<vmem>> -> memref<1x80x32xf32, #tpu.memory_space<vmem>>
      %dma_wait3A_297 = tpu.memref_squeeze %dma_wait3A_296 : memref<1x80x32xf32, #tpu.memory_space<vmem>> -> memref<80x32xf32, #tpu.memory_space<vmem>>
      %dma_wait3A_298 = arith.constant 0 : i32
      %dma_wait3A_299 = tpu.memref_slice %arg5[%multiple_of3A_292, %dma_wait3A_298] : memref<320000x32xf32, #tpu.memory_space<hbm>> -> memref<80x32xf32, #tpu.memory_space<hbm>>
      %dma_wait3A_300 = arith.constant 0 : i32
      %dma_wait3A_301 = tpu.memref_slice %arg5[%multiple_of3A_292, %dma_wait3A_300] : memref<320000x32xf32, #tpu.memory_space<hbm>> -> memref<80x32xf32, #tpu.memory_space<hbm>>
      %dma_wait3A_302 = arith.constant 0 : i32
      %dma_wait3A_303 = arith.constant 0 : i32
      %dma_wait3A_304 = tpu.memref_slice %arg7[%dma_wait3A_293, %dma_wait3A_302, %dma_wait3A_303] : memref<16x80x32xf32, #tpu.memory_space<vmem>> -> memref<1x80x32xf32, #tpu.memory_space<vmem>>
      %dma_wait3A_305 = tpu.memref_squeeze %dma_wait3A_304 : memref<1x80x32xf32, #tpu.memory_space<vmem>> -> memref<80x32xf32, #tpu.memory_space<vmem>>
      tpu.wait_dma2 semaphore(%arg9 : memref<!tpu.dma_semaphore, #tpu.memory_space<semaphore_mem>>) src(%dma_wait3A_305 : memref<80x32xf32, #tpu.memory_space<vmem>>) dst(%dma_wait3A_301 : memref<80x32xf32, #tpu.memory_space<hbm>>)
      %add3A_306 = arith.constant 9920 : i32
      %add3A_307 = arith.addi %mul3A_3, %add3A_306 : i32
      %multiple_of3A_308 = tpu.assume_multiple %add3A_307, 8 : i32
      %dma_wait3A_309 = arith.constant 0 : i32
      %dma_wait3A_310 = arith.constant 0 : i32
      %dma_wait3A_311 = arith.constant 0 : i32
      %dma_wait3A_312 = tpu.memref_slice %arg7[%dma_wait3A_309, %dma_wait3A_310, %dma_wait3A_311] : memref<16x80x32xf32, #tpu.memory_space<vmem>> -> memref<1x80x32xf32, #tpu.memory_space<vmem>>
      %dma_wait3A_313 = tpu.memref_squeeze %dma_wait3A_312 : memref<1x80x32xf32, #tpu.memory_space<vmem>> -> memref<80x32xf32, #tpu.memory_space<vmem>>
      %dma_wait3A_314 = arith.constant 0 : i32
      %dma_wait3A_315 = tpu.memref_slice %arg5[%multiple_of3A_308, %dma_wait3A_314] : memref<320000x32xf32, #tpu.memory_space<hbm>> -> memref<80x32xf32, #tpu.memory_space<hbm>>
      %dma_wait3A_316 = arith.constant 0 : i32
      %dma_wait3A_317 = tpu.memref_slice %arg5[%multiple_of3A_308, %dma_wait3A_316] : memref<320000x32xf32, #tpu.memory_space<hbm>> -> memref<80x32xf32, #tpu.memory_space<hbm>>
      %dma_wait3A_318 = arith.constant 0 : i32
      %dma_wait3A_319 = arith.constant 0 : i32
      %dma_wait3A_320 = tpu.memref_slice %arg7[%dma_wait3A_309, %dma_wait3A_318, %dma_wait3A_319] : memref<16x80x32xf32, #tpu.memory_space<vmem>> -> memref<1x80x32xf32, #tpu.memory_space<vmem>>
      %dma_wait3A_321 = tpu.memref_squeeze %dma_wait3A_320 : memref<1x80x32xf32, #tpu.memory_space<vmem>> -> memref<80x32xf32, #tpu.memory_space<vmem>>
      tpu.wait_dma2 semaphore(%arg9 : memref<!tpu.dma_semaphore, #tpu.memory_space<semaphore_mem>>) src(%dma_wait3A_321 : memref<80x32xf32, #tpu.memory_space<vmem>>) dst(%dma_wait3A_317 : memref<80x32xf32, #tpu.memory_space<hbm>>)
      %add3A_322 = arith.constant 9920 : i32
      %add3A_323 = arith.addi %mul3A_3, %add3A_322 : i32
      %multiple_of3A_324 = tpu.assume_multiple %add3A_323, 8 : i32
      %dma_wait3A_325 = arith.constant 0 : i32
      %dma_wait3A_326 = arith.constant 0 : i32
      %dma_wait3A_327 = arith.constant 0 : i32
      %dma_wait3A_328 = tpu.memref_slice %arg7[%dma_wait3A_325, %dma_wait3A_326, %dma_wait3A_327] : memref<16x80x32xf32, #tpu.memory_space<vmem>> -> memref<1x80x32xf32, #tpu.memory_space<vmem>>
      %dma_wait3A_329 = tpu.memref_squeeze %dma_wait3A_328 : memref<1x80x32xf32, #tpu.memory_space<vmem>> -> memref<80x32xf32, #tpu.memory_space<vmem>>
      %dma_wait3A_330 = arith.constant 0 : i32
      %dma_wait3A_331 = tpu.memref_slice %arg5[%multiple_of3A_324, %dma_wait3A_330] : memref<320000x32xf32, #tpu.memory_space<hbm>> -> memref<80x32xf32, #tpu.memory_space<hbm>>
      %dma_wait3A_332 = arith.constant 0 : i32
      %dma_wait3A_333 = tpu.memref_slice %arg5[%multiple_of3A_324, %dma_wait3A_332] : memref<320000x32xf32, #tpu.memory_space<hbm>> -> memref<80x32xf32, #tpu.memory_space<hbm>>
      %dma_wait3A_334 = arith.constant 0 : i32
      %dma_wait3A_335 = arith.constant 0 : i32
      %dma_wait3A_336 = tpu.memref_slice %arg7[%dma_wait3A_325, %dma_wait3A_334, %dma_wait3A_335] : memref<16x80x32xf32, #tpu.memory_space<vmem>> -> memref<1x80x32xf32, #tpu.memory_space<vmem>>
      %dma_wait3A_337 = tpu.memref_squeeze %dma_wait3A_336 : memref<1x80x32xf32, #tpu.memory_space<vmem>> -> memref<80x32xf32, #tpu.memory_space<vmem>>
      tpu.wait_dma2 semaphore(%arg9 : memref<!tpu.dma_semaphore, #tpu.memory_space<semaphore_mem>>) src(%dma_wait3A_337 : memref<80x32xf32, #tpu.memory_space<vmem>>) dst(%dma_wait3A_333 : memref<80x32xf32, #tpu.memory_space<hbm>>)
      %add3A_338 = arith.constant 9920 : i32
      %add3A_339 = arith.addi %mul3A_3, %add3A_338 : i32
      %multiple_of3A_340 = tpu.assume_multiple %add3A_339, 8 : i32
      %dma_wait3A_341 = arith.constant 0 : i32
      %dma_wait3A_342 = arith.constant 0 : i32
      %dma_wait3A_343 = arith.constant 0 : i32
      %dma_wait3A_344 = tpu.memref_slice %arg7[%dma_wait3A_341, %dma_wait3A_342, %dma_wait3A_343] : memref<16x80x32xf32, #tpu.memory_space<vmem>> -> memref<1x80x32xf32, #tpu.memory_space<vmem>>
      %dma_wait3A_345 = tpu.memref_squeeze %dma_wait3A_344 : memref<1x80x32xf32, #tpu.memory_space<vmem>> -> memref<80x32xf32, #tpu.memory_space<vmem>>
      %dma_wait3A_346 = arith.constant 0 : i32
      %dma_wait3A_347 = tpu.memref_slice %arg5[%multiple_of3A_340, %dma_wait3A_346] : memref<320000x32xf32, #tpu.memory_space<hbm>> -> memref<80x32xf32, #tpu.memory_space<hbm>>
      %dma_wait3A_348 = arith.constant 0 : i32
      %dma_wait3A_349 = tpu.memref_slice %arg5[%multiple_of3A_340, %dma_wait3A_348] : memref<320000x32xf32, #tpu.memory_space<hbm>> -> memref<80x32xf32, #tpu.memory_space<hbm>>
      %dma_wait3A_350 = arith.constant 0 : i32
      %dma_wait3A_351 = arith.constant 0 : i32
      %dma_wait3A_352 = tpu.memref_slice %arg7[%dma_wait3A_341, %dma_wait3A_350, %dma_wait3A_351] : memref<16x80x32xf32, #tpu.memory_space<vmem>> -> memref<1x80x32xf32, #tpu.memory_space<vmem>>
      %dma_wait3A_353 = tpu.memref_squeeze %dma_wait3A_352 : memref<1x80x32xf32, #tpu.memory_space<vmem>> -> memref<80x32xf32, #tpu.memory_space<vmem>>
      tpu.wait_dma2 semaphore(%arg9 : memref<!tpu.dma_semaphore, #tpu.memory_space<semaphore_mem>>) src(%dma_wait3A_353 : memref<80x32xf32, #tpu.memory_space<vmem>>) dst(%dma_wait3A_349 : memref<80x32xf32, #tpu.memory_space<hbm>>)
      %add3A_354 = arith.constant 9920 : i32
      %add3A_355 = arith.addi %mul3A_3, %add3A_354 : i32
      %multiple_of3A_356 = tpu.assume_multiple %add3A_355, 8 : i32
      %dma_wait3A_357 = arith.constant 0 : i32
      %dma_wait3A_358 = arith.constant 0 : i32
      %dma_wait3A_359 = arith.constant 0 : i32
      %dma_wait3A_360 = tpu.memref_slice %arg7[%dma_wait3A_357, %dma_wait3A_358, %dma_wait3A_359] : memref<16x80x32xf32, #tpu.memory_space<vmem>> -> memref<1x80x32xf32, #tpu.memory_space<vmem>>
      %dma_wait3A_361 = tpu.memref_squeeze %dma_wait3A_360 : memref<1x80x32xf32, #tpu.memory_space<vmem>> -> memref<80x32xf32, #tpu.memory_space<vmem>>
      %dma_wait3A_362 = arith.constant 0 : i32
      %dma_wait3A_363 = tpu.memref_slice %arg5[%multiple_of3A_356, %dma_wait3A_362] : memref<320000x32xf32, #tpu.memory_space<hbm>> -> memref<80x32xf32, #tpu.memory_space<hbm>>
      %dma_wait3A_364 = arith.constant 0 : i32
      %dma_wait3A_365 = tpu.memref_slice %arg5[%multiple_of3A_356, %dma_wait3A_364] : memref<320000x32xf32, #tpu.memory_space<hbm>> -> memref<80x32xf32, #tpu.memory_space<hbm>>
      %dma_wait3A_366 = arith.constant 0 : i32
      %dma_wait3A_367 = arith.constant 0 : i32
      %dma_wait3A_368 = tpu.memref_slice %arg7[%dma_wait3A_357, %dma_wait3A_366, %dma_wait3A_367] : memref<16x80x32xf32, #tpu.memory_space<vmem>> -> memref<1x80x32xf32, #tpu.memory_space<vmem>>
      %dma_wait3A_369 = tpu.memref_squeeze %dma_wait3A_368 : memref<1x80x32xf32, #tpu.memory_space<vmem>> -> memref<80x32xf32, #tpu.memory_space<vmem>>
      tpu.wait_dma2 semaphore(%arg9 : memref<!tpu.dma_semaphore, #tpu.memory_space<semaphore_mem>>) src(%dma_wait3A_369 : memref<80x32xf32, #tpu.memory_space<vmem>>) dst(%dma_wait3A_365 : memref<80x32xf32, #tpu.memory_space<hbm>>)
      %add3A_370 = arith.constant 9920 : i32
      %add3A_371 = arith.addi %mul3A_3, %add3A_370 : i32
      %multiple_of3A_372 = tpu.assume_multiple %add3A_371, 8 : i32
      %dma_wait3A_373 = arith.constant 0 : i32
      %dma_wait3A_374 = arith.constant 0 : i32
      %dma_wait3A_375 = arith.constant 0 : i32
      %dma_wait3A_376 = tpu.memref_slice %arg7[%dma_wait3A_373, %dma_wait3A_374, %dma_wait3A_375] : memref<16x80x32xf32, #tpu.memory_space<vmem>> -> memref<1x80x32xf32, #tpu.memory_space<vmem>>
      %dma_wait3A_377 = tpu.memref_squeeze %dma_wait3A_376 : memref<1x80x32xf32, #tpu.memory_space<vmem>> -> memref<80x32xf32, #tpu.memory_space<vmem>>
      %dma_wait3A_378 = arith.constant 0 : i32
      %dma_wait3A_379 = tpu.memref_slice %arg5[%multiple_of3A_372, %dma_wait3A_378] : memref<320000x32xf32, #tpu.memory_space<hbm>> -> memref<80x32xf32, #tpu.memory_space<hbm>>
      %dma_wait3A_380 = arith.constant 0 : i32
      %dma_wait3A_381 = tpu.memref_slice %arg5[%multiple_of3A_372, %dma_wait3A_380] : memref<320000x32xf32, #tpu.memory_space<hbm>> -> memref<80x32xf32, #tpu.memory_space<hbm>>
      %dma_wait3A_382 = arith.constant 0 : i32
      %dma_wait3A_383 = arith.constant 0 : i32
      %dma_wait3A_384 = tpu.memref_slice %arg7[%dma_wait3A_373, %dma_wait3A_382, %dma_wait3A_383] : memref<16x80x32xf32, #tpu.memory_space<vmem>> -> memref<1x80x32xf32, #tpu.memory_space<vmem>>
      %dma_wait3A_385 = tpu.memref_squeeze %dma_wait3A_384 : memref<1x80x32xf32, #tpu.memory_space<vmem>> -> memref<80x32xf32, #tpu.memory_space<vmem>>
      tpu.wait_dma2 semaphore(%arg9 : memref<!tpu.dma_semaphore, #tpu.memory_space<semaphore_mem>>) src(%dma_wait3A_385 : memref<80x32xf32, #tpu.memory_space<vmem>>) dst(%dma_wait3A_381 : memref<80x32xf32, #tpu.memory_space<hbm>>)
      %add3A_386 = arith.constant 9920 : i32
      %add3A_387 = arith.addi %mul3A_3, %add3A_386 : i32
      %multiple_of3A_388 = tpu.assume_multiple %add3A_387, 8 : i32
      %dma_wait3A_389 = arith.constant 0 : i32
      %dma_wait3A_390 = arith.constant 0 : i32
      %dma_wait3A_391 = arith.constant 0 : i32
      %dma_wait3A_392 = tpu.memref_slice %arg7[%dma_wait3A_389, %dma_wait3A_390, %dma_wait3A_391] : memref<16x80x32xf32, #tpu.memory_space<vmem>> -> memref<1x80x32xf32, #tpu.memory_space<vmem>>
      %dma_wait3A_393 = tpu.memref_squeeze %dma_wait3A_392 : memref<1x80x32xf32, #tpu.memory_space<vmem>> -> memref<80x32xf32, #tpu.memory_space<vmem>>
      %dma_wait3A_394 = arith.constant 0 : i32
      %dma_wait3A_395 = tpu.memref_slice %arg5[%multiple_of3A_388, %dma_wait3A_394] : memref<320000x32xf32, #tpu.memory_space<hbm>> -> memref<80x32xf32, #tpu.memory_space<hbm>>
      %dma_wait3A_396 = arith.constant 0 : i32
      %dma_wait3A_397 = tpu.memref_slice %arg5[%multiple_of3A_388, %dma_wait3A_396] : memref<320000x32xf32, #tpu.memory_space<hbm>> -> memref<80x32xf32, #tpu.memory_space<hbm>>
      %dma_wait3A_398 = arith.constant 0 : i32
      %dma_wait3A_399 = arith.constant 0 : i32
      %dma_wait3A_400 = tpu.memref_slice %arg7[%dma_wait3A_389, %dma_wait3A_398, %dma_wait3A_399] : memref<16x80x32xf32, #tpu.memory_space<vmem>> -> memref<1x80x32xf32, #tpu.memory_space<vmem>>
      %dma_wait3A_401 = tpu.memref_squeeze %dma_wait3A_400 : memref<1x80x32xf32, #tpu.memory_space<vmem>> -> memref<80x32xf32, #tpu.memory_space<vmem>>
      tpu.wait_dma2 semaphore(%arg9 : memref<!tpu.dma_semaphore, #tpu.memory_space<semaphore_mem>>) src(%dma_wait3A_401 : memref<80x32xf32, #tpu.memory_space<vmem>>) dst(%dma_wait3A_397 : memref<80x32xf32, #tpu.memory_space<hbm>>)
      %add3A_402 = arith.constant 9920 : i32
      %add3A_403 = arith.addi %mul3A_3, %add3A_402 : i32
      %multiple_of3A_404 = tpu.assume_multiple %add3A_403, 8 : i32
      %dma_wait3A_405 = arith.constant 0 : i32
      %dma_wait3A_406 = arith.constant 0 : i32
      %dma_wait3A_407 = arith.constant 0 : i32
      %dma_wait3A_408 = tpu.memref_slice %arg7[%dma_wait3A_405, %dma_wait3A_406, %dma_wait3A_407] : memref<16x80x32xf32, #tpu.memory_space<vmem>> -> memref<1x80x32xf32, #tpu.memory_space<vmem>>
      %dma_wait3A_409 = tpu.memref_squeeze %dma_wait3A_408 : memref<1x80x32xf32, #tpu.memory_space<vmem>> -> memref<80x32xf32, #tpu.memory_space<vmem>>
      %dma_wait3A_410 = arith.constant 0 : i32
      %dma_wait3A_411 = tpu.memref_slice %arg5[%multiple_of3A_404, %dma_wait3A_410] : memref<320000x32xf32, #tpu.memory_space<hbm>> -> memref<80x32xf32, #tpu.memory_space<hbm>>
      %dma_wait3A_412 = arith.constant 0 : i32
      %dma_wait3A_413 = tpu.memref_slice %arg5[%multiple_of3A_404, %dma_wait3A_412] : memref<320000x32xf32, #tpu.memory_space<hbm>> -> memref<80x32xf32, #tpu.memory_space<hbm>>
      %dma_wait3A_414 = arith.constant 0 : i32
      %dma_wait3A_415 = arith.constant 0 : i32
      %dma_wait3A_416 = tpu.memref_slice %arg7[%dma_wait3A_405, %dma_wait3A_414, %dma_wait3A_415] : memref<16x80x32xf32, #tpu.memory_space<vmem>> -> memref<1x80x32xf32, #tpu.memory_space<vmem>>
      %dma_wait3A_417 = tpu.memref_squeeze %dma_wait3A_416 : memref<1x80x32xf32, #tpu.memory_space<vmem>> -> memref<80x32xf32, #tpu.memory_space<vmem>>
      tpu.wait_dma2 semaphore(%arg9 : memref<!tpu.dma_semaphore, #tpu.memory_space<semaphore_mem>>) src(%dma_wait3A_417 : memref<80x32xf32, #tpu.memory_space<vmem>>) dst(%dma_wait3A_413 : memref<80x32xf32, #tpu.memory_space<hbm>>)
      %add3A_418 = arith.constant 9920 : i32
      %add3A_419 = arith.addi %mul3A_3, %add3A_418 : i32
      %multiple_of3A_420 = tpu.assume_multiple %add3A_419, 8 : i32
      %dma_wait3A_421 = arith.constant 0 : i32
      %dma_wait3A_422 = arith.constant 0 : i32
      %dma_wait3A_423 = arith.constant 0 : i32
      %dma_wait3A_424 = tpu.memref_slice %arg7[%dma_wait3A_421, %dma_wait3A_422, %dma_wait3A_423] : memref<16x80x32xf32, #tpu.memory_space<vmem>> -> memref<1x80x32xf32, #tpu.memory_space<vmem>>
      %dma_wait3A_425 = tpu.memref_squeeze %dma_wait3A_424 : memref<1x80x32xf32, #tpu.memory_space<vmem>> -> memref<80x32xf32, #tpu.memory_space<vmem>>
      %dma_wait3A_426 = arith.constant 0 : i32
      %dma_wait3A_427 = tpu.memref_slice %arg5[%multiple_of3A_420, %dma_wait3A_426] : memref<320000x32xf32, #tpu.memory_space<hbm>> -> memref<80x32xf32, #tpu.memory_space<hbm>>
      %dma_wait3A_428 = arith.constant 0 : i32
      %dma_wait3A_429 = tpu.memref_slice %arg5[%multiple_of3A_420, %dma_wait3A_428] : memref<320000x32xf32, #tpu.memory_space<hbm>> -> memref<80x32xf32, #tpu.memory_space<hbm>>
      %dma_wait3A_430 = arith.constant 0 : i32
      %dma_wait3A_431 = arith.constant 0 : i32
      %dma_wait3A_432 = tpu.memref_slice %arg7[%dma_wait3A_421, %dma_wait3A_430, %dma_wait3A_431] : memref<16x80x32xf32, #tpu.memory_space<vmem>> -> memref<1x80x32xf32, #tpu.memory_space<vmem>>
      %dma_wait3A_433 = tpu.memref_squeeze %dma_wait3A_432 : memref<1x80x32xf32, #tpu.memory_space<vmem>> -> memref<80x32xf32, #tpu.memory_space<vmem>>
      tpu.wait_dma2 semaphore(%arg9 : memref<!tpu.dma_semaphore, #tpu.memory_space<semaphore_mem>>) src(%dma_wait3A_433 : memref<80x32xf32, #tpu.memory_space<vmem>>) dst(%dma_wait3A_429 : memref<80x32xf32, #tpu.memory_space<hbm>>)
    } else {
    }
    %ge3A = arith.constant 16 : i32
    %ge3A_6 = arith.cmpi sge, %add3A, %ge3A : i32
    %convert_element_type3A_7 = arith.extui %ge3A_6 : i1 to i32
    %cond3A_8 = arith.constant 0 : i32
    %cond3A_9 = arith.cmpi ne, %convert_element_type3A_7, %cond3A_8 : i32
    scf.if %cond3A_9 {
      %add3A_10 = arith.constant 160000 : i32
      %add3A_11 = arith.addi %add3A_10, %mul3A_3 : i32
      %run_scoped3A = arith.constant 1 : i32
      "tpu.region"() ({
        %run_scoped3A_436 = tpu.sem_alloc : memref<!tpu.dma_semaphore, #tpu.memory_space<semaphore_mem>>
        %dma_start3A_437 = tpu.memref_slice %arg4[%run_scoped3A, %mul3A_3] : memref<2x160000xi32, #tpu.memory_space<hbm>> -> memref<1x10000xi32, #tpu.memory_space<hbm>>
        %dma_start3A_438 = tpu.memref_squeeze %dma_start3A_437 : memref<1x10000xi32, #tpu.memory_space<hbm>> -> memref<10000xi32, #tpu.memory_space<hbm>>
        %dma_start3A_439 = tpu.memref_slice %arg4[%run_scoped3A, %mul3A_3] : memref<2x160000xi32, #tpu.memory_space<hbm>> -> memref<1x10000xi32, #tpu.memory_space<hbm>>
        %dma_start3A_440 = tpu.memref_squeeze %dma_start3A_439 : memref<1x10000xi32, #tpu.memory_space<hbm>> -> memref<10000xi32, #tpu.memory_space<hbm>>
        tpu.enqueue_dma source(%dma_start3A_440 : memref<10000xi32, #tpu.memory_space<hbm>>) target(%arg6 : memref<10000xi32, #tpu.memory_space<vmem>>) target_semaphore(%run_scoped3A_436 : memref<!tpu.dma_semaphore, #tpu.memory_space<semaphore_mem>>)
        %dma_wait3A_441 = tpu.memref_slice %arg4[%run_scoped3A, %mul3A_3] : memref<2x160000xi32, #tpu.memory_space<hbm>> -> memref<1x10000xi32, #tpu.memory_space<hbm>>
        %dma_wait3A_442 = tpu.memref_squeeze %dma_wait3A_441 : memref<1x10000xi32, #tpu.memory_space<hbm>> -> memref<10000xi32, #tpu.memory_space<hbm>>
        %dma_wait3A_443 = tpu.memref_slice %arg4[%run_scoped3A, %mul3A_3] : memref<2x160000xi32, #tpu.memory_space<hbm>> -> memref<1x10000xi32, #tpu.memory_space<hbm>>
        %dma_wait3A_444 = tpu.memref_squeeze %dma_wait3A_443 : memref<1x10000xi32, #tpu.memory_space<hbm>> -> memref<10000xi32, #tpu.memory_space<hbm>>
        tpu.wait_dma2 semaphore(%run_scoped3A_436 : memref<!tpu.dma_semaphore, #tpu.memory_space<semaphore_mem>>) src(%dma_wait3A_444 : memref<10000xi32, #tpu.memory_space<hbm>>) dst(%arg6 : memref<10000xi32, #tpu.memory_space<vmem>>)
        tpu.yield
      }) : () -> ()
      %multiple_of3A = arith.constant 0 : i32
      %multiple_of3A_12 = tpu.assume_multiple %multiple_of3A, 8 : i32
      %dma_start3A = arith.constant 0 : i32
      %dma_start3A_13 = arith.constant 0 : i32
      %dma_start3A_14 = arith.constant 0 : i32
      %dma_start3A_15 = tpu.memref_slice %arg7[%dma_start3A, %dma_start3A_13, %dma_start3A_14] : memref<16x80x32xf32, #tpu.memory_space<vmem>> -> memref<1x80x32xf32, #tpu.memory_space<vmem>>
      %dma_start3A_16 = tpu.memref_squeeze %dma_start3A_15 : memref<1x80x32xf32, #tpu.memory_space<vmem>> -> memref<80x32xf32, #tpu.memory_space<vmem>>
      %dma_start3A_17 = tpu.memref_slice %arg6[%multiple_of3A_12] : memref<10000xi32, #tpu.memory_space<vmem>> -> memref<80xi32, #tpu.memory_space<vmem>>
      %dma_start3A_18 = arith.constant 0 : i32
      %dma_start3A_19 = arith.constant 0 : i32
      %dma_start3A_20 = tpu.memref_slice %arg3[%dma_start3A_18, %dma_start3A_19] : memref<10000x32xf32, #tpu.memory_space<hbm>> -> memref<10000x32xf32, #tpu.memory_space<hbm>>
      tpu.enqueue_indirect_dma source(%dma_start3A_20 : memref<10000x32xf32, #tpu.memory_space<hbm>>) target(%dma_start3A_16 : memref<80x32xf32, #tpu.memory_space<vmem>>) offsets(%dma_start3A_17 : memref<80xi32, #tpu.memory_space<vmem>>) semaphore(%arg8 : memref<!tpu.dma_semaphore, #tpu.memory_space<semaphore_mem>>)
      %multiple_of3A_21 = arith.constant 80 : i32
      %multiple_of3A_22 = tpu.assume_multiple %multiple_of3A_21, 8 : i32
      %dma_start3A_23 = arith.constant 1 : i32
      %dma_start3A_24 = arith.constant 0 : i32
      %dma_start3A_25 = arith.constant 0 : i32
      %dma_start3A_26 = tpu.memref_slice %arg7[%dma_start3A_23, %dma_start3A_24, %dma_start3A_25] : memref<16x80x32xf32, #tpu.memory_space<vmem>> -> memref<1x80x32xf32, #tpu.memory_space<vmem>>
      %dma_start3A_27 = tpu.memref_squeeze %dma_start3A_26 : memref<1x80x32xf32, #tpu.memory_space<vmem>> -> memref<80x32xf32, #tpu.memory_space<vmem>>
      %dma_start3A_28 = tpu.memref_slice %arg6[%multiple_of3A_22] : memref<10000xi32, #tpu.memory_space<vmem>> -> memref<80xi32, #tpu.memory_space<vmem>>
      %dma_start3A_29 = arith.constant 0 : i32
      %dma_start3A_30 = arith.constant 0 : i32
      %dma_start3A_31 = tpu.memref_slice %arg3[%dma_start3A_29, %dma_start3A_30] : memref<10000x32xf32, #tpu.memory_space<hbm>> -> memref<10000x32xf32, #tpu.memory_space<hbm>>
      tpu.enqueue_indirect_dma source(%dma_start3A_31 : memref<10000x32xf32, #tpu.memory_space<hbm>>) target(%dma_start3A_27 : memref<80x32xf32, #tpu.memory_space<vmem>>) offsets(%dma_start3A_28 : memref<80xi32, #tpu.memory_space<vmem>>) semaphore(%arg8 : memref<!tpu.dma_semaphore, #tpu.memory_space<semaphore_mem>>)
      %multiple_of3A_32 = arith.constant 160 : i32
      %multiple_of3A_33 = tpu.assume_multiple %multiple_of3A_32, 8 : i32
      %dma_start3A_34 = arith.constant 2 : i32
      %dma_start3A_35 = arith.constant 0 : i32
      %dma_start3A_36 = arith.constant 0 : i32
      %dma_start3A_37 = tpu.memref_slice %arg7[%dma_start3A_34, %dma_start3A_35, %dma_start3A_36] : memref<16x80x32xf32, #tpu.memory_space<vmem>> -> memref<1x80x32xf32, #tpu.memory_space<vmem>>
      %dma_start3A_38 = tpu.memref_squeeze %dma_start3A_37 : memref<1x80x32xf32, #tpu.memory_space<vmem>> -> memref<80x32xf32, #tpu.memory_space<vmem>>
      %dma_start3A_39 = tpu.memref_slice %arg6[%multiple_of3A_33] : memref<10000xi32, #tpu.memory_space<vmem>> -> memref<80xi32, #tpu.memory_space<vmem>>
      %dma_start3A_40 = arith.constant 0 : i32
      %dma_start3A_41 = arith.constant 0 : i32
      %dma_start3A_42 = tpu.memref_slice %arg3[%dma_start3A_40, %dma_start3A_41] : memref<10000x32xf32, #tpu.memory_space<hbm>> -> memref<10000x32xf32, #tpu.memory_space<hbm>>
      tpu.enqueue_indirect_dma source(%dma_start3A_42 : memref<10000x32xf32, #tpu.memory_space<hbm>>) target(%dma_start3A_38 : memref<80x32xf32, #tpu.memory_space<vmem>>) offsets(%dma_start3A_39 : memref<80xi32, #tpu.memory_space<vmem>>) semaphore(%arg8 : memref<!tpu.dma_semaphore, #tpu.memory_space<semaphore_mem>>)
      %multiple_of3A_43 = arith.constant 240 : i32
      %multiple_of3A_44 = tpu.assume_multiple %multiple_of3A_43, 8 : i32
      %dma_start3A_45 = arith.constant 3 : i32
      %dma_start3A_46 = arith.constant 0 : i32
      %dma_start3A_47 = arith.constant 0 : i32
      %dma_start3A_48 = tpu.memref_slice %arg7[%dma_start3A_45, %dma_start3A_46, %dma_start3A_47] : memref<16x80x32xf32, #tpu.memory_space<vmem>> -> memref<1x80x32xf32, #tpu.memory_space<vmem>>
      %dma_start3A_49 = tpu.memref_squeeze %dma_start3A_48 : memref<1x80x32xf32, #tpu.memory_space<vmem>> -> memref<80x32xf32, #tpu.memory_space<vmem>>
      %dma_start3A_50 = tpu.memref_slice %arg6[%multiple_of3A_44] : memref<10000xi32, #tpu.memory_space<vmem>> -> memref<80xi32, #tpu.memory_space<vmem>>
      %dma_start3A_51 = arith.constant 0 : i32
      %dma_start3A_52 = arith.constant 0 : i32
      %dma_start3A_53 = tpu.memref_slice %arg3[%dma_start3A_51, %dma_start3A_52] : memref<10000x32xf32, #tpu.memory_space<hbm>> -> memref<10000x32xf32, #tpu.memory_space<hbm>>
      tpu.enqueue_indirect_dma source(%dma_start3A_53 : memref<10000x32xf32, #tpu.memory_space<hbm>>) target(%dma_start3A_49 : memref<80x32xf32, #tpu.memory_space<vmem>>) offsets(%dma_start3A_50 : memref<80xi32, #tpu.memory_space<vmem>>) semaphore(%arg8 : memref<!tpu.dma_semaphore, #tpu.memory_space<semaphore_mem>>)
      %multiple_of3A_54 = arith.constant 320 : i32
      %multiple_of3A_55 = tpu.assume_multiple %multiple_of3A_54, 8 : i32
      %dma_start3A_56 = arith.constant 4 : i32
      %dma_start3A_57 = arith.constant 0 : i32
      %dma_start3A_58 = arith.constant 0 : i32
      %dma_start3A_59 = tpu.memref_slice %arg7[%dma_start3A_56, %dma_start3A_57, %dma_start3A_58] : memref<16x80x32xf32, #tpu.memory_space<vmem>> -> memref<1x80x32xf32, #tpu.memory_space<vmem>>
      %dma_start3A_60 = tpu.memref_squeeze %dma_start3A_59 : memref<1x80x32xf32, #tpu.memory_space<vmem>> -> memref<80x32xf32, #tpu.memory_space<vmem>>
      %dma_start3A_61 = tpu.memref_slice %arg6[%multiple_of3A_55] : memref<10000xi32, #tpu.memory_space<vmem>> -> memref<80xi32, #tpu.memory_space<vmem>>
      %dma_start3A_62 = arith.constant 0 : i32
      %dma_start3A_63 = arith.constant 0 : i32
      %dma_start3A_64 = tpu.memref_slice %arg3[%dma_start3A_62, %dma_start3A_63] : memref<10000x32xf32, #tpu.memory_space<hbm>> -> memref<10000x32xf32, #tpu.memory_space<hbm>>
      tpu.enqueue_indirect_dma source(%dma_start3A_64 : memref<10000x32xf32, #tpu.memory_space<hbm>>) target(%dma_start3A_60 : memref<80x32xf32, #tpu.memory_space<vmem>>) offsets(%dma_start3A_61 : memref<80xi32, #tpu.memory_space<vmem>>) semaphore(%arg8 : memref<!tpu.dma_semaphore, #tpu.memory_space<semaphore_mem>>)
      %multiple_of3A_65 = arith.constant 400 : i32
      %multiple_of3A_66 = tpu.assume_multiple %multiple_of3A_65, 8 : i32
      %dma_start3A_67 = arith.constant 5 : i32
      %dma_start3A_68 = arith.constant 0 : i32
      %dma_start3A_69 = arith.constant 0 : i32
      %dma_start3A_70 = tpu.memref_slice %arg7[%dma_start3A_67, %dma_start3A_68, %dma_start3A_69] : memref<16x80x32xf32, #tpu.memory_space<vmem>> -> memref<1x80x32xf32, #tpu.memory_space<vmem>>
      %dma_start3A_71 = tpu.memref_squeeze %dma_start3A_70 : memref<1x80x32xf32, #tpu.memory_space<vmem>> -> memref<80x32xf32, #tpu.memory_space<vmem>>
      %dma_start3A_72 = tpu.memref_slice %arg6[%multiple_of3A_66] : memref<10000xi32, #tpu.memory_space<vmem>> -> memref<80xi32, #tpu.memory_space<vmem>>
      %dma_start3A_73 = arith.constant 0 : i32
      %dma_start3A_74 = arith.constant 0 : i32
      %dma_start3A_75 = tpu.memref_slice %arg3[%dma_start3A_73, %dma_start3A_74] : memref<10000x32xf32, #tpu.memory_space<hbm>> -> memref<10000x32xf32, #tpu.memory_space<hbm>>
      tpu.enqueue_indirect_dma source(%dma_start3A_75 : memref<10000x32xf32, #tpu.memory_space<hbm>>) target(%dma_start3A_71 : memref<80x32xf32, #tpu.memory_space<vmem>>) offsets(%dma_start3A_72 : memref<80xi32, #tpu.memory_space<vmem>>) semaphore(%arg8 : memref<!tpu.dma_semaphore, #tpu.memory_space<semaphore_mem>>)
      %multiple_of3A_76 = arith.constant 480 : i32
      %multiple_of3A_77 = tpu.assume_multiple %multiple_of3A_76, 8 : i32
      %dma_start3A_78 = arith.constant 6 : i32
      %dma_start3A_79 = arith.constant 0 : i32
      %dma_start3A_80 = arith.constant 0 : i32
      %dma_start3A_81 = tpu.memref_slice %arg7[%dma_start3A_78, %dma_start3A_79, %dma_start3A_80] : memref<16x80x32xf32, #tpu.memory_space<vmem>> -> memref<1x80x32xf32, #tpu.memory_space<vmem>>
      %dma_start3A_82 = tpu.memref_squeeze %dma_start3A_81 : memref<1x80x32xf32, #tpu.memory_space<vmem>> -> memref<80x32xf32, #tpu.memory_space<vmem>>
      %dma_start3A_83 = tpu.memref_slice %arg6[%multiple_of3A_77] : memref<10000xi32, #tpu.memory_space<vmem>> -> memref<80xi32, #tpu.memory_space<vmem>>
      %dma_start3A_84 = arith.constant 0 : i32
      %dma_start3A_85 = arith.constant 0 : i32
      %dma_start3A_86 = tpu.memref_slice %arg3[%dma_start3A_84, %dma_start3A_85] : memref<10000x32xf32, #tpu.memory_space<hbm>> -> memref<10000x32xf32, #tpu.memory_space<hbm>>
      tpu.enqueue_indirect_dma source(%dma_start3A_86 : memref<10000x32xf32, #tpu.memory_space<hbm>>) target(%dma_start3A_82 : memref<80x32xf32, #tpu.memory_space<vmem>>) offsets(%dma_start3A_83 : memref<80xi32, #tpu.memory_space<vmem>>) semaphore(%arg8 : memref<!tpu.dma_semaphore, #tpu.memory_space<semaphore_mem>>)
      %multiple_of3A_87 = arith.constant 560 : i32
      %multiple_of3A_88 = tpu.assume_multiple %multiple_of3A_87, 8 : i32
      %dma_start3A_89 = arith.constant 7 : i32
      %dma_start3A_90 = arith.constant 0 : i32
      %dma_start3A_91 = arith.constant 0 : i32
      %dma_start3A_92 = tpu.memref_slice %arg7[%dma_start3A_89, %dma_start3A_90, %dma_start3A_91] : memref<16x80x32xf32, #tpu.memory_space<vmem>> -> memref<1x80x32xf32, #tpu.memory_space<vmem>>
      %dma_start3A_93 = tpu.memref_squeeze %dma_start3A_92 : memref<1x80x32xf32, #tpu.memory_space<vmem>> -> memref<80x32xf32, #tpu.memory_space<vmem>>
      %dma_start3A_94 = tpu.memref_slice %arg6[%multiple_of3A_88] : memref<10000xi32, #tpu.memory_space<vmem>> -> memref<80xi32, #tpu.memory_space<vmem>>
      %dma_start3A_95 = arith.constant 0 : i32
      %dma_start3A_96 = arith.constant 0 : i32
      %dma_start3A_97 = tpu.memref_slice %arg3[%dma_start3A_95, %dma_start3A_96] : memref<10000x32xf32, #tpu.memory_space<hbm>> -> memref<10000x32xf32, #tpu.memory_space<hbm>>
      tpu.enqueue_indirect_dma source(%dma_start3A_97 : memref<10000x32xf32, #tpu.memory_space<hbm>>) target(%dma_start3A_93 : memref<80x32xf32, #tpu.memory_space<vmem>>) offsets(%dma_start3A_94 : memref<80xi32, #tpu.memory_space<vmem>>) semaphore(%arg8 : memref<!tpu.dma_semaphore, #tpu.memory_space<semaphore_mem>>)
      %multiple_of3A_98 = arith.constant 640 : i32
      %multiple_of3A_99 = tpu.assume_multiple %multiple_of3A_98, 8 : i32
      %dma_start3A_100 = arith.constant 8 : i32
      %dma_start3A_101 = arith.constant 0 : i32
      %dma_start3A_102 = arith.constant 0 : i32
      %dma_start3A_103 = tpu.memref_slice %arg7[%dma_start3A_100, %dma_start3A_101, %dma_start3A_102] : memref<16x80x32xf32, #tpu.memory_space<vmem>> -> memref<1x80x32xf32, #tpu.memory_space<vmem>>
      %dma_start3A_104 = tpu.memref_squeeze %dma_start3A_103 : memref<1x80x32xf32, #tpu.memory_space<vmem>> -> memref<80x32xf32, #tpu.memory_space<vmem>>
      %dma_start3A_105 = tpu.memref_slice %arg6[%multiple_of3A_99] : memref<10000xi32, #tpu.memory_space<vmem>> -> memref<80xi32, #tpu.memory_space<vmem>>
      %dma_start3A_106 = arith.constant 0 : i32
      %dma_start3A_107 = arith.constant 0 : i32
      %dma_start3A_108 = tpu.memref_slice %arg3[%dma_start3A_106, %dma_start3A_107] : memref<10000x32xf32, #tpu.memory_space<hbm>> -> memref<10000x32xf32, #tpu.memory_space<hbm>>
      tpu.enqueue_indirect_dma source(%dma_start3A_108 : memref<10000x32xf32, #tpu.memory_space<hbm>>) target(%dma_start3A_104 : memref<80x32xf32, #tpu.memory_space<vmem>>) offsets(%dma_start3A_105 : memref<80xi32, #tpu.memory_space<vmem>>) semaphore(%arg8 : memref<!tpu.dma_semaphore, #tpu.memory_space<semaphore_mem>>)
      %multiple_of3A_109 = arith.constant 720 : i32
      %multiple_of3A_110 = tpu.assume_multiple %multiple_of3A_109, 8 : i32
      %dma_start3A_111 = arith.constant 9 : i32
      %dma_start3A_112 = arith.constant 0 : i32
      %dma_start3A_113 = arith.constant 0 : i32
      %dma_start3A_114 = tpu.memref_slice %arg7[%dma_start3A_111, %dma_start3A_112, %dma_start3A_113] : memref<16x80x32xf32, #tpu.memory_space<vmem>> -> memref<1x80x32xf32, #tpu.memory_space<vmem>>
      %dma_start3A_115 = tpu.memref_squeeze %dma_start3A_114 : memref<1x80x32xf32, #tpu.memory_space<vmem>> -> memref<80x32xf32, #tpu.memory_space<vmem>>
      %dma_start3A_116 = tpu.memref_slice %arg6[%multiple_of3A_110] : memref<10000xi32, #tpu.memory_space<vmem>> -> memref<80xi32, #tpu.memory_space<vmem>>
      %dma_start3A_117 = arith.constant 0 : i32
      %dma_start3A_118 = arith.constant 0 : i32
      %dma_start3A_119 = tpu.memref_slice %arg3[%dma_start3A_117, %dma_start3A_118] : memref<10000x32xf32, #tpu.memory_space<hbm>> -> memref<10000x32xf32, #tpu.memory_space<hbm>>
      tpu.enqueue_indirect_dma source(%dma_start3A_119 : memref<10000x32xf32, #tpu.memory_space<hbm>>) target(%dma_start3A_115 : memref<80x32xf32, #tpu.memory_space<vmem>>) offsets(%dma_start3A_116 : memref<80xi32, #tpu.memory_space<vmem>>) semaphore(%arg8 : memref<!tpu.dma_semaphore, #tpu.memory_space<semaphore_mem>>)
      %multiple_of3A_120 = arith.constant 800 : i32
      %multiple_of3A_121 = tpu.assume_multiple %multiple_of3A_120, 8 : i32
      %dma_start3A_122 = arith.constant 10 : i32
      %dma_start3A_123 = arith.constant 0 : i32
      %dma_start3A_124 = arith.constant 0 : i32
      %dma_start3A_125 = tpu.memref_slice %arg7[%dma_start3A_122, %dma_start3A_123, %dma_start3A_124] : memref<16x80x32xf32, #tpu.memory_space<vmem>> -> memref<1x80x32xf32, #tpu.memory_space<vmem>>
      %dma_start3A_126 = tpu.memref_squeeze %dma_start3A_125 : memref<1x80x32xf32, #tpu.memory_space<vmem>> -> memref<80x32xf32, #tpu.memory_space<vmem>>
      %dma_start3A_127 = tpu.memref_slice %arg6[%multiple_of3A_121] : memref<10000xi32, #tpu.memory_space<vmem>> -> memref<80xi32, #tpu.memory_space<vmem>>
      %dma_start3A_128 = arith.constant 0 : i32
      %dma_start3A_129 = arith.constant 0 : i32
      %dma_start3A_130 = tpu.memref_slice %arg3[%dma_start3A_128, %dma_start3A_129] : memref<10000x32xf32, #tpu.memory_space<hbm>> -> memref<10000x32xf32, #tpu.memory_space<hbm>>
      tpu.enqueue_indirect_dma source(%dma_start3A_130 : memref<10000x32xf32, #tpu.memory_space<hbm>>) target(%dma_start3A_126 : memref<80x32xf32, #tpu.memory_space<vmem>>) offsets(%dma_start3A_127 : memref<80xi32, #tpu.memory_space<vmem>>) semaphore(%arg8 : memref<!tpu.dma_semaphore, #tpu.memory_space<semaphore_mem>>)
      %multiple_of3A_131 = arith.constant 880 : i32
      %multiple_of3A_132 = tpu.assume_multiple %multiple_of3A_131, 8 : i32
      %dma_start3A_133 = arith.constant 11 : i32
      %dma_start3A_134 = arith.constant 0 : i32
      %dma_start3A_135 = arith.constant 0 : i32
      %dma_start3A_136 = tpu.memref_slice %arg7[%dma_start3A_133, %dma_start3A_134, %dma_start3A_135] : memref<16x80x32xf32, #tpu.memory_space<vmem>> -> memref<1x80x32xf32, #tpu.memory_space<vmem>>
      %dma_start3A_137 = tpu.memref_squeeze %dma_start3A_136 : memref<1x80x32xf32, #tpu.memory_space<vmem>> -> memref<80x32xf32, #tpu.memory_space<vmem>>
      %dma_start3A_138 = tpu.memref_slice %arg6[%multiple_of3A_132] : memref<10000xi32, #tpu.memory_space<vmem>> -> memref<80xi32, #tpu.memory_space<vmem>>
      %dma_start3A_139 = arith.constant 0 : i32
      %dma_start3A_140 = arith.constant 0 : i32
      %dma_start3A_141 = tpu.memref_slice %arg3[%dma_start3A_139, %dma_start3A_140] : memref<10000x32xf32, #tpu.memory_space<hbm>> -> memref<10000x32xf32, #tpu.memory_space<hbm>>
      tpu.enqueue_indirect_dma source(%dma_start3A_141 : memref<10000x32xf32, #tpu.memory_space<hbm>>) target(%dma_start3A_137 : memref<80x32xf32, #tpu.memory_space<vmem>>) offsets(%dma_start3A_138 : memref<80xi32, #tpu.memory_space<vmem>>) semaphore(%arg8 : memref<!tpu.dma_semaphore, #tpu.memory_space<semaphore_mem>>)
      %multiple_of3A_142 = arith.constant 960 : i32
      %multiple_of3A_143 = tpu.assume_multiple %multiple_of3A_142, 8 : i32
      %dma_start3A_144 = arith.constant 12 : i32
      %dma_start3A_145 = arith.constant 0 : i32
      %dma_start3A_146 = arith.constant 0 : i32
      %dma_start3A_147 = tpu.memref_slice %arg7[%dma_start3A_144, %dma_start3A_145, %dma_start3A_146] : memref<16x80x32xf32, #tpu.memory_space<vmem>> -> memref<1x80x32xf32, #tpu.memory_space<vmem>>
      %dma_start3A_148 = tpu.memref_squeeze %dma_start3A_147 : memref<1x80x32xf32, #tpu.memory_space<vmem>> -> memref<80x32xf32, #tpu.memory_space<vmem>>
      %dma_start3A_149 = tpu.memref_slice %arg6[%multiple_of3A_143] : memref<10000xi32, #tpu.memory_space<vmem>> -> memref<80xi32, #tpu.memory_space<vmem>>
      %dma_start3A_150 = arith.constant 0 : i32
      %dma_start3A_151 = arith.constant 0 : i32
      %dma_start3A_152 = tpu.memref_slice %arg3[%dma_start3A_150, %dma_start3A_151] : memref<10000x32xf32, #tpu.memory_space<hbm>> -> memref<10000x32xf32, #tpu.memory_space<hbm>>
      tpu.enqueue_indirect_dma source(%dma_start3A_152 : memref<10000x32xf32, #tpu.memory_space<hbm>>) target(%dma_start3A_148 : memref<80x32xf32, #tpu.memory_space<vmem>>) offsets(%dma_start3A_149 : memref<80xi32, #tpu.memory_space<vmem>>) semaphore(%arg8 : memref<!tpu.dma_semaphore, #tpu.memory_space<semaphore_mem>>)
      %multiple_of3A_153 = arith.constant 1040 : i32
      %multiple_of3A_154 = tpu.assume_multiple %multiple_of3A_153, 8 : i32
      %dma_start3A_155 = arith.constant 13 : i32
      %dma_start3A_156 = arith.constant 0 : i32
      %dma_start3A_157 = arith.constant 0 : i32
      %dma_start3A_158 = tpu.memref_slice %arg7[%dma_start3A_155, %dma_start3A_156, %dma_start3A_157] : memref<16x80x32xf32, #tpu.memory_space<vmem>> -> memref<1x80x32xf32, #tpu.memory_space<vmem>>
      %dma_start3A_159 = tpu.memref_squeeze %dma_start3A_158 : memref<1x80x32xf32, #tpu.memory_space<vmem>> -> memref<80x32xf32, #tpu.memory_space<vmem>>
      %dma_start3A_160 = tpu.memref_slice %arg6[%multiple_of3A_154] : memref<10000xi32, #tpu.memory_space<vmem>> -> memref<80xi32, #tpu.memory_space<vmem>>
      %dma_start3A_161 = arith.constant 0 : i32
      %dma_start3A_162 = arith.constant 0 : i32
      %dma_start3A_163 = tpu.memref_slice %arg3[%dma_start3A_161, %dma_start3A_162] : memref<10000x32xf32, #tpu.memory_space<hbm>> -> memref<10000x32xf32, #tpu.memory_space<hbm>>
      tpu.enqueue_indirect_dma source(%dma_start3A_163 : memref<10000x32xf32, #tpu.memory_space<hbm>>) target(%dma_start3A_159 : memref<80x32xf32, #tpu.memory_space<vmem>>) offsets(%dma_start3A_160 : memref<80xi32, #tpu.memory_space<vmem>>) semaphore(%arg8 : memref<!tpu.dma_semaphore, #tpu.memory_space<semaphore_mem>>)
      %multiple_of3A_164 = arith.constant 1120 : i32
      %multiple_of3A_165 = tpu.assume_multiple %multiple_of3A_164, 8 : i32
      %dma_start3A_166 = arith.constant 14 : i32
      %dma_start3A_167 = arith.constant 0 : i32
      %dma_start3A_168 = arith.constant 0 : i32
      %dma_start3A_169 = tpu.memref_slice %arg7[%dma_start3A_166, %dma_start3A_167, %dma_start3A_168] : memref<16x80x32xf32, #tpu.memory_space<vmem>> -> memref<1x80x32xf32, #tpu.memory_space<vmem>>
      %dma_start3A_170 = tpu.memref_squeeze %dma_start3A_169 : memref<1x80x32xf32, #tpu.memory_space<vmem>> -> memref<80x32xf32, #tpu.memory_space<vmem>>
      %dma_start3A_171 = tpu.memref_slice %arg6[%multiple_of3A_165] : memref<10000xi32, #tpu.memory_space<vmem>> -> memref<80xi32, #tpu.memory_space<vmem>>
      %dma_start3A_172 = arith.constant 0 : i32
      %dma_start3A_173 = arith.constant 0 : i32
      %dma_start3A_174 = tpu.memref_slice %arg3[%dma_start3A_172, %dma_start3A_173] : memref<10000x32xf32, #tpu.memory_space<hbm>> -> memref<10000x32xf32, #tpu.memory_space<hbm>>
      tpu.enqueue_indirect_dma source(%dma_start3A_174 : memref<10000x32xf32, #tpu.memory_space<hbm>>) target(%dma_start3A_170 : memref<80x32xf32, #tpu.memory_space<vmem>>) offsets(%dma_start3A_171 : memref<80xi32, #tpu.memory_space<vmem>>) semaphore(%arg8 : memref<!tpu.dma_semaphore, #tpu.memory_space<semaphore_mem>>)
      %scan3A = arith.constant 0 : i32
      %scan3A_175 = arith.constant 0 : i32
      %scan3A_176 = arith.constant 125 : i32
      %scan3A_177 = arith.addi %scan3A_175, %scan3A_176 : i32
      %scan3A_178 = arith.constant 1 : i32
      %scan3A_179 = scf.for %scan3A_436 = %scan3A_175 to %scan3A_177 step %scan3A_178 iter_args(%scan3A_437 = %scan3A) -> (i32)  : i32 {
        %rem3A_438 = arith.constant 16 : i32
        %rem3A_439 = arith.remsi %scan3A_436, %rem3A_438 : i32
        %mul3A_440 = arith.constant 80 : i32
        %mul3A_441 = arith.muli %scan3A_436, %mul3A_440 : i32
        %multiple_of3A_442 = tpu.assume_multiple %mul3A_441, 8 : i32
        %dma_wait3A_443 = arith.constant 0 : i32
        %dma_wait3A_444 = arith.constant 0 : i32
        %dma_wait3A_445 = tpu.memref_slice %arg7[%rem3A_439, %dma_wait3A_443, %dma_wait3A_444] : memref<16x80x32xf32, #tpu.memory_space<vmem>> -> memref<1x80x32xf32, #tpu.memory_space<vmem>>
        %dma_wait3A_446 = tpu.memref_squeeze %dma_wait3A_445 : memref<1x80x32xf32, #tpu.memory_space<vmem>> -> memref<80x32xf32, #tpu.memory_space<vmem>>
        %dma_wait3A_447 = tpu.memref_slice %arg6[%multiple_of3A_442] : memref<10000xi32, #tpu.memory_space<vmem>> -> memref<80xi32, #tpu.memory_space<vmem>>
        %dma_wait3A_448 = arith.constant 0 : i32
        %dma_wait3A_449 = arith.constant 0 : i32
        %dma_wait3A_450 = tpu.memref_slice %arg3[%dma_wait3A_448, %dma_wait3A_449] : memref<10000x32xf32, #tpu.memory_space<hbm>> -> memref<10000x32xf32, #tpu.memory_space<hbm>>
        tpu.wait_indirect_dma semaphore(%arg8 : memref<!tpu.dma_semaphore, #tpu.memory_space<semaphore_mem>>) src(%dma_wait3A_450 : memref<10000x32xf32, #tpu.memory_space<hbm>>) dst(%dma_wait3A_446 : memref<80x32xf32, #tpu.memory_space<vmem>>)
        %mul3A_451 = arith.constant 80 : i32
        %mul3A_452 = arith.muli %scan3A_436, %mul3A_451 : i32
        %add3A_453 = arith.addi %add3A_11, %mul3A_452 : i32
        %multiple_of3A_454 = tpu.assume_multiple %add3A_453, 8 : i32
        %dma_start3A_455 = arith.constant 0 : i32
        %dma_start3A_456 = arith.constant 0 : i32
        %dma_start3A_457 = tpu.memref_slice %arg7[%rem3A_439, %dma_start3A_455, %dma_start3A_456] : memref<16x80x32xf32, #tpu.memory_space<vmem>> -> memref<1x80x32xf32, #tpu.memory_space<vmem>>
        %dma_start3A_458 = tpu.memref_squeeze %dma_start3A_457 : memref<1x80x32xf32, #tpu.memory_space<vmem>> -> memref<80x32xf32, #tpu.memory_space<vmem>>
        %dma_start3A_459 = arith.constant 0 : i32
        %dma_start3A_460 = tpu.memref_slice %arg5[%multiple_of3A_454, %dma_start3A_459] : memref<320000x32xf32, #tpu.memory_space<hbm>> -> memref<80x32xf32, #tpu.memory_space<hbm>>
        %dma_start3A_461 = arith.constant 0 : i32
        %dma_start3A_462 = tpu.memref_slice %arg5[%multiple_of3A_454, %dma_start3A_461] : memref<320000x32xf32, #tpu.memory_space<hbm>> -> memref<80x32xf32, #tpu.memory_space<hbm>>
        %dma_start3A_463 = arith.constant 0 : i32
        %dma_start3A_464 = arith.constant 0 : i32
        %dma_start3A_465 = tpu.memref_slice %arg7[%rem3A_439, %dma_start3A_463, %dma_start3A_464] : memref<16x80x32xf32, #tpu.memory_space<vmem>> -> memref<1x80x32xf32, #tpu.memory_space<vmem>>
        %dma_start3A_466 = tpu.memref_squeeze %dma_start3A_465 : memref<1x80x32xf32, #tpu.memory_space<vmem>> -> memref<80x32xf32, #tpu.memory_space<vmem>>
        tpu.enqueue_dma source(%dma_start3A_466 : memref<80x32xf32, #tpu.memory_space<vmem>>) target(%dma_start3A_462 : memref<80x32xf32, #tpu.memory_space<hbm>>) target_semaphore(%arg9 : memref<!tpu.dma_semaphore, #tpu.memory_space<semaphore_mem>>)
        %add3A_467 = arith.constant 15 : i32
        %add3A_468 = arith.addi %scan3A_436, %add3A_467 : i32
        %lt3A_469 = arith.constant 125 : i32
        %lt3A_470 = arith.cmpi slt, %add3A_468, %lt3A_469 : i32
        %convert_element_type3A_471 = arith.extui %lt3A_470 : i1 to i32
        %cond3A_472 = arith.constant 0 : i32
        %cond3A_473 = arith.cmpi ne, %convert_element_type3A_471, %cond3A_472 : i32
        scf.if %cond3A_473 {
          %ge3A_475 = arith.constant 1 : i32
          %ge3A_476 = arith.cmpi sge, %scan3A_436, %ge3A_475 : i32
          %convert_element_type3A_477 = arith.extui %ge3A_476 : i1 to i32
          %cond3A_478 = arith.constant 0 : i32
          %cond3A_479 = arith.cmpi ne, %convert_element_type3A_477, %cond3A_478 : i32
          scf.if %cond3A_479 {
            %mul3A_497 = arith.constant 80 : i32
            %mul3A_498 = arith.muli %scan3A_436, %mul3A_497 : i32
            %add3A_499 = arith.addi %add3A_11, %mul3A_498 : i32
            %multiple_of3A_500 = tpu.assume_multiple %add3A_499, 8 : i32
            %dma_wait3A_501 = arith.constant 0 : i32
            %dma_wait3A_502 = arith.constant 0 : i32
            %dma_wait3A_503 = arith.constant 0 : i32
            %dma_wait3A_504 = tpu.memref_slice %arg7[%dma_wait3A_501, %dma_wait3A_502, %dma_wait3A_503] : memref<16x80x32xf32, #tpu.memory_space<vmem>> -> memref<1x80x32xf32, #tpu.memory_space<vmem>>
            %dma_wait3A_505 = tpu.memref_squeeze %dma_wait3A_504 : memref<1x80x32xf32, #tpu.memory_space<vmem>> -> memref<80x32xf32, #tpu.memory_space<vmem>>
            %dma_wait3A_506 = arith.constant 0 : i32
            %dma_wait3A_507 = tpu.memref_slice %arg5[%multiple_of3A_500, %dma_wait3A_506] : memref<320000x32xf32, #tpu.memory_space<hbm>> -> memref<80x32xf32, #tpu.memory_space<hbm>>
            %dma_wait3A_508 = arith.constant 0 : i32
            %dma_wait3A_509 = tpu.memref_slice %arg5[%multiple_of3A_500, %dma_wait3A_508] : memref<320000x32xf32, #tpu.memory_space<hbm>> -> memref<80x32xf32, #tpu.memory_space<hbm>>
            %dma_wait3A_510 = arith.constant 0 : i32
            %dma_wait3A_511 = arith.constant 0 : i32
            %dma_wait3A_512 = tpu.memref_slice %arg7[%dma_wait3A_501, %dma_wait3A_510, %dma_wait3A_511] : memref<16x80x32xf32, #tpu.memory_space<vmem>> -> memref<1x80x32xf32, #tpu.memory_space<vmem>>
            %dma_wait3A_513 = tpu.memref_squeeze %dma_wait3A_512 : memref<1x80x32xf32, #tpu.memory_space<vmem>> -> memref<80x32xf32, #tpu.memory_space<vmem>>
            tpu.wait_dma2 semaphore(%arg9 : memref<!tpu.dma_semaphore, #tpu.memory_space<semaphore_mem>>) src(%dma_wait3A_513 : memref<80x32xf32, #tpu.memory_space<vmem>>) dst(%dma_wait3A_509 : memref<80x32xf32, #tpu.memory_space<hbm>>)
          } else {
          }
          %add3A_480 = arith.constant 15 : i32
          %add3A_481 = arith.addi %scan3A_436, %add3A_480 : i32
          %mul3A_482 = arith.constant 80 : i32
          %mul3A_483 = arith.muli %add3A_481, %mul3A_482 : i32
          %multiple_of3A_484 = tpu.assume_multiple %mul3A_483, 8 : i32
          %add3A_485 = arith.constant 15 : i32
          %add3A_486 = arith.addi %scan3A_436, %add3A_485 : i32
          %rem3A_487 = arith.constant 16 : i32
          %rem3A_488 = arith.remsi %add3A_486, %rem3A_487 : i32
          %dma_start3A_489 = arith.constant 0 : i32
          %dma_start3A_490 = arith.constant 0 : i32
          %dma_start3A_491 = tpu.memref_slice %arg7[%rem3A_488, %dma_start3A_489, %dma_start3A_490] : memref<16x80x32xf32, #tpu.memory_space<vmem>> -> memref<1x80x32xf32, #tpu.memory_space<vmem>>
          %dma_start3A_492 = tpu.memref_squeeze %dma_start3A_491 : memref<1x80x32xf32, #tpu.memory_space<vmem>> -> memref<80x32xf32, #tpu.memory_space<vmem>>
          %dma_start3A_493 = tpu.memref_slice %arg6[%multiple_of3A_484] : memref<10000xi32, #tpu.memory_space<vmem>> -> memref<80xi32, #tpu.memory_space<vmem>>
          %dma_start3A_494 = arith.constant 0 : i32
          %dma_start3A_495 = arith.constant 0 : i32
          %dma_start3A_496 = tpu.memref_slice %arg3[%dma_start3A_494, %dma_start3A_495] : memref<10000x32xf32, #tpu.memory_space<hbm>> -> memref<10000x32xf32, #tpu.memory_space<hbm>>
          tpu.enqueue_indirect_dma source(%dma_start3A_496 : memref<10000x32xf32, #tpu.memory_space<hbm>>) target(%dma_start3A_492 : memref<80x32xf32, #tpu.memory_space<vmem>>) offsets(%dma_start3A_493 : memref<80xi32, #tpu.memory_space<vmem>>) semaphore(%arg8 : memref<!tpu.dma_semaphore, #tpu.memory_space<semaphore_mem>>)
        } else {
        }
        %scan3A_474 = arith.constant 0 : i32
        scf.yield %scan3A_474 : i32
      }
      %scan3A_180 = arith.constant 125 : i32
      %add3A_181 = arith.constant 9920 : i32
      %add3A_182 = arith.addi %add3A_11, %add3A_181 : i32
      %multiple_of3A_183 = tpu.assume_multiple %add3A_182, 8 : i32
      %dma_wait3A = arith.constant 0 : i32
      %dma_wait3A_184 = arith.constant 0 : i32
      %dma_wait3A_185 = arith.constant 0 : i32
      %dma_wait3A_186 = tpu.memref_slice %arg7[%dma_wait3A, %dma_wait3A_184, %dma_wait3A_185] : memref<16x80x32xf32, #tpu.memory_space<vmem>> -> memref<1x80x32xf32, #tpu.memory_space<vmem>>
      %dma_wait3A_187 = tpu.memref_squeeze %dma_wait3A_186 : memref<1x80x32xf32, #tpu.memory_space<vmem>> -> memref<80x32xf32, #tpu.memory_space<vmem>>
      %dma_wait3A_188 = arith.constant 0 : i32
      %dma_wait3A_189 = tpu.memref_slice %arg5[%multiple_of3A_183, %dma_wait3A_188] : memref<320000x32xf32, #tpu.memory_space<hbm>> -> memref<80x32xf32, #tpu.memory_space<hbm>>
      %dma_wait3A_190 = arith.constant 0 : i32
      %dma_wait3A_191 = tpu.memref_slice %arg5[%multiple_of3A_183, %dma_wait3A_190] : memref<320000x32xf32, #tpu.memory_space<hbm>> -> memref<80x32xf32, #tpu.memory_space<hbm>>
      %dma_wait3A_192 = arith.constant 0 : i32
      %dma_wait3A_193 = arith.constant 0 : i32
      %dma_wait3A_194 = tpu.memref_slice %arg7[%dma_wait3A, %dma_wait3A_192, %dma_wait3A_193] : memref<16x80x32xf32, #tpu.memory_space<vmem>> -> memref<1x80x32xf32, #tpu.memory_space<vmem>>
      %dma_wait3A_195 = tpu.memref_squeeze %dma_wait3A_194 : memref<1x80x32xf32, #tpu.memory_space<vmem>> -> memref<80x32xf32, #tpu.memory_space<vmem>>
      tpu.wait_dma2 semaphore(%arg9 : memref<!tpu.dma_semaphore, #tpu.memory_space<semaphore_mem>>) src(%dma_wait3A_195 : memref<80x32xf32, #tpu.memory_space<vmem>>) dst(%dma_wait3A_191 : memref<80x32xf32, #tpu.memory_space<hbm>>)
      %add3A_196 = arith.constant 9920 : i32
      %add3A_197 = arith.addi %add3A_11, %add3A_196 : i32
      %multiple_of3A_198 = tpu.assume_multiple %add3A_197, 8 : i32
      %dma_wait3A_199 = arith.constant 0 : i32
      %dma_wait3A_200 = arith.constant 0 : i32
      %dma_wait3A_201 = arith.constant 0 : i32
      %dma_wait3A_202 = tpu.memref_slice %arg7[%dma_wait3A_199, %dma_wait3A_200, %dma_wait3A_201] : memref<16x80x32xf32, #tpu.memory_space<vmem>> -> memref<1x80x32xf32, #tpu.memory_space<vmem>>
      %dma_wait3A_203 = tpu.memref_squeeze %dma_wait3A_202 : memref<1x80x32xf32, #tpu.memory_space<vmem>> -> memref<80x32xf32, #tpu.memory_space<vmem>>
      %dma_wait3A_204 = arith.constant 0 : i32
      %dma_wait3A_205 = tpu.memref_slice %arg5[%multiple_of3A_198, %dma_wait3A_204] : memref<320000x32xf32, #tpu.memory_space<hbm>> -> memref<80x32xf32, #tpu.memory_space<hbm>>
      %dma_wait3A_206 = arith.constant 0 : i32
      %dma_wait3A_207 = tpu.memref_slice %arg5[%multiple_of3A_198, %dma_wait3A_206] : memref<320000x32xf32, #tpu.memory_space<hbm>> -> memref<80x32xf32, #tpu.memory_space<hbm>>
      %dma_wait3A_208 = arith.constant 0 : i32
      %dma_wait3A_209 = arith.constant 0 : i32
      %dma_wait3A_210 = tpu.memref_slice %arg7[%dma_wait3A_199, %dma_wait3A_208, %dma_wait3A_209] : memref<16x80x32xf32, #tpu.memory_space<vmem>> -> memref<1x80x32xf32, #tpu.memory_space<vmem>>
      %dma_wait3A_211 = tpu.memref_squeeze %dma_wait3A_210 : memref<1x80x32xf32, #tpu.memory_space<vmem>> -> memref<80x32xf32, #tpu.memory_space<vmem>>
      tpu.wait_dma2 semaphore(%arg9 : memref<!tpu.dma_semaphore, #tpu.memory_space<semaphore_mem>>) src(%dma_wait3A_211 : memref<80x32xf32, #tpu.memory_space<vmem>>) dst(%dma_wait3A_207 : memref<80x32xf32, #tpu.memory_space<hbm>>)
      %add3A_212 = arith.constant 9920 : i32
      %add3A_213 = arith.addi %add3A_11, %add3A_212 : i32
      %multiple_of3A_214 = tpu.assume_multiple %add3A_213, 8 : i32
      %dma_wait3A_215 = arith.constant 0 : i32
      %dma_wait3A_216 = arith.constant 0 : i32
      %dma_wait3A_217 = arith.constant 0 : i32
      %dma_wait3A_218 = tpu.memref_slice %arg7[%dma_wait3A_215, %dma_wait3A_216, %dma_wait3A_217] : memref<16x80x32xf32, #tpu.memory_space<vmem>> -> memref<1x80x32xf32, #tpu.memory_space<vmem>>
      %dma_wait3A_219 = tpu.memref_squeeze %dma_wait3A_218 : memref<1x80x32xf32, #tpu.memory_space<vmem>> -> memref<80x32xf32, #tpu.memory_space<vmem>>
      %dma_wait3A_220 = arith.constant 0 : i32
      %dma_wait3A_221 = tpu.memref_slice %arg5[%multiple_of3A_214, %dma_wait3A_220] : memref<320000x32xf32, #tpu.memory_space<hbm>> -> memref<80x32xf32, #tpu.memory_space<hbm>>
      %dma_wait3A_222 = arith.constant 0 : i32
      %dma_wait3A_223 = tpu.memref_slice %arg5[%multiple_of3A_214, %dma_wait3A_222] : memref<320000x32xf32, #tpu.memory_space<hbm>> -> memref<80x32xf32, #tpu.memory_space<hbm>>
      %dma_wait3A_224 = arith.constant 0 : i32
      %dma_wait3A_225 = arith.constant 0 : i32
      %dma_wait3A_226 = tpu.memref_slice %arg7[%dma_wait3A_215, %dma_wait3A_224, %dma_wait3A_225] : memref<16x80x32xf32, #tpu.memory_space<vmem>> -> memref<1x80x32xf32, #tpu.memory_space<vmem>>
      %dma_wait3A_227 = tpu.memref_squeeze %dma_wait3A_226 : memref<1x80x32xf32, #tpu.memory_space<vmem>> -> memref<80x32xf32, #tpu.memory_space<vmem>>
      tpu.wait_dma2 semaphore(%arg9 : memref<!tpu.dma_semaphore, #tpu.memory_space<semaphore_mem>>) src(%dma_wait3A_227 : memref<80x32xf32, #tpu.memory_space<vmem>>) dst(%dma_wait3A_223 : memref<80x32xf32, #tpu.memory_space<hbm>>)
      %add3A_228 = arith.constant 9920 : i32
      %add3A_229 = arith.addi %add3A_11, %add3A_228 : i32
      %multiple_of3A_230 = tpu.assume_multiple %add3A_229, 8 : i32
      %dma_wait3A_231 = arith.constant 0 : i32
      %dma_wait3A_232 = arith.constant 0 : i32
      %dma_wait3A_233 = arith.constant 0 : i32
      %dma_wait3A_234 = tpu.memref_slice %arg7[%dma_wait3A_231, %dma_wait3A_232, %dma_wait3A_233] : memref<16x80x32xf32, #tpu.memory_space<vmem>> -> memref<1x80x32xf32, #tpu.memory_space<vmem>>
      %dma_wait3A_235 = tpu.memref_squeeze %dma_wait3A_234 : memref<1x80x32xf32, #tpu.memory_space<vmem>> -> memref<80x32xf32, #tpu.memory_space<vmem>>
      %dma_wait3A_236 = arith.constant 0 : i32
      %dma_wait3A_237 = tpu.memref_slice %arg5[%multiple_of3A_230, %dma_wait3A_236] : memref<320000x32xf32, #tpu.memory_space<hbm>> -> memref<80x32xf32, #tpu.memory_space<hbm>>
      %dma_wait3A_238 = arith.constant 0 : i32
      %dma_wait3A_239 = tpu.memref_slice %arg5[%multiple_of3A_230, %dma_wait3A_238] : memref<320000x32xf32, #tpu.memory_space<hbm>> -> memref<80x32xf32, #tpu.memory_space<hbm>>
      %dma_wait3A_240 = arith.constant 0 : i32
      %dma_wait3A_241 = arith.constant 0 : i32
      %dma_wait3A_242 = tpu.memref_slice %arg7[%dma_wait3A_231, %dma_wait3A_240, %dma_wait3A_241] : memref<16x80x32xf32, #tpu.memory_space<vmem>> -> memref<1x80x32xf32, #tpu.memory_space<vmem>>
      %dma_wait3A_243 = tpu.memref_squeeze %dma_wait3A_242 : memref<1x80x32xf32, #tpu.memory_space<vmem>> -> memref<80x32xf32, #tpu.memory_space<vmem>>
      tpu.wait_dma2 semaphore(%arg9 : memref<!tpu.dma_semaphore, #tpu.memory_space<semaphore_mem>>) src(%dma_wait3A_243 : memref<80x32xf32, #tpu.memory_space<vmem>>) dst(%dma_wait3A_239 : memref<80x32xf32, #tpu.memory_space<hbm>>)
      %add3A_244 = arith.constant 9920 : i32
      %add3A_245 = arith.addi %add3A_11, %add3A_244 : i32
      %multiple_of3A_246 = tpu.assume_multiple %add3A_245, 8 : i32
      %dma_wait3A_247 = arith.constant 0 : i32
      %dma_wait3A_248 = arith.constant 0 : i32
      %dma_wait3A_249 = arith.constant 0 : i32
      %dma_wait3A_250 = tpu.memref_slice %arg7[%dma_wait3A_247, %dma_wait3A_248, %dma_wait3A_249] : memref<16x80x32xf32, #tpu.memory_space<vmem>> -> memref<1x80x32xf32, #tpu.memory_space<vmem>>
      %dma_wait3A_251 = tpu.memref_squeeze %dma_wait3A_250 : memref<1x80x32xf32, #tpu.memory_space<vmem>> -> memref<80x32xf32, #tpu.memory_space<vmem>>
      %dma_wait3A_252 = arith.constant 0 : i32
      %dma_wait3A_253 = tpu.memref_slice %arg5[%multiple_of3A_246, %dma_wait3A_252] : memref<320000x32xf32, #tpu.memory_space<hbm>> -> memref<80x32xf32, #tpu.memory_space<hbm>>
      %dma_wait3A_254 = arith.constant 0 : i32
      %dma_wait3A_255 = tpu.memref_slice %arg5[%multiple_of3A_246, %dma_wait3A_254] : memref<320000x32xf32, #tpu.memory_space<hbm>> -> memref<80x32xf32, #tpu.memory_space<hbm>>
      %dma_wait3A_256 = arith.constant 0 : i32
      %dma_wait3A_257 = arith.constant 0 : i32
      %dma_wait3A_258 = tpu.memref_slice %arg7[%dma_wait3A_247, %dma_wait3A_256, %dma_wait3A_257] : memref<16x80x32xf32, #tpu.memory_space<vmem>> -> memref<1x80x32xf32, #tpu.memory_space<vmem>>
      %dma_wait3A_259 = tpu.memref_squeeze %dma_wait3A_258 : memref<1x80x32xf32, #tpu.memory_space<vmem>> -> memref<80x32xf32, #tpu.memory_space<vmem>>
      tpu.wait_dma2 semaphore(%arg9 : memref<!tpu.dma_semaphore, #tpu.memory_space<semaphore_mem>>) src(%dma_wait3A_259 : memref<80x32xf32, #tpu.memory_space<vmem>>) dst(%dma_wait3A_255 : memref<80x32xf32, #tpu.memory_space<hbm>>)
      %add3A_260 = arith.constant 9920 : i32
      %add3A_261 = arith.addi %add3A_11, %add3A_260 : i32
      %multiple_of3A_262 = tpu.assume_multiple %add3A_261, 8 : i32
      %dma_wait3A_263 = arith.constant 0 : i32
      %dma_wait3A_264 = arith.constant 0 : i32
      %dma_wait3A_265 = arith.constant 0 : i32
      %dma_wait3A_266 = tpu.memref_slice %arg7[%dma_wait3A_263, %dma_wait3A_264, %dma_wait3A_265] : memref<16x80x32xf32, #tpu.memory_space<vmem>> -> memref<1x80x32xf32, #tpu.memory_space<vmem>>
      %dma_wait3A_267 = tpu.memref_squeeze %dma_wait3A_266 : memref<1x80x32xf32, #tpu.memory_space<vmem>> -> memref<80x32xf32, #tpu.memory_space<vmem>>
      %dma_wait3A_268 = arith.constant 0 : i32
      %dma_wait3A_269 = tpu.memref_slice %arg5[%multiple_of3A_262, %dma_wait3A_268] : memref<320000x32xf32, #tpu.memory_space<hbm>> -> memref<80x32xf32, #tpu.memory_space<hbm>>
      %dma_wait3A_270 = arith.constant 0 : i32
      %dma_wait3A_271 = tpu.memref_slice %arg5[%multiple_of3A_262, %dma_wait3A_270] : memref<320000x32xf32, #tpu.memory_space<hbm>> -> memref<80x32xf32, #tpu.memory_space<hbm>>
      %dma_wait3A_272 = arith.constant 0 : i32
      %dma_wait3A_273 = arith.constant 0 : i32
      %dma_wait3A_274 = tpu.memref_slice %arg7[%dma_wait3A_263, %dma_wait3A_272, %dma_wait3A_273] : memref<16x80x32xf32, #tpu.memory_space<vmem>> -> memref<1x80x32xf32, #tpu.memory_space<vmem>>
      %dma_wait3A_275 = tpu.memref_squeeze %dma_wait3A_274 : memref<1x80x32xf32, #tpu.memory_space<vmem>> -> memref<80x32xf32, #tpu.memory_space<vmem>>
      tpu.wait_dma2 semaphore(%arg9 : memref<!tpu.dma_semaphore, #tpu.memory_space<semaphore_mem>>) src(%dma_wait3A_275 : memref<80x32xf32, #tpu.memory_space<vmem>>) dst(%dma_wait3A_271 : memref<80x32xf32, #tpu.memory_space<hbm>>)
      %add3A_276 = arith.constant 9920 : i32
      %add3A_277 = arith.addi %add3A_11, %add3A_276 : i32
      %multiple_of3A_278 = tpu.assume_multiple %add3A_277, 8 : i32
      %dma_wait3A_279 = arith.constant 0 : i32
      %dma_wait3A_280 = arith.constant 0 : i32
      %dma_wait3A_281 = arith.constant 0 : i32
      %dma_wait3A_282 = tpu.memref_slice %arg7[%dma_wait3A_279, %dma_wait3A_280, %dma_wait3A_281] : memref<16x80x32xf32, #tpu.memory_space<vmem>> -> memref<1x80x32xf32, #tpu.memory_space<vmem>>
      %dma_wait3A_283 = tpu.memref_squeeze %dma_wait3A_282 : memref<1x80x32xf32, #tpu.memory_space<vmem>> -> memref<80x32xf32, #tpu.memory_space<vmem>>
      %dma_wait3A_284 = arith.constant 0 : i32
      %dma_wait3A_285 = tpu.memref_slice %arg5[%multiple_of3A_278, %dma_wait3A_284] : memref<320000x32xf32, #tpu.memory_space<hbm>> -> memref<80x32xf32, #tpu.memory_space<hbm>>
      %dma_wait3A_286 = arith.constant 0 : i32
      %dma_wait3A_287 = tpu.memref_slice %arg5[%multiple_of3A_278, %dma_wait3A_286] : memref<320000x32xf32, #tpu.memory_space<hbm>> -> memref<80x32xf32, #tpu.memory_space<hbm>>
      %dma_wait3A_288 = arith.constant 0 : i32
      %dma_wait3A_289 = arith.constant 0 : i32
      %dma_wait3A_290 = tpu.memref_slice %arg7[%dma_wait3A_279, %dma_wait3A_288, %dma_wait3A_289] : memref<16x80x32xf32, #tpu.memory_space<vmem>> -> memref<1x80x32xf32, #tpu.memory_space<vmem>>
      %dma_wait3A_291 = tpu.memref_squeeze %dma_wait3A_290 : memref<1x80x32xf32, #tpu.memory_space<vmem>> -> memref<80x32xf32, #tpu.memory_space<vmem>>
      tpu.wait_dma2 semaphore(%arg9 : memref<!tpu.dma_semaphore, #tpu.memory_space<semaphore_mem>>) src(%dma_wait3A_291 : memref<80x32xf32, #tpu.memory_space<vmem>>) dst(%dma_wait3A_287 : memref<80x32xf32, #tpu.memory_space<hbm>>)
      %add3A_292 = arith.constant 9920 : i32
      %add3A_293 = arith.addi %add3A_11, %add3A_292 : i32
      %multiple_of3A_294 = tpu.assume_multiple %add3A_293, 8 : i32
      %dma_wait3A_295 = arith.constant 0 : i32
      %dma_wait3A_296 = arith.constant 0 : i32
      %dma_wait3A_297 = arith.constant 0 : i32
      %dma_wait3A_298 = tpu.memref_slice %arg7[%dma_wait3A_295, %dma_wait3A_296, %dma_wait3A_297] : memref<16x80x32xf32, #tpu.memory_space<vmem>> -> memref<1x80x32xf32, #tpu.memory_space<vmem>>
      %dma_wait3A_299 = tpu.memref_squeeze %dma_wait3A_298 : memref<1x80x32xf32, #tpu.memory_space<vmem>> -> memref<80x32xf32, #tpu.memory_space<vmem>>
      %dma_wait3A_300 = arith.constant 0 : i32
      %dma_wait3A_301 = tpu.memref_slice %arg5[%multiple_of3A_294, %dma_wait3A_300] : memref<320000x32xf32, #tpu.memory_space<hbm>> -> memref<80x32xf32, #tpu.memory_space<hbm>>
      %dma_wait3A_302 = arith.constant 0 : i32
      %dma_wait3A_303 = tpu.memref_slice %arg5[%multiple_of3A_294, %dma_wait3A_302] : memref<320000x32xf32, #tpu.memory_space<hbm>> -> memref<80x32xf32, #tpu.memory_space<hbm>>
      %dma_wait3A_304 = arith.constant 0 : i32
      %dma_wait3A_305 = arith.constant 0 : i32
      %dma_wait3A_306 = tpu.memref_slice %arg7[%dma_wait3A_295, %dma_wait3A_304, %dma_wait3A_305] : memref<16x80x32xf32, #tpu.memory_space<vmem>> -> memref<1x80x32xf32, #tpu.memory_space<vmem>>
      %dma_wait3A_307 = tpu.memref_squeeze %dma_wait3A_306 : memref<1x80x32xf32, #tpu.memory_space<vmem>> -> memref<80x32xf32, #tpu.memory_space<vmem>>
      tpu.wait_dma2 semaphore(%arg9 : memref<!tpu.dma_semaphore, #tpu.memory_space<semaphore_mem>>) src(%dma_wait3A_307 : memref<80x32xf32, #tpu.memory_space<vmem>>) dst(%dma_wait3A_303 : memref<80x32xf32, #tpu.memory_space<hbm>>)
      %add3A_308 = arith.constant 9920 : i32
      %add3A_309 = arith.addi %add3A_11, %add3A_308 : i32
      %multiple_of3A_310 = tpu.assume_multiple %add3A_309, 8 : i32
      %dma_wait3A_311 = arith.constant 0 : i32
      %dma_wait3A_312 = arith.constant 0 : i32
      %dma_wait3A_313 = arith.constant 0 : i32
      %dma_wait3A_314 = tpu.memref_slice %arg7[%dma_wait3A_311, %dma_wait3A_312, %dma_wait3A_313] : memref<16x80x32xf32, #tpu.memory_space<vmem>> -> memref<1x80x32xf32, #tpu.memory_space<vmem>>
      %dma_wait3A_315 = tpu.memref_squeeze %dma_wait3A_314 : memref<1x80x32xf32, #tpu.memory_space<vmem>> -> memref<80x32xf32, #tpu.memory_space<vmem>>
      %dma_wait3A_316 = arith.constant 0 : i32
      %dma_wait3A_317 = tpu.memref_slice %arg5[%multiple_of3A_310, %dma_wait3A_316] : memref<320000x32xf32, #tpu.memory_space<hbm>> -> memref<80x32xf32, #tpu.memory_space<hbm>>
      %dma_wait3A_318 = arith.constant 0 : i32
      %dma_wait3A_319 = tpu.memref_slice %arg5[%multiple_of3A_310, %dma_wait3A_318] : memref<320000x32xf32, #tpu.memory_space<hbm>> -> memref<80x32xf32, #tpu.memory_space<hbm>>
      %dma_wait3A_320 = arith.constant 0 : i32
      %dma_wait3A_321 = arith.constant 0 : i32
      %dma_wait3A_322 = tpu.memref_slice %arg7[%dma_wait3A_311, %dma_wait3A_320, %dma_wait3A_321] : memref<16x80x32xf32, #tpu.memory_space<vmem>> -> memref<1x80x32xf32, #tpu.memory_space<vmem>>
      %dma_wait3A_323 = tpu.memref_squeeze %dma_wait3A_322 : memref<1x80x32xf32, #tpu.memory_space<vmem>> -> memref<80x32xf32, #tpu.memory_space<vmem>>
      tpu.wait_dma2 semaphore(%arg9 : memref<!tpu.dma_semaphore, #tpu.memory_space<semaphore_mem>>) src(%dma_wait3A_323 : memref<80x32xf32, #tpu.memory_space<vmem>>) dst(%dma_wait3A_319 : memref<80x32xf32, #tpu.memory_space<hbm>>)
      %add3A_324 = arith.constant 9920 : i32
      %add3A_325 = arith.addi %add3A_11, %add3A_324 : i32
      %multiple_of3A_326 = tpu.assume_multiple %add3A_325, 8 : i32
      %dma_wait3A_327 = arith.constant 0 : i32
      %dma_wait3A_328 = arith.constant 0 : i32
      %dma_wait3A_329 = arith.constant 0 : i32
      %dma_wait3A_330 = tpu.memref_slice %arg7[%dma_wait3A_327, %dma_wait3A_328, %dma_wait3A_329] : memref<16x80x32xf32, #tpu.memory_space<vmem>> -> memref<1x80x32xf32, #tpu.memory_space<vmem>>
      %dma_wait3A_331 = tpu.memref_squeeze %dma_wait3A_330 : memref<1x80x32xf32, #tpu.memory_space<vmem>> -> memref<80x32xf32, #tpu.memory_space<vmem>>
      %dma_wait3A_332 = arith.constant 0 : i32
      %dma_wait3A_333 = tpu.memref_slice %arg5[%multiple_of3A_326, %dma_wait3A_332] : memref<320000x32xf32, #tpu.memory_space<hbm>> -> memref<80x32xf32, #tpu.memory_space<hbm>>
      %dma_wait3A_334 = arith.constant 0 : i32
      %dma_wait3A_335 = tpu.memref_slice %arg5[%multiple_of3A_326, %dma_wait3A_334] : memref<320000x32xf32, #tpu.memory_space<hbm>> -> memref<80x32xf32, #tpu.memory_space<hbm>>
      %dma_wait3A_336 = arith.constant 0 : i32
      %dma_wait3A_337 = arith.constant 0 : i32
      %dma_wait3A_338 = tpu.memref_slice %arg7[%dma_wait3A_327, %dma_wait3A_336, %dma_wait3A_337] : memref<16x80x32xf32, #tpu.memory_space<vmem>> -> memref<1x80x32xf32, #tpu.memory_space<vmem>>
      %dma_wait3A_339 = tpu.memref_squeeze %dma_wait3A_338 : memref<1x80x32xf32, #tpu.memory_space<vmem>> -> memref<80x32xf32, #tpu.memory_space<vmem>>
      tpu.wait_dma2 semaphore(%arg9 : memref<!tpu.dma_semaphore, #tpu.memory_space<semaphore_mem>>) src(%dma_wait3A_339 : memref<80x32xf32, #tpu.memory_space<vmem>>) dst(%dma_wait3A_335 : memref<80x32xf32, #tpu.memory_space<hbm>>)
      %add3A_340 = arith.constant 9920 : i32
      %add3A_341 = arith.addi %add3A_11, %add3A_340 : i32
      %multiple_of3A_342 = tpu.assume_multiple %add3A_341, 8 : i32
      %dma_wait3A_343 = arith.constant 0 : i32
      %dma_wait3A_344 = arith.constant 0 : i32
      %dma_wait3A_345 = arith.constant 0 : i32
      %dma_wait3A_346 = tpu.memref_slice %arg7[%dma_wait3A_343, %dma_wait3A_344, %dma_wait3A_345] : memref<16x80x32xf32, #tpu.memory_space<vmem>> -> memref<1x80x32xf32, #tpu.memory_space<vmem>>
      %dma_wait3A_347 = tpu.memref_squeeze %dma_wait3A_346 : memref<1x80x32xf32, #tpu.memory_space<vmem>> -> memref<80x32xf32, #tpu.memory_space<vmem>>
      %dma_wait3A_348 = arith.constant 0 : i32
      %dma_wait3A_349 = tpu.memref_slice %arg5[%multiple_of3A_342, %dma_wait3A_348] : memref<320000x32xf32, #tpu.memory_space<hbm>> -> memref<80x32xf32, #tpu.memory_space<hbm>>
      %dma_wait3A_350 = arith.constant 0 : i32
      %dma_wait3A_351 = tpu.memref_slice %arg5[%multiple_of3A_342, %dma_wait3A_350] : memref<320000x32xf32, #tpu.memory_space<hbm>> -> memref<80x32xf32, #tpu.memory_space<hbm>>
      %dma_wait3A_352 = arith.constant 0 : i32
      %dma_wait3A_353 = arith.constant 0 : i32
      %dma_wait3A_354 = tpu.memref_slice %arg7[%dma_wait3A_343, %dma_wait3A_352, %dma_wait3A_353] : memref<16x80x32xf32, #tpu.memory_space<vmem>> -> memref<1x80x32xf32, #tpu.memory_space<vmem>>
      %dma_wait3A_355 = tpu.memref_squeeze %dma_wait3A_354 : memref<1x80x32xf32, #tpu.memory_space<vmem>> -> memref<80x32xf32, #tpu.memory_space<vmem>>
      tpu.wait_dma2 semaphore(%arg9 : memref<!tpu.dma_semaphore, #tpu.memory_space<semaphore_mem>>) src(%dma_wait3A_355 : memref<80x32xf32, #tpu.memory_space<vmem>>) dst(%dma_wait3A_351 : memref<80x32xf32, #tpu.memory_space<hbm>>)
      %add3A_356 = arith.constant 9920 : i32
      %add3A_357 = arith.addi %add3A_11, %add3A_356 : i32
      %multiple_of3A_358 = tpu.assume_multiple %add3A_357, 8 : i32
      %dma_wait3A_359 = arith.constant 0 : i32
      %dma_wait3A_360 = arith.constant 0 : i32
      %dma_wait3A_361 = arith.constant 0 : i32
      %dma_wait3A_362 = tpu.memref_slice %arg7[%dma_wait3A_359, %dma_wait3A_360, %dma_wait3A_361] : memref<16x80x32xf32, #tpu.memory_space<vmem>> -> memref<1x80x32xf32, #tpu.memory_space<vmem>>
      %dma_wait3A_363 = tpu.memref_squeeze %dma_wait3A_362 : memref<1x80x32xf32, #tpu.memory_space<vmem>> -> memref<80x32xf32, #tpu.memory_space<vmem>>
      %dma_wait3A_364 = arith.constant 0 : i32
      %dma_wait3A_365 = tpu.memref_slice %arg5[%multiple_of3A_358, %dma_wait3A_364] : memref<320000x32xf32, #tpu.memory_space<hbm>> -> memref<80x32xf32, #tpu.memory_space<hbm>>
      %dma_wait3A_366 = arith.constant 0 : i32
      %dma_wait3A_367 = tpu.memref_slice %arg5[%multiple_of3A_358, %dma_wait3A_366] : memref<320000x32xf32, #tpu.memory_space<hbm>> -> memref<80x32xf32, #tpu.memory_space<hbm>>
      %dma_wait3A_368 = arith.constant 0 : i32
      %dma_wait3A_369 = arith.constant 0 : i32
      %dma_wait3A_370 = tpu.memref_slice %arg7[%dma_wait3A_359, %dma_wait3A_368, %dma_wait3A_369] : memref<16x80x32xf32, #tpu.memory_space<vmem>> -> memref<1x80x32xf32, #tpu.memory_space<vmem>>
      %dma_wait3A_371 = tpu.memref_squeeze %dma_wait3A_370 : memref<1x80x32xf32, #tpu.memory_space<vmem>> -> memref<80x32xf32, #tpu.memory_space<vmem>>
      tpu.wait_dma2 semaphore(%arg9 : memref<!tpu.dma_semaphore, #tpu.memory_space<semaphore_mem>>) src(%dma_wait3A_371 : memref<80x32xf32, #tpu.memory_space<vmem>>) dst(%dma_wait3A_367 : memref<80x32xf32, #tpu.memory_space<hbm>>)
      %add3A_372 = arith.constant 9920 : i32
      %add3A_373 = arith.addi %add3A_11, %add3A_372 : i32
      %multiple_of3A_374 = tpu.assume_multiple %add3A_373, 8 : i32
      %dma_wait3A_375 = arith.constant 0 : i32
      %dma_wait3A_376 = arith.constant 0 : i32
      %dma_wait3A_377 = arith.constant 0 : i32
      %dma_wait3A_378 = tpu.memref_slice %arg7[%dma_wait3A_375, %dma_wait3A_376, %dma_wait3A_377] : memref<16x80x32xf32, #tpu.memory_space<vmem>> -> memref<1x80x32xf32, #tpu.memory_space<vmem>>
      %dma_wait3A_379 = tpu.memref_squeeze %dma_wait3A_378 : memref<1x80x32xf32, #tpu.memory_space<vmem>> -> memref<80x32xf32, #tpu.memory_space<vmem>>
      %dma_wait3A_380 = arith.constant 0 : i32
      %dma_wait3A_381 = tpu.memref_slice %arg5[%multiple_of3A_374, %dma_wait3A_380] : memref<320000x32xf32, #tpu.memory_space<hbm>> -> memref<80x32xf32, #tpu.memory_space<hbm>>
      %dma_wait3A_382 = arith.constant 0 : i32
      %dma_wait3A_383 = tpu.memref_slice %arg5[%multiple_of3A_374, %dma_wait3A_382] : memref<320000x32xf32, #tpu.memory_space<hbm>> -> memref<80x32xf32, #tpu.memory_space<hbm>>
      %dma_wait3A_384 = arith.constant 0 : i32
      %dma_wait3A_385 = arith.constant 0 : i32
      %dma_wait3A_386 = tpu.memref_slice %arg7[%dma_wait3A_375, %dma_wait3A_384, %dma_wait3A_385] : memref<16x80x32xf32, #tpu.memory_space<vmem>> -> memref<1x80x32xf32, #tpu.memory_space<vmem>>
      %dma_wait3A_387 = tpu.memref_squeeze %dma_wait3A_386 : memref<1x80x32xf32, #tpu.memory_space<vmem>> -> memref<80x32xf32, #tpu.memory_space<vmem>>
      tpu.wait_dma2 semaphore(%arg9 : memref<!tpu.dma_semaphore, #tpu.memory_space<semaphore_mem>>) src(%dma_wait3A_387 : memref<80x32xf32, #tpu.memory_space<vmem>>) dst(%dma_wait3A_383 : memref<80x32xf32, #tpu.memory_space<hbm>>)
      %add3A_388 = arith.constant 9920 : i32
      %add3A_389 = arith.addi %add3A_11, %add3A_388 : i32
      %multiple_of3A_390 = tpu.assume_multiple %add3A_389, 8 : i32
      %dma_wait3A_391 = arith.constant 0 : i32
      %dma_wait3A_392 = arith.constant 0 : i32
      %dma_wait3A_393 = arith.constant 0 : i32
      %dma_wait3A_394 = tpu.memref_slice %arg7[%dma_wait3A_391, %dma_wait3A_392, %dma_wait3A_393] : memref<16x80x32xf32, #tpu.memory_space<vmem>> -> memref<1x80x32xf32, #tpu.memory_space<vmem>>
      %dma_wait3A_395 = tpu.memref_squeeze %dma_wait3A_394 : memref<1x80x32xf32, #tpu.memory_space<vmem>> -> memref<80x32xf32, #tpu.memory_space<vmem>>
      %dma_wait3A_396 = arith.constant 0 : i32
      %dma_wait3A_397 = tpu.memref_slice %arg5[%multiple_of3A_390, %dma_wait3A_396] : memref<320000x32xf32, #tpu.memory_space<hbm>> -> memref<80x32xf32, #tpu.memory_space<hbm>>
      %dma_wait3A_398 = arith.constant 0 : i32
      %dma_wait3A_399 = tpu.memref_slice %arg5[%multiple_of3A_390, %dma_wait3A_398] : memref<320000x32xf32, #tpu.memory_space<hbm>> -> memref<80x32xf32, #tpu.memory_space<hbm>>
      %dma_wait3A_400 = arith.constant 0 : i32
      %dma_wait3A_401 = arith.constant 0 : i32
      %dma_wait3A_402 = tpu.memref_slice %arg7[%dma_wait3A_391, %dma_wait3A_400, %dma_wait3A_401] : memref<16x80x32xf32, #tpu.memory_space<vmem>> -> memref<1x80x32xf32, #tpu.memory_space<vmem>>
      %dma_wait3A_403 = tpu.memref_squeeze %dma_wait3A_402 : memref<1x80x32xf32, #tpu.memory_space<vmem>> -> memref<80x32xf32, #tpu.memory_space<vmem>>
      tpu.wait_dma2 semaphore(%arg9 : memref<!tpu.dma_semaphore, #tpu.memory_space<semaphore_mem>>) src(%dma_wait3A_403 : memref<80x32xf32, #tpu.memory_space<vmem>>) dst(%dma_wait3A_399 : memref<80x32xf32, #tpu.memory_space<hbm>>)
      %add3A_404 = arith.constant 9920 : i32
      %add3A_405 = arith.addi %add3A_11, %add3A_404 : i32
      %multiple_of3A_406 = tpu.assume_multiple %add3A_405, 8 : i32
      %dma_wait3A_407 = arith.constant 0 : i32
      %dma_wait3A_408 = arith.constant 0 : i32
      %dma_wait3A_409 = arith.constant 0 : i32
      %dma_wait3A_410 = tpu.memref_slice %arg7[%dma_wait3A_407, %dma_wait3A_408, %dma_wait3A_409] : memref<16x80x32xf32, #tpu.memory_space<vmem>> -> memref<1x80x32xf32, #tpu.memory_space<vmem>>
      %dma_wait3A_411 = tpu.memref_squeeze %dma_wait3A_410 : memref<1x80x32xf32, #tpu.memory_space<vmem>> -> memref<80x32xf32, #tpu.memory_space<vmem>>
      %dma_wait3A_412 = arith.constant 0 : i32
      %dma_wait3A_413 = tpu.memref_slice %arg5[%multiple_of3A_406, %dma_wait3A_412] : memref<320000x32xf32, #tpu.memory_space<hbm>> -> memref<80x32xf32, #tpu.memory_space<hbm>>
      %dma_wait3A_414 = arith.constant 0 : i32
      %dma_wait3A_415 = tpu.memref_slice %arg5[%multiple_of3A_406, %dma_wait3A_414] : memref<320000x32xf32, #tpu.memory_space<hbm>> -> memref<80x32xf32, #tpu.memory_space<hbm>>
      %dma_wait3A_416 = arith.constant 0 : i32
      %dma_wait3A_417 = arith.constant 0 : i32
      %dma_wait3A_418 = tpu.memref_slice %arg7[%dma_wait3A_407, %dma_wait3A_416, %dma_wait3A_417] : memref<16x80x32xf32, #tpu.memory_space<vmem>> -> memref<1x80x32xf32, #tpu.memory_space<vmem>>
      %dma_wait3A_419 = tpu.memref_squeeze %dma_wait3A_418 : memref<1x80x32xf32, #tpu.memory_space<vmem>> -> memref<80x32xf32, #tpu.memory_space<vmem>>
      tpu.wait_dma2 semaphore(%arg9 : memref<!tpu.dma_semaphore, #tpu.memory_space<semaphore_mem>>) src(%dma_wait3A_419 : memref<80x32xf32, #tpu.memory_space<vmem>>) dst(%dma_wait3A_415 : memref<80x32xf32, #tpu.memory_space<hbm>>)
      %add3A_420 = arith.constant 9920 : i32
      %add3A_421 = arith.addi %add3A_11, %add3A_420 : i32
      %multiple_of3A_422 = tpu.assume_multiple %add3A_421, 8 : i32
      %dma_wait3A_423 = arith.constant 0 : i32
      %dma_wait3A_424 = arith.constant 0 : i32
      %dma_wait3A_425 = arith.constant 0 : i32
      %dma_wait3A_426 = tpu.memref_slice %arg7[%dma_wait3A_423, %dma_wait3A_424, %dma_wait3A_425] : memref<16x80x32xf32, #tpu.memory_space<vmem>> -> memref<1x80x32xf32, #tpu.memory_space<vmem>>
      %dma_wait3A_427 = tpu.memref_squeeze %dma_wait3A_426 : memref<1x80x32xf32, #tpu.memory_space<vmem>> -> memref<80x32xf32, #tpu.memory_space<vmem>>
      %dma_wait3A_428 = arith.constant 0 : i32
      %dma_wait3A_429 = tpu.memref_slice %arg5[%multiple_of3A_422, %dma_wait3A_428] : memref<320000x32xf32, #tpu.memory_space<hbm>> -> memref<80x32xf32, #tpu.memory_space<hbm>>
      %dma_wait3A_430 = arith.constant 0 : i32
      %dma_wait3A_431 = tpu.memref_slice %arg5[%multiple_of3A_422, %dma_wait3A_430] : memref<320000x32xf32, #tpu.memory_space<hbm>> -> memref<80x32xf32, #tpu.memory_space<hbm>>
      %dma_wait3A_432 = arith.constant 0 : i32
      %dma_wait3A_433 = arith.constant 0 : i32
      %dma_wait3A_434 = tpu.memref_slice %arg7[%dma_wait3A_423, %dma_wait3A_432, %dma_wait3A_433] : memref<16x80x32xf32, #tpu.memory_space<vmem>> -> memref<1x80x32xf32, #tpu.memory_space<vmem>>
      %dma_wait3A_435 = tpu.memref_squeeze %dma_wait3A_434 : memref<1x80x32xf32, #tpu.memory_space<vmem>> -> memref<80x32xf32, #tpu.memory_space<vmem>>
      tpu.wait_dma2 semaphore(%arg9 : memref<!tpu.dma_semaphore, #tpu.memory_space<semaphore_mem>>) src(%dma_wait3A_435 : memref<80x32xf32, #tpu.memory_space<vmem>>) dst(%dma_wait3A_431 : memref<80x32xf32, #tpu.memory_space<hbm>>)
    } else {
    }
    return
  }
}

#map = affine_map<(d0, d1) -> (0, 0)>
#map1 = affine_map<(d0, d1) -> (0)>
module attributes {stable_mosaic.version = 14 : i64} {
  func.func @_sc_scatter_body(%arg0: i32, %arg1: i32, %arg2: memref<2x320000xi32, #tpu.memory_space<hbm>>, %arg3: memref<40000x128xf32, #tpu.memory_space<hbm>>, %arg4: memref<40000x128xf32, #tpu.memory_space<hbm>>, %arg5: memref<4x320000xf32, #tpu.memory_space<hbm>>, %arg6: memref<320000xf32, #tpu.memory_space<hbm>>, %arg7: memref<10000xi32, #tpu.memory_space<vmem>>, %arg8: memref<2500x16xf32, #tpu.memory_space<vmem>>, %arg9: memref<4x10000xf32, #tpu.memory_space<vmem>>, %arg10: memref<10000xf32, #tpu.memory_space<vmem>>) attributes {dimension_semantics = [#tpu.dimension_semantics<core_parallel>, #tpu.dimension_semantics<subcore_parallel>], iteration_bounds = array<i64: 2, 16>, scalar_prefetch = 0 : i64, scratch_operands = 4 : i64, tpu.core_type = #tpu.core_type<sc_vector_subcore>, window_params = [{transform_indices = #map}, {transform_indices = #map}, {transform_indices = #map}, {transform_indices = #map}, {transform_indices = #map1}]} {
    %mul3A = arith.constant 2 : i32
    %mul3A_0 = arith.muli %arg1, %mul3A : i32
    %add3A = arith.addi %mul3A_0, %arg0 : i32
    %rem3A = arith.constant 16 : i32
    %rem3A_1 = arith.remsi %add3A, %rem3A : i32
    %mul3A_2 = arith.constant 2500 : i32
    %mul3A_3 = arith.muli %rem3A_1, %mul3A_2 : i32
    %lt3A = arith.constant 16 : i32
    %lt3A_4 = arith.cmpi slt, %add3A, %lt3A : i32
    %jit3A = arith.constant 0 : i32
    %jit3A_5 = arith.constant 160000 : i32
    %select_n3A = arith.select %lt3A_4, %jit3A, %jit3A_5 : i32
    %mul3A_6 = arith.constant 10000 : i32
    %mul3A_7 = arith.muli %rem3A_1, %mul3A_6 : i32
    %add3A_8 = arith.addi %select_n3A, %mul3A_7 : i32
    %lt3A_9 = arith.constant 16 : i32
    %lt3A_10 = arith.cmpi slt, %add3A, %lt3A_9 : i32
    %convert_element_type3A = arith.extui %lt3A_10 : i1 to i32
    %cond3A = arith.constant 0 : i32
    %cond3A_11 = arith.cmpi ne, %convert_element_type3A, %cond3A : i32
    scf.if %cond3A_11 {
      "tpu.region"() ({
        %run_scoped3A_91 = tpu.sem_alloc : memref<!tpu.dma_semaphore, #tpu.memory_space<semaphore_mem>>
        %dma_start3A = arith.constant 0 : i32
        %dma_start3A_92 = tpu.memref_slice %arg3[%mul3A_3, %dma_start3A] : memref<40000x128xf32, #tpu.memory_space<hbm>> -> memref<2500x16xf32, #tpu.memory_space<hbm>>
        %dma_start3A_93 = arith.constant 0 : i32
        %dma_start3A_94 = tpu.memref_slice %arg3[%mul3A_3, %dma_start3A_93] : memref<40000x128xf32, #tpu.memory_space<hbm>> -> memref<2500x16xf32, #tpu.memory_space<hbm>>
        tpu.enqueue_dma source(%dma_start3A_94 : memref<2500x16xf32, #tpu.memory_space<hbm>>) target(%arg8 : memref<2500x16xf32, #tpu.memory_space<vmem>>) target_semaphore(%run_scoped3A_91 : memref<!tpu.dma_semaphore, #tpu.memory_space<semaphore_mem>>)
        %dma_wait3A = arith.constant 0 : i32
        %dma_wait3A_95 = tpu.memref_slice %arg3[%mul3A_3, %dma_wait3A] : memref<40000x128xf32, #tpu.memory_space<hbm>> -> memref<2500x16xf32, #tpu.memory_space<hbm>>
        %dma_wait3A_96 = arith.constant 0 : i32
        %dma_wait3A_97 = tpu.memref_slice %arg3[%mul3A_3, %dma_wait3A_96] : memref<40000x128xf32, #tpu.memory_space<hbm>> -> memref<2500x16xf32, #tpu.memory_space<hbm>>
        tpu.wait_dma2 semaphore(%run_scoped3A_91 : memref<!tpu.dma_semaphore, #tpu.memory_space<semaphore_mem>>) src(%dma_wait3A_97 : memref<2500x16xf32, #tpu.memory_space<hbm>>) dst(%arg8 : memref<2500x16xf32, #tpu.memory_space<vmem>>)
        tpu.yield
      }) : () -> ()
    } else {
    }
    %ge3A = arith.constant 16 : i32
    %ge3A_12 = arith.cmpi sge, %add3A, %ge3A : i32
    %convert_element_type3A_13 = arith.extui %ge3A_12 : i1 to i32
    %cond3A_14 = arith.constant 0 : i32
    %cond3A_15 = arith.cmpi ne, %convert_element_type3A_13, %cond3A_14 : i32
    scf.if %cond3A_15 {
      "tpu.region"() ({
        %run_scoped3A_91 = tpu.sem_alloc : memref<!tpu.dma_semaphore, #tpu.memory_space<semaphore_mem>>
        %dma_start3A = arith.constant 0 : i32
        %dma_start3A_92 = tpu.memref_slice %arg4[%mul3A_3, %dma_start3A] : memref<40000x128xf32, #tpu.memory_space<hbm>> -> memref<2500x16xf32, #tpu.memory_space<hbm>>
        %dma_start3A_93 = arith.constant 0 : i32
        %dma_start3A_94 = tpu.memref_slice %arg4[%mul3A_3, %dma_start3A_93] : memref<40000x128xf32, #tpu.memory_space<hbm>> -> memref<2500x16xf32, #tpu.memory_space<hbm>>
        tpu.enqueue_dma source(%dma_start3A_94 : memref<2500x16xf32, #tpu.memory_space<hbm>>) target(%arg8 : memref<2500x16xf32, #tpu.memory_space<vmem>>) target_semaphore(%run_scoped3A_91 : memref<!tpu.dma_semaphore, #tpu.memory_space<semaphore_mem>>)
        %dma_wait3A = arith.constant 0 : i32
        %dma_wait3A_95 = tpu.memref_slice %arg4[%mul3A_3, %dma_wait3A] : memref<40000x128xf32, #tpu.memory_space<hbm>> -> memref<2500x16xf32, #tpu.memory_space<hbm>>
        %dma_wait3A_96 = arith.constant 0 : i32
        %dma_wait3A_97 = tpu.memref_slice %arg4[%mul3A_3, %dma_wait3A_96] : memref<40000x128xf32, #tpu.memory_space<hbm>> -> memref<2500x16xf32, #tpu.memory_space<hbm>>
        tpu.wait_dma2 semaphore(%run_scoped3A_91 : memref<!tpu.dma_semaphore, #tpu.memory_space<semaphore_mem>>) src(%dma_wait3A_97 : memref<2500x16xf32, #tpu.memory_space<hbm>>) dst(%arg8 : memref<2500x16xf32, #tpu.memory_space<vmem>>)
        tpu.yield
      }) : () -> ()
    } else {
    }
    %run_scoped3A = arith.constant 0 : i32
    "tpu.region"() ({
      %run_scoped3A_91 = tpu.sem_alloc : memref<!tpu.dma_semaphore, #tpu.memory_space<semaphore_mem>>
      %dma_start3A = tpu.memref_slice %arg2[%run_scoped3A, %add3A_8] : memref<2x320000xi32, #tpu.memory_space<hbm>> -> memref<1x10000xi32, #tpu.memory_space<hbm>>
      %dma_start3A_92 = tpu.memref_squeeze %dma_start3A : memref<1x10000xi32, #tpu.memory_space<hbm>> -> memref<10000xi32, #tpu.memory_space<hbm>>
      %dma_start3A_93 = tpu.memref_slice %arg2[%run_scoped3A, %add3A_8] : memref<2x320000xi32, #tpu.memory_space<hbm>> -> memref<1x10000xi32, #tpu.memory_space<hbm>>
      %dma_start3A_94 = tpu.memref_squeeze %dma_start3A_93 : memref<1x10000xi32, #tpu.memory_space<hbm>> -> memref<10000xi32, #tpu.memory_space<hbm>>
      tpu.enqueue_dma source(%dma_start3A_94 : memref<10000xi32, #tpu.memory_space<hbm>>) target(%arg7 : memref<10000xi32, #tpu.memory_space<vmem>>) target_semaphore(%run_scoped3A_91 : memref<!tpu.dma_semaphore, #tpu.memory_space<semaphore_mem>>)
      %dma_wait3A = tpu.memref_slice %arg2[%run_scoped3A, %add3A_8] : memref<2x320000xi32, #tpu.memory_space<hbm>> -> memref<1x10000xi32, #tpu.memory_space<hbm>>
      %dma_wait3A_95 = tpu.memref_squeeze %dma_wait3A : memref<1x10000xi32, #tpu.memory_space<hbm>> -> memref<10000xi32, #tpu.memory_space<hbm>>
      %dma_wait3A_96 = tpu.memref_slice %arg2[%run_scoped3A, %add3A_8] : memref<2x320000xi32, #tpu.memory_space<hbm>> -> memref<1x10000xi32, #tpu.memory_space<hbm>>
      %dma_wait3A_97 = tpu.memref_squeeze %dma_wait3A_96 : memref<1x10000xi32, #tpu.memory_space<hbm>> -> memref<10000xi32, #tpu.memory_space<hbm>>
      tpu.wait_dma2 semaphore(%run_scoped3A_91 : memref<!tpu.dma_semaphore, #tpu.memory_space<semaphore_mem>>) src(%dma_wait3A_97 : memref<10000xi32, #tpu.memory_space<hbm>>) dst(%arg7 : memref<10000xi32, #tpu.memory_space<vmem>>)
      tpu.yield
    }) : () -> ()
    %broadcast_in_dim3A = arith.constant 0.000000e+00 : f32
    %broadcast_in_dim3A_16 = vector.broadcast %broadcast_in_dim3A : f32 to vector<16xf32>
    %scan3A = arith.constant 0 : i32
    %scan3A_17 = arith.constant 0 : i32
    %scan3A_18 = arith.constant 625 : i32
    %scan3A_19 = arith.addi %scan3A_17, %scan3A_18 : i32
    %scan3A_20 = arith.constant 1 : i32
    %scan3A_21 = scf.for %scan3A_91 = %scan3A_17 to %scan3A_19 step %scan3A_20 iter_args(%scan3A_92 = %scan3A) -> (i32)  : i32 {
      %mul3A_93 = arith.constant 16 : i32
      %mul3A_94 = arith.muli %scan3A_91, %mul3A_93 : i32
      %multiple_of3A_95 = tpu.assume_multiple %mul3A_94, 16 : i32
      %swap3A = arith.index_cast %multiple_of3A_95 : i32 to index
      %swap3A_96 = tpu.vector_load %arg10[%swap3A] {strides = array<i32>} : memref<10000xf32, #tpu.memory_space<vmem>>, vector<16xf32>,
      tpu.vector_store %arg10[%swap3A], %broadcast_in_dim3A_16 {strides = array<i32>} : memref<10000xf32, #tpu.memory_space<vmem>>, vector<16xf32>,
      %scan3A_97 = arith.constant 0 : i32
      scf.yield %scan3A_97 : i32
    }
    %scan3A_22 = arith.constant 625 : i32
    %iota3A = tpu.iota {dimensions = array<i32: 0>} : vector<16xi32>
    %jit3A_23 = arith.constant 4 : i32
    %div3A = vector.broadcast %jit3A_23 : i32 to vector<16xi32>
    %div3A_24 = arith.divsi %iota3A, %div3A : vector<16xi32>
    %sign3A = arith.constant 0 : i32
    %sign3A_25 = vector.broadcast %sign3A : i32 to vector<16xi32>
    %sign3A_26 = arith.cmpi sgt, %iota3A, %sign3A_25 : vector<16xi32>
    %sign3A_27 = arith.extui %sign3A_26 : vector<16xi1> to vector<16xi32>
    %sign3A_28 = arith.constant 0 : i32
    %sign3A_29 = vector.broadcast %sign3A_28 : i32 to vector<16xi32>
    %sign3A_30 = arith.cmpi slt, %iota3A, %sign3A_29 : vector<16xi32>
    %sign3A_31 = arith.extui %sign3A_30 : vector<16xi1> to vector<16xi32>
    %sign3A_32 = arith.subi %sign3A_27, %sign3A_31 : vector<16xi32>
    %sign3A_33 = arith.constant 0 : i32
    %sign3A_34 = arith.cmpi sgt, %jit3A_23, %sign3A_33 : i32
    %sign3A_35 = arith.extui %sign3A_34 : i1 to i32
    %sign3A_36 = arith.constant 0 : i32
    %sign3A_37 = arith.cmpi slt, %jit3A_23, %sign3A_36 : i32
    %sign3A_38 = arith.extui %sign3A_37 : i1 to i32
    %sign3A_39 = arith.subi %sign3A_35, %sign3A_38 : i32
    %ne3A = vector.broadcast %sign3A_39 : i32 to vector<16xi32>
    %ne3A_40 = arith.cmpi ne, %sign3A_32, %ne3A : vector<16xi32>
    %rem3A_41 = vector.broadcast %jit3A_23 : i32 to vector<16xi32>
    %rem3A_42 = arith.remsi %iota3A, %rem3A_41 : vector<16xi32>
    %ne3A_43 = arith.constant 0 : i32
    %ne3A_44 = vector.broadcast %ne3A_43 : i32 to vector<16xi32>
    %ne3A_45 = arith.cmpi ne, %rem3A_42, %ne3A_44 : vector<16xi32>
    %and3A = arith.andi %ne3A_40, %ne3A_45 : vector<16xi1>
    %sub3A = arith.constant 1 : i32
    %sub3A_46 = vector.broadcast %sub3A : i32 to vector<16xi32>
    %sub3A_47 = arith.subi %div3A_24, %sub3A_46 : vector<16xi32>
    %select_n3A_48 = arith.select %and3A, %sub3A_47, %div3A_24 : vector<16xi1>, vector<16xi32>
    %jit3A_49 = arith.constant 4 : i32
    %eq3A = arith.constant 0 : i32
    %eq3A_50 = arith.cmpi eq, %jit3A_49, %eq3A : i32
    %jit3A_51 = arith.constant 1 : i32
    %select_n3A_52 = arith.select %eq3A_50, %jit3A_51, %jit3A_49 : i32
    %rem3A_53 = vector.broadcast %select_n3A_52 : i32 to vector<16xi32>
    %rem3A_54 = arith.remsi %iota3A, %rem3A_53 : vector<16xi32>
    %ne3A_55 = arith.constant 0 : i32
    %ne3A_56 = vector.broadcast %ne3A_55 : i32 to vector<16xi32>
    %ne3A_57 = arith.cmpi ne, %rem3A_54, %ne3A_56 : vector<16xi32>
    %lt3A_58 = arith.constant 0 : i32
    %lt3A_59 = vector.broadcast %lt3A_58 : i32 to vector<16xi32>
    %lt3A_60 = arith.cmpi slt, %rem3A_54, %lt3A_59 : vector<16xi32>
    %lt3A_61 = arith.constant 0 : i32
    %lt3A_62 = arith.cmpi slt, %select_n3A_52, %lt3A_61 : i32
    %ne3A_63 = vector.broadcast %lt3A_62 : i1 to vector<16xi1>
    %ne3A_64 = vector.broadcast %ne3A_63 : vector<16xi1> to vector<16xi1>
    %ne3A_65 = arith.xori %lt3A_60, %ne3A_64 : vector<16xi1>
    %and3A_66 = arith.andi %ne3A_65, %ne3A_57 : vector<16xi1>
    %add3A_67 = vector.broadcast %select_n3A_52 : i32 to vector<16xi32>
    %add3A_68 = arith.addi %rem3A_54, %add3A_67 : vector<16xi32>
    %select_n3A_69 = arith.select %and3A_66, %add3A_68, %rem3A_54 : vector<16xi1>, vector<16xi32>
    %scan3A_70 = arith.constant 0 : i32
    %scan3A_71 = arith.constant 0 : i32
    %scan3A_72 = arith.constant 625 : i32
    %scan3A_73 = arith.addi %scan3A_71, %scan3A_72 : i32
    %scan3A_74 = arith.constant 1 : i32
    %scan3A_75 = scf.for %scan3A_91 = %scan3A_71 to %scan3A_73 step %scan3A_74 iter_args(%scan3A_92 = %scan3A_70) -> (i32)  : i32 {
      %mul3A_93 = arith.constant 16 : i32
      %mul3A_94 = arith.muli %scan3A_91, %mul3A_93 : i32
      %multiple_of3A_95 = tpu.assume_multiple %mul3A_94, 16 : i32
      %mul3A_96 = arith.constant 4 : i32
      %mul3A_97 = arith.muli %scan3A_91, %mul3A_96 : i32
      %add3A_98 = vector.broadcast %mul3A_97 : i32 to vector<16xi32>
      %add3A_99 = arith.addi %add3A_98, %select_n3A_48 : vector<16xi32>
      %broadcast_in_dim3A_100 = arith.constant 0.000000e+00 : f32
      %broadcast_in_dim3A_101 = vector.broadcast %broadcast_in_dim3A_100 : f32 to vector<16xf32>
      %mul3A_102 = arith.constant 4 : i32
      %mul3A_103 = vector.broadcast %mul3A_102 : i32 to vector<16xi32>
      %mul3A_104 = arith.muli %select_n3A_69, %mul3A_103 : vector<16xi32>
      %add3A_105 = arith.constant 0 : i32
      %add3A_106 = vector.broadcast %add3A_105 : i32 to vector<16xi32>
      %add3A_107 = arith.addi %mul3A_104, %add3A_106 : vector<16xi32>
      %gather3A = tpu.vector_load_idx %arg8[%add3A_99, %add3A_107] : memref<2500x16xf32, #tpu.memory_space<vmem>>[vector<16xi32>, vector<16xi32>], vector<16xf32>,
      %swap3A = arith.constant 0 : i32
      %swap3A_108 = arith.index_cast %swap3A : i32 to index
      %swap3A_109 = arith.index_cast %multiple_of3A_95 : i32 to index
      %swap3A_110 = tpu.vector_load %arg9[%swap3A_108, %swap3A_109] {strides = array<i32>} : memref<4x10000xf32, #tpu.memory_space<vmem>>, vector<16xf32>,
      tpu.vector_store %arg9[%swap3A_108, %swap3A_109], %gather3A {strides = array<i32>} : memref<4x10000xf32, #tpu.memory_space<vmem>>, vector<16xf32>,
      %mul3A_111 = arith.constant 1.000000e+00 : f32
      %mul3A_112 = vector.broadcast %mul3A_111 : f32 to vector<16xf32>
      %mul3A_113 = arith.mulf %mul3A_112, %gather3A : vector<16xf32>
      %add3A_114 = arith.addf %broadcast_in_dim3A_101, %mul3A_113 : vector<16xf32>
      %mul3A_115 = arith.constant 4 : i32
      %mul3A_116 = vector.broadcast %mul3A_115 : i32 to vector<16xi32>
      %mul3A_117 = arith.muli %select_n3A_69, %mul3A_116 : vector<16xi32>
      %add3A_118 = arith.constant 1 : i32
      %add3A_119 = vector.broadcast %add3A_118 : i32 to vector<16xi32>
      %add3A_120 = arith.addi %mul3A_117, %add3A_119 : vector<16xi32>
      %gather3A_121 = tpu.vector_load_idx %arg8[%add3A_99, %add3A_120] : memref<2500x16xf32, #tpu.memory_space<vmem>>[vector<16xi32>, vector<16xi32>], vector<16xf32>,
      %swap3A_122 = arith.constant 1 : i32
      %swap3A_123 = arith.index_cast %swap3A_122 : i32 to index
      %swap3A_124 = arith.index_cast %multiple_of3A_95 : i32 to index
      %swap3A_125 = tpu.vector_load %arg9[%swap3A_123, %swap3A_124] {strides = array<i32>} : memref<4x10000xf32, #tpu.memory_space<vmem>>, vector<16xf32>,
      tpu.vector_store %arg9[%swap3A_123, %swap3A_124], %gather3A_121 {strides = array<i32>} : memref<4x10000xf32, #tpu.memory_space<vmem>>, vector<16xf32>,
      %mul3A_126 = arith.constant 2.000000e+00 : f32
      %mul3A_127 = vector.broadcast %mul3A_126 : f32 to vector<16xf32>
      %mul3A_128 = arith.mulf %mul3A_127, %gather3A_121 : vector<16xf32>
      %add3A_129 = arith.addf %add3A_114, %mul3A_128 : vector<16xf32>
      %mul3A_130 = arith.constant 4 : i32
      %mul3A_131 = vector.broadcast %mul3A_130 : i32 to vector<16xi32>
      %mul3A_132 = arith.muli %select_n3A_69, %mul3A_131 : vector<16xi32>
      %add3A_133 = arith.constant 2 : i32
      %add3A_134 = vector.broadcast %add3A_133 : i32 to vector<16xi32>
      %add3A_135 = arith.addi %mul3A_132, %add3A_134 : vector<16xi32>
      %gather3A_136 = tpu.vector_load_idx %arg8[%add3A_99, %add3A_135] : memref<2500x16xf32, #tpu.memory_space<vmem>>[vector<16xi32>, vector<16xi32>], vector<16xf32>,
      %swap3A_137 = arith.constant 2 : i32
      %swap3A_138 = arith.index_cast %swap3A_137 : i32 to index
      %swap3A_139 = arith.index_cast %multiple_of3A_95 : i32 to index
      %swap3A_140 = tpu.vector_load %arg9[%swap3A_138, %swap3A_139] {strides = array<i32>} : memref<4x10000xf32, #tpu.memory_space<vmem>>, vector<16xf32>,
      tpu.vector_store %arg9[%swap3A_138, %swap3A_139], %gather3A_136 {strides = array<i32>} : memref<4x10000xf32, #tpu.memory_space<vmem>>, vector<16xf32>,
      %mul3A_141 = arith.constant 3.000000e+00 : f32
      %mul3A_142 = vector.broadcast %mul3A_141 : f32 to vector<16xf32>
      %mul3A_143 = arith.mulf %mul3A_142, %gather3A_136 : vector<16xf32>
      %add3A_144 = arith.addf %add3A_129, %mul3A_143 : vector<16xf32>
      %mul3A_145 = arith.constant 4 : i32
      %mul3A_146 = vector.broadcast %mul3A_145 : i32 to vector<16xi32>
      %mul3A_147 = arith.muli %select_n3A_69, %mul3A_146 : vector<16xi32>
      %add3A_148 = arith.constant 3 : i32
      %add3A_149 = vector.broadcast %add3A_148 : i32 to vector<16xi32>
      %add3A_150 = arith.addi %mul3A_147, %add3A_149 : vector<16xi32>
      %gather3A_151 = tpu.vector_load_idx %arg8[%add3A_99, %add3A_150] : memref<2500x16xf32, #tpu.memory_space<vmem>>[vector<16xi32>, vector<16xi32>], vector<16xf32>,
      %swap3A_152 = arith.constant 3 : i32
      %swap3A_153 = arith.index_cast %swap3A_152 : i32 to index
      %swap3A_154 = arith.index_cast %multiple_of3A_95 : i32 to index
      %swap3A_155 = tpu.vector_load %arg9[%swap3A_153, %swap3A_154] {strides = array<i32>} : memref<4x10000xf32, #tpu.memory_space<vmem>>, vector<16xf32>,
      tpu.vector_store %arg9[%swap3A_153, %swap3A_154], %gather3A_151 {strides = array<i32>} : memref<4x10000xf32, #tpu.memory_space<vmem>>, vector<16xf32>,
      %mul3A_156 = arith.constant 1.500000e+00 : f32
      %mul3A_157 = vector.broadcast %mul3A_156 : f32 to vector<16xf32>
      %mul3A_158 = arith.mulf %mul3A_157, %gather3A_151 : vector<16xf32>
      %add3A_159 = arith.addf %add3A_144, %mul3A_158 : vector<16xf32>
      %get3A = arith.index_cast %multiple_of3A_95 : i32 to index
      %get3A_160 = tpu.vector_load %arg7[%get3A] {strides = array<i32>} : memref<10000xi32, #tpu.memory_space<vmem>>, vector<16xi32>,
      tpu.vector_store_idx %arg10[%get3A_160], %add3A_159 {add = true} : memref<10000xf32, #tpu.memory_space<vmem>>[vector<16xi32>], vector<16xf32>,
      %scan3A_161 = arith.constant 0 : i32
      scf.yield %scan3A_161 : i32
    }
    %scan3A_76 = arith.constant 625 : i32
    %multiple_of3A = tpu.assume_multiple %add3A_8, 16 : i32
    %run_scoped3A_77 = arith.constant 0 : i32
    %run_scoped3A_78 = arith.constant 0 : i32
    "tpu.region"() ({
      %run_scoped3A_91 = tpu.sem_alloc : memref<!tpu.dma_semaphore, #tpu.memory_space<semaphore_mem>>
      %dma_start3A = arith.constant 0 : i32
      %dma_start3A_92 = tpu.memref_slice %arg9[%run_scoped3A_77, %dma_start3A] : memref<4x10000xf32, #tpu.memory_space<vmem>> -> memref<1x10000xf32, #tpu.memory_space<vmem>>
      %dma_start3A_93 = tpu.memref_squeeze %dma_start3A_92 : memref<1x10000xf32, #tpu.memory_space<vmem>> -> memref<10000xf32, #tpu.memory_space<vmem>>
      %dma_start3A_94 = tpu.memref_slice %arg5[%run_scoped3A_78, %multiple_of3A] : memref<4x320000xf32, #tpu.memory_space<hbm>> -> memref<1x10000xf32, #tpu.memory_space<hbm>>
      %dma_start3A_95 = tpu.memref_squeeze %dma_start3A_94 : memref<1x10000xf32, #tpu.memory_space<hbm>> -> memref<10000xf32, #tpu.memory_space<hbm>>
      %dma_start3A_96 = tpu.memref_slice %arg5[%run_scoped3A_78, %multiple_of3A] : memref<4x320000xf32, #tpu.memory_space<hbm>> -> memref<1x10000xf32, #tpu.memory_space<hbm>>
      %dma_start3A_97 = tpu.memref_squeeze %dma_start3A_96 : memref<1x10000xf32, #tpu.memory_space<hbm>> -> memref<10000xf32, #tpu.memory_space<hbm>>
      %dma_start3A_98 = arith.constant 0 : i32
      %dma_start3A_99 = tpu.memref_slice %arg9[%run_scoped3A_77, %dma_start3A_98] : memref<4x10000xf32, #tpu.memory_space<vmem>> -> memref<1x10000xf32, #tpu.memory_space<vmem>>
      %dma_start3A_100 = tpu.memref_squeeze %dma_start3A_99 : memref<1x10000xf32, #tpu.memory_space<vmem>> -> memref<10000xf32, #tpu.memory_space<vmem>>
      tpu.enqueue_dma source(%dma_start3A_100 : memref<10000xf32, #tpu.memory_space<vmem>>) target(%dma_start3A_97 : memref<10000xf32, #tpu.memory_space<hbm>>) target_semaphore(%run_scoped3A_91 : memref<!tpu.dma_semaphore, #tpu.memory_space<semaphore_mem>>)
      %dma_wait3A = arith.constant 0 : i32
      %dma_wait3A_101 = tpu.memref_slice %arg9[%run_scoped3A_77, %dma_wait3A] : memref<4x10000xf32, #tpu.memory_space<vmem>> -> memref<1x10000xf32, #tpu.memory_space<vmem>>
      %dma_wait3A_102 = tpu.memref_squeeze %dma_wait3A_101 : memref<1x10000xf32, #tpu.memory_space<vmem>> -> memref<10000xf32, #tpu.memory_space<vmem>>
      %dma_wait3A_103 = tpu.memref_slice %arg5[%run_scoped3A_78, %multiple_of3A] : memref<4x320000xf32, #tpu.memory_space<hbm>> -> memref<1x10000xf32, #tpu.memory_space<hbm>>
      %dma_wait3A_104 = tpu.memref_squeeze %dma_wait3A_103 : memref<1x10000xf32, #tpu.memory_space<hbm>> -> memref<10000xf32, #tpu.memory_space<hbm>>
      %dma_wait3A_105 = tpu.memref_slice %arg5[%run_scoped3A_78, %multiple_of3A] : memref<4x320000xf32, #tpu.memory_space<hbm>> -> memref<1x10000xf32, #tpu.memory_space<hbm>>
      %dma_wait3A_106 = tpu.memref_squeeze %dma_wait3A_105 : memref<1x10000xf32, #tpu.memory_space<hbm>> -> memref<10000xf32, #tpu.memory_space<hbm>>
      %dma_wait3A_107 = arith.constant 0 : i32
      %dma_wait3A_108 = tpu.memref_slice %arg9[%run_scoped3A_77, %dma_wait3A_107] : memref<4x10000xf32, #tpu.memory_space<vmem>> -> memref<1x10000xf32, #tpu.memory_space<vmem>>
      %dma_wait3A_109 = tpu.memref_squeeze %dma_wait3A_108 : memref<1x10000xf32, #tpu.memory_space<vmem>> -> memref<10000xf32, #tpu.memory_space<vmem>>
      tpu.wait_dma2 semaphore(%run_scoped3A_91 : memref<!tpu.dma_semaphore, #tpu.memory_space<semaphore_mem>>) src(%dma_wait3A_109 : memref<10000xf32, #tpu.memory_space<vmem>>) dst(%dma_wait3A_106 : memref<10000xf32, #tpu.memory_space<hbm>>)
      tpu.yield
    }) : () -> ()
    %multiple_of3A_79 = tpu.assume_multiple %add3A_8, 16 : i32
    %run_scoped3A_80 = arith.constant 1 : i32
    %run_scoped3A_81 = arith.constant 1 : i32
    "tpu.region"() ({
      %run_scoped3A_91 = tpu.sem_alloc : memref<!tpu.dma_semaphore, #tpu.memory_space<semaphore_mem>>
      %dma_start3A = arith.constant 0 : i32
      %dma_start3A_92 = tpu.memref_slice %arg9[%run_scoped3A_80, %dma_start3A] : memref<4x10000xf32, #tpu.memory_space<vmem>> -> memref<1x10000xf32, #tpu.memory_space<vmem>>
      %dma_start3A_93 = tpu.memref_squeeze %dma_start3A_92 : memref<1x10000xf32, #tpu.memory_space<vmem>> -> memref<10000xf32, #tpu.memory_space<vmem>>
      %dma_start3A_94 = tpu.memref_slice %arg5[%run_scoped3A_81, %multiple_of3A_79] : memref<4x320000xf32, #tpu.memory_space<hbm>> -> memref<1x10000xf32, #tpu.memory_space<hbm>>
      %dma_start3A_95 = tpu.memref_squeeze %dma_start3A_94 : memref<1x10000xf32, #tpu.memory_space<hbm>> -> memref<10000xf32, #tpu.memory_space<hbm>>
      %dma_start3A_96 = tpu.memref_slice %arg5[%run_scoped3A_81, %multiple_of3A_79] : memref<4x320000xf32, #tpu.memory_space<hbm>> -> memref<1x10000xf32, #tpu.memory_space<hbm>>
      %dma_start3A_97 = tpu.memref_squeeze %dma_start3A_96 : memref<1x10000xf32, #tpu.memory_space<hbm>> -> memref<10000xf32, #tpu.memory_space<hbm>>
      %dma_start3A_98 = arith.constant 0 : i32
      %dma_start3A_99 = tpu.memref_slice %arg9[%run_scoped3A_80, %dma_start3A_98] : memref<4x10000xf32, #tpu.memory_space<vmem>> -> memref<1x10000xf32, #tpu.memory_space<vmem>>
      %dma_start3A_100 = tpu.memref_squeeze %dma_start3A_99 : memref<1x10000xf32, #tpu.memory_space<vmem>> -> memref<10000xf32, #tpu.memory_space<vmem>>
      tpu.enqueue_dma source(%dma_start3A_100 : memref<10000xf32, #tpu.memory_space<vmem>>) target(%dma_start3A_97 : memref<10000xf32, #tpu.memory_space<hbm>>) target_semaphore(%run_scoped3A_91 : memref<!tpu.dma_semaphore, #tpu.memory_space<semaphore_mem>>)
      %dma_wait3A = arith.constant 0 : i32
      %dma_wait3A_101 = tpu.memref_slice %arg9[%run_scoped3A_80, %dma_wait3A] : memref<4x10000xf32, #tpu.memory_space<vmem>> -> memref<1x10000xf32, #tpu.memory_space<vmem>>
      %dma_wait3A_102 = tpu.memref_squeeze %dma_wait3A_101 : memref<1x10000xf32, #tpu.memory_space<vmem>> -> memref<10000xf32, #tpu.memory_space<vmem>>
      %dma_wait3A_103 = tpu.memref_slice %arg5[%run_scoped3A_81, %multiple_of3A_79] : memref<4x320000xf32, #tpu.memory_space<hbm>> -> memref<1x10000xf32, #tpu.memory_space<hbm>>
      %dma_wait3A_104 = tpu.memref_squeeze %dma_wait3A_103 : memref<1x10000xf32, #tpu.memory_space<hbm>> -> memref<10000xf32, #tpu.memory_space<hbm>>
      %dma_wait3A_105 = tpu.memref_slice %arg5[%run_scoped3A_81, %multiple_of3A_79] : memref<4x320000xf32, #tpu.memory_space<hbm>> -> memref<1x10000xf32, #tpu.memory_space<hbm>>
      %dma_wait3A_106 = tpu.memref_squeeze %dma_wait3A_105 : memref<1x10000xf32, #tpu.memory_space<hbm>> -> memref<10000xf32, #tpu.memory_space<hbm>>
      %dma_wait3A_107 = arith.constant 0 : i32
      %dma_wait3A_108 = tpu.memref_slice %arg9[%run_scoped3A_80, %dma_wait3A_107] : memref<4x10000xf32, #tpu.memory_space<vmem>> -> memref<1x10000xf32, #tpu.memory_space<vmem>>
      %dma_wait3A_109 = tpu.memref_squeeze %dma_wait3A_108 : memref<1x10000xf32, #tpu.memory_space<vmem>> -> memref<10000xf32, #tpu.memory_space<vmem>>
      tpu.wait_dma2 semaphore(%run_scoped3A_91 : memref<!tpu.dma_semaphore, #tpu.memory_space<semaphore_mem>>) src(%dma_wait3A_109 : memref<10000xf32, #tpu.memory_space<vmem>>) dst(%dma_wait3A_106 : memref<10000xf32, #tpu.memory_space<hbm>>)
      tpu.yield
    }) : () -> ()
    %multiple_of3A_82 = tpu.assume_multiple %add3A_8, 16 : i32
    %run_scoped3A_83 = arith.constant 2 : i32
    %run_scoped3A_84 = arith.constant 2 : i32
    "tpu.region"() ({
      %run_scoped3A_91 = tpu.sem_alloc : memref<!tpu.dma_semaphore, #tpu.memory_space<semaphore_mem>>
      %dma_start3A = arith.constant 0 : i32
      %dma_start3A_92 = tpu.memref_slice %arg9[%run_scoped3A_83, %dma_start3A] : memref<4x10000xf32, #tpu.memory_space<vmem>> -> memref<1x10000xf32, #tpu.memory_space<vmem>>
      %dma_start3A_93 = tpu.memref_squeeze %dma_start3A_92 : memref<1x10000xf32, #tpu.memory_space<vmem>> -> memref<10000xf32, #tpu.memory_space<vmem>>
      %dma_start3A_94 = tpu.memref_slice %arg5[%run_scoped3A_84, %multiple_of3A_82] : memref<4x320000xf32, #tpu.memory_space<hbm>> -> memref<1x10000xf32, #tpu.memory_space<hbm>>
      %dma_start3A_95 = tpu.memref_squeeze %dma_start3A_94 : memref<1x10000xf32, #tpu.memory_space<hbm>> -> memref<10000xf32, #tpu.memory_space<hbm>>
      %dma_start3A_96 = tpu.memref_slice %arg5[%run_scoped3A_84, %multiple_of3A_82] : memref<4x320000xf32, #tpu.memory_space<hbm>> -> memref<1x10000xf32, #tpu.memory_space<hbm>>
      %dma_start3A_97 = tpu.memref_squeeze %dma_start3A_96 : memref<1x10000xf32, #tpu.memory_space<hbm>> -> memref<10000xf32, #tpu.memory_space<hbm>>
      %dma_start3A_98 = arith.constant 0 : i32
      %dma_start3A_99 = tpu.memref_slice %arg9[%run_scoped3A_83, %dma_start3A_98] : memref<4x10000xf32, #tpu.memory_space<vmem>> -> memref<1x10000xf32, #tpu.memory_space<vmem>>
      %dma_start3A_100 = tpu.memref_squeeze %dma_start3A_99 : memref<1x10000xf32, #tpu.memory_space<vmem>> -> memref<10000xf32, #tpu.memory_space<vmem>>
      tpu.enqueue_dma source(%dma_start3A_100 : memref<10000xf32, #tpu.memory_space<vmem>>) target(%dma_start3A_97 : memref<10000xf32, #tpu.memory_space<hbm>>) target_semaphore(%run_scoped3A_91 : memref<!tpu.dma_semaphore, #tpu.memory_space<semaphore_mem>>)
      %dma_wait3A = arith.constant 0 : i32
      %dma_wait3A_101 = tpu.memref_slice %arg9[%run_scoped3A_83, %dma_wait3A] : memref<4x10000xf32, #tpu.memory_space<vmem>> -> memref<1x10000xf32, #tpu.memory_space<vmem>>
      %dma_wait3A_102 = tpu.memref_squeeze %dma_wait3A_101 : memref<1x10000xf32, #tpu.memory_space<vmem>> -> memref<10000xf32, #tpu.memory_space<vmem>>
      %dma_wait3A_103 = tpu.memref_slice %arg5[%run_scoped3A_84, %multiple_of3A_82] : memref<4x320000xf32, #tpu.memory_space<hbm>> -> memref<1x10000xf32, #tpu.memory_space<hbm>>
      %dma_wait3A_104 = tpu.memref_squeeze %dma_wait3A_103 : memref<1x10000xf32, #tpu.memory_space<hbm>> -> memref<10000xf32, #tpu.memory_space<hbm>>
      %dma_wait3A_105 = tpu.memref_slice %arg5[%run_scoped3A_84, %multiple_of3A_82] : memref<4x320000xf32, #tpu.memory_space<hbm>> -> memref<1x10000xf32, #tpu.memory_space<hbm>>
      %dma_wait3A_106 = tpu.memref_squeeze %dma_wait3A_105 : memref<1x10000xf32, #tpu.memory_space<hbm>> -> memref<10000xf32, #tpu.memory_space<hbm>>
      %dma_wait3A_107 = arith.constant 0 : i32
      %dma_wait3A_108 = tpu.memref_slice %arg9[%run_scoped3A_83, %dma_wait3A_107] : memref<4x10000xf32, #tpu.memory_space<vmem>> -> memref<1x10000xf32, #tpu.memory_space<vmem>>
      %dma_wait3A_109 = tpu.memref_squeeze %dma_wait3A_108 : memref<1x10000xf32, #tpu.memory_space<vmem>> -> memref<10000xf32, #tpu.memory_space<vmem>>
      tpu.wait_dma2 semaphore(%run_scoped3A_91 : memref<!tpu.dma_semaphore, #tpu.memory_space<semaphore_mem>>) src(%dma_wait3A_109 : memref<10000xf32, #tpu.memory_space<vmem>>) dst(%dma_wait3A_106 : memref<10000xf32, #tpu.memory_space<hbm>>)
      tpu.yield
    }) : () -> ()
    %multiple_of3A_85 = tpu.assume_multiple %add3A_8, 16 : i32
    %run_scoped3A_86 = arith.constant 3 : i32
    %run_scoped3A_87 = arith.constant 3 : i32
    "tpu.region"() ({
      %run_scoped3A_91 = tpu.sem_alloc : memref<!tpu.dma_semaphore, #tpu.memory_space<semaphore_mem>>
      %dma_start3A = arith.constant 0 : i32
      %dma_start3A_92 = tpu.memref_slice %arg9[%run_scoped3A_86, %dma_start3A] : memref<4x10000xf32, #tpu.memory_space<vmem>> -> memref<1x10000xf32, #tpu.memory_space<vmem>>
      %dma_start3A_93 = tpu.memref_squeeze %dma_start3A_92 : memref<1x10000xf32, #tpu.memory_space<vmem>> -> memref<10000xf32, #tpu.memory_space<vmem>>
      %dma_start3A_94 = tpu.memref_slice %arg5[%run_scoped3A_87, %multiple_of3A_85] : memref<4x320000xf32, #tpu.memory_space<hbm>> -> memref<1x10000xf32, #tpu.memory_space<hbm>>
      %dma_start3A_95 = tpu.memref_squeeze %dma_start3A_94 : memref<1x10000xf32, #tpu.memory_space<hbm>> -> memref<10000xf32, #tpu.memory_space<hbm>>
      %dma_start3A_96 = tpu.memref_slice %arg5[%run_scoped3A_87, %multiple_of3A_85] : memref<4x320000xf32, #tpu.memory_space<hbm>> -> memref<1x10000xf32, #tpu.memory_space<hbm>>
      %dma_start3A_97 = tpu.memref_squeeze %dma_start3A_96 : memref<1x10000xf32, #tpu.memory_space<hbm>> -> memref<10000xf32, #tpu.memory_space<hbm>>
      %dma_start3A_98 = arith.constant 0 : i32
      %dma_start3A_99 = tpu.memref_slice %arg9[%run_scoped3A_86, %dma_start3A_98] : memref<4x10000xf32, #tpu.memory_space<vmem>> -> memref<1x10000xf32, #tpu.memory_space<vmem>>
      %dma_start3A_100 = tpu.memref_squeeze %dma_start3A_99 : memref<1x10000xf32, #tpu.memory_space<vmem>> -> memref<10000xf32, #tpu.memory_space<vmem>>
      tpu.enqueue_dma source(%dma_start3A_100 : memref<10000xf32, #tpu.memory_space<vmem>>) target(%dma_start3A_97 : memref<10000xf32, #tpu.memory_space<hbm>>) target_semaphore(%run_scoped3A_91 : memref<!tpu.dma_semaphore, #tpu.memory_space<semaphore_mem>>)
      %dma_wait3A = arith.constant 0 : i32
      %dma_wait3A_101 = tpu.memref_slice %arg9[%run_scoped3A_86, %dma_wait3A] : memref<4x10000xf32, #tpu.memory_space<vmem>> -> memref<1x10000xf32, #tpu.memory_space<vmem>>
      %dma_wait3A_102 = tpu.memref_squeeze %dma_wait3A_101 : memref<1x10000xf32, #tpu.memory_space<vmem>> -> memref<10000xf32, #tpu.memory_space<vmem>>
      %dma_wait3A_103 = tpu.memref_slice %arg5[%run_scoped3A_87, %multiple_of3A_85] : memref<4x320000xf32, #tpu.memory_space<hbm>> -> memref<1x10000xf32, #tpu.memory_space<hbm>>
      %dma_wait3A_104 = tpu.memref_squeeze %dma_wait3A_103 : memref<1x10000xf32, #tpu.memory_space<hbm>> -> memref<10000xf32, #tpu.memory_space<hbm>>
      %dma_wait3A_105 = tpu.memref_slice %arg5[%run_scoped3A_87, %multiple_of3A_85] : memref<4x320000xf32, #tpu.memory_space<hbm>> -> memref<1x10000xf32, #tpu.memory_space<hbm>>
      %dma_wait3A_106 = tpu.memref_squeeze %dma_wait3A_105 : memref<1x10000xf32, #tpu.memory_space<hbm>> -> memref<10000xf32, #tpu.memory_space<hbm>>
      %dma_wait3A_107 = arith.constant 0 : i32
      %dma_wait3A_108 = tpu.memref_slice %arg9[%run_scoped3A_86, %dma_wait3A_107] : memref<4x10000xf32, #tpu.memory_space<vmem>> -> memref<1x10000xf32, #tpu.memory_space<vmem>>
      %dma_wait3A_109 = tpu.memref_squeeze %dma_wait3A_108 : memref<1x10000xf32, #tpu.memory_space<vmem>> -> memref<10000xf32, #tpu.memory_space<vmem>>
      tpu.wait_dma2 semaphore(%run_scoped3A_91 : memref<!tpu.dma_semaphore, #tpu.memory_space<semaphore_mem>>) src(%dma_wait3A_109 : memref<10000xf32, #tpu.memory_space<vmem>>) dst(%dma_wait3A_106 : memref<10000xf32, #tpu.memory_space<hbm>>)
      tpu.yield
    }) : () -> ()
    %mul3A_88 = arith.constant 10000 : i32
    %mul3A_89 = arith.muli %add3A, %mul3A_88 : i32
    %multiple_of3A_90 = tpu.assume_multiple %mul3A_89, 16 : i32
    "tpu.region"() ({
      %run_scoped3A_91 = tpu.sem_alloc : memref<!tpu.dma_semaphore, #tpu.memory_space<semaphore_mem>>
      %dma_start3A = tpu.memref_slice %arg6[%multiple_of3A_90] : memref<320000xf32, #tpu.memory_space<hbm>> -> memref<10000xf32, #tpu.memory_space<hbm>>
      %dma_start3A_92 = tpu.memref_slice %arg6[%multiple_of3A_90] : memref<320000xf32, #tpu.memory_space<hbm>> -> memref<10000xf32, #tpu.memory_space<hbm>>
      tpu.enqueue_dma source(%arg10 : memref<10000xf32, #tpu.memory_space<vmem>>) target(%dma_start3A_92 : memref<10000xf32, #tpu.memory_space<hbm>>) target_semaphore(%run_scoped3A_91 : memref<!tpu.dma_semaphore, #tpu.memory_space<semaphore_mem>>)
      %dma_wait3A = tpu.memref_slice %arg6[%multiple_of3A_90] : memref<320000xf32, #tpu.memory_space<hbm>> -> memref<10000xf32, #tpu.memory_space<hbm>>
      %dma_wait3A_93 = tpu.memref_slice %arg6[%multiple_of3A_90] : memref<320000xf32, #tpu.memory_space<hbm>> -> memref<10000xf32, #tpu.memory_space<hbm>>
      tpu.wait_dma2 semaphore(%run_scoped3A_91 : memref<!tpu.dma_semaphore, #tpu.memory_space<semaphore_mem>>) src(%arg10 : memref<10000xf32, #tpu.memory_space<vmem>>) dst(%dma_wait3A_93 : memref<10000xf32, #tpu.memory_space<hbm>>)
      tpu.yield
    }) : () -> ()
    return
  }
}

module attributes {stable_mosaic.version = 14 : i64} {
  func.func @_node_body(%arg0: i32, %arg1: memref<1000x128xf32, #tpu.memory_space<vmem>>, %arg2: memref<128x32xf32, #tpu.memory_space<vmem>>, %arg3: memref<1x32xf32, #tpu.memory_space<vmem>>, %arg4: memref<32x8xf32, #tpu.memory_space<vmem>>, %arg5: memref<1x8xf32, #tpu.memory_space<vmem>>, %arg6: memref<128x32xf32, #tpu.memory_space<vmem>>, %arg7: memref<128x32xf32, #tpu.memory_space<vmem>>, %arg8: memref<1000x8xf32, #tpu.memory_space<vmem>>, %arg9: memref<1000x1xf32, #tpu.memory_space<vmem>>, %arg10: memref<1000x32xf32, #tpu.memory_space<vmem>>, %arg11: memref<1000x32xf32, #tpu.memory_space<vmem>>) attributes {dimension_semantics = [#tpu.dimension_semantics<arbitrary>], iteration_bounds = array<i64: 10>, scalar_prefetch = 0 : i64, scratch_operands = 0 : i64, tpu.core_type = #tpu.core_type<tc>, window_params = [{transform_indices = @transform_0, window_bounds = array<i64: 1000, 128>}, {pipeline_mode = #tpu.pipeline_mode<synchronous>, transform_indices = @transform_1, window_bounds = array<i64: 128, 32>}, {pipeline_mode = #tpu.pipeline_mode<synchronous>, transform_indices = @transform_2, window_bounds = array<i64: 1, 32>}, {pipeline_mode = #tpu.pipeline_mode<synchronous>, transform_indices = @transform_3, window_bounds = array<i64: 32, 8>}, {pipeline_mode = #tpu.pipeline_mode<synchronous>, transform_indices = @transform_4, window_bounds = array<i64: 1, 8>}, {pipeline_mode = #tpu.pipeline_mode<synchronous>, transform_indices = @transform_5, window_bounds = array<i64: 128, 32>}, {pipeline_mode = #tpu.pipeline_mode<synchronous>, transform_indices = @transform_6, window_bounds = array<i64: 128, 32>}, {transform_indices = @transform_7, window_bounds = array<i64: 1000, 8>}, {transform_indices = @transform_8, window_bounds = array<i64: 1000, 1>}, {transform_indices = @transform_9, window_bounds = array<i64: 1000, 32>}, {transform_indices = @transform_10, window_bounds = array<i64: 1000, 32>}]} {
    %get3A = arith.constant 0 : index
    %get3A_0 = arith.constant 0 : index
    %get3A_1 = vector.load %arg1[%get3A, %get3A_0] : memref<1000x128xf32, #tpu.memory_space<vmem>>, vector<1000x128xf32>
    %get3A_2 = arith.constant 0 : index
    %get3A_3 = arith.constant 0 : index
    %get3A_4 = vector.load %arg2[%get3A_2, %get3A_3] : memref<128x32xf32, #tpu.memory_space<vmem>>, vector<128x32xf32>
    %dot_general3A = arith.constant dense<0.000000e+00> : vector<1000x32xf32>
    %dot_general3A_5 = tpu.matmul %get3A_1, %get3A_4, %dot_general3A {dimension_numbers = #tpu.dot_dimension_numbers<[1], [0], [0], [1], [0, 0, 1, 1], [], []>, transpose_lhs_hint = false} : vector<1000x128xf32>, vector<128x32xf32>, vector<1000x32xf32> -> vector<1000x32xf32>
    %get3A_6 = arith.constant 0 : index
    %get3A_7 = arith.constant 0 : index
    %get3A_8 = vector.load %arg3[%get3A_6, %get3A_7] : memref<1x32xf32, #tpu.memory_space<vmem>>, vector<1x32xf32>
    %add3A = vector.broadcast %get3A_8 : vector<1x32xf32> to vector<1000x32xf32>
    %add3A_9 = arith.addf %dot_general3A_5, %add3A : vector<1000x32xf32>
    %max3A = arith.constant 0.000000e+00 : f32
    %max3A_10 = vector.broadcast %max3A : f32 to vector<1000x32xf32>
    %max3A_11 = arith.maximumf %add3A_9, %max3A_10 : vector<1000x32xf32>
    %get3A_12 = arith.constant 0 : index
    %get3A_13 = arith.constant 0 : index
    %get3A_14 = vector.load %arg4[%get3A_12, %get3A_13] : memref<32x8xf32, #tpu.memory_space<vmem>>, vector<32x8xf32>
    %dot_general3A_15 = arith.constant dense<0.000000e+00> : vector<1000x8xf32>
    %dot_general3A_16 = tpu.matmul %max3A_11, %get3A_14, %dot_general3A_15 {dimension_numbers = #tpu.dot_dimension_numbers<[1], [0], [0], [1], [0, 0, 1, 1], [], []>, transpose_lhs_hint = false} : vector<1000x32xf32>, vector<32x8xf32>, vector<1000x8xf32> -> vector<1000x8xf32>
    %get3A_17 = arith.constant 0 : index
    %get3A_18 = arith.constant 0 : index
    %get3A_19 = vector.load %arg5[%get3A_17, %get3A_18] : memref<1x8xf32, #tpu.memory_space<vmem>>, vector<1x8xf32>
    %add3A_20 = vector.broadcast %get3A_19 : vector<1x8xf32> to vector<1000x8xf32>
    %add3A_21 = arith.addf %dot_general3A_16, %add3A_20 : vector<1000x8xf32>
    %reduce_max3A = arith.constant dense<0xFF800000> : vector<1000xf32>
    %reduce_max3A_22 = vector.multi_reduction <maximumf>, %add3A_21, %reduce_max3A [1] : vector<1000x8xf32> to vector<1000xf32>
    %broadcast_in_dim3A = vector.shape_cast %reduce_max3A_22 : vector<1000xf32> to vector<1000x1xf32>
    %sub3A = vector.broadcast %broadcast_in_dim3A : vector<1000x1xf32> to vector<1000x8xf32>
    %sub3A_23 = arith.subf %add3A_21, %sub3A : vector<1000x8xf32>
    %exp3A = math.exp %sub3A_23 : vector<1000x8xf32>
    %reduce_sum3A = arith.constant dense<0.000000e+00> : vector<1000xf32>
    %reduce_sum3A_24 = vector.multi_reduction <add>, %exp3A, %reduce_sum3A [1] : vector<1000x8xf32> to vector<1000xf32>
    %broadcast_in_dim3A_25 = vector.shape_cast %reduce_sum3A_24 : vector<1000xf32> to vector<1000x1xf32>
    %div3A = vector.broadcast %broadcast_in_dim3A_25 : vector<1000x1xf32> to vector<1000x8xf32>
    %div3A_26 = arith.divf %exp3A, %div3A : vector<1000x8xf32>
    %swap3A = arith.constant 0 : index
    %swap3A_27 = arith.constant 0 : index
    %swap3A_28 = vector.load %arg8[%swap3A, %swap3A_27] : memref<1000x8xf32, #tpu.memory_space<vmem>>, vector<1000x8xf32>
    tpu.vector_store %arg8[%swap3A, %swap3A_27], %div3A_26 {strides = array<i32>} : memref<1000x8xf32, #tpu.memory_space<vmem>>, vector<1000x8xf32>,
    %iota3A = tpu.iota {dimensions = array<i32: 1>} : vector<1000x8xi32>
    %eq3A = vector.broadcast %broadcast_in_dim3A : vector<1000x1xf32> to vector<1000x8xf32>
    %eq3A_29 = arith.cmpf oeq, %add3A_21, %eq3A : vector<1000x8xf32>
    %jit3A = arith.constant 8 : i32
    %broadcast_in_dim3A_30 = vector.broadcast %jit3A : i32 to vector<1000x8xi32>
    %select_n3A = arith.select %eq3A_29, %iota3A, %broadcast_in_dim3A_30 : vector<1000x8xi1>, vector<1000x8xi32>
    %reduce_min3A = arith.constant dense<2147483647> : vector<1000xi32>
    %reduce_min3A_31 = vector.multi_reduction <minsi>, %select_n3A, %reduce_min3A [1] : vector<1000x8xi32> to vector<1000xi32>
    %broadcast_in_dim3A_32 = vector.shape_cast %reduce_min3A_31 : vector<1000xi32> to vector<1000x1xi32>
    %convert_element_type3A = arith.sitofp %broadcast_in_dim3A_32 : vector<1000x1xi32> to vector<1000x1xf32>
    %add3A_33 = arith.constant 1.000000e+00 : f32
    %add3A_34 = vector.broadcast %add3A_33 : f32 to vector<1000x1xf32>
    %add3A_35 = arith.addf %convert_element_type3A, %add3A_34 : vector<1000x1xf32>
    %swap3A_36 = arith.constant 0 : index
    %swap3A_37 = arith.constant 0 : index
    %swap3A_38 = vector.load %arg9[%swap3A_36, %swap3A_37] : memref<1000x1xf32, #tpu.memory_space<vmem>>, vector<1000x1xf32>
    tpu.vector_store %arg9[%swap3A_36, %swap3A_37], %add3A_35 {strides = array<i32>} : memref<1000x1xf32, #tpu.memory_space<vmem>>, vector<1000x1xf32>,
    %get3A_39 = arith.constant 0 : index
    %get3A_40 = arith.constant 0 : index
    %get3A_41 = vector.load %arg6[%get3A_39, %get3A_40] : memref<128x32xf32, #tpu.memory_space<vmem>>, vector<128x32xf32>
    %dot_general3A_42 = arith.constant dense<0.000000e+00> : vector<1000x32xf32>
    %dot_general3A_43 = tpu.matmul %get3A_1, %get3A_41, %dot_general3A_42 {dimension_numbers = #tpu.dot_dimension_numbers<[1], [0], [0], [1], [0, 0, 1, 1], [], []>, transpose_lhs_hint = false} : vector<1000x128xf32>, vector<128x32xf32>, vector<1000x32xf32> -> vector<1000x32xf32>
    %swap3A_44 = arith.constant 0 : index
    %swap3A_45 = arith.constant 0 : index
    %swap3A_46 = vector.load %arg10[%swap3A_44, %swap3A_45] : memref<1000x32xf32, #tpu.memory_space<vmem>>, vector<1000x32xf32>
    tpu.vector_store %arg10[%swap3A_44, %swap3A_45], %dot_general3A_43 {strides = array<i32>} : memref<1000x32xf32, #tpu.memory_space<vmem>>, vector<1000x32xf32>,
    %get3A_47 = arith.constant 0 : index
    %get3A_48 = arith.constant 0 : index
    %get3A_49 = vector.load %arg7[%get3A_47, %get3A_48] : memref<128x32xf32, #tpu.memory_space<vmem>>, vector<128x32xf32>
    %dot_general3A_50 = arith.constant dense<0.000000e+00> : vector<1000x32xf32>
    %dot_general3A_51 = tpu.matmul %get3A_1, %get3A_49, %dot_general3A_50 {dimension_numbers = #tpu.dot_dimension_numbers<[1], [0], [0], [1], [0, 0, 1, 1], [], []>, transpose_lhs_hint = false} : vector<1000x128xf32>, vector<128x32xf32>, vector<1000x32xf32> -> vector<1000x32xf32>
    %swap3A_52 = arith.constant 0 : index
    %swap3A_53 = arith.constant 0 : index
    %swap3A_54 = vector.load %arg11[%swap3A_52, %swap3A_53] : memref<1000x32xf32, #tpu.memory_space<vmem>>, vector<1000x32xf32>
    tpu.vector_store %arg11[%swap3A_52, %swap3A_53], %dot_general3A_51 {strides = array<i32>} : memref<1000x32xf32, #tpu.memory_space<vmem>>, vector<1000x32xf32>,
    return
  }
  func.func @transform_0(%arg0: i32) -> (i32, i32) {
    %c0_i32 = arith.constant 0 : i32
    %c0_i32_0 = arith.constant 0 : i32
    return %arg0, %c0_i32 : i32, i32
  }
  func.func @transform_1(%arg0: i32) -> (i32, i32) {
    %c0_i32 = arith.constant 0 : i32
    %c0_i32_0 = arith.constant 0 : i32
    %c0_i32_1 = arith.constant 0 : i32
    return %c0_i32, %c0_i32_0 : i32, i32
  }
  func.func @transform_2(%arg0: i32) -> (i32, i32) {
    %c0_i32 = arith.constant 0 : i32
    %c0_i32_0 = arith.constant 0 : i32
    %c0_i32_1 = arith.constant 0 : i32
    return %c0_i32, %c0_i32_0 : i32, i32
  }
  func.func @transform_3(%arg0: i32) -> (i32, i32) {
    %c0_i32 = arith.constant 0 : i32
    %c0_i32_0 = arith.constant 0 : i32
    %c0_i32_1 = arith.constant 0 : i32
    return %c0_i32, %c0_i32_0 : i32, i32
  }
  func.func @transform_4(%arg0: i32) -> (i32, i32) {
    %c0_i32 = arith.constant 0 : i32
    %c0_i32_0 = arith.constant 0 : i32
    %c0_i32_1 = arith.constant 0 : i32
    return %c0_i32, %c0_i32_0 : i32, i32
  }
  func.func @transform_5(%arg0: i32) -> (i32, i32) {
    %c0_i32 = arith.constant 0 : i32
    %c0_i32_0 = arith.constant 0 : i32
    %c0_i32_1 = arith.constant 0 : i32
    return %c0_i32, %c0_i32_0 : i32, i32
  }
  func.func @transform_6(%arg0: i32) -> (i32, i32) {
    %c0_i32 = arith.constant 0 : i32
    %c0_i32_0 = arith.constant 0 : i32
    %c0_i32_1 = arith.constant 0 : i32
    return %c0_i32, %c0_i32_0 : i32, i32
  }
  func.func @transform_7(%arg0: i32) -> (i32, i32) {
    %c0_i32 = arith.constant 0 : i32
    %c0_i32_0 = arith.constant 0 : i32
    return %arg0, %c0_i32 : i32, i32
  }
  func.func @transform_8(%arg0: i32) -> (i32, i32) {
    %c0_i32 = arith.constant 0 : i32
    %c0_i32_0 = arith.constant 0 : i32
    return %arg0, %c0_i32 : i32, i32
  }
  func.func @transform_9(%arg0: i32) -> (i32, i32) {
    %c0_i32 = arith.constant 0 : i32
    %c0_i32_0 = arith.constant 0 : i32
    return %arg0, %c0_i32 : i32, i32
  }
  func.func @transform_10(%arg0: i32) -> (i32, i32) {
    %c0_i32 = arith.constant 0 : i32
    %c0_i32_0 = arith.constant 0 : i32
    return %arg0, %c0_i32 : i32, i32
  }
}

module attributes {stable_mosaic.version = 14 : i64} {
  func.func @_edge_body(%arg0: i32, %arg1: memref<5000x128xf32, #tpu.memory_space<vmem>>, %arg2: memref<5000x128xf32, #tpu.memory_space<vmem>>, %arg3: memref<1x128xf32, #tpu.memory_space<vmem>>, %arg4: memref<128x16xf32, #tpu.memory_space<vmem>>, %arg5: memref<1x16xf32, #tpu.memory_space<vmem>>, %arg6: memref<16x16xf32, #tpu.memory_space<vmem>>, %arg7: memref<5000x128xf32, #tpu.memory_space<vmem>>) attributes {dimension_semantics = [#tpu.dimension_semantics<arbitrary>], iteration_bounds = array<i64: 8>, scalar_prefetch = 0 : i64, scratch_operands = 0 : i64, tpu.core_type = #tpu.core_type<tc>, window_params = [{transform_indices = @transform_0, window_bounds = array<i64: 5000, 128>}, {transform_indices = @transform_1, window_bounds = array<i64: 5000, 128>}, {pipeline_mode = #tpu.pipeline_mode<synchronous>, transform_indices = @transform_2, window_bounds = array<i64: 1, 128>}, {pipeline_mode = #tpu.pipeline_mode<synchronous>, transform_indices = @transform_3, window_bounds = array<i64: 128, 16>}, {pipeline_mode = #tpu.pipeline_mode<synchronous>, transform_indices = @transform_4, window_bounds = array<i64: 1, 16>}, {pipeline_mode = #tpu.pipeline_mode<synchronous>, transform_indices = @transform_5, window_bounds = array<i64: 16, 16>}, {transform_indices = @transform_6, window_bounds = array<i64: 5000, 128>}]} {
    %get3A = arith.constant 0 : index
    %get3A_0 = arith.constant 0 : index
    %get3A_1 = vector.load %arg1[%get3A, %get3A_0] : memref<5000x128xf32, #tpu.memory_space<vmem>>, vector<5000x128xf32>
    %get3A_2 = arith.constant 0 : index
    %get3A_3 = arith.constant 0 : index
    %get3A_4 = vector.load %arg2[%get3A_2, %get3A_3] : memref<5000x128xf32, #tpu.memory_space<vmem>>, vector<5000x128xf32>
    %add3A = arith.addf %get3A_1, %get3A_4 : vector<5000x128xf32>
    %get3A_5 = arith.constant 0 : index
    %get3A_6 = arith.constant 0 : index
    %get3A_7 = vector.load %arg3[%get3A_5, %get3A_6] : memref<1x128xf32, #tpu.memory_space<vmem>>, vector<1x128xf32>
    %add3A_8 = vector.broadcast %get3A_7 : vector<1x128xf32> to vector<5000x128xf32>
    %add3A_9 = arith.addf %add3A, %add3A_8 : vector<5000x128xf32>
    %max3A = arith.constant 0.000000e+00 : f32
    %max3A_10 = vector.broadcast %max3A : f32 to vector<5000x128xf32>
    %max3A_11 = arith.maximumf %add3A_9, %max3A_10 : vector<5000x128xf32>
    %get3A_12 = arith.constant 0 : index
    %get3A_13 = arith.constant 0 : index
    %get3A_14 = vector.load %arg4[%get3A_12, %get3A_13] : memref<128x16xf32, #tpu.memory_space<vmem>>, vector<128x16xf32>
    %dot_general3A = arith.constant dense<0.000000e+00> : vector<5000x16xf32>
    %dot_general3A_15 = tpu.matmul %max3A_11, %get3A_14, %dot_general3A {dimension_numbers = #tpu.dot_dimension_numbers<[1], [0], [0], [1], [0, 0, 1, 1], [], []>, transpose_lhs_hint = false} : vector<5000x128xf32>, vector<128x16xf32>, vector<5000x16xf32> -> vector<5000x16xf32>
    %get3A_16 = arith.constant 0 : index
    %get3A_17 = arith.constant 0 : index
    %get3A_18 = vector.load %arg5[%get3A_16, %get3A_17] : memref<1x16xf32, #tpu.memory_space<vmem>>, vector<1x16xf32>
    %add3A_19 = vector.broadcast %get3A_18 : vector<1x16xf32> to vector<5000x16xf32>
    %add3A_20 = arith.addf %dot_general3A_15, %add3A_19 : vector<5000x16xf32>
    %reduce_max3A = arith.constant dense<0xFF800000> : vector<5000xf32>
    %reduce_max3A_21 = vector.multi_reduction <maximumf>, %add3A_20, %reduce_max3A [1] : vector<5000x16xf32> to vector<5000xf32>
    %broadcast_in_dim3A = vector.shape_cast %reduce_max3A_21 : vector<5000xf32> to vector<5000x1xf32>
    %sub3A = vector.broadcast %broadcast_in_dim3A : vector<5000x1xf32> to vector<5000x16xf32>
    %sub3A_22 = arith.subf %add3A_20, %sub3A : vector<5000x16xf32>
    %exp3A = math.exp %sub3A_22 : vector<5000x16xf32>
    %get3A_23 = arith.constant 0 : index
    %get3A_24 = arith.constant 0 : index
    %get3A_25 = vector.load %arg6[%get3A_23, %get3A_24] : memref<16x16xf32, #tpu.memory_space<vmem>>, vector<16x16xf32>
    %dot_general3A_26 = arith.constant dense<0.000000e+00> : vector<5000x16xf32>
    %dot_general3A_27 = tpu.matmul %exp3A, %get3A_25, %dot_general3A_26 {dimension_numbers = #tpu.dot_dimension_numbers<[1], [0], [0], [1], [0, 0, 1, 1], [], []>, transpose_lhs_hint = false} : vector<5000x16xf32>, vector<16x16xf32>, vector<5000x16xf32> -> vector<5000x16xf32>
    %div3A = arith.divf %exp3A, %dot_general3A_27 : vector<5000x16xf32>
    %jit3A = arith.constant 0 : i32
    %convert_element_type3A = arith.sitofp %jit3A : i32 to f32
    %pad3A = vector.broadcast %convert_element_type3A : f32 to vector<5000x112xf32>
    %pad3A_28 = tpu.concatenate %div3A, %pad3A in 1 : vector<5000x16xf32>, vector<5000x112xf32> -> vector<5000x128xf32>
    %swap3A = arith.constant 0 : index
    %swap3A_29 = arith.constant 0 : index
    %swap3A_30 = vector.load %arg7[%swap3A, %swap3A_29] : memref<5000x128xf32, #tpu.memory_space<vmem>>, vector<5000x128xf32>
    tpu.vector_store %arg7[%swap3A, %swap3A_29], %pad3A_28 {strides = array<i32>} : memref<5000x128xf32, #tpu.memory_space<vmem>>, vector<5000x128xf32>,
    return
  }
  func.func @transform_0(%arg0: i32) -> (i32, i32) {
    %c0_i32 = arith.constant 0 : i32
    %c0_i32_0 = arith.constant 0 : i32
    return %arg0, %c0_i32 : i32, i32
  }
  func.func @transform_1(%arg0: i32) -> (i32, i32) {
    %add3A = arith.constant 8 : i32
    %add3A_0 = arith.addi %arg0, %add3A : i32
    %c0_i32 = arith.constant 0 : i32
    %c0_i32_1 = arith.constant 0 : i32
    return %add3A_0, %c0_i32 : i32, i32
  }
  func.func @transform_2(%arg0: i32) -> (i32, i32) {
    %c0_i32 = arith.constant 0 : i32
    %c0_i32_0 = arith.constant 0 : i32
    %c0_i32_1 = arith.constant 0 : i32
    return %c0_i32, %c0_i32_0 : i32, i32
  }
  func.func @transform_3(%arg0: i32) -> (i32, i32) {
    %c0_i32 = arith.constant 0 : i32
    %c0_i32_0 = arith.constant 0 : i32
    %c0_i32_1 = arith.constant 0 : i32
    return %c0_i32, %c0_i32_0 : i32, i32
  }
  func.func @transform_4(%arg0: i32) -> (i32, i32) {
    %c0_i32 = arith.constant 0 : i32
    %c0_i32_0 = arith.constant 0 : i32
    %c0_i32_1 = arith.constant 0 : i32
    return %c0_i32, %c0_i32_0 : i32, i32
  }
  func.func @transform_5(%arg0: i32) -> (i32, i32) {
    %c0_i32 = arith.constant 0 : i32
    %c0_i32_0 = arith.constant 0 : i32
    %c0_i32_1 = arith.constant 0 : i32
    return %c0_i32, %c0_i32_0 : i32, i32
  }
  func.func @transform_6(%arg0: i32) -> (i32, i32) {
    %c0_i32 = arith.constant 0 : i32
    %c0_i32_0 = arith.constant 0 : i32
    return %arg0, %c0_i32 : i32, i32
  }
}

module attributes {stable_mosaic.version = 14 : i64} {
  func.func @_final_body(%arg0: memref<32x10000xf32, #tpu.memory_space<vmem>>, %arg1: memref<1x10000xf32, #tpu.memory_space<vmem>>, %arg2: memref<1x1xf32, #tpu.memory_space<vmem>>) attributes {dimension_semantics = [], scalar_prefetch = 0 : i64, scratch_operands = 0 : i64, tpu.core_type = #tpu.core_type<tc>} {
    %get3A = arith.constant 0 : index
    %get3A_0 = arith.constant 0 : index
    %get3A_1 = vector.load %arg0[%get3A, %get3A_0] : memref<32x10000xf32, #tpu.memory_space<vmem>>, vector<32x10000xf32>
    %reduce_sum3A = arith.constant dense<0.000000e+00> : vector<10000xf32>
    %reduce_sum3A_2 = vector.multi_reduction <add>, %get3A_1, %reduce_sum3A [0] : vector<32x10000xf32> to vector<10000xf32>
    %broadcast_in_dim3A = vector.shape_cast %reduce_sum3A_2 : vector<10000xf32> to vector<1x10000xf32>
    %get3A_3 = arith.constant 0 : index
    %get3A_4 = arith.constant 0 : index
    %get3A_5 = vector.load %arg1[%get3A_3, %get3A_4] : memref<1x10000xf32, #tpu.memory_space<vmem>>, vector<1x10000xf32>
    %sub3A = arith.subf %broadcast_in_dim3A, %get3A_5 : vector<1x10000xf32>
    %mul3A = arith.mulf %sub3A, %sub3A : vector<1x10000xf32>
    %reduce_sum3A_6 = arith.constant dense<0.000000e+00> : vector<1xf32>
    %reduce_sum3A_7 = vector.multi_reduction <add>, %mul3A, %reduce_sum3A_6 [1] : vector<1x10000xf32> to vector<1xf32>
    %broadcast_in_dim3A_8 = vector.shape_cast %reduce_sum3A_7 : vector<1xf32> to vector<1x1xf32>
    %div3A = arith.constant 1.000000e+04 : f32
    %div3A_9 = vector.broadcast %div3A : f32 to vector<1x1xf32>
    %div3A_10 = arith.divf %broadcast_in_dim3A_8, %div3A_9 : vector<1x1xf32>
    %swap3A = arith.constant 0 : index
    %swap3A_11 = arith.constant 0 : index
    %swap3A_12 = vector.load %arg2[%swap3A, %swap3A_11] : memref<1x1xf32, #tpu.memory_space<vmem>>, vector<1x1xf32>
    tpu.vector_store %arg2[%swap3A, %swap3A_11], %div3A_10 {strides = array<i32>} : memref<1x1xf32, #tpu.memory_space<vmem>>, vector<1x1xf32>,
    return
  }
}

</mosaic_0001>

<sc_bundles>
// kernel: kernel.12.cloned.1.call-start
scs
__scs_entry_jumppad:
0x0: {  	(pc) =	sbr.rel $0x88, $3  }
0x1: {  	(tag) =	ssettag $0x0;
	lr =	simm.s32 $0x1  }
0x2: {  	[smem:$0x3F97] =	sst lr;
	_ =	strace $0xD0000000  }
0x3: {  	_ = 	snop  }
0x4: {  	_ = 	snop  }
0x5: {  	_ = 	snop  }
0x6: {  	_ = 	snop  }
0x7: {  	_ = 	snop  }
__scs_overlays_trampoline_lowered:
0x8: {  	[smem:$0x3FA6] =	sst s0  }
0x9: {  	[smem:$0x3FA7] =	sst s1  }
0xa: {  	[smem:$0x3FA8] =	sst s2  }
0xb: {  	[smem:$0x3FA9] =	sst s3  }
0xc: {  	[smem:$0x3FAA] =	sst s4  }
0xd: {  	[smem:$0x3FAB] =	sst s5  }
0xe: {  	[smem:$0x3FAC] =	sst s6  }
0xf: {  	[smem:$0x3FAD] =	sst s7  }
0x10: {  	[smem:$0x3FAE] =	sst s8  }
0x11: {  	[smem:$0x3FAF] =	sst s9;
	s0 =	simm.s32 @!p0 $0x0  }
0x12: {  	s1 =	sld [smem:$0x3F95];
	s0 =	simm.s32 @p0 $0x1  }
0x13: {  	[smem:$0x3FB0] =	sst s0;
	s0 =	simm.s32 @!p1 $0x0  }
0x14: {  	s2 =	sld [smem:$0x3F94];
	s0 =	simm.s32 @p1 $0x1  }
0x15: {  	[smem:$0x3FB1] =	sst s0;
	s0 =	simm.s32 @!p2 $0x0  }
0x16: {  	s3 =	sld [smem:$0x3FDB];
	s0 =	simm.s32 @p2 $0x1  }
0x17: {  	s4 =	simm.s32 $0x1BF5;
	[smem:$0x3FB3] =	sst s0  }
0x18: {  	s0 =	sld [smem:$0x3F96];
	_ =	swait.ge [sflag:s4], $0x0  }
0x19: {  	s7 =	sld [smem:$0x3F97]  }
0x1a: {  	s8 =	sadd.s32 $0xFFFFE003, lr  }
0x1b: {  	s9 =	sadd.s32 $0xFFFFFEF7, lr;
	s5 =	simm.s32 $0xFFFFFFFF;
	p2 =	slt.u32 s8, $0xFFFFF086  }
0x1c: {  	p1 =	slt.u32 s9, $0xF7A;
	s5 =	simm.s32 @!p2 $0x0  }
0x1d: {  	s5 =	simm.s32 @p1 $0x1;
	p0 =	seq.s32 s7, s2  }
0x1e: {  	s7 =	smul.u32 @!p0 $0xF7A, s2;
	p2 =	seq.s32 @!p0 s5, $0x0  }
0x1f: {  	s9 =	smul.u32 $0xF7A, s1;
	s8 =	simm.s32 @!p0 $0x1BF5;
	p2 =	por !p2, p0  }
0x20: {  	[sflag:s8] =	ssyncset.s32 @!p0 $0xFFFFF086;
	s6 =	sadd.s32 @!p0 s3, s7;
	s7 =	simm.s32 @!p0 $0x108  }
0x21: {  	s3 =	sadd.s32 s3, s9;
	s6 =	sadd.s32 @!p0 $0x88, s6;
	s7 =	simm.s32 @p2 $0x1082  }
0x22: {  	[simem:s7], [sflag:s8] =	dma.local @!p0 [hbm:s6], $0xF7A  }
0x23: {  	s9 =	sor.u32 $0xD0000000, s2;
	s6 =	simm.s32 $0x108;
	_ =	swait.ge @!p0 [sflag:s8], $0x0  }
0x24: {  	s3 =	sadd.s32 $0x88, s3;
	s6 =	simm.s32 @!p1 $0x1082;
	[sflag:s4] =	ssyncset.s32 $0xFFFFF086  }
0x25: {  	[simem:s6], [sflag:s4] =	dma.local [hbm:s3], $0xF7A  }
0x26: {  	[smem:$0x3F97] =	sst s1;
	(tag) =	ssettag s2;
	_ =	strace s9  }
0x27: {  	s1 =	sld [smem:$0x3FA7]  }
0x28: {  	s2 =	sld [smem:$0x3FA8]  }
0x29: {  	s4 =	sld [smem:$0x3FAA]  }
0x2a: {  	p0 =	seq.s32 s5, $0x0;
	s5 =	sld [smem:$0x3FAB]  }
0x2b: {  	s6 =	sld [smem:$0x3FAC]  }
0x2c: {  	s7 =	sld [smem:$0x3FAD]  }
0x2d: {  	s3 =	simm.s32 $0x108;
	s8 =	sld [smem:$0x3FAE]  }
0x2e: {  	s3 =	simm.s32 @!p0 $0x1082;
	s9 =	sld [smem:$0x3FAF]  }
0x2f: {  	lr =	sadd.s32 s0, s3;
	s0 =	sld [smem:$0x3FA6]  }
0x30: {  	s3 =	sld [smem:$0x3FA9]  }
0x31: {  	[smem:$0x3FB2] =	sst s10  }
0x32: {  	s10 =	sld [smem:$0x3FB0];
	_ =	sdelay $0x3  }
0x33: {  	p0 =	seq.s32 s10, $0x1;
	s10 =	sld [smem:$0x3FB2];
	_ =	sdelay $0x3  }
0x34: {  	[smem:$0x3FB2] =	sst s10  }
0x35: {  	s10 =	sld [smem:$0x3FB1];
	_ =	sdelay $0x3  }
0x36: {  	p1 =	seq.s32 s10, $0x1;
	s10 =	sld [smem:$0x3FB2];
	_ =	sdelay $0x3  }
0x37: {  	[smem:$0x3FB2] =	sst s10  }
0x38: {  	s10 =	sld [smem:$0x3FB3]  }
0x39: {  	_ = 	snop;
	(pc) =	sbr.ind lr, $3  }
0x3a: {  	_ = 	snop  }
0x3b: {  	_ = 	snop  }
0x3c: {  	p2 =	seq.s32 s10, $0x1;
	s10 =	sld [smem:$0x3FB2]  }
0x3d: {  	_ =	shalt  }
0x3e: {  	_ =	shalt  }
0x3f: {  	_ =	shalt  }
0x40: {  	_ =	shalt  }
0x41: {  	_ =	shalt  }
0x42: {  	_ =	shalt  }
0x43: {  	_ =	shalt  }
0x44: {  	_ =	shalt  }
0x45: {  	_ =	shalt  }
0x46: {  	_ =	shalt  }
0x47: {  	_ =	shalt  }
0x48: {  	_ =	shalt  }
0x49: {  	_ =	shalt  }
0x4a: {  	_ =	shalt  }
0x4b: {  	_ =	shalt  }
0x4c: {  	_ =	shalt  }
0x4d: {  	_ =	shalt  }
0x4e: {  	_ =	shalt  }
0x4f: {  	_ =	shalt  }
0x50: {  	_ =	shalt  }
0x51: {  	_ =	shalt  }
0x52: {  	_ =	shalt  }
0x53: {  	_ =	shalt  }
0x54: {  	_ =	shalt  }
0x55: {  	_ =	shalt  }
0x56: {  	_ =	shalt  }
0x57: {  	_ =	shalt  }
0x58: {  	_ =	shalt  }
0x59: {  	_ =	shalt  }
0x5a: {  	_ =	shalt  }
0x5b: {  	_ =	shalt  }
0x5c: {  	_ =	shalt  }
0x5d: {  	_ =	shalt  }
0x5e: {  	_ =	shalt  }
0x5f: {  	_ =	shalt  }
0x60: {  	_ =	shalt  }
0x61: {  	_ =	shalt  }
0x62: {  	_ =	shalt  }
0x63: {  	_ =	shalt  }
0x64: {  	_ =	shalt  }
0x65: {  	_ =	shalt  }
0x66: {  	_ =	shalt  }
0x67: {  	_ =	shalt  }
0x68: {  	_ =	shalt  }
0x69: {  	_ =	shalt  }
0x6a: {  	_ =	shalt  }
0x6b: {  	_ =	shalt  }
0x6c: {  	_ =	shalt  }
0x6d: {  	_ =	shalt  }
0x6e: {  	_ =	shalt  }
0x6f: {  	_ =	shalt  }
0x70: {  	_ =	shalt  }
0x71: {  	_ =	shalt  }
0x72: {  	_ =	shalt  }
0x73: {  	_ =	shalt  }
0x74: {  	_ =	shalt  }
0x75: {  	_ =	shalt  }
0x76: {  	_ =	shalt  }
0x77: {  	_ =	shalt  }
0x78: {  	_ =	shalt  }
0x79: {  	_ =	shalt  }
0x7a: {  	_ =	shalt  }
0x7b: {  	_ =	shalt  }
0x7c: {  	_ =	shalt  }
0x7d: {  	_ =	shalt  }
0x7e: {  	_ =	shalt  }
0x7f: {  	_ =	shalt  }
0x80: {  	_ =	shalt  }
0x81: {  	_ =	shalt  }
0x82: {  	_ =	shalt  }
0x83: {  	_ =	shalt  }
0x84: {  	_ =	shalt  }
0x85: {  	_ =	shalt  }
0x86: {  	_ =	shalt  }
0x87: {  	_ =	shalt  }
.Lfunc_end0:
.L_simem_size_0:
called_computation.1_lowered:
.L_overlay_start_0:
0x88: {  	s2 =	sld [smem:$0x3FD9]  }
0x89: {  	s3 =	sld [smem:$0x3FFE];
	_ =	sdelay $0x1  }
0x8a: {  	s1 =	srdreg.scid  }
0x8b: {  	s0 =	sand.u32 $0x1, s1  }
0x8c: {  	s16 =	sshll.u32 s0, $0xA;
	s2 =	sadd.s32 s3, s2  }
0x8d: {  	s2 =	sadd.s32 s2, s16  }
0x8e: {  	[smem:$0x3FBE] =	sst s2  }
0x8f: {  	_ = 	snop  }
0x90: {  	(tm) =	ssettm $0x1  }
0x91: {  	s17 =	sld [smem:$0x3FFB];
	_ =	sdelay $0x3  }
0x92: {  	_ =	strace s17  }
0x93: {  	s2 =	sld [smem:$0x3FFC];
	_ =	sdelay $0x3  }
0x94: {  	_ =	strace s2  }
0x95: {  	s2 =	sld [smem:$0x3FFD];
	_ =	sdelay $0x3  }
0x96: {  	_ =	strace s2  }
0x97: {  	_ =	strace $0x8FFFFFFF  }
0x98: {  	s18 =	sld [smem:$0x3FDB];
	_ =	sdelay $0x1  }
0x99: {  	s19 =	simm.s32 $_scs_section_size  }
0x9a: {  	s4 =	simm.s32 $_size__tile_overlayer_lowered;
	s5 =	simm.s32 $_tile_overlayer_lowered  }
0x9b: {  	s22 =	simm.s32 $0x1BFF;
	s21 =	sshll.u32 s5, $0x1;
	s2 =	sadd.s32 s19, s18  }
0x9c: {  	s6 =	simm.s32 $0x0;
	s20 =	sshll.u32 s4, $0x1;
	s4 =	sadd.s32 s21, s2  }
0x9d: {  	[timem:s6], [sflag:s22] =	dma.local [hbm:s4], s20  }
0x9e: {  	_ =	swait.ge [sflag:s22], s20  }
0x9f: {  	s3 =	ssub.s32 $0x0, s20;
	[sflag:s22] =	ssyncset.done $0x0  }
0xa0: {  	[sflag:s22] =	ssyncadd.s32 s3;
	_ =	sdelay $0x1  }
0xa1: {  	s23 =	simm.s32 $0x1B8B  }
0xa2: {  	_ =	swait.ge [sflag:s23], $0x1  }
0xa3: {  	[sflag:s23] =	ssyncset.done $0x0  }
0xa4: {  	s25 =	simm.s32 $0x1B8E;
	s24 =	sld [smem:$0x3FFE];
	[sflag:s23] =	ssyncadd.s32 $0xFFFFFFFF  }
0xa5: {  	s26 =	simm.s32 $execute0_lowered;
	[smem:$0x3FD2] =	sst s25  }
0xa6: {  	s4 =	sshll.u32 s26, $0x1;
	_ =	strace $0x80000046;
	[dreg:$0x1] =	wrdreg $0xFFFFFFFF  }
0xa7: {  	s28 =	simm.s32 $_size_execute0_lowered;
	s2 =	sadd.s32 s2, s4;
	[dreg:$0x0] =	wrdreg $0x0  }
0xa8: {  	s4 =	sshll.u32 s28, $0x1;
	[dreg:$0x2] =	wrdreg s2  }
0xa9: {  	[dreg:$0x3] =	wrdreg s4  }
0xaa: {  	[dreg:$0x4] =	wrdreg $0xC0  }
0xab: {  	_ =	task [dreg:s6], $0x5FFFF  }
0xac: {  	[dreg:$0x1] =	wrdreg $0xFFFFFFFF  }
0xad: {  	[dreg:$0x0] =	wrdreg $0x60  }
0xae: {  	[dreg:$0x2] =	wrdreg s24  }
0xaf: {  	[dreg:$0x3] =	wrdreg $0xA  }
0xb0: {  	_ =	task.clear_ibuf [dreg:s6], $0x4FFFF;
	_ =	strace $0x90000046  }
0xb1: {  	s29 =	simm.s32 $0xA;
	_ =	strace $0x80000048  }
0xb2: {  	_ =	swait.ge [sflag:s29], $0x1  }
0xb3: {  	[sflag:s29] =	ssyncadd.s32 $0xFFFFFFFF  }
0xb4: {  	_ =	strace $0x90000048  }
0xb5: {  	_ =	sfence  }
0xb6: {  	s30 =	sld [smem:$0x0];
	_ =	sdelay $0x2  }
0xb7: {  	s31 =	sshll.u32 s1, $0xD;
	s1 =	sshrl.u32 s1, $0x2  }
0xb8: {  	s3 =	sand.u32 $0x4000, s31;
	s1 =	sadd.s32 s1, s30  }
0xb9: {  	s0 =	sor.u32 s3, s0;
	s1 =	sshll.u32 s1, $0x11  }
0xba: {  	s0 =	sor.u32 s1, s0  }
0xbb: {  	s0 =	sadd.s32 $0x8F2B, s0  }
0xbc: {  	[sflag:s0] =	ssyncadd.remote.s32 $0x1  }
0xbd: {  	_ =	sfence.sel $0xFFFF  }
0xbe: {  	[dreg:$0x0] =	wrdreg $0xFFFFFFFF;
	(pc) =	sbr.abs _section_cstart, $3  }
0xbf: {  	[dreg:$0x1] =	wrdreg $0xFFFFFFFF  }
0xc0: {  	_ =	task.clear_ibuf [dreg:s6], $0x2FFFF;
	_ =	strace $0x9FFFFFFF  }
0xc1: {  	(tm) =	ssettm $0x7FFFFFFF  }
tec
execute0_lowered:
.L_overlay_start_1:
0x0: {  	(tag) =	ssettag $0x1  }
0x1: {  	s0 =	rddreg [dreg:$0x0];
	s13 =	stileid.u32;
	s2 =	simm.s32 $0x0  }
0x2: {  	s1 =	srdreg.scid;
	s14 =	simm.s32 $0x2710;
	s15 =	simm.s32 $0x3C0  }
0x3: {  	s16 =	simm.s32 $0x9F10;
	s17 =	simm.s32 $0xA910;
	s18 =	simm.s32 $0x460  }
0x4: {  	s19 =	simm.s32 $0xB310;
	s20 =	simm.s32 $0x1;
	s21 =	simm.s32 $0x4B0  }
0x5: {  	s22 =	simm.s32 $0xBD10;
	s23 =	simm.s32 $0x2;
	s24 =	simm.s32 $0x0  }
0x6: {  	s3 =	sshll.u32 s13, $0x1;
	[smem:$0x7FF] =	sst s2;
	s1 =	sand.u32 $0x1, s1  }
0x7: {  	s4 =	sadd.s32 $0x3E600, s0;
	s7 =	sadd.s32 $0x3800, s0;
	s11 =	sand.u32 $0x7, s13  }
0x8: {  	p0 =	sgt.u32 s13, $0x7;
	s13 =	simm.s32 $0x50;
	s12 =	smul.u32 $0x4E20, s11  }
0x9: {  	s3 =	sand.u32 $0xE, s3;
	_ =	strace $0x80000047;
	s28 =	smul.u32 $0x2710, s1  }
0xa: {  	s8 =	ssub.s32 $0x2, s1;
	s29 =	smul.u32 $0x13880, s11;
	s5 =	sor.u32 s1, s3  }
0xb: {  	s3 =	sadd.s32 $0x34800, s0;
	s9 =	sshrl.u32 s8, $0x1;
	s6 =	smul.u32 $0x2710, s5  }
0xc: {  	s0 =	sadd.s32 $0x48400, s0;
	s1 =	smul.u32 $0x9C40, s1;
	s8 =	ssub.s32 s8, s9  }
0xd: {  	s5 =	smul.u32 $0x9C40, s5;
	s10 =	sadd.s32 $0x27100, s6;
	s6 =	sshrl.u32 s6, $0x3  }
0xe: {  	s26 =	sshrl.u32 s10, $0x3;
	s6 =	sadd.s32 s7, s6;
	s30 =	sshll.u32 s10, $0x2  }
0xf: {  	s9 =	sadd.s32 s7, s26;
	[dreg:$0x3] =	wrdreg s6;
	s7 =	smax.u32 s8, $0x1  }
0x10: {  	s6 =	sadd.s32 s29, s0;
	s8 =	sadd.s32 s0, s30;
	[dreg:$0x2] =	wrdreg s9  }
.Ltmp0:
0x11: {  	s9 =	sadd.s32 s28, s12;
	[dreg:$0x4] =	wrdreg s8;
	(pc) =	sbr.rel .LBB2_1-.Ltmp0, $4  }
0x12: {  	s1 =	sadd.s32 s1, s6;
	s12 =	simm.s32 $0x3;
	s6 =	simm.s32 $0x370  }
0x13: {  	s8 =	simm.s32 $0x9510;
	s9 =	sshll.u32 s9, $0x2;
	s11 =	sadd.s32 $0x140, s1  }
0x14: {  	s31 =	sadd.s32 s0, s9;
	s0 =	sadd.s32 s0, s5;
	s5 =	simm.s32 $0x8B10  }
0x15: {  	s9 =	simm.s32 $0x410;
	[dreg:$0x5] =	wrdreg s0;
	s10 =	sadd.s32 $0x9C540, s31  }
.LBB2_7:
0x16: {  	[sflag:s30] =	ssyncadd.s32 @!p1 $0xFFFFF600;
	s0 =	sadd.s32 @!p1 $0x2710, s0  }
0x17: {  	[tilespmem:s0], [sflag:$0x1] =	stream.indirect.gather @!p1 [hbm4b:s4+s31], $0x20, s26, s31, $0xb8;
	[tilespmem:$0xC710] =	vst v63  }
.LBB2_8:
0x18: {  	_ =	swait.ge [sflag:s23], $0xA00  }
0x19: {  	[sflag:s23] =	ssyncset.done $0x0  }
0x1a: {  	[sflag:s23] =	ssyncadd.s32 $0xFFFFF600  }
0x1b: {  	_ =	swait.ge [sflag:s23], $0xA00  }
0x1c: {  	[sflag:s23] =	ssyncset.done $0x0  }
0x1d: {  	[sflag:s23] =	ssyncadd.s32 $0xFFFFF600  }
0x1e: {  	_ =	swait.ge [sflag:s23], $0xA00  }
0x1f: {  	[sflag:s23] =	ssyncset.done $0x0  }
0x20: {  	[sflag:s23] =	ssyncadd.s32 $0xFFFFF600  }
0x21: {  	_ =	swait.ge [sflag:s23], $0xA00  }
0x22: {  	[sflag:s23] =	ssyncset.done $0x0  }
0x23: {  	[sflag:s23] =	ssyncadd.s32 $0xFFFFF600  }
0x24: {  	_ =	swait.ge [sflag:s23], $0xA00  }
0x25: {  	[sflag:s23] =	ssyncset.done $0x0  }
0x26: {  	[sflag:s23] =	ssyncadd.s32 $0xFFFFF600  }
0x27: {  	_ =	swait.ge [sflag:s23], $0xA00  }
0x28: {  	[sflag:s23] =	ssyncset.done $0x0  }
0x29: {  	[sflag:s23] =	ssyncadd.s32 $0xFFFFF600  }
0x2a: {  	_ =	swait.ge [sflag:s23], $0xA00  }
0x2b: {  	[sflag:s23] =	ssyncset.done $0x0  }
0x2c: {  	[sflag:s23] =	ssyncadd.s32 $0xFFFFF600  }
0x2d: {  	_ =	swait.ge [sflag:s23], $0xA00  }
0x2e: {  	[sflag:s23] =	ssyncset.done $0x0  }
0x2f: {  	[sflag:s23] =	ssyncadd.s32 $0xFFFFF600  }
0x30: {  	_ =	swait.ge [sflag:s23], $0xA00  }
0x31: {  	[sflag:s23] =	ssyncset.done $0x0  }
0x32: {  	[sflag:s23] =	ssyncadd.s32 $0xFFFFF600  }
0x33: {  	_ =	swait.ge [sflag:s23], $0xA00  }
0x34: {  	[sflag:s23] =	ssyncset.done $0x0  }
0x35: {  	[sflag:s23] =	ssyncadd.s32 $0xFFFFF600  }
0x36: {  	_ =	swait.ge [sflag:s23], $0xA00  }
0x37: {  	[sflag:s23] =	ssyncset.done $0x0  }
0x38: {  	[sflag:s23] =	ssyncadd.s32 $0xFFFFF600  }
0x39: {  	_ =	swait.ge [sflag:s23], $0xA00  }
0x3a: {  	[sflag:s23] =	ssyncset.done $0x0  }
0x3b: {  	[sflag:s23] =	ssyncadd.s32 $0xFFFFF600  }
0x3c: {  	_ =	swait.ge [sflag:s23], $0xA00  }
0x3d: {  	[sflag:s23] =	ssyncset.done $0x0  }
0x3e: {  	[sflag:s23] =	ssyncadd.s32 $0xFFFFF600  }
0x3f: {  	_ =	swait.ge [sflag:s23], $0xA00  }
0x40: {  	[sflag:s23] =	ssyncset.done $0x0  }
0x41: {  	s24 =	sadd.s32 $0x1, s24;
	[sflag:s23] =	ssyncadd.s32 $0xFFFFF600  }
0x42: {  	p1 =	sne.s32 s24, s7;
	_ =	swait.ge [sflag:s23], $0xA00  }
.Ltmp1:
0x43: {  	[sflag:s23] =	ssyncset.done $0x0;
	(pc) =	sbr.rel @!p1 .LBB2_9-.Ltmp1, $4  }
0x44: {  	[sflag:s23] =	ssyncadd.s32 $0xFFFFF600  }
0x45: {  	_ =	swait.ge [sflag:s23], $0xA00  }
0x46: {  	[sflag:s23] =	ssyncset.done $0x0  }
0x47: {  	[sflag:s23] =	ssyncadd.s32 $0xFFFFF600  }
.LBB2_1:
.Ltmp2:
0x48: {  	(pc) =	sbr.rel @p0 .LBB2_5-.Ltmp2, $1  }
0x49: {  	_ =	sdelay $0x3  }
0x4a: {  	s0 =	rddreg [dreg:$0x3]  }
0x4b: {  	[tilespmem:s2], [sflag:$0x3] =	stream.linear.gather [hbm4b:s0+s2], $0x2710, $0x38;
	[tilespmem:$0xC710] =	vst v63  }
0x4c: {  	_ =	swait.ge [sflag:s12], $0x2710  }
0x4d: {  	[sflag:s12] =	ssyncset.done $0x0  }
0x4e: {  	[sflag:s12] =	ssyncadd.s32 $0xFFFFD8F0  }
0x4f: {  	[tilespmem:s14], [sflag:$0x1] =	stream.indirect.gather [hbm4b:s3+s13], $0x20, s2, s13, $0xb8;
	[tilespmem:$0xC710] =	vst v63  }
0x50: {  	s25 =	simm.s32 $0x3110  }
0x51: {  	[tilespmem:s25], [sflag:$0x1] =	stream.indirect.gather [hbm4b:s3+s13], $0x20, s13, s13, $0xb8;
	[tilespmem:$0xC710] =	vst v63  }
0x52: {  	s26 =	simm.s32 $0xA0;
	s1 =	simm.s32 $0x3B10  }
0x53: {  	[tilespmem:s1], [sflag:$0x1] =	stream.indirect.gather [hbm4b:s3+s13], $0x20, s26, s13, $0xb8;
	[tilespmem:$0xC710] =	vst v63  }
0x54: {  	s25 =	simm.s32 $0xF0;
	s26 =	simm.s32 $0x4510  }
0x55: {  	[tilespmem:s26], [sflag:$0x1] =	stream.indirect.gather [hbm4b:s3+s13], $0x20, s25, s13, $0xb8;
	[tilespmem:$0xC710] =	vst v63  }
0x56: {  	s25 =	simm.s32 $0x140;
	s26 =	simm.s32 $0x4F10  }
0x57: {  	[tilespmem:s26], [sflag:$0x1] =	stream.indirect.gather [hbm4b:s3+s13], $0x20, s25, s13, $0xb8;
	[tilespmem:$0xC710] =	vst v63  }
0x58: {  	s25 =	simm.s32 $0x190;
	s26 =	simm.s32 $0x5910  }
0x59: {  	[tilespmem:s26], [sflag:$0x1] =	stream.indirect.gather [hbm4b:s3+s13], $0x20, s25, s13, $0xb8;
	[tilespmem:$0xC710] =	vst v63  }
0x5a: {  	s25 =	simm.s32 $0x1E0;
	s26 =	simm.s32 $0x6310  }
0x5b: {  	[tilespmem:s26], [sflag:$0x1] =	stream.indirect.gather [hbm4b:s3+s13], $0x20, s25, s13, $0xb8;
	[tilespmem:$0xC710] =	vst v63  }
0x5c: {  	s25 =	simm.s32 $0x230;
	s26 =	simm.s32 $0x6D10  }
0x5d: {  	[tilespmem:s26], [sflag:$0x1] =	stream.indirect.gather [hbm4b:s3+s13], $0x20, s25, s13, $0xb8;
	[tilespmem:$0xC710] =	vst v63  }
0x5e: {  	s25 =	simm.s32 $0x280;
	s26 =	simm.s32 $0x7710  }
0x5f: {  	[tilespmem:s26], [sflag:$0x1] =	stream.indirect.gather [hbm4b:s3+s13], $0x20, s25, s13, $0xb8;
	[tilespmem:$0xC710] =	vst v63  }
0x60: {  	s25 =	simm.s32 $0x2D0;
	s26 =	simm.s32 $0x8110  }
0x61: {  	[tilespmem:s26], [sflag:$0x1] =	stream.indirect.gather [hbm4b:s3+s13], $0x20, s25, s13, $0xb8;
	[tilespmem:$0xC710] =	vst v63  }
0x62: {  	s1 =	simm.s32 $0x320  }
0x63: {  	[tilespmem:s5], [sflag:$0x1] =	stream.indirect.gather [hbm4b:s3+s13], $0x20, s1, s13, $0xb8;
	[tilespmem:$0xC710] =	vst v63  }
0x64: {  	_ = 	snop  }
0x65: {  	[tilespmem:s8], [sflag:$0x1] =	stream.indirect.gather [hbm4b:s3+s13], $0x20, s6, s13, $0xb8;
	[tilespmem:$0xC710] =	vst v63  }
0x66: {  	_ = 	snop  }
0x67: {  	[tilespmem:s16], [sflag:$0x1] =	stream.indirect.gather [hbm4b:s3+s13], $0x20, s15, s13, $0xb8;
	[tilespmem:$0xC710] =	vst v63  }
0x68: {  	_ = 	snop  }
0x69: {  	[tilespmem:s17], [sflag:$0x1] =	stream.indirect.gather [hbm4b:s3+s13], $0x20, s9, s13, $0xb8;
	[tilespmem:$0xC710] =	vst v63  }
0x6a: {  	_ = 	snop  }
0x6b: {  	[tilespmem:s19], [sflag:$0x1] =	stream.indirect.gather [hbm4b:s3+s13], $0x20, s18, s13, $0xb8;
	[tilespmem:$0xC710] =	vst v63  }
0x6c: {  	s28 =	simm.s32 $0x10;
	_ =	swait.ge [sflag:s20], $0xA00  }
0x6d: {  	p1 =	por $0x0, $0x0;
	s26 =	simm.s32 $0x1;
	[sflag:s20] =	ssyncset.done $0x0  }
0x6e: {  	s0 =	sand.u32 $0xF, s26;
	s25 =	rddreg [dreg:$0x5];
	[sflag:s20] =	ssyncadd.s32 $0xFFFFF600  }
0x6f: {  	[hbm4b:s25+s2] =	stream.linear.scatter [tilespmem:s14], [sflag:$0x2], $0xA00, $0x38;
	[tilespmem:$0xC710] =	vst v63  }
0x70: {  	s28 =	sand.u32 @!p1 $0xF, s28;
	s0 =	smul.u32 $0x2800, s0  }
0x71: {  	[tilespmem:s22], [sflag:$0x1] =	stream.indirect.gather [hbm4b:s3+s13], $0x20, s21, s13, $0xb8;
	[tilespmem:$0xC710] =	vst v63  }
0x72: {  	s30 =	simm.s32 @!p1 $0x2;
	s31 =	simm.s32 @!p1 $0x50;
	_ =	swait.ge [sflag:s20], $0xA00  }
0x73: {  	s29 =	smul.u32 @!p1 $0x2800, s28;
	s0 =	sshrl.u32 s0, $0x2;
	[sflag:s20] =	ssyncset.done $0x0  }
0x74: {  	s28 =	sadd.s32 $0x140, s11;
	s0 =	sadd.s32 $0x2710, s0;
	[sflag:s20] =	ssyncadd.s32 $0xFFFFF600  }
0x75: {  	[hbm4b:s11+s2] =	stream.linear.scatter [tilespmem:s0], [sflag:$0x2], $0xA00, $0x38;
	[tilespmem:$0xC710] =	vst v63  }
0x76: {  	s26 =	simm.s32 $0x500;
	s25 =	simm.s32 $0x11;
	_ =	swait.ge @!p1 [sflag:s30], $0xA00  }
0x77: {  	s0 =	sshrl.u32 @!p1 s29, $0x2;
	s29 =	simm.s32 $0x550;
	[sflag:s30] =	ssyncset.done @!p1 $0x0  }
.LBB2_3:
0x78: {  	s1 =	sadd.s32 $0xFFFFFFF1, s25;
	[sflag:s30] =	ssyncadd.s32 @!p1 $0xFFFFF600;
	s0 =	sadd.s32 @!p1 $0x2710, s0  }
0x79: {  	[tilespmem:s0], [sflag:$0x1] =	stream.indirect.gather @!p1 [hbm4b:s3+s31], $0x20, s26, s31, $0xb8;
	[tilespmem:$0xC710] =	vst v63  }
0x7a: {  	s0 =	sand.u32 $0xF, s1;
	s31 =	smov.u32 s25;
	s25 =	sadd.s32 $0x1, s25  }
0x7b: {  	s26 =	smov.u32 s29;
	s0 =	smul.u32 $0x2800, s0;
	p2 =	seq.s32 s25, $0x8C  }
0x7c: {  	p1 =	sgt.u32 s1, $0x6D;
	_ =	swait.ge [sflag:s20], $0xA00  }
0x7d: {  	s30 =	simm.s32 @!p1 $0x2;
	s0 =	sshrl.u32 s0, $0x2;
	[sflag:s20] =	ssyncset.done $0x0  }
.Ltmp3:
0x7e: {  	s1 =	sand.u32 @!p1 $0xF, s31;
	s0 =	sadd.s32 $0x2710, s0;
	(pc) =	sbr.rel @!p2 .LBB2_3-.Ltmp3, $4  }
0x7f: {  	s31 =	simm.s32 @!p1 $0x50;
	s1 =	smul.u32 @!p1 $0x2800, s1;
	[sflag:s20] =	ssyncadd.s32 $0xFFFFF600  }
0x80: {  	[hbm4b:s28+s2] =	stream.linear.scatter [tilespmem:s0], [sflag:$0x2], $0xA00, $0x38;
	[tilespmem:$0xC710] =	vst v63  }
0x81: {  	s28 =	sadd.s32 $0x140, s28;
	_ =	swait.ge @!p1 [sflag:s30], $0xA00  }
0x82: {  	s29 =	sadd.s32 $0x50, s29;
	s0 =	sshrl.u32 @!p1 s1, $0x2;
	[sflag:s30] =	ssyncset.done @!p1 $0x0  }
.Ltmp4:
0x83: {  	(pc) =	sbr.rel .LBB2_8-.Ltmp4, $3  }
0x84: {  	_ =	sdelay $0x1  }
0x85: {  	[sflag:s30] =	ssyncadd.s32 @!p1 $0xFFFFF600;
	s0 =	sadd.s32 @!p1 $0x2710, s0  }
0x86: {  	[tilespmem:s0], [sflag:$0x1] =	stream.indirect.gather @!p1 [hbm4b:s3+s31], $0x20, s26, s31, $0xb8;
	[tilespmem:$0xC710] =	vst v63  }
.LBB2_5:
0x87: {  	s0 =	rddreg [dreg:$0x2]  }
0x88: {  	[tilespmem:s2], [sflag:$0x3] =	stream.linear.gather [hbm4b:s0+s2], $0x2710, $0x38;
	[tilespmem:$0xC710] =	vst v63  }
0x89: {  	_ =	swait.ge [sflag:s12], $0x2710  }
0x8a: {  	[sflag:s12] =	ssyncset.done $0x0  }
0x8b: {  	[sflag:s12] =	ssyncadd.s32 $0xFFFFD8F0  }
0x8c: {  	[tilespmem:s14], [sflag:$0x1] =	stream.indirect.gather [hbm4b:s4+s13], $0x20, s2, s13, $0xb8;
	[tilespmem:$0xC710] =	vst v63  }
0x8d: {  	s25 =	simm.s32 $0x3110  }
0x8e: {  	[tilespmem:s25], [sflag:$0x1] =	stream.indirect.gather [hbm4b:s4+s13], $0x20, s13, s13, $0xb8;
	[tilespmem:$0xC710] =	vst v63  }
0x8f: {  	s26 =	simm.s32 $0xA0;
	s1 =	simm.s32 $0x3B10  }
0x90: {  	[tilespmem:s1], [sflag:$0x1] =	stream.indirect.gather [hbm4b:s4+s13], $0x20, s26, s13, $0xb8;
	[tilespmem:$0xC710] =	vst v63  }
0x91: {  	s25 =	simm.s32 $0xF0;
	s26 =	simm.s32 $0x4510  }
0x92: {  	[tilespmem:s26], [sflag:$0x1] =	stream.indirect.gather [hbm4b:s4+s13], $0x20, s25, s13, $0xb8;
	[tilespmem:$0xC710] =	vst v63  }
0x93: {  	s25 =	simm.s32 $0x140;
	s26 =	simm.s32 $0x4F10  }
0x94: {  	[tilespmem:s26], [sflag:$0x1] =	stream.indirect.gather [hbm4b:s4+s13], $0x20, s25, s13, $0xb8;
	[tilespmem:$0xC710] =	vst v63  }
0x95: {  	s25 =	simm.s32 $0x190;
	s26 =	simm.s32 $0x5910  }
0x96: {  	[tilespmem:s26], [sflag:$0x1] =	stream.indirect.gather [hbm4b:s4+s13], $0x20, s25, s13, $0xb8;
	[tilespmem:$0xC710] =	vst v63  }
0x97: {  	s25 =	simm.s32 $0x1E0;
	s26 =	simm.s32 $0x6310  }
0x98: {  	[tilespmem:s26], [sflag:$0x1] =	stream.indirect.gather [hbm4b:s4+s13], $0x20, s25, s13, $0xb8;
	[tilespmem:$0xC710] =	vst v63  }
0x99: {  	s25 =	simm.s32 $0x230;
	s26 =	simm.s32 $0x6D10  }
0x9a: {  	[tilespmem:s26], [sflag:$0x1] =	stream.indirect.gather [hbm4b:s4+s13], $0x20, s25, s13, $0xb8;
	[tilespmem:$0xC710] =	vst v63  }
0x9b: {  	s25 =	simm.s32 $0x280;
	s26 =	simm.s32 $0x7710  }
0x9c: {  	[tilespmem:s26], [sflag:$0x1] =	stream.indirect.gather [hbm4b:s4+s13], $0x20, s25, s13, $0xb8;
	[tilespmem:$0xC710] =	vst v63  }
0x9d: {  	s25 =	simm.s32 $0x2D0;
	s26 =	simm.s32 $0x8110  }
0x9e: {  	[tilespmem:s26], [sflag:$0x1] =	stream.indirect.gather [hbm4b:s4+s13], $0x20, s25, s13, $0xb8;
	[tilespmem:$0xC710] =	vst v63  }
0x9f: {  	s1 =	simm.s32 $0x320  }
0xa0: {  	[tilespmem:s5], [sflag:$0x1] =	stream.indirect.gather [hbm4b:s4+s13], $0x20, s1, s13, $0xb8;
	[tilespmem:$0xC710] =	vst v63  }
0xa1: {  	_ = 	snop  }
0xa2: {  	[tilespmem:s8], [sflag:$0x1] =	stream.indirect.gather [hbm4b:s4+s13], $0x20, s6, s13, $0xb8;
	[tilespmem:$0xC710] =	vst v63  }
0xa3: {  	_ = 	snop  }
0xa4: {  	[tilespmem:s16], [sflag:$0x1] =	stream.indirect.gather [hbm4b:s4+s13], $0x20, s15, s13, $0xb8;
	[tilespmem:$0xC710] =	vst v63  }
0xa5: {  	_ = 	snop  }
0xa6: {  	[tilespmem:s17], [sflag:$0x1] =	stream.indirect.gather [hbm4b:s4+s13], $0x20, s9, s13, $0xb8;
	[tilespmem:$0xC710] =	vst v63  }
0xa7: {  	_ = 	snop  }
0xa8: {  	[tilespmem:s19], [sflag:$0x1] =	stream.indirect.gather [hbm4b:s4+s13], $0x20, s18, s13, $0xb8;
	[tilespmem:$0xC710] =	vst v63  }
0xa9: {  	_ =	swait.ge [sflag:s20], $0xA00  }
0xaa: {  	p1 =	por $0x0, $0x0;
	s26 =	simm.s32 $0x1;
	[sflag:s20] =	ssyncset.done $0x0  }
0xab: {  	s0 =	sand.u32 $0xF, s26;
	s25 =	rddreg [dreg:$0x4];
	[sflag:s20] =	ssyncadd.s32 $0xFFFFF600  }
0xac: {  	[hbm4b:s25+s2] =	stream.linear.scatter [tilespmem:s14], [sflag:$0x2], $0xA00, $0x38;
	[tilespmem:$0xC710] =	vst v63  }
0xad: {  	s28 =	sadd.s32 $0x140, s10;
	s29 =	simm.s32 $0x550;
	s0 =	smul.u32 $0x2800, s0  }
0xae: {  	[tilespmem:s22], [sflag:$0x1] =	stream.indirect.gather [hbm4b:s4+s13], $0x20, s21, s13, $0xb8;
	[tilespmem:$0xC710] =	vst v63  }
0xaf: {  	s30 =	simm.s32 @!p1 $0x2;
	s1 =	simm.s32 $0x10;
	_ =	swait.ge [sflag:s20], $0xA00  }
0xb0: {  	s1 =	sand.u32 @!p1 $0xF, s1;
	s0 =	sshrl.u32 s0, $0x2;
	[sflag:s20] =	ssyncset.done $0x0  }
0xb1: {  	s1 =	smul.u32 @!p1 $0x2800, s1;
	s0 =	sadd.s32 $0x2710, s0;
	[sflag:s20] =	ssyncadd.s32 $0xFFFFF600  }
0xb2: {  	[hbm4b:s10+s2] =	stream.linear.scatter [tilespmem:s0], [sflag:$0x2], $0xA00, $0x38;
	[tilespmem:$0xC710] =	vst v63  }
0xb3: {  	s31 =	simm.s32 @!p1 $0x50;
	s26 =	simm.s32 $0x500;
	_ =	swait.ge @!p1 [sflag:s30], $0xA00  }
0xb4: {  	s25 =	simm.s32 $0x11;
	s0 =	sshrl.u32 @!p1 s1, $0x2;
	[sflag:s30] =	ssyncset.done @!p1 $0x0  }
.LBB2_6:
0xb5: {  	s1 =	sadd.s32 $0xFFFFFFF1, s25;
	[sflag:s30] =	ssyncadd.s32 @!p1 $0xFFFFF600;
	s0 =	sadd.s32 @!p1 $0x2710, s0  }
0xb6: {  	[tilespmem:s0], [sflag:$0x1] =	stream.indirect.gather @!p1 [hbm4b:s4+s31], $0x20, s26, s31, $0xb8;
	[tilespmem:$0xC710] =	vst v63  }
0xb7: {  	s0 =	sand.u32 $0xF, s1;
	s31 =	smov.u32 s25;
	s25 =	sadd.s32 $0x1, s25  }
0xb8: {  	s26 =	smov.u32 s29;
	s0 =	smul.u32 $0x2800, s0;
	p2 =	sne.s32 s25, $0x8C  }
0xb9: {  	p1 =	sgt.u32 s1, $0x6D;
	_ =	swait.ge [sflag:s20], $0xA00  }
0xba: {  	s30 =	simm.s32 @!p1 $0x2;
	s0 =	sshrl.u32 s0, $0x2;
	[sflag:s20] =	ssyncset.done $0x0  }
.Ltmp5:
0xbb: {  	s1 =	sand.u32 @!p1 $0xF, s31;
	s0 =	sadd.s32 $0x2710, s0;
	(pc) =	sbr.rel @p2 .LBB2_6-.Ltmp5, $4  }
0xbc: {  	s31 =	simm.s32 @!p1 $0x50;
	s1 =	smul.u32 @!p1 $0x2800, s1;
	[sflag:s20] =	ssyncadd.s32 $0xFFFFF600  }
0xbd: {  	[hbm4b:s28+s2] =	stream.linear.scatter [tilespmem:s0], [sflag:$0x2], $0xA00, $0x38;
	[tilespmem:$0xC710] =	vst v63  }
0xbe: {  	s28 =	sadd.s32 $0x140, s28;
	_ =	swait.ge @!p1 [sflag:s30], $0xA00  }
0xbf: {  	s29 =	sadd.s32 $0x50, s29;
	s0 =	sshrl.u32 @!p1 s1, $0x2;
	[sflag:s30] =	ssyncset.done @!p1 $0x0  }
.Ltmp6:
0xc0: {  	_ = 	snop;
	(pc) =	sbr.rel .LBB2_7-.Ltmp6, $1  }
0xc1: {  	_ =	sdelay $0x3  }
.LBB2_9:
0xc2: {  	_ =	sfence.sel $0x180000  }
0xc3: {  	[bflag:$0x0] =	sbarrier.arrive $0xFFFF  }
0xc4: {  	_ =	strace $0x90000047  }
0xc5: {  	s0 =	stileid.u32;
	[bflag:$0x2] =	sbarrier.arrive $0xFFFF  }
0xc6: {  	p0 =	sne.s32 s0, $0x0;
	s0 =	rddreg [dreg:$0x1]  }
0xc7: {  	s0 =	sadd.s32 @!p0 $0x100000, s0  }
0xc8: {  	[sflag:s0] =	ssyncadd.tile.s32 @!p0 $0x1;
	_ =	shalt  }
.Lfunc_end2:
_tile_overlayer_lowered:
.L_overlay_start_2:
0xc9: {  	(tag) =	ssettag $0x2  }
0xca: {  	s0 =	rddreg [dreg:$0x0];
	s2 =	stileid.u32  }
0xcb: {  	s1 =	rddreg [dreg:$0x1];
	p0 =	sne.s32 s2, $0x0  }
0xcc: {  	s3 =	rddreg [dreg:$0x2];
	[bflag:$0x3] =	sbarrier.arrive $0xFFFF;
	s2 =	simm.s32 @!p0 $0x1C03  }
0xcd: {  	[timem:s3], [sflag:s2] =	dma.local @!p0 [hbm:s0], s1  }
0xce: {  	s0 =	simm.s32 @!p0 $0x3  }
0xcf: {  	_ =	swait.ge @!p0 [sflag:s0], s1  }
0xd0: {  	s1 =	ssub.s32 @!p0 $0x0, s1;
	[sflag:s0] =	ssyncset.done @!p0 $0x0  }
0xd1: {  	[sflag:s0] =	ssyncadd.s32 @!p0 s1  }
0xd2: {  	[bflag:$0x3] =	sbarrier.arrive $0xFFFF  }
0xd3: {  	_ =	shalt  }

// kernel: kernel.15.cloned.1.call-start
scs
__scs_entry_jumppad:
0x0: {  	(pc) =	sbr.rel $0x88, $3  }
0x1: {  	(tag) =	ssettag $0x0;
	lr =	simm.s32 $0x1  }
0x2: {  	[smem:$0x3F97] =	sst lr;
	_ =	strace $0xD0000000  }
0x3: {  	_ = 	snop  }
0x4: {  	_ = 	snop  }
0x5: {  	_ = 	snop  }
0x6: {  	_ = 	snop  }
0x7: {  	_ = 	snop  }
__scs_overlays_trampoline_lowered:
0x8: {  	[smem:$0x3FA6] =	sst s0  }
0x9: {  	[smem:$0x3FA7] =	sst s1  }
0xa: {  	[smem:$0x3FA8] =	sst s2  }
0xb: {  	[smem:$0x3FA9] =	sst s3  }
0xc: {  	[smem:$0x3FAA] =	sst s4  }
0xd: {  	[smem:$0x3FAB] =	sst s5  }
0xe: {  	[smem:$0x3FAC] =	sst s6  }
0xf: {  	[smem:$0x3FAD] =	sst s7  }
0x10: {  	[smem:$0x3FAE] =	sst s8  }
0x11: {  	[smem:$0x3FAF] =	sst s9;
	s0 =	simm.s32 @!p0 $0x0  }
0x12: {  	s1 =	sld [smem:$0x3F95];
	s0 =	simm.s32 @p0 $0x1  }
0x13: {  	[smem:$0x3FB0] =	sst s0;
	s0 =	simm.s32 @!p1 $0x0  }
0x14: {  	s2 =	sld [smem:$0x3F94];
	s0 =	simm.s32 @p1 $0x1  }
0x15: {  	[smem:$0x3FB1] =	sst s0;
	s0 =	simm.s32 @!p2 $0x0  }
0x16: {  	s3 =	sld [smem:$0x3FDB];
	s0 =	simm.s32 @p2 $0x1  }
0x17: {  	s4 =	simm.s32 $0x1BF5;
	[smem:$0x3FB3] =	sst s0  }
0x18: {  	s0 =	sld [smem:$0x3F96];
	_ =	swait.ge [sflag:s4], $0x0  }
0x19: {  	s7 =	sld [smem:$0x3F97]  }
0x1a: {  	s8 =	sadd.s32 $0xFFFFE003, lr  }
0x1b: {  	s9 =	sadd.s32 $0xFFFFFEF7, lr;
	s5 =	simm.s32 $0xFFFFFFFF;
	p2 =	slt.u32 s8, $0xFFFFF086  }
0x1c: {  	p1 =	slt.u32 s9, $0xF7A;
	s5 =	simm.s32 @!p2 $0x0  }
0x1d: {  	s5 =	simm.s32 @p1 $0x1;
	p0 =	seq.s32 s7, s2  }
0x1e: {  	s7 =	smul.u32 @!p0 $0xF7A, s2;
	p2 =	seq.s32 @!p0 s5, $0x0  }
0x1f: {  	s9 =	smul.u32 $0xF7A, s1;
	s8 =	simm.s32 @!p0 $0x1BF5;
	p2 =	por !p2, p0  }
0x20: {  	[sflag:s8] =	ssyncset.s32 @!p0 $0xFFFFF086;
	s6 =	sadd.s32 @!p0 s3, s7;
	s7 =	simm.s32 @!p0 $0x108  }
0x21: {  	s3 =	sadd.s32 s3, s9;
	s6 =	sadd.s32 @!p0 $0x88, s6;
	s7 =	simm.s32 @p2 $0x1082  }
0x22: {  	[simem:s7], [sflag:s8] =	dma.local @!p0 [hbm:s6], $0xF7A  }
0x23: {  	s9 =	sor.u32 $0xD0000000, s2;
	s6 =	simm.s32 $0x108;
	_ =	swait.ge @!p0 [sflag:s8], $0x0  }
0x24: {  	s3 =	sadd.s32 $0x88, s3;
	s6 =	simm.s32 @!p1 $0x1082;
	[sflag:s4] =	ssyncset.s32 $0xFFFFF086  }
0x25: {  	[simem:s6], [sflag:s4] =	dma.local [hbm:s3], $0xF7A  }
0x26: {  	[smem:$0x3F97] =	sst s1;
	(tag) =	ssettag s2;
	_ =	strace s9  }
0x27: {  	s1 =	sld [smem:$0x3FA7]  }
0x28: {  	s2 =	sld [smem:$0x3FA8]  }
0x29: {  	s4 =	sld [smem:$0x3FAA]  }
0x2a: {  	p0 =	seq.s32 s5, $0x0;
	s5 =	sld [smem:$0x3FAB]  }
0x2b: {  	s6 =	sld [smem:$0x3FAC]  }
0x2c: {  	s7 =	sld [smem:$0x3FAD]  }
0x2d: {  	s3 =	simm.s32 $0x108;
	s8 =	sld [smem:$0x3FAE]  }
0x2e: {  	s3 =	simm.s32 @!p0 $0x1082;
	s9 =	sld [smem:$0x3FAF]  }
0x2f: {  	lr =	sadd.s32 s0, s3;
	s0 =	sld [smem:$0x3FA6]  }
0x30: {  	s3 =	sld [smem:$0x3FA9]  }
0x31: {  	[smem:$0x3FB2] =	sst s10  }
0x32: {  	s10 =	sld [smem:$0x3FB0];
	_ =	sdelay $0x3  }
0x33: {  	p0 =	seq.s32 s10, $0x1;
	s10 =	sld [smem:$0x3FB2];
	_ =	sdelay $0x3  }
0x34: {  	[smem:$0x3FB2] =	sst s10  }
0x35: {  	s10 =	sld [smem:$0x3FB1];
	_ =	sdelay $0x3  }
0x36: {  	p1 =	seq.s32 s10, $0x1;
	s10 =	sld [smem:$0x3FB2];
	_ =	sdelay $0x3  }
0x37: {  	[smem:$0x3FB2] =	sst s10  }
0x38: {  	s10 =	sld [smem:$0x3FB3]  }
0x39: {  	_ = 	snop;
	(pc) =	sbr.ind lr, $3  }
0x3a: {  	_ = 	snop  }
0x3b: {  	_ = 	snop  }
0x3c: {  	p2 =	seq.s32 s10, $0x1;
	s10 =	sld [smem:$0x3FB2]  }
0x3d: {  	_ =	shalt  }
0x3e: {  	_ =	shalt  }
0x3f: {  	_ =	shalt  }
0x40: {  	_ =	shalt  }
0x41: {  	_ =	shalt  }
0x42: {  	_ =	shalt  }
0x43: {  	_ =	shalt  }
0x44: {  	_ =	shalt  }
0x45: {  	_ =	shalt  }
0x46: {  	_ =	shalt  }
0x47: {  	_ =	shalt  }
0x48: {  	_ =	shalt  }
0x49: {  	_ =	shalt  }
0x4a: {  	_ =	shalt  }
0x4b: {  	_ =	shalt  }
0x4c: {  	_ =	shalt  }
0x4d: {  	_ =	shalt  }
0x4e: {  	_ =	shalt  }
0x4f: {  	_ =	shalt  }
0x50: {  	_ =	shalt  }
0x51: {  	_ =	shalt  }
0x52: {  	_ =	shalt  }
0x53: {  	_ =	shalt  }
0x54: {  	_ =	shalt  }
0x55: {  	_ =	shalt  }
0x56: {  	_ =	shalt  }
0x57: {  	_ =	shalt  }
0x58: {  	_ =	shalt  }
0x59: {  	_ =	shalt  }
0x5a: {  	_ =	shalt  }
0x5b: {  	_ =	shalt  }
0x5c: {  	_ =	shalt  }
0x5d: {  	_ =	shalt  }
0x5e: {  	_ =	shalt  }
0x5f: {  	_ =	shalt  }
0x60: {  	_ =	shalt  }
0x61: {  	_ =	shalt  }
0x62: {  	_ =	shalt  }
0x63: {  	_ =	shalt  }
0x64: {  	_ =	shalt  }
0x65: {  	_ =	shalt  }
0x66: {  	_ =	shalt  }
0x67: {  	_ =	shalt  }
0x68: {  	_ =	shalt  }
0x69: {  	_ =	shalt  }
0x6a: {  	_ =	shalt  }
0x6b: {  	_ =	shalt  }
0x6c: {  	_ =	shalt  }
0x6d: {  	_ =	shalt  }
0x6e: {  	_ =	shalt  }
0x6f: {  	_ =	shalt  }
0x70: {  	_ =	shalt  }
0x71: {  	_ =	shalt  }
0x72: {  	_ =	shalt  }
0x73: {  	_ =	shalt  }
0x74: {  	_ =	shalt  }
0x75: {  	_ =	shalt  }
0x76: {  	_ =	shalt  }
0x77: {  	_ =	shalt  }
0x78: {  	_ =	shalt  }
0x79: {  	_ =	shalt  }
0x7a: {  	_ =	shalt  }
0x7b: {  	_ =	shalt  }
0x7c: {  	_ =	shalt  }
0x7d: {  	_ =	shalt  }
0x7e: {  	_ =	shalt  }
0x7f: {  	_ =	shalt  }
0x80: {  	_ =	shalt  }
0x81: {  	_ =	shalt  }
0x82: {  	_ =	shalt  }
0x83: {  	_ =	shalt  }
0x84: {  	_ =	shalt  }
0x85: {  	_ =	shalt  }
0x86: {  	_ =	shalt  }
0x87: {  	_ =	shalt  }
.Lfunc_end0:
.L_simem_size_0:
called_computation.2_lowered:
.L_overlay_start_0:
0x88: {  	s2 =	sld [smem:$0x3FD9]  }
0x89: {  	s3 =	sld [smem:$0x3FFE];
	_ =	sdelay $0x1  }
0x8a: {  	s1 =	srdreg.scid  }
0x8b: {  	s0 =	sand.u32 $0x1, s1  }
0x8c: {  	s16 =	sshll.u32 s0, $0xA;
	s2 =	sadd.s32 s3, s2  }
0x8d: {  	s2 =	sadd.s32 s2, s16  }
0x8e: {  	[smem:$0x3FBE] =	sst s2  }
0x8f: {  	_ = 	snop  }
0x90: {  	(tm) =	ssettm $0x1  }
0x91: {  	s17 =	sld [smem:$0x3FFB];
	_ =	sdelay $0x3  }
0x92: {  	_ =	strace s17  }
0x93: {  	s2 =	sld [smem:$0x3FFC];
	_ =	sdelay $0x3  }
0x94: {  	_ =	strace s2  }
0x95: {  	s2 =	sld [smem:$0x3FFD];
	_ =	sdelay $0x3  }
0x96: {  	_ =	strace s2  }
0x97: {  	_ =	strace $0x8FFFFFFF  }
0x98: {  	s18 =	sld [smem:$0x3FDB];
	_ =	sdelay $0x1  }
0x99: {  	s19 =	simm.s32 $_scs_section_size  }
0x9a: {  	s4 =	simm.s32 $_size__tile_overlayer_lowered;
	s5 =	simm.s32 $_tile_overlayer_lowered  }
0x9b: {  	s22 =	simm.s32 $0x1BFF;
	s21 =	sshll.u32 s5, $0x1;
	s2 =	sadd.s32 s19, s18  }
0x9c: {  	s6 =	simm.s32 $0x0;
	s20 =	sshll.u32 s4, $0x1;
	s4 =	sadd.s32 s21, s2  }
0x9d: {  	[timem:s6], [sflag:s22] =	dma.local [hbm:s4], s20  }
0x9e: {  	_ =	swait.ge [sflag:s22], s20  }
0x9f: {  	s3 =	ssub.s32 $0x0, s20;
	[sflag:s22] =	ssyncset.done $0x0  }
0xa0: {  	[sflag:s22] =	ssyncadd.s32 s3;
	_ =	sdelay $0x1  }
0xa1: {  	s23 =	simm.s32 $0x1B8B  }
0xa2: {  	_ =	swait.ge [sflag:s23], $0x1  }
0xa3: {  	[sflag:s23] =	ssyncset.done $0x0  }
0xa4: {  	s25 =	simm.s32 $0x1B8E;
	s24 =	sld [smem:$0x3FFE];
	[sflag:s23] =	ssyncadd.s32 $0xFFFFFFFF  }
0xa5: {  	s26 =	simm.s32 $execute0_lowered;
	[smem:$0x3FD2] =	sst s25  }
0xa6: {  	s4 =	sshll.u32 s26, $0x1;
	_ =	strace $0x8000004C;
	[dreg:$0x1] =	wrdreg $0xFFFFFFFF  }
0xa7: {  	s28 =	simm.s32 $_size_execute0_lowered;
	s2 =	sadd.s32 s2, s4;
	[dreg:$0x0] =	wrdreg $0x0  }
0xa8: {  	s4 =	sshll.u32 s28, $0x1;
	[dreg:$0x2] =	wrdreg s2  }
0xa9: {  	[dreg:$0x3] =	wrdreg s4  }
0xaa: {  	[dreg:$0x4] =	wrdreg $0xC0  }
0xab: {  	_ =	task [dreg:s6], $0x5FFFF  }
0xac: {  	[dreg:$0x1] =	wrdreg $0xFFFFFFFF  }
0xad: {  	[dreg:$0x0] =	wrdreg $0x60  }
0xae: {  	[dreg:$0x2] =	wrdreg s24  }
0xaf: {  	[dreg:$0x3] =	wrdreg $0x9  }
0xb0: {  	_ =	task.clear_ibuf [dreg:s6], $0x4FFFF;
	_ =	strace $0x9000004C  }
0xb1: {  	s29 =	simm.s32 $0x9;
	_ =	strace $0x8000004E  }
0xb2: {  	_ =	swait.ge [sflag:s29], $0x1  }
0xb3: {  	[sflag:s29] =	ssyncadd.s32 $0xFFFFFFFF  }
0xb4: {  	_ =	strace $0x9000004E  }
0xb5: {  	_ =	sfence  }
0xb6: {  	s30 =	sld [smem:$0x0];
	_ =	sdelay $0x2  }
0xb7: {  	s31 =	sshll.u32 s1, $0xD;
	s1 =	sshrl.u32 s1, $0x2  }
0xb8: {  	s3 =	sand.u32 $0x4000, s31;
	s1 =	sadd.s32 s1, s30  }
0xb9: {  	s0 =	sor.u32 s3, s0;
	s1 =	sshll.u32 s1, $0x11  }
0xba: {  	s0 =	sor.u32 s1, s0  }
0xbb: {  	s0 =	sadd.s32 $0x8F2B, s0  }
0xbc: {  	[sflag:s0] =	ssyncadd.remote.s32 $0x1  }
0xbd: {  	_ =	sfence.sel $0xFFFF  }
0xbe: {  	[dreg:$0x0] =	wrdreg $0xFFFFFFFF;
	(pc) =	sbr.abs _section_cstart, $3  }
0xbf: {  	[dreg:$0x1] =	wrdreg $0xFFFFFFFF  }
0xc0: {  	_ =	task.clear_ibuf [dreg:s6], $0x2FFFF;
	_ =	strace $0x9FFFFFFF  }
0xc1: {  	(tm) =	ssettm $0x7FFFFFFF  }
tec
execute0_lowered:
.L_overlay_start_1:
0x0: {  	(tag) =	ssettag $0x1  }
0x1: {  	s1 =	srdreg.scid  }
0x2: {  	s0 =	stileid.u32;
	s5 =	rddreg [dreg:$0x0]  }
0x3: {  	s7 =	simm.s32 $0x0;
	s2 =	simm.s32 $0x0;
	s13 =	simm.s32 $0x2710  }
0x4: {  	s14 =	simm.s32 $0x1;
	s15 =	simm.s32 $0x15F90;
	s16 =	simm.s32 $0xC350  }
0x5: {  	s17 =	simm.s32 $0xEA60;
	s18 =	simm.s32 $0x11170;
	s19 =	simm.s32 $0x13880  }
0x6: {  	s20 =	simm.s32 $0x0;
	s3 =	sand.u32 $0x1, s1;
	s28 =	sshll.u32 s0, $0x1  }
0x7: {  	p0 =	slt.u32 s0, $0x8;
	s1 =	rddreg [dreg:$0x1];
	s4 =	sor.u32 s3, s28  }
0x8: {  	[smem:$0x7FF] =	sst s2;
	s9 =	sadd.s32 $0xE4800, s5;
	s6 =	sand.u32 $0xF, s4  }
0x9: {  	s10 =	sadd.s32 $0x48400, s5;
	s7 =	simm.s32 @!p0 $0x27100;
	s8 =	smul.u32 $0x2710, s6  }
0xa: {  	_ =	strace $0x8000004D;
	s30 =	ssub.s32 $0x2, s3;
	s10 =	smov.u32 @p0 s9  }
0xb: {  	s4 =	smul.u32 $0x4E2, s4;
	s31 =	sshrl.u32 s30, $0x1;
	s7 =	sadd.s32 s7, s8  }
0xc: {  	v0 =	vlaneseq.u32;
	s11 =	smul.u32 $0x9C40, s6;
	s12 =	ssub.s32 s30, s31;
	s7 =	sshrl.u32 s7, $0x3  }
0xd: {  	v1 =	vand.u32 $0x3, v0;
	s29 =	sadd.s32 s4, s5;
	s9 =	smax.u32 s12, $0x1;
	s7 =	sadd.s32 s7, s5  }
0xe: {  	v2 =	vshrl.u32 v0, $0x2;
	v0 =	vmul.u32 $0x4, v1;
	s12 =	simm.s32 $0x80;
	s8 =	sadd.s32 $0x3800, s29;
	s3 =	sadd.s32 $0x2C3200, s7  }
0xf: {  	v1 =	vimm.f32 $0.0e+00;
	v2 =	vmul.u32 $0x10, v2;
	s10 =	sadd.s32 s10, s11;
	s4 =	sadd.s32 $0x180C00, s7;
	s5 =	sadd.s32 $0x18A840, s7  }
0x10: {  	v3 =	vor.u32 $0x1, v0;
	v4 =	vor.u32 $0x2, v0;
	v5 =	vor.u32 $0x3, v0;
	s11 =	simm.s32 $0x10;
	s6 =	sadd.s32 $0x194480, s7;
	s7 =	sadd.s32 $0x19E0C0, s7  }
.LBB2_1:
0x11: {  	[tilespmem:s13], [sflag:$0x1] =	stream.strided.gather [hbm4b:s10+s11], $0x9C40, s12, s11, $0x38;
	[tilespmem:$0x186A0] =	vst v63  }
0x12: {  	_ =	swait.ge [sflag:s14], $0x9C40  }
0x13: {  	[sflag:s14] =	ssyncset.done $0x0  }
0x14: {  	[sflag:s14] =	ssyncadd.s32 $0xFFFF63C0  }
0x15: {  	[tilespmem:s2], [sflag:$0x1] =	stream.linear.gather [hbm4b:s3+s2], $0x2710, $0x38;
	[tilespmem:$0x186A0] =	vst v63  }
0x16: {  	_ =	swait.ge [sflag:s14], $0x2710  }
0x17: {  	[sflag:s14] =	ssyncset.done $0x0  }
0x18: {  	s21 =	simm.s32 $0x0;
	[sflag:s14] =	ssyncadd.s32 $0xFFFFD8F0  }
.LBB2_2:
0x19: {  	p0 =	sne.s32 s21, $0x9C00  }
.Ltmp0:
0x1a: {  	_ = 	snop;
	(pc) =	sbr.rel @p0 .LBB2_2-.Ltmp0, $3  }
0x1b: {  	_ =	sdelay $0x1  }
0x1c: {  	s22 =	sshra.s32 s21, $0x2  }
0x1d: {  	s21 =	sadd.s32 $0x40, s21;
	[tilespmem:s22+$0x15F90] =	vst v1  }
0x1e: {  	s21 =	simm.s32 $0x0  }
0x1f: {  	v6 =	vmov s21  }
0x20: {  	v6 =	vshll.u32 v6, $0x4  }
0x21: {  	v6 =	vor.u32 v2, v6  }
0x22: {  	v7 =	vor.u32 v0, v6;
	_ =	sdelay $0x4  }
0x23: {  	v7 =	vld.idx.msk [tilespmem:v7+s13+$0x0], $0xffff  }
0x24: {  	v8 =	vor.u32 v3, v6;
	_ =	sdelay $0x2  }
0x25: {  	s22 =	simm.s32 $0x11170  }
0x26: {  	[tilespmem:s22+$0xFFFFB1E0] =	vst v7  }
0x27: {  	v8 =	vld.idx.msk [tilespmem:v8+s13+$0x0], $0xffff  }
0x28: {  	v9 =	vor.u32 v4, v6;
	_ =	sdelay $0x3  }
0x29: {  	[tilespmem:s22+$0xFFFFD8F0] =	vst v8  }
0x2a: {  	v9 =	vld.idx.msk [tilespmem:v9+s13+$0x0], $0xffff  }
0x2b: {  	v6 =	vor.u32 v5, v6;
	_ =	sdelay $0x3  }
0x2c: {  	[tilespmem:s22+$0x0] =	vst v9  }
0x2d: {  	v6 =	vld.idx.msk [tilespmem:v6+s13+$0x0], $0xffff;
	_ =	sdelay $0x1  }
0x2e: {  	v7 =	vadd.f32 $0.0e+00, v7;
	v8 =	vadd.f32 v8, v8;
	_ =	sdelay $0x1  }
0x2f: {  	v7 =	vadd.f32 v8, v7;
	v9 =	vmul.f32 $3.000000000e+00, v9  }
0x30: {  	[tilespmem:s22+$0x2710] =	vst v6  }
0x31: {  	s23 =	simm.s32 $0x4;
	v9 =	vadd.f32 v9, v7;
	v7 =	vld [tilespmem:s21+$0x0]  }
0x32: {  	v8 =	vmov s23  }
0x33: {  	v8 =	vshll.u32 v8, $0x4  }
0x34: {  	v10 =	vmul.f32 $1.500000000e+00, v6;
	v6 =	vor.u32 v2, v8  }
0x35: {  	v8 =	vor.u32 v0, v6;
	_ =	sdelay $0x1  }
0x36: {  	s23 =	simm.s32 $0x8;
	v9 =	vadd.f32 v10, v9  }
.LBB2_4:
0x37: {  	s22 =	sadd.s32 $0x10, s22  }
0x38: {  	s21 =	sadd.s32 $0x10, s21;
	s24 =	smov.u32 s23;
	s25 =	sadd.s32 $0x4, s23;
	[tilespmem:v7+s15+$0x0] =	vst.idx.add.f32.msk $0xffff, v9  }
0x39: {  	p0 =	sne.s32 s23, $0x9C0;
	v7 =	vld.idx.msk [tilespmem:v8+s13+$0x0], $0xffff;
	_ =	sdelay $0x1  }
0x3a: {  	v8 =	vor.u32 v3, v6;
	_ =	sdelay $0x3  }
0x3b: {  	[tilespmem:s22+$0xFFFFB1E0] =	vst v7  }
0x3c: {  	v8 =	vld.idx.msk [tilespmem:v8+s13+$0x0], $0xffff;
	_ =	sdelay $0x1  }
0x3d: {  	v9 =	vor.u32 v4, v6;
	_ =	sdelay $0x3  }
0x3e: {  	[tilespmem:s22+$0xFFFFD8F0] =	vst v8;
	v8 =	vadd.f32 v8, v8  }
0x3f: {  	v9 =	vld.idx.msk [tilespmem:v9+s13+$0x0], $0xffff;
	_ =	sdelay $0x1  }
0x40: {  	v6 =	vor.u32 v5, v6;
	_ =	sdelay $0x3  }
0x41: {  	[tilespmem:s22+$0x0] =	vst v9;
	v9 =	vmul.f32 $3.000000000e+00, v9  }
0x42: {  	v6 =	vld.idx.msk [tilespmem:v6+s13+$0x0], $0xffff;
	_ =	sdelay $0x5  }
0x43: {  	v10 =	vmul.f32 $1.500000000e+00, v6;
	[tilespmem:s22+$0x2710] =	vst v6  }
0x44: {  	v6 =	vadd.f32 $0.0e+00, v7;
	v7 =	vld [tilespmem:s21+$0x0]  }
0x45: {  	v11 =	vmov s24  }
.Ltmp1:
0x46: {  	v11 =	vshll.u32 v11, $0x4;
	v12 =	vadd.f32 v8, v6;
	(pc) =	sbr.rel @p0 .LBB2_4-.Ltmp1, $3  }
0x47: {  	v6 =	vor.u32 v2, v11  }
0x48: {  	v8 =	vor.u32 v0, v6;
	v9 =	vadd.f32 v9, v12;
	_ =	sdelay $0x1  }
0x49: {  	s23 =	smov.u32 s25;
	v9 =	vadd.f32 v10, v9  }
0x4a: {  	_ =	sdelay $0x3  }
0x4b: {  	[tilespmem:v7+s15+$0x0] =	vst.idx.add.f32.msk $0xffff, v9  }
0x4c: {  	v7 =	vld.idx.msk [tilespmem:v8+s13+$0x0], $0xffff  }
0x4d: {  	v62 =	vor.u32 v3, v6;
	_ =	sdelay $0x2  }
0x4e: {  	s22 =	sadd.s32 $0x10, s22  }
0x4f: {  	[tilespmem:s22+$0xFFFFB1E0] =	vst v7  }
0x50: {  	v8 =	vld.idx.msk [tilespmem:v62+s13+$0x0], $0xffff  }
0x51: {  	v63 =	vor.u32 v4, v6;
	_ =	sdelay $0x3  }
0x52: {  	[tilespmem:s22+$0xFFFFD8F0] =	vst v8  }
0x53: {  	v9 =	vld.idx.msk [tilespmem:v63+s13+$0x0], $0xffff  }
0x54: {  	v6 =	vor.u32 v5, v6;
	_ =	sdelay $0x3  }
0x55: {  	[tilespmem:s22+$0x0] =	vst v9  }
0x56: {  	v6 =	vld.idx.msk [tilespmem:v6+s13+$0x0], $0xffff;
	_ =	sdelay $0x4  }
0x57: {  	s21 =	sadd.s32 $0x10, s21;
	[tilespmem:s22+$0x2710] =	vst v6  }
0x58: {  	v7 =	vadd.f32 $0.0e+00, v7;
	v8 =	vadd.f32 v8, v8;
	v10 =	vld [tilespmem:s21+$0x0];
	_ =	sdelay $0x1  }
0x59: {  	v7 =	vadd.f32 v8, v7;
	v9 =	vmul.f32 $3.000000000e+00, v9;
	_ =	sdelay $0x1  }
0x5a: {  	v7 =	vadd.f32 v9, v7;
	v6 =	vmul.f32 $1.500000000e+00, v6;
	_ =	sdelay $0x1  }
0x5b: {  	v6 =	vadd.f32 v6, v7;
	_ =	sdelay $0x1  }
0x5c: {  	[tilespmem:v10+s15+$0x0] =	vst.idx.add.f32.msk $0xffff, v6  }
0x5d: {  	[hbm4b:s4+s2] =	stream.linear.scatter [tilespmem:s16], [sflag:$0x1], $0x2710, $0x38;
	[tilespmem:$0x186A0] =	vst v63  }
0x5e: {  	_ =	swait.ge [sflag:s14], $0x2710  }
0x5f: {  	[sflag:s14] =	ssyncset.done $0x0  }
0x60: {  	[sflag:s14] =	ssyncadd.s32 $0xFFFFD8F0  }
0x61: {  	[hbm4b:s5+s2] =	stream.linear.scatter [tilespmem:s17], [sflag:$0x1], $0x2710, $0x38;
	[tilespmem:$0x186A0] =	vst v63  }
0x62: {  	_ =	swait.ge [sflag:s14], $0x2710  }
0x63: {  	[sflag:s14] =	ssyncset.done $0x0  }
0x64: {  	[sflag:s14] =	ssyncadd.s32 $0xFFFFD8F0  }
0x65: {  	[hbm4b:s6+s2] =	stream.linear.scatter [tilespmem:s18], [sflag:$0x1], $0x2710, $0x38;
	[tilespmem:$0x186A0] =	vst v63  }
0x66: {  	_ =	swait.ge [sflag:s14], $0x2710  }
0x67: {  	[sflag:s14] =	ssyncset.done $0x0  }
0x68: {  	[sflag:s14] =	ssyncadd.s32 $0xFFFFD8F0  }
0x69: {  	[hbm4b:s7+s2] =	stream.linear.scatter [tilespmem:s19], [sflag:$0x1], $0x2710, $0x38;
	[tilespmem:$0x186A0] =	vst v63  }
0x6a: {  	s20 =	sadd.s32 $0x1, s20;
	_ =	swait.ge [sflag:s14], $0x2710  }
0x6b: {  	p0 =	sne.s32 s20, s9;
	[sflag:s14] =	ssyncset.done $0x0  }
.Ltmp2:
0x6c: {  	[sflag:s14] =	ssyncadd.s32 $0xFFFFD8F0;
	(pc) =	sbr.rel @p0 .LBB2_1-.Ltmp2, $4  }
0x6d: {  	[hbm4b:s8+s2] =	stream.linear.scatter [tilespmem:s15], [sflag:$0x1], $0x2710, $0x38;
	[tilespmem:$0x186A0] =	vst v63  }
0x6e: {  	_ =	swait.ge [sflag:s14], $0x2710  }
0x6f: {  	[sflag:s14] =	ssyncset.done $0x0  }
0x70: {  	[sflag:s14] =	ssyncadd.s32 $0xFFFFD8F0  }
0x71: {  	_ =	sfence.sel $0x180000  }
0x72: {  	[bflag:$0x0] =	sbarrier.arrive $0xFFFF  }
0x73: {  	p0 =	sne.s32 s0, $0x0;
	_ =	strace $0x9000004D  }
0x74: {  	s0 =	sadd.s32 @!p0 $0x100000, s1;
	[bflag:$0x2] =	sbarrier.arrive $0xFFFF  }
0x75: {  	[sflag:s0] =	ssyncadd.tile.s32 @!p0 $0x1;
	_ =	shalt  }
.Lfunc_end2:
_tile_overlayer_lowered:
.L_overlay_start_2:
0x76: {  	(tag) =	ssettag $0x2  }
0x77: {  	s0 =	rddreg [dreg:$0x0];
	s2 =	stileid.u32  }
0x78: {  	s1 =	rddreg [dreg:$0x1];
	p0 =	sne.s32 s2, $0x0  }
0x79: {  	s3 =	rddreg [dreg:$0x2];
	[bflag:$0x3] =	sbarrier.arrive $0xFFFF;
	s2 =	simm.s32 @!p0 $0x1C01  }
0x7a: {  	[timem:s3], [sflag:s2] =	dma.local @!p0 [hbm:s0], s1  }
0x7b: {  	s0 =	simm.s32 @!p0 $0x1  }
0x7c: {  	_ =	swait.ge @!p0 [sflag:s0], s1  }
0x7d: {  	s1 =	ssub.s32 @!p0 $0x0, s1;
	[sflag:s0] =	ssyncset.done @!p0 $0x0  }
0x7e: {  	[sflag:s0] =	ssyncadd.s32 @!p0 s1  }
0x7f: {  	[bflag:$0x3] =	sbarrier.arrive $0xFFFF  }
0x80: {  	_ =	shalt  }

// kernel: kernel.9.cloned.1.call-start
scs
__scs_entry_jumppad:
0x0: {  	(pc) =	sbr.rel $0x88, $3  }
0x1: {  	(tag) =	ssettag $0x0;
	lr =	simm.s32 $0x1  }
0x2: {  	[smem:$0x3F97] =	sst lr;
	_ =	strace $0xD0000000  }
0x3: {  	_ = 	snop  }
0x4: {  	_ = 	snop  }
0x5: {  	_ = 	snop  }
0x6: {  	_ = 	snop  }
0x7: {  	_ = 	snop  }
__scs_overlays_trampoline_lowered:
0x8: {  	[smem:$0x3FA6] =	sst s0  }
0x9: {  	[smem:$0x3FA7] =	sst s1  }
0xa: {  	[smem:$0x3FA8] =	sst s2  }
0xb: {  	[smem:$0x3FA9] =	sst s3  }
0xc: {  	[smem:$0x3FAA] =	sst s4  }
0xd: {  	[smem:$0x3FAB] =	sst s5  }
0xe: {  	[smem:$0x3FAC] =	sst s6  }
0xf: {  	[smem:$0x3FAD] =	sst s7  }
0x10: {  	[smem:$0x3FAE] =	sst s8  }
0x11: {  	[smem:$0x3FAF] =	sst s9;
	s0 =	simm.s32 @!p0 $0x0  }
0x12: {  	s1 =	sld [smem:$0x3F95];
	s0 =	simm.s32 @p0 $0x1  }
0x13: {  	[smem:$0x3FB0] =	sst s0;
	s0 =	simm.s32 @!p1 $0x0  }
0x14: {  	s2 =	sld [smem:$0x3F94];
	s0 =	simm.s32 @p1 $0x1  }
0x15: {  	[smem:$0x3FB1] =	sst s0;
	s0 =	simm.s32 @!p2 $0x0  }
0x16: {  	s3 =	sld [smem:$0x3FDB];
	s0 =	simm.s32 @p2 $0x1  }
0x17: {  	s4 =	simm.s32 $0x1BF5;
	[smem:$0x3FB3] =	sst s0  }
0x18: {  	s0 =	sld [smem:$0x3F96];
	_ =	swait.ge [sflag:s4], $0x0  }
0x19: {  	s7 =	sld [smem:$0x3F97]  }
0x1a: {  	s8 =	sadd.s32 $0xFFFFE003, lr  }
0x1b: {  	s9 =	sadd.s32 $0xFFFFFEF7, lr;
	s5 =	simm.s32 $0xFFFFFFFF;
	p2 =	slt.u32 s8, $0xFFFFF086  }
0x1c: {  	p1 =	slt.u32 s9, $0xF7A;
	s5 =	simm.s32 @!p2 $0x0  }
0x1d: {  	s5 =	simm.s32 @p1 $0x1;
	p0 =	seq.s32 s7, s2  }
0x1e: {  	s7 =	smul.u32 @!p0 $0xF7A, s2;
	p2 =	seq.s32 @!p0 s5, $0x0  }
0x1f: {  	s9 =	smul.u32 $0xF7A, s1;
	s8 =	simm.s32 @!p0 $0x1BF5;
	p2 =	por !p2, p0  }
0x20: {  	[sflag:s8] =	ssyncset.s32 @!p0 $0xFFFFF086;
	s6 =	sadd.s32 @!p0 s3, s7;
	s7 =	simm.s32 @!p0 $0x108  }
0x21: {  	s3 =	sadd.s32 s3, s9;
	s6 =	sadd.s32 @!p0 $0x88, s6;
	s7 =	simm.s32 @p2 $0x1082  }
0x22: {  	[simem:s7], [sflag:s8] =	dma.local @!p0 [hbm:s6], $0xF7A  }
0x23: {  	s9 =	sor.u32 $0xD0000000, s2;
	s6 =	simm.s32 $0x108;
	_ =	swait.ge @!p0 [sflag:s8], $0x0  }
0x24: {  	s3 =	sadd.s32 $0x88, s3;
	s6 =	simm.s32 @!p1 $0x1082;
	[sflag:s4] =	ssyncset.s32 $0xFFFFF086  }
0x25: {  	[simem:s6], [sflag:s4] =	dma.local [hbm:s3], $0xF7A  }
0x26: {  	[smem:$0x3F97] =	sst s1;
	(tag) =	ssettag s2;
	_ =	strace s9  }
0x27: {  	s1 =	sld [smem:$0x3FA7]  }
0x28: {  	s2 =	sld [smem:$0x3FA8]  }
0x29: {  	s4 =	sld [smem:$0x3FAA]  }
0x2a: {  	p0 =	seq.s32 s5, $0x0;
	s5 =	sld [smem:$0x3FAB]  }
0x2b: {  	s6 =	sld [smem:$0x3FAC]  }
0x2c: {  	s7 =	sld [smem:$0x3FAD]  }
0x2d: {  	s3 =	simm.s32 $0x108;
	s8 =	sld [smem:$0x3FAE]  }
0x2e: {  	s3 =	simm.s32 @!p0 $0x1082;
	s9 =	sld [smem:$0x3FAF]  }
0x2f: {  	lr =	sadd.s32 s0, s3;
	s0 =	sld [smem:$0x3FA6]  }
0x30: {  	s3 =	sld [smem:$0x3FA9]  }
0x31: {  	[smem:$0x3FB2] =	sst s10  }
0x32: {  	s10 =	sld [smem:$0x3FB0];
	_ =	sdelay $0x3  }
0x33: {  	p0 =	seq.s32 s10, $0x1;
	s10 =	sld [smem:$0x3FB2];
	_ =	sdelay $0x3  }
0x34: {  	[smem:$0x3FB2] =	sst s10  }
0x35: {  	s10 =	sld [smem:$0x3FB1];
	_ =	sdelay $0x3  }
0x36: {  	p1 =	seq.s32 s10, $0x1;
	s10 =	sld [smem:$0x3FB2];
	_ =	sdelay $0x3  }
0x37: {  	[smem:$0x3FB2] =	sst s10  }
0x38: {  	s10 =	sld [smem:$0x3FB3]  }
0x39: {  	_ = 	snop;
	(pc) =	sbr.ind lr, $3  }
0x3a: {  	_ = 	snop  }
0x3b: {  	_ = 	snop  }
0x3c: {  	p2 =	seq.s32 s10, $0x1;
	s10 =	sld [smem:$0x3FB2]  }
0x3d: {  	_ =	shalt  }
0x3e: {  	_ =	shalt  }
0x3f: {  	_ =	shalt  }
0x40: {  	_ =	shalt  }
0x41: {  	_ =	shalt  }
0x42: {  	_ =	shalt  }
0x43: {  	_ =	shalt  }
0x44: {  	_ =	shalt  }
0x45: {  	_ =	shalt  }
0x46: {  	_ =	shalt  }
0x47: {  	_ =	shalt  }
0x48: {  	_ =	shalt  }
0x49: {  	_ =	shalt  }
0x4a: {  	_ =	shalt  }
0x4b: {  	_ =	shalt  }
0x4c: {  	_ =	shalt  }
0x4d: {  	_ =	shalt  }
0x4e: {  	_ =	shalt  }
0x4f: {  	_ =	shalt  }
0x50: {  	_ =	shalt  }
0x51: {  	_ =	shalt  }
0x52: {  	_ =	shalt  }
0x53: {  	_ =	shalt  }
0x54: {  	_ =	shalt  }
0x55: {  	_ =	shalt  }
0x56: {  	_ =	shalt  }
0x57: {  	_ =	shalt  }
0x58: {  	_ =	shalt  }
0x59: {  	_ =	shalt  }
0x5a: {  	_ =	shalt  }
0x5b: {  	_ =	shalt  }
0x5c: {  	_ =	shalt  }
0x5d: {  	_ =	shalt  }
0x5e: {  	_ =	shalt  }
0x5f: {  	_ =	shalt  }
0x60: {  	_ =	shalt  }
0x61: {  	_ =	shalt  }
0x62: {  	_ =	shalt  }
0x63: {  	_ =	shalt  }
0x64: {  	_ =	shalt  }
0x65: {  	_ =	shalt  }
0x66: {  	_ =	shalt  }
0x67: {  	_ =	shalt  }
0x68: {  	_ =	shalt  }
0x69: {  	_ =	shalt  }
0x6a: {  	_ =	shalt  }
0x6b: {  	_ =	shalt  }
0x6c: {  	_ =	shalt  }
0x6d: {  	_ =	shalt  }
0x6e: {  	_ =	shalt  }
0x6f: {  	_ =	shalt  }
0x70: {  	_ =	shalt  }
0x71: {  	_ =	shalt  }
0x72: {  	_ =	shalt  }
0x73: {  	_ =	shalt  }
0x74: {  	_ =	shalt  }
0x75: {  	_ =	shalt  }
0x76: {  	_ =	shalt  }
0x77: {  	_ =	shalt  }
0x78: {  	_ =	shalt  }
0x79: {  	_ =	shalt  }
0x7a: {  	_ =	shalt  }
0x7b: {  	_ =	shalt  }
0x7c: {  	_ =	shalt  }
0x7d: {  	_ =	shalt  }
0x7e: {  	_ =	shalt  }
0x7f: {  	_ =	shalt  }
0x80: {  	_ =	shalt  }
0x81: {  	_ =	shalt  }
0x82: {  	_ =	shalt  }
0x83: {  	_ =	shalt  }
0x84: {  	_ =	shalt  }
0x85: {  	_ =	shalt  }
0x86: {  	_ =	shalt  }
0x87: {  	_ =	shalt  }
.Lfunc_end0:
.L_simem_size_0:
called_computation_lowered:
.L_overlay_start_0:
0x88: {  	s2 =	sld [smem:$0x3FD9]  }
0x89: {  	s3 =	sld [smem:$0x3FFE];
	_ =	sdelay $0x1  }
0x8a: {  	s1 =	srdreg.scid  }
0x8b: {  	s0 =	sand.u32 $0x1, s1  }
0x8c: {  	s17 =	sshll.u32 s0, $0xA;
	s2 =	sadd.s32 s3, s2  }
0x8d: {  	s2 =	sadd.s32 s2, s17  }
0x8e: {  	[smem:$0x3FBE] =	sst s2  }
0x8f: {  	_ = 	snop  }
0x90: {  	(tm) =	ssettm $0x1  }
0x91: {  	s18 =	sld [smem:$0x3FFB];
	_ =	sdelay $0x3  }
0x92: {  	_ =	strace s18  }
0x93: {  	s2 =	sld [smem:$0x3FFC];
	_ =	sdelay $0x3  }
0x94: {  	_ =	strace s2  }
0x95: {  	s2 =	sld [smem:$0x3FFD];
	_ =	sdelay $0x3  }
0x96: {  	_ =	strace s2  }
0x97: {  	_ =	strace $0x8FFFFFFF  }
0x98: {  	s19 =	sld [smem:$0x3FDB];
	_ =	sdelay $0x1  }
0x99: {  	s20 =	simm.s32 $_scs_section_size  }
0x9a: {  	s4 =	simm.s32 $_size__tile_overlayer_lowered;
	s5 =	simm.s32 $_tile_overlayer_lowered  }
0x9b: {  	s6 =	simm.s32 $0x1BFF;
	s21 =	sshll.u32 s5, $0x1;
	s3 =	sadd.s32 s20, s19  }
0x9c: {  	s22 =	simm.s32 $0x0;
	s4 =	sshll.u32 s4, $0x1;
	s5 =	sadd.s32 s21, s3  }
0x9d: {  	[timem:s22], [sflag:s6] =	dma.local [hbm:s5], s4  }
0x9e: {  	_ =	swait.ge [sflag:s6], s4  }
0x9f: {  	s4 =	ssub.s32 $0x0, s4;
	[sflag:s6] =	ssyncset.done $0x0  }
0xa0: {  	[sflag:s6] =	ssyncadd.s32 s4;
	_ =	sdelay $0x1  }
0xa1: {  	s23 =	simm.s32 $0x1B8B  }
0xa2: {  	_ =	swait.ge [sflag:s23], $0x1  }
0xa3: {  	[sflag:s23] =	ssyncset.done $0x0  }
0xa4: {  	[sflag:s23] =	ssyncadd.s32 $0xFFFFFFFF  }
0xa5: {  	s4 =	sld [smem:$0x0]  }
0xa6: {  	s5 =	sand.u32 $0xFFFFFFFE, s1  }
0xa7: {  	p0 =	sne.s32 s1, s5  }
0xa8: {  	s5 =	sshll.u32 @p0 s5, $0xE  }
0xa9: {  	s5 =	sadd.s32 @p0 $0x11B8D, s5;
	s6 =	sshll.u32 @p0 s4, $0x11  }
0xaa: {  	s5 =	sor.u32 @p0 s6, s5  }
0xab: {  	[sflag:s5] =	ssyncadd.remote.s32 @p0 $0x1;
	_ =	sdelay $0x1  }
0xac: {  	s5 =	simm.s32 @p0 $0x1B8D  }
0xad: {  	_ =	swait.eq @p0 [sflag:s5], $0x1  }
0xae: {  	[sflag:s5] =	ssyncadd.s32 @p0 $0xFFFFFFFF  }
0xaf: {  	s6 =	sshll.u32 @!p0 s1, $0xE  }
0xb0: {  	s6 =	sor.u32 @!p0 $0x4000, s6;
	s5 =	simm.s32 @!p0 $0x1B8D  }
0xb1: {  	s4 =	sshll.u32 @!p0 s4, $0x11;
	s6 =	sadd.s32 @!p0 $0x11B8D, s6;
	_ =	swait.eq @!p0 [sflag:s5], $0x1  }
0xb2: {  	s4 =	sor.u32 @!p0 s4, s6;
	[sflag:s5] =	ssyncadd.s32 @!p0 $0xFFFFFFFF  }
0xb3: {  	s25 =	simm.s32 $0x1B8E;
	s24 =	sld [smem:$0x3FFE];
	[sflag:s4] =	ssyncadd.remote.s32 @!p0 $0x1  }
0xb4: {  	s26 =	simm.s32 $execute0_lowered;
	[smem:$0x3FD2] =	sst s25  }
0xb5: {  	s5 =	sshll.u32 s26, $0x1;
	_ =	strace $0x80000049;
	[dreg:$0x1] =	wrdreg $0xFFFFFFFF  }
0xb6: {  	s28 =	simm.s32 $_size_execute0_lowered;
	s3 =	sadd.s32 s3, s5;
	[dreg:$0x0] =	wrdreg $0x0  }
0xb7: {  	s5 =	sshll.u32 s28, $0x1;
	[dreg:$0x2] =	wrdreg s3  }
0xb8: {  	[dreg:$0x3] =	wrdreg s5  }
0xb9: {  	[dreg:$0x4] =	wrdreg $0xC0  }
0xba: {  	_ =	task [dreg:s22], $0x5FFFF  }
0xbb: {  	[dreg:$0x1] =	wrdreg $0xFFFFFFFF  }
0xbc: {  	[dreg:$0x0] =	wrdreg $0x60  }
0xbd: {  	[dreg:$0x2] =	wrdreg s24  }
0xbe: {  	[dreg:$0x3] =	wrdreg $0x9  }
0xbf: {  	_ =	task.clear_ibuf [dreg:s22], $0x4FFFF;
	_ =	strace $0x90000049  }
0xc0: {  	s29 =	simm.s32 $0x9;
	_ =	strace $0x8000004B  }
0xc1: {  	_ =	swait.ge [sflag:s29], $0x1  }
0xc2: {  	[sflag:s29] =	ssyncadd.s32 $0xFFFFFFFF  }
0xc3: {  	_ =	strace $0x9000004B  }
0xc4: {  	_ =	sfence  }
0xc5: {  	s30 =	sld [smem:$0x0];
	_ =	sdelay $0x2  }
0xc6: {  	s31 =	sshll.u32 s1, $0xD;
	s1 =	sshrl.u32 s1, $0x2  }
0xc7: {  	s4 =	sand.u32 $0x4000, s31;
	s1 =	sadd.s32 s1, s30  }
0xc8: {  	s0 =	sor.u32 s4, s0;
	s1 =	sshll.u32 s1, $0x11  }
0xc9: {  	s0 =	sor.u32 s1, s0  }
0xca: {  	s0 =	sadd.s32 $0x8F2B, s0  }
0xcb: {  	[sflag:s0] =	ssyncadd.remote.s32 $0x1  }
0xcc: {  	_ =	sfence.sel $0xFFFF  }
0xcd: {  	[dreg:$0x0] =	wrdreg $0xFFFFFFFF;
	(pc) =	sbr.abs _section_cstart, $3  }
0xce: {  	[dreg:$0x1] =	wrdreg $0xFFFFFFFF  }
0xcf: {  	_ =	task.clear_ibuf [dreg:s22], $0x2FFFF;
	_ =	strace $0x9FFFFFFF  }
0xd0: {  	(tm) =	ssettm $0x7FFFFFFF  }
0xd1: {  	_ =	shalt  }
tec
execute0_lowered:
.L_overlay_start_1:
0x0: {  	(tag) =	ssettag $0x1  }
0x1: {  	s0 =	rddreg [dreg:$0x0];
	s13 =	stileid.u32;
	s2 =	simm.s32 $0x0  }
0x2: {  	s1 =	srdreg.scid;
	s14 =	simm.s32 $0x2710;
	s15 =	simm.s32 $0x3C0  }
0x3: {  	s16 =	simm.s32 $0x9F10;
	s17 =	simm.s32 $0xA910;
	s18 =	simm.s32 $0x460  }
0x4: {  	s19 =	simm.s32 $0xB310;
	s20 =	simm.s32 $0x1;
	s21 =	simm.s32 $0x4B0  }
0x5: {  	s22 =	simm.s32 $0xBD10;
	s23 =	simm.s32 $0x2;
	s24 =	simm.s32 $0x0  }
0x6: {  	s3 =	sshll.u32 s13, $0x1;
	[smem:$0x7FF] =	sst s2;
	s1 =	sand.u32 $0x1, s1  }
0x7: {  	s4 =	sadd.s32 $0x3E600, s0;
	s7 =	sadd.s32 $0x180C00, s0;
	s11 =	sand.u32 $0x7, s13  }
0x8: {  	p0 =	sgt.u32 s13, $0x7;
	s13 =	simm.s32 $0x50;
	s12 =	smul.u32 $0x4E20, s11  }
0x9: {  	s3 =	sand.u32 $0xE, s3;
	_ =	strace $0x8000004A;
	s28 =	smul.u32 $0x2710, s1  }
0xa: {  	s8 =	ssub.s32 $0x2, s1;
	s29 =	smul.u32 $0x13880, s11;
	s5 =	sor.u32 s1, s3  }
0xb: {  	s3 =	sadd.s32 $0x34800, s0;
	s9 =	sshrl.u32 s8, $0x1;
	s6 =	smul.u32 $0x2710, s5  }
0xc: {  	s0 =	sadd.s32 $0x18AA00, s0;
	s1 =	smul.u32 $0x9C40, s1;
	s8 =	ssub.s32 s8, s9  }
0xd: {  	s5 =	smul.u32 $0x9C40, s5;
	s10 =	sadd.s32 $0x27100, s6;
	s6 =	sshrl.u32 s6, $0x3  }
0xe: {  	s26 =	sshrl.u32 s10, $0x3;
	s6 =	sadd.s32 s7, s6;
	s30 =	sshll.u32 s10, $0x2  }
0xf: {  	s9 =	sadd.s32 s7, s26;
	[dreg:$0x3] =	wrdreg s6;
	s7 =	smax.u32 s8, $0x1  }
0x10: {  	s6 =	sadd.s32 s29, s0;
	s8 =	sadd.s32 s0, s30;
	[dreg:$0x2] =	wrdreg s9  }
.Ltmp0:
0x11: {  	s9 =	sadd.s32 s28, s12;
	[dreg:$0x4] =	wrdreg s8;
	(pc) =	sbr.rel .LBB2_1-.Ltmp0, $4  }
0x12: {  	s1 =	sadd.s32 s1, s6;
	s12 =	simm.s32 $0x3;
	s6 =	simm.s32 $0x370  }
0x13: {  	s8 =	simm.s32 $0x9510;
	s9 =	sshll.u32 s9, $0x2;
	s11 =	sadd.s32 $0x140, s1  }
0x14: {  	s31 =	sadd.s32 s0, s9;
	s0 =	sadd.s32 s0, s5;
	s5 =	simm.s32 $0x8B10  }
0x15: {  	s9 =	simm.s32 $0x410;
	[dreg:$0x5] =	wrdreg s0;
	s10 =	sadd.s32 $0x9C540, s31  }
.LBB2_7:
0x16: {  	[sflag:s30] =	ssyncadd.s32 @!p1 $0xFFFFF600;
	s0 =	sadd.s32 @!p1 $0x2710, s0  }
0x17: {  	[tilespmem:s0], [sflag:$0x1] =	stream.indirect.gather @!p1 [hbm4b:s4+s31], $0x20, s26, s31, $0xb8;
	[tilespmem:$0xC710] =	vst v63  }
.LBB2_8:
0x18: {  	_ =	swait.ge [sflag:s23], $0xA00  }
0x19: {  	[sflag:s23] =	ssyncset.done $0x0  }
0x1a: {  	[sflag:s23] =	ssyncadd.s32 $0xFFFFF600  }
0x1b: {  	_ =	swait.ge [sflag:s23], $0xA00  }
0x1c: {  	[sflag:s23] =	ssyncset.done $0x0  }
0x1d: {  	[sflag:s23] =	ssyncadd.s32 $0xFFFFF600  }
0x1e: {  	_ =	swait.ge [sflag:s23], $0xA00  }
0x1f: {  	[sflag:s23] =	ssyncset.done $0x0  }
0x20: {  	[sflag:s23] =	ssyncadd.s32 $0xFFFFF600  }
0x21: {  	_ =	swait.ge [sflag:s23], $0xA00  }
0x22: {  	[sflag:s23] =	ssyncset.done $0x0  }
0x23: {  	[sflag:s23] =	ssyncadd.s32 $0xFFFFF600  }
0x24: {  	_ =	swait.ge [sflag:s23], $0xA00  }
0x25: {  	[sflag:s23] =	ssyncset.done $0x0  }
0x26: {  	[sflag:s23] =	ssyncadd.s32 $0xFFFFF600  }
0x27: {  	_ =	swait.ge [sflag:s23], $0xA00  }
0x28: {  	[sflag:s23] =	ssyncset.done $0x0  }
0x29: {  	[sflag:s23] =	ssyncadd.s32 $0xFFFFF600  }
0x2a: {  	_ =	swait.ge [sflag:s23], $0xA00  }
0x2b: {  	[sflag:s23] =	ssyncset.done $0x0  }
0x2c: {  	[sflag:s23] =	ssyncadd.s32 $0xFFFFF600  }
0x2d: {  	_ =	swait.ge [sflag:s23], $0xA00  }
0x2e: {  	[sflag:s23] =	ssyncset.done $0x0  }
0x2f: {  	[sflag:s23] =	ssyncadd.s32 $0xFFFFF600  }
0x30: {  	_ =	swait.ge [sflag:s23], $0xA00  }
0x31: {  	[sflag:s23] =	ssyncset.done $0x0  }
0x32: {  	[sflag:s23] =	ssyncadd.s32 $0xFFFFF600  }
0x33: {  	_ =	swait.ge [sflag:s23], $0xA00  }
0x34: {  	[sflag:s23] =	ssyncset.done $0x0  }
0x35: {  	[sflag:s23] =	ssyncadd.s32 $0xFFFFF600  }
0x36: {  	_ =	swait.ge [sflag:s23], $0xA00  }
0x37: {  	[sflag:s23] =	ssyncset.done $0x0  }
0x38: {  	[sflag:s23] =	ssyncadd.s32 $0xFFFFF600  }
0x39: {  	_ =	swait.ge [sflag:s23], $0xA00  }
0x3a: {  	[sflag:s23] =	ssyncset.done $0x0  }
0x3b: {  	[sflag:s23] =	ssyncadd.s32 $0xFFFFF600  }
0x3c: {  	_ =	swait.ge [sflag:s23], $0xA00  }
0x3d: {  	[sflag:s23] =	ssyncset.done $0x0  }
0x3e: {  	[sflag:s23] =	ssyncadd.s32 $0xFFFFF600  }
0x3f: {  	_ =	swait.ge [sflag:s23], $0xA00  }
0x40: {  	[sflag:s23] =	ssyncset.done $0x0  }
0x41: {  	s24 =	sadd.s32 $0x1, s24;
	[sflag:s23] =	ssyncadd.s32 $0xFFFFF600  }
0x42: {  	p1 =	sne.s32 s24, s7;
	_ =	swait.ge [sflag:s23], $0xA00  }
.Ltmp1:
0x43: {  	[sflag:s23] =	ssyncset.done $0x0;
	(pc) =	sbr.rel @!p1 .LBB2_9-.Ltmp1, $4  }
0x44: {  	[sflag:s23] =	ssyncadd.s32 $0xFFFFF600  }
0x45: {  	_ =	swait.ge [sflag:s23], $0xA00  }
0x46: {  	[sflag:s23] =	ssyncset.done $0x0  }
0x47: {  	[sflag:s23] =	ssyncadd.s32 $0xFFFFF600  }
.LBB2_1:
.Ltmp2:
0x48: {  	(pc) =	sbr.rel @p0 .LBB2_5-.Ltmp2, $1  }
0x49: {  	_ =	sdelay $0x3  }
0x4a: {  	s0 =	rddreg [dreg:$0x3]  }
0x4b: {  	[tilespmem:s2], [sflag:$0x3] =	stream.linear.gather [hbm4b:s0+s2], $0x2710, $0x38;
	[tilespmem:$0xC710] =	vst v63  }
0x4c: {  	_ =	swait.ge [sflag:s12], $0x2710  }
0x4d: {  	[sflag:s12] =	ssyncset.done $0x0  }
0x4e: {  	[sflag:s12] =	ssyncadd.s32 $0xFFFFD8F0  }
0x4f: {  	[tilespmem:s14], [sflag:$0x1] =	stream.indirect.gather [hbm4b:s3+s13], $0x20, s2, s13, $0xb8;
	[tilespmem:$0xC710] =	vst v63  }
0x50: {  	s25 =	simm.s32 $0x3110  }
0x51: {  	[tilespmem:s25], [sflag:$0x1] =	stream.indirect.gather [hbm4b:s3+s13], $0x20, s13, s13, $0xb8;
	[tilespmem:$0xC710] =	vst v63  }
0x52: {  	s26 =	simm.s32 $0xA0;
	s1 =	simm.s32 $0x3B10  }
0x53: {  	[tilespmem:s1], [sflag:$0x1] =	stream.indirect.gather [hbm4b:s3+s13], $0x20, s26, s13, $0xb8;
	[tilespmem:$0xC710] =	vst v63  }
0x54: {  	s25 =	simm.s32 $0xF0;
	s26 =	simm.s32 $0x4510  }
0x55: {  	[tilespmem:s26], [sflag:$0x1] =	stream.indirect.gather [hbm4b:s3+s13], $0x20, s25, s13, $0xb8;
	[tilespmem:$0xC710] =	vst v63  }
0x56: {  	s25 =	simm.s32 $0x140;
	s26 =	simm.s32 $0x4F10  }
0x57: {  	[tilespmem:s26], [sflag:$0x1] =	stream.indirect.gather [hbm4b:s3+s13], $0x20, s25, s13, $0xb8;
	[tilespmem:$0xC710] =	vst v63  }
0x58: {  	s25 =	simm.s32 $0x190;
	s26 =	simm.s32 $0x5910  }
0x59: {  	[tilespmem:s26], [sflag:$0x1] =	stream.indirect.gather [hbm4b:s3+s13], $0x20, s25, s13, $0xb8;
	[tilespmem:$0xC710] =	vst v63  }
0x5a: {  	s25 =	simm.s32 $0x1E0;
	s26 =	simm.s32 $0x6310  }
0x5b: {  	[tilespmem:s26], [sflag:$0x1] =	stream.indirect.gather [hbm4b:s3+s13], $0x20, s25, s13, $0xb8;
	[tilespmem:$0xC710] =	vst v63  }
0x5c: {  	s25 =	simm.s32 $0x230;
	s26 =	simm.s32 $0x6D10  }
0x5d: {  	[tilespmem:s26], [sflag:$0x1] =	stream.indirect.gather [hbm4b:s3+s13], $0x20, s25, s13, $0xb8;
	[tilespmem:$0xC710] =	vst v63  }
0x5e: {  	s25 =	simm.s32 $0x280;
	s26 =	simm.s32 $0x7710  }
0x5f: {  	[tilespmem:s26], [sflag:$0x1] =	stream.indirect.gather [hbm4b:s3+s13], $0x20, s25, s13, $0xb8;
	[tilespmem:$0xC710] =	vst v63  }
0x60: {  	s25 =	simm.s32 $0x2D0;
	s26 =	simm.s32 $0x8110  }
0x61: {  	[tilespmem:s26], [sflag:$0x1] =	stream.indirect.gather [hbm4b:s3+s13], $0x20, s25, s13, $0xb8;
	[tilespmem:$0xC710] =	vst v63  }
0x62: {  	s1 =	simm.s32 $0x320  }
0x63: {  	[tilespmem:s5], [sflag:$0x1] =	stream.indirect.gather [hbm4b:s3+s13], $0x20, s1, s13, $0xb8;
	[tilespmem:$0xC710] =	vst v63  }
0x64: {  	_ = 	snop  }
0x65: {  	[tilespmem:s8], [sflag:$0x1] =	stream.indirect.gather [hbm4b:s3+s13], $0x20, s6, s13, $0xb8;
	[tilespmem:$0xC710] =	vst v63  }
0x66: {  	_ = 	snop  }
0x67: {  	[tilespmem:s16], [sflag:$0x1] =	stream.indirect.gather [hbm4b:s3+s13], $0x20, s15, s13, $0xb8;
	[tilespmem:$0xC710] =	vst v63  }
0x68: {  	_ = 	snop  }
0x69: {  	[tilespmem:s17], [sflag:$0x1] =	stream.indirect.gather [hbm4b:s3+s13], $0x20, s9, s13, $0xb8;
	[tilespmem:$0xC710] =	vst v63  }
0x6a: {  	_ = 	snop  }
0x6b: {  	[tilespmem:s19], [sflag:$0x1] =	stream.indirect.gather [hbm4b:s3+s13], $0x20, s18, s13, $0xb8;
	[tilespmem:$0xC710] =	vst v63  }
0x6c: {  	s28 =	simm.s32 $0x10;
	_ =	swait.ge [sflag:s20], $0xA00  }
0x6d: {  	p1 =	por $0x0, $0x0;
	s26 =	simm.s32 $0x1;
	[sflag:s20] =	ssyncset.done $0x0  }
0x6e: {  	s0 =	sand.u32 $0xF, s26;
	s25 =	rddreg [dreg:$0x5];
	[sflag:s20] =	ssyncadd.s32 $0xFFFFF600  }
0x6f: {  	[hbm4b:s25+s2] =	stream.linear.scatter [tilespmem:s14], [sflag:$0x2], $0xA00, $0x38;
	[tilespmem:$0xC710] =	vst v63  }
0x70: {  	s28 =	sand.u32 @!p1 $0xF, s28;
	s0 =	smul.u32 $0x2800, s0  }
0x71: {  	[tilespmem:s22], [sflag:$0x1] =	stream.indirect.gather [hbm4b:s3+s13], $0x20, s21, s13, $0xb8;
	[tilespmem:$0xC710] =	vst v63  }
0x72: {  	s30 =	simm.s32 @!p1 $0x2;
	s31 =	simm.s32 @!p1 $0x50;
	_ =	swait.ge [sflag:s20], $0xA00  }
0x73: {  	s29 =	smul.u32 @!p1 $0x2800, s28;
	s0 =	sshrl.u32 s0, $0x2;
	[sflag:s20] =	ssyncset.done $0x0  }
0x74: {  	s28 =	sadd.s32 $0x140, s11;
	s0 =	sadd.s32 $0x2710, s0;
	[sflag:s20] =	ssyncadd.s32 $0xFFFFF600  }
0x75: {  	[hbm4b:s11+s2] =	stream.linear.scatter [tilespmem:s0], [sflag:$0x2], $0xA00, $0x38;
	[tilespmem:$0xC710] =	vst v63  }
0x76: {  	s26 =	simm.s32 $0x500;
	s25 =	simm.s32 $0x11;
	_ =	swait.ge @!p1 [sflag:s30], $0xA00  }
0x77: {  	s0 =	sshrl.u32 @!p1 s29, $0x2;
	s29 =	simm.s32 $0x550;
	[sflag:s30] =	ssyncset.done @!p1 $0x0  }
.LBB2_3:
0x78: {  	s1 =	sadd.s32 $0xFFFFFFF1, s25;
	[sflag:s30] =	ssyncadd.s32 @!p1 $0xFFFFF600;
	s0 =	sadd.s32 @!p1 $0x2710, s0  }
0x79: {  	[tilespmem:s0], [sflag:$0x1] =	stream.indirect.gather @!p1 [hbm4b:s3+s31], $0x20, s26, s31, $0xb8;
	[tilespmem:$0xC710] =	vst v63  }
0x7a: {  	s0 =	sand.u32 $0xF, s1;
	s31 =	smov.u32 s25;
	s25 =	sadd.s32 $0x1, s25  }
0x7b: {  	s26 =	smov.u32 s29;
	s0 =	smul.u32 $0x2800, s0;
	p2 =	seq.s32 s25, $0x8C  }
0x7c: {  	p1 =	sgt.u32 s1, $0x6D;
	_ =	swait.ge [sflag:s20], $0xA00  }
0x7d: {  	s30 =	simm.s32 @!p1 $0x2;
	s0 =	sshrl.u32 s0, $0x2;
	[sflag:s20] =	ssyncset.done $0x0  }
.Ltmp3:
0x7e: {  	s1 =	sand.u32 @!p1 $0xF, s31;
	s0 =	sadd.s32 $0x2710, s0;
	(pc) =	sbr.rel @!p2 .LBB2_3-.Ltmp3, $4  }
0x7f: {  	s31 =	simm.s32 @!p1 $0x50;
	s1 =	smul.u32 @!p1 $0x2800, s1;
	[sflag:s20] =	ssyncadd.s32 $0xFFFFF600  }
0x80: {  	[hbm4b:s28+s2] =	stream.linear.scatter [tilespmem:s0], [sflag:$0x2], $0xA00, $0x38;
	[tilespmem:$0xC710] =	vst v63  }
0x81: {  	s28 =	sadd.s32 $0x140, s28;
	_ =	swait.ge @!p1 [sflag:s30], $0xA00  }
0x82: {  	s29 =	sadd.s32 $0x50, s29;
	s0 =	sshrl.u32 @!p1 s1, $0x2;
	[sflag:s30] =	ssyncset.done @!p1 $0x0  }
.Ltmp4:
0x83: {  	(pc) =	sbr.rel .LBB2_8-.Ltmp4, $3  }
0x84: {  	_ =	sdelay $0x1  }
0x85: {  	[sflag:s30] =	ssyncadd.s32 @!p1 $0xFFFFF600;
	s0 =	sadd.s32 @!p1 $0x2710, s0  }
0x86: {  	[tilespmem:s0], [sflag:$0x1] =	stream.indirect.gather @!p1 [hbm4b:s3+s31], $0x20, s26, s31, $0xb8;
	[tilespmem:$0xC710] =	vst v63  }
.LBB2_5:
0x87: {  	s0 =	rddreg [dreg:$0x2]  }
0x88: {  	[tilespmem:s2], [sflag:$0x3] =	stream.linear.gather [hbm4b:s0+s2], $0x2710, $0x38;
	[tilespmem:$0xC710] =	vst v63  }
0x89: {  	_ =	swait.ge [sflag:s12], $0x2710  }
0x8a: {  	[sflag:s12] =	ssyncset.done $0x0  }
0x8b: {  	[sflag:s12] =	ssyncadd.s32 $0xFFFFD8F0  }
0x8c: {  	[tilespmem:s14], [sflag:$0x1] =	stream.indirect.gather [hbm4b:s4+s13], $0x20, s2, s13, $0xb8;
	[tilespmem:$0xC710] =	vst v63  }
0x8d: {  	s25 =	simm.s32 $0x3110  }
0x8e: {  	[tilespmem:s25], [sflag:$0x1] =	stream.indirect.gather [hbm4b:s4+s13], $0x20, s13, s13, $0xb8;
	[tilespmem:$0xC710] =	vst v63  }
0x8f: {  	s26 =	simm.s32 $0xA0;
	s1 =	simm.s32 $0x3B10  }
0x90: {  	[tilespmem:s1], [sflag:$0x1] =	stream.indirect.gather [hbm4b:s4+s13], $0x20, s26, s13, $0xb8;
	[tilespmem:$0xC710] =	vst v63  }
0x91: {  	s25 =	simm.s32 $0xF0;
	s26 =	simm.s32 $0x4510  }
0x92: {  	[tilespmem:s26], [sflag:$0x1] =	stream.indirect.gather [hbm4b:s4+s13], $0x20, s25, s13, $0xb8;
	[tilespmem:$0xC710] =	vst v63  }
0x93: {  	s25 =	simm.s32 $0x140;
	s26 =	simm.s32 $0x4F10  }
0x94: {  	[tilespmem:s26], [sflag:$0x1] =	stream.indirect.gather [hbm4b:s4+s13], $0x20, s25, s13, $0xb8;
	[tilespmem:$0xC710] =	vst v63  }
0x95: {  	s25 =	simm.s32 $0x190;
	s26 =	simm.s32 $0x5910  }
0x96: {  	[tilespmem:s26], [sflag:$0x1] =	stream.indirect.gather [hbm4b:s4+s13], $0x20, s25, s13, $0xb8;
	[tilespmem:$0xC710] =	vst v63  }
0x97: {  	s25 =	simm.s32 $0x1E0;
	s26 =	simm.s32 $0x6310  }
0x98: {  	[tilespmem:s26], [sflag:$0x1] =	stream.indirect.gather [hbm4b:s4+s13], $0x20, s25, s13, $0xb8;
	[tilespmem:$0xC710] =	vst v63  }
0x99: {  	s25 =	simm.s32 $0x230;
	s26 =	simm.s32 $0x6D10  }
0x9a: {  	[tilespmem:s26], [sflag:$0x1] =	stream.indirect.gather [hbm4b:s4+s13], $0x20, s25, s13, $0xb8;
	[tilespmem:$0xC710] =	vst v63  }
0x9b: {  	s25 =	simm.s32 $0x280;
	s26 =	simm.s32 $0x7710  }
0x9c: {  	[tilespmem:s26], [sflag:$0x1] =	stream.indirect.gather [hbm4b:s4+s13], $0x20, s25, s13, $0xb8;
	[tilespmem:$0xC710] =	vst v63  }
0x9d: {  	s25 =	simm.s32 $0x2D0;
	s26 =	simm.s32 $0x8110  }
0x9e: {  	[tilespmem:s26], [sflag:$0x1] =	stream.indirect.gather [hbm4b:s4+s13], $0x20, s25, s13, $0xb8;
	[tilespmem:$0xC710] =	vst v63  }
0x9f: {  	s1 =	simm.s32 $0x320  }
0xa0: {  	[tilespmem:s5], [sflag:$0x1] =	stream.indirect.gather [hbm4b:s4+s13], $0x20, s1, s13, $0xb8;
	[tilespmem:$0xC710] =	vst v63  }
0xa1: {  	_ = 	snop  }
0xa2: {  	[tilespmem:s8], [sflag:$0x1] =	stream.indirect.gather [hbm4b:s4+s13], $0x20, s6, s13, $0xb8;
	[tilespmem:$0xC710] =	vst v63  }
0xa3: {  	_ = 	snop  }
0xa4: {  	[tilespmem:s16], [sflag:$0x1] =	stream.indirect.gather [hbm4b:s4+s13], $0x20, s15, s13, $0xb8;
	[tilespmem:$0xC710] =	vst v63  }
0xa5: {  	_ = 	snop  }
0xa6: {  	[tilespmem:s17], [sflag:$0x1] =	stream.indirect.gather [hbm4b:s4+s13], $0x20, s9, s13, $0xb8;
	[tilespmem:$0xC710] =	vst v63  }
0xa7: {  	_ = 	snop  }
0xa8: {  	[tilespmem:s19], [sflag:$0x1] =	stream.indirect.gather [hbm4b:s4+s13], $0x20, s18, s13, $0xb8;
	[tilespmem:$0xC710] =	vst v63  }
0xa9: {  	_ =	swait.ge [sflag:s20], $0xA00  }
0xaa: {  	p1 =	por $0x0, $0x0;
	s26 =	simm.s32 $0x1;
	[sflag:s20] =	ssyncset.done $0x0  }
0xab: {  	s0 =	sand.u32 $0xF, s26;
	s25 =	rddreg [dreg:$0x4];
	[sflag:s20] =	ssyncadd.s32 $0xFFFFF600  }
0xac: {  	[hbm4b:s25+s2] =	stream.linear.scatter [tilespmem:s14], [sflag:$0x2], $0xA00, $0x38;
	[tilespmem:$0xC710] =	vst v63  }
0xad: {  	s28 =	sadd.s32 $0x140, s10;
	s29 =	simm.s32 $0x550;
	s0 =	smul.u32 $0x2800, s0  }
0xae: {  	[tilespmem:s22], [sflag:$0x1] =	stream.indirect.gather [hbm4b:s4+s13], $0x20, s21, s13, $0xb8;
	[tilespmem:$0xC710] =	vst v63  }
0xaf: {  	s30 =	simm.s32 @!p1 $0x2;
	s1 =	simm.s32 $0x10;
	_ =	swait.ge [sflag:s20], $0xA00  }
0xb0: {  	s1 =	sand.u32 @!p1 $0xF, s1;
	s0 =	sshrl.u32 s0, $0x2;
	[sflag:s20] =	ssyncset.done $0x0  }
0xb1: {  	s1 =	smul.u32 @!p1 $0x2800, s1;
	s0 =	sadd.s32 $0x2710, s0;
	[sflag:s20] =	ssyncadd.s32 $0xFFFFF600  }
0xb2: {  	[hbm4b:s10+s2] =	stream.linear.scatter [tilespmem:s0], [sflag:$0x2], $0xA00, $0x38;
	[tilespmem:$0xC710] =	vst v63  }
0xb3: {  	s31 =	simm.s32 @!p1 $0x50;
	s26 =	simm.s32 $0x500;
	_ =	swait.ge @!p1 [sflag:s30], $0xA00  }
0xb4: {  	s25 =	simm.s32 $0x11;
	s0 =	sshrl.u32 @!p1 s1, $0x2;
	[sflag:s30] =	ssyncset.done @!p1 $0x0  }
.LBB2_6:
0xb5: {  	s1 =	sadd.s32 $0xFFFFFFF1, s25;
	[sflag:s30] =	ssyncadd.s32 @!p1 $0xFFFFF600;
	s0 =	sadd.s32 @!p1 $0x2710, s0  }
0xb6: {  	[tilespmem:s0], [sflag:$0x1] =	stream.indirect.gather @!p1 [hbm4b:s4+s31], $0x20, s26, s31, $0xb8;
	[tilespmem:$0xC710] =	vst v63  }
0xb7: {  	s0 =	sand.u32 $0xF, s1;
	s31 =	smov.u32 s25;
	s25 =	sadd.s32 $0x1, s25  }
0xb8: {  	s26 =	smov.u32 s29;
	s0 =	smul.u32 $0x2800, s0;
	p2 =	sne.s32 s25, $0x8C  }
0xb9: {  	p1 =	sgt.u32 s1, $0x6D;
	_ =	swait.ge [sflag:s20], $0xA00  }
0xba: {  	s30 =	simm.s32 @!p1 $0x2;
	s0 =	sshrl.u32 s0, $0x2;
	[sflag:s20] =	ssyncset.done $0x0  }
.Ltmp5:
0xbb: {  	s1 =	sand.u32 @!p1 $0xF, s31;
	s0 =	sadd.s32 $0x2710, s0;
	(pc) =	sbr.rel @p2 .LBB2_6-.Ltmp5, $4  }
0xbc: {  	s31 =	simm.s32 @!p1 $0x50;
	s1 =	smul.u32 @!p1 $0x2800, s1;
	[sflag:s20] =	ssyncadd.s32 $0xFFFFF600  }
0xbd: {  	[hbm4b:s28+s2] =	stream.linear.scatter [tilespmem:s0], [sflag:$0x2], $0xA00, $0x38;
	[tilespmem:$0xC710] =	vst v63  }
0xbe: {  	s28 =	sadd.s32 $0x140, s28;
	_ =	swait.ge @!p1 [sflag:s30], $0xA00  }
0xbf: {  	s29 =	sadd.s32 $0x50, s29;
	s0 =	sshrl.u32 @!p1 s1, $0x2;
	[sflag:s30] =	ssyncset.done @!p1 $0x0  }
.Ltmp6:
0xc0: {  	_ = 	snop;
	(pc) =	sbr.rel .LBB2_7-.Ltmp6, $1  }
0xc1: {  	_ =	sdelay $0x3  }
.LBB2_9:
0xc2: {  	_ =	sfence.sel $0x180000  }
0xc3: {  	[bflag:$0x0] =	sbarrier.arrive $0xFFFF  }
0xc4: {  	_ =	strace $0x9000004A  }
0xc5: {  	s0 =	stileid.u32;
	[bflag:$0x2] =	sbarrier.arrive $0xFFFF  }
0xc6: {  	p0 =	sne.s32 s0, $0x0;
	s0 =	rddreg [dreg:$0x1]  }
0xc7: {  	s0 =	sadd.s32 @!p0 $0x100000, s0  }
0xc8: {  	[sflag:s0] =	ssyncadd.tile.s32 @!p0 $0x1;
	_ =	shalt  }
.Lfunc_end2:
_tile_overlayer_lowered:
.L_overlay_start_2:
0xc9: {  	(tag) =	ssettag $0x2  }
0xca: {  	s0 =	rddreg [dreg:$0x0];
	s2 =	stileid.u32  }
0xcb: {  	s1 =	rddreg [dreg:$0x1];
	p0 =	sne.s32 s2, $0x0  }
0xcc: {  	s3 =	rddreg [dreg:$0x2];
	[bflag:$0x3] =	sbarrier.arrive $0xFFFF;
	s2 =	simm.s32 @!p0 $0x1C03  }
0xcd: {  	[timem:s3], [sflag:s2] =	dma.local @!p0 [hbm:s0], s1  }
0xce: {  	s0 =	simm.s32 @!p0 $0x3  }
0xcf: {  	_ =	swait.ge @!p0 [sflag:s0], s1  }
0xd0: {  	s1 =	ssub.s32 @!p0 $0x0, s1;
	[sflag:s0] =	ssyncset.done @!p0 $0x0  }
0xd1: {  	[sflag:s0] =	ssyncadd.s32 @!p0 s1  }
0xd2: {  	[bflag:$0x3] =	sbarrier.arrive $0xFFFF  }
0xd3: {  	_ =	shalt  }

</sc_bundles>
